<compile_context>
chip_gen: v7x
topology: tpu7x:2x2x1
jax: 0.10.2.dev20260603
libtpu: 0.0.44.dev20260713+nightly
codegen_flags: <defaults>
</compile_context>

<pallas_src>
import functools

import jax
import jax.numpy as jnp
from jax import lax
from jax.experimental import pallas as pl
from jax.experimental.pallas import tpu as pltpu
from jax.experimental.pallas import tpu_sc as plsc

N = 10000
E = 320000
D = 128
DH = D // 2
EPS = 1e-5

NC = 2
NS = 16
NW = NC * NS
CH = 40
EPW = E // NW
SCH = 128
NFULL = EPW // SCH
TAIL = EPW - NFULL * SCH
NCHT = E // CH
DEG_NCH = NCHT // NW
RPT = 624
RTAIL = N - NS * RPT
NPAD = 10240
DPT = NPAD // NS



def _mesh():
    return plsc.VectorSubcoreMesh(
        core_axis_name="c", subcore_axis_name="s", num_cores=NC, num_subcores=NS
    )


def _sc_degree_body(sd_hbm, degp_hbm, sd_v, ones_v, zero_v, deg_sh):
    cid = lax.axis_index("c")
    sid = lax.axis_index("s")
    wid = cid * NS + sid
    g0 = wid * DEG_NCH
    HB = DEG_NCH // 2
    pltpu.sync_copy(sd_hbm.at[pl.ds(g0, HB)], sd_v)
    for j in range(3):
        ones_v[pl.ds(16 * j, 16)] = jnp.ones((16,), jnp.float32)
    for j in range(DPT // 16):
        zero_v[pl.ds(16 * j, 16)] = jnp.zeros((16,), jnp.float32)
    pltpu.sync_copy(zero_v, deg_sh.at[pl.ds(sid * DPT, DPT)])
    plsc.subcore_barrier()

    def step(i, carry):
        pltpu.sync_copy(ones_v.at[pl.ds(0, CH)], deg_sh.at[sd_v.at[i, 1]], add=True)
        return carry

    lax.fori_loop(0, HB, step, 0)
    pltpu.sync_copy(sd_hbm.at[pl.ds(g0 + HB, HB)], sd_v)
    lax.fori_loop(0, HB, step, 0)
    plsc.subcore_barrier()
    pltpu.sync_copy(
        deg_sh.at[pl.ds(sid * DPT, DPT)],
        degp_hbm.at[pl.ds(cid * NPAD + sid * DPT, DPT)],
    )


@functools.cache
def _sc_degree():
    return pl.kernel(
        _sc_degree_body,
        out_type=jax.ShapeDtypeStruct((NC * NPAD,), jnp.float32),
        mesh=_mesh(),
        scratch_types=[
            pltpu.VMEM((DEG_NCH // 2, 2, CH), jnp.int32),
            pltpu.VMEM((48,), jnp.float32),
            pltpu.VMEM((DPT,), jnp.float32),
            pltpu.VMEM_SHARED((NPAD,), jnp.float32),
        ],
    )


def _sc_segsum_body(
    y_hbm, src_hbm, dst_hbm, part_hbm,
    idxs_v, idxd_v, idxt_s, idxt_d, rows_v, acc_sh,
    sem_i0, sem_i1, sem_i2, sem_i3, sem_i4, sem_i5,
    sem_r0, sem_r1, sem_s0, sem_s1,
):
    cid = lax.axis_index("c")
    sid = lax.axis_index("s")
    wid = cid * NS + sid
    e0 = wid * EPW
    sem_i = (sem_i0, sem_i1, sem_i2, sem_i3, sem_i4, sem_i5)
    sem_r = (sem_r0, sem_r1)
    sem_s = (sem_s0, sem_s1)

    pltpu.sync_copy(y_hbm.at[pl.ds(sid * RPT, RPT)], acc_sh.at[pl.ds(sid * RPT, RPT)])

    @pl.when(sid == 0)
    def _():
        pltpu.sync_copy(
            y_hbm.at[pl.ds(NS * RPT, RTAIL)], acc_sh.at[pl.ds(NS * RPT, RTAIL)]
        )

    plsc.subcore_barrier()

    def fa(i, q):
        base = pl.multiple_of(e0 + i * SCH, 8)
        pltpu.async_copy(src_hbm.at[pl.ds(base, SCH)], idxs_v.at[q], sem_i[q])
        pltpu.async_copy(dst_hbm.at[pl.ds(base, SCH)], idxd_v.at[q], sem_i[q])

    def iw(i, q):
        base = pl.multiple_of(e0 + i * SCH, 8)
        pltpu.make_async_copy(
            src_hbm.at[pl.ds(base, SCH)], idxs_v.at[q], sem_i[q]
        ).wait()
        pltpu.make_async_copy(
            dst_hbm.at[pl.ds(base, SCH)], idxd_v.at[q], sem_i[q]
        ).wait()

    def gs(q, r):
        pltpu.async_copy(y_hbm.at[idxs_v.at[q]], rows_v.at[r], sem_r[r])

    def gw(q, r):
        pltpu.make_async_copy(
            y_hbm.at[idxs_v.at[q]], rows_v.at[r], sem_r[r]
        ).wait()

    def ss(q, r):
        pltpu.async_copy(rows_v.at[r], acc_sh.at[idxd_v.at[q]], sem_s[r], add=True)

    def sw(q, r):
        pltpu.make_async_copy(
            rows_v.at[r], acc_sh.at[idxd_v.at[q]], sem_s[r]
        ).wait()

    fa(0, 0)
    fa(1, 1)
    fa(2, 2)
    fa(3, 3)
    iw(0, 0)
    gs(0, 0)

    def six(t, carry):
        a = 6 * t
        for k in range(6):
            c = a + k
            gw(k, k % 2)
            ss(k, k % 2)

            @pl.when(c + 1 < NFULL)
            def _(c=c, k=k):
                @pl.when(c >= 1)
                def _(c=c, k=k):
                    sw((k + 5) % 6, (k + 1) % 2)

                @pl.when(c + 4 < NFULL)
                def _(c=c, k=k):
                    fa(c + 4, (k + 4) % 6)

                iw(c + 1, (k + 1) % 6)
                gs((k + 1) % 6, (k + 1) % 2)
        return carry

    lax.fori_loop(0, NFULL // 6, six, 0)
    sw(4, 0)
    sw(5, 1)

    tbase = pl.multiple_of(e0 + NFULL * SCH, 8)
    pltpu.sync_copy(src_hbm.at[pl.ds(tbase, TAIL)], idxt_s)
    pltpu.sync_copy(dst_hbm.at[pl.ds(tbase, TAIL)], idxt_d)
    pltpu.sync_copy(y_hbm.at[idxt_s], rows_v.at[0, pl.ds(0, TAIL)])
    pltpu.sync_copy(rows_v.at[0, pl.ds(0, TAIL)], acc_sh.at[idxt_d], add=True)
    plsc.subcore_barrier()
    pltpu.sync_copy(
        acc_sh.at[pl.ds(sid * RPT, RPT)], part_hbm.at[cid, pl.ds(sid * RPT, RPT)]
    )

    @pl.when(sid == 0)
    def _():
        pltpu.sync_copy(
            acc_sh.at[pl.ds(NS * RPT, RTAIL)], part_hbm.at[cid, pl.ds(NS * RPT, RTAIL)]
        )


@functools.cache
def _sc_segsum():
    return pl.kernel(
        _sc_segsum_body,
        out_type=jax.ShapeDtypeStruct((NC, N, D), jnp.float32),
        mesh=_mesh(),
        scratch_types=[
            pltpu.VMEM((6, SCH), jnp.int32),
            pltpu.VMEM((6, SCH), jnp.int32),
            pltpu.VMEM((TAIL,), jnp.int32),
            pltpu.VMEM((TAIL,), jnp.int32),
            pltpu.VMEM((2, SCH, D), jnp.float32),
            pltpu.VMEM_SHARED((N, D), jnp.float32),
            pltpu.SemaphoreType.DMA,
            pltpu.SemaphoreType.DMA,
            pltpu.SemaphoreType.DMA,
            pltpu.SemaphoreType.DMA,
            pltpu.SemaphoreType.DMA,
            pltpu.SemaphoreType.DMA,
            pltpu.SemaphoreType.DMA,
            pltpu.SemaphoreType.DMA,
            pltpu.SemaphoreType.DMA,
            pltpu.SemaphoreType.DMA,
        ],
    )



def _tc_matmul_body(x_ref, w_ref, xw_ref):
    xw_ref[...] = jnp.dot(x_ref[...], w_ref[...], preferred_element_type=jnp.float32)


def _tc_prescale_body(xw_ref, degp_ref, y_ref, dinv_ref):
    deg = degp_ref[0, :N] + degp_ref[1, :N] + 1.0
    dinv = lax.rsqrt(deg)
    dinv_ref[...] = dinv
    y_ref[...] = dinv * xw_ref[...]


def _tc_mid_body(p_ref, y1_ref, dinv_ref, b1_ref, g_ref, be_ref, w2_ref, y_ref):
    dinv = dinv_ref[...]
    z = dinv * (p_ref[0] + p_ref[1] - y1_ref[...]) + b1_ref[...]
    mean = jnp.mean(z, axis=0, keepdims=True)
    zc = z - mean
    var = jnp.mean(zc * zc, axis=0, keepdims=True)
    h = jnp.maximum(g_ref[...] * zc * lax.rsqrt(var + EPS) + be_ref[...], 0.0)
    hw = jnp.dot(h, w2_ref[...], preferred_element_type=jnp.float32)
    y_ref[...] = dinv * hw


def _tc_final_body(p_ref, y2_ref, x_ref, dinv_ref, b2_ref, g_ref, be_ref, out_ref):
    z = dinv_ref[...] * (p_ref[0] + p_ref[1] - y2_ref[...]) + b2_ref[...]
    mean = jnp.mean(z, axis=0, keepdims=True)
    zc = z - mean
    var = jnp.mean(zc * zc, axis=0, keepdims=True)
    bn = g_ref[...] * zc * lax.rsqrt(var + EPS) + be_ref[...]
    out_ref[...] = jnp.maximum(bn + x_ref[...], 0.0)



def kernel(x, ei, batch, W1, b1, W2, b2, gamma2, beta2):
    del batch
    sd = ei.reshape(2, NCHT, CH).transpose(1, 0, 2)
    src = ei[0]
    dst = ei[1]
    b1r = b1.reshape(1, D)
    b2r = b2.reshape(1, D)
    gr = gamma2.reshape(1, D)
    ber = beta2.reshape(1, D)

    degp = _sc_degree()(sd)
    degp3 = degp.reshape(NC, NPAD, 1)

    xw1 = pl.pallas_call(
        _tc_matmul_body,
        out_shape=jax.ShapeDtypeStruct((N, D), jnp.float32),
    )(x, W1)

    y1, dinv = pl.pallas_call(
        _tc_prescale_body,
        out_shape=(
            jax.ShapeDtypeStruct((N, D), jnp.float32),
            jax.ShapeDtypeStruct((N, 1), jnp.float32),
        ),
    )(xw1, degp3)

    p1 = _sc_segsum()(y1, src, dst)

    y2 = pl.pallas_call(
        _tc_mid_body,
        out_shape=jax.ShapeDtypeStruct((N, D), jnp.float32),
    )(p1, y1, dinv, b1r, gr, ber, W2)

    p2 = _sc_segsum()(y2, src, dst)

    out = pl.pallas_call(
        _tc_final_body,
        out_shape=jax.ShapeDtypeStruct((N, D), jnp.float32),
    )(p2, y2, x, dinv, b2r, gr, ber)
    return out

# --- scband reference (transcript-rebuilt; emitter-appended) ---
"""Pipeline reference for scband-block-25778393710892 (READ-ONLY COPY).

The authoritative reference and input builder live on the scoring server;
editing this copy changes nothing except your own understanding.
"""

import jax, jax.numpy as jnp
import numpy as np

N = 10000
E = 320000
D = 128
EPS = 1e-5


def gcn_conv(x, ei, W, b):
    # PyG GCNConv: add self-loops, symmetric normalization, then A_hat @ (X W) + b
    src = ei[0]
    dst = ei[1]
    loop = jnp.arange(N, dtype=src.dtype)
    src = jnp.concatenate([src, loop])
    dst = jnp.concatenate([dst, loop])
    deg = jnp.zeros((N,), dtype=x.dtype).at[dst].add(1.0)
    dinv = jnp.where(deg > 0, deg ** -0.5, 0.0)
    norm = dinv[src] * dinv[dst]
    xw = x @ W
    msg = xw[src] * norm[:, None]
    out = jax.ops.segment_sum(msg, dst, num_segments=N)
    return out + b


def batch_norm(x, gamma, beta):
    # torch_geometric.nn.BatchNorm in training mode (batch statistics over nodes)
    mean = jnp.mean(x, axis=0)
    var = jnp.var(x, axis=0)
    return gamma * (x - mean) / jnp.sqrt(var + EPS) + beta


def setup_inputs(seed: int = 0) -> dict:
    key = jax.random.key(seed)
    ks = jax.random.split(key, 8)
    x = jax.random.normal(ks[0], (N, D), dtype=jnp.float32)
    ei = jax.random.randint(ks[1], (2, E), 0, N, dtype=jnp.int32)
    batch = jnp.zeros((N,), dtype=jnp.int32)
    s = (1.0 / np.sqrt(D)).astype(np.float32) if hasattr(1.0 / np.sqrt(D), 'astype') else np.float32(1.0 / np.sqrt(D))
    W1 = jax.random.normal(ks[2], (D, D), dtype=jnp.float32) * s
    b1 = jnp.zeros((D,), dtype=jnp.float32)
    W2 = jax.random.normal(ks[3], (D, D), dtype=jnp.float32) * s
    b2 = jnp.zeros((D,), dtype=jnp.float32)
    gamma2 = jnp.ones((D,), dtype=jnp.float32)
    beta2 = jnp.zeros((D,), dtype=jnp.float32)
    return {"x": x, "ei": ei, "batch": batch, "W1": W1, "b1": b1, "W2": W2, "b2": b2, "gamma2": gamma2, "beta2": beta2}


def reference(x, ei, batch, W1, b1, W2, b2, gamma2, beta2):
    # Faithful to the original module: batch_norm2 is used after BOTH convs
    # (batch_norm1 is defined but never called in forward); `batch` is unused.
    identity = x
    h = gcn_conv(x.astype(jnp.float32), ei, W1, b1)
    h = jax.nn.relu(batch_norm(h, gamma2, beta2))
    h = gcn_conv(h, ei, W2, b2)
    h = batch_norm(h, gamma2, beta2)
    h = h + identity
    h = jax.nn.relu(h)
    return h

if __name__ == "__main__":
    import jax
    _d = setup_inputs()
    print(jax.jit(kernel)(*tuple(_d.values())))

</pallas_src>

<mosaic_0001>
#map = affine_map<(d0, d1) -> (0, 0)>
#map1 = affine_map<(d0, d1) -> (0)>
#map2 = affine_map<(d0, d1) -> (0, 0, 0)>
module attributes {stable_mosaic.version = 14 : i64} {
  func.func @_sc_segsum_body(%arg0: i32, %arg1: i32, %arg2: memref<10000x128xf32, #tpu.memory_space<hbm>>, %arg3: memref<320000xi32, #tpu.memory_space<hbm>>, %arg4: memref<320000xi32, #tpu.memory_space<hbm>>, %arg5: memref<2x10000x128xf32, #tpu.memory_space<hbm>>, %arg6: memref<6x128xi32, #tpu.memory_space<vmem>>, %arg7: memref<6x128xi32, #tpu.memory_space<vmem>>, %arg8: memref<16xi32, #tpu.memory_space<vmem>>, %arg9: memref<16xi32, #tpu.memory_space<vmem>>, %arg10: memref<2x128x128xf32, #tpu.memory_space<vmem>>, %arg11: memref<10000x128xf32, #tpu.memory_space<vmem_shared>>, %arg12: memref<!tpu.dma_semaphore, #tpu.memory_space<semaphore_mem>>, %arg13: memref<!tpu.dma_semaphore, #tpu.memory_space<semaphore_mem>>, %arg14: memref<!tpu.dma_semaphore, #tpu.memory_space<semaphore_mem>>, %arg15: memref<!tpu.dma_semaphore, #tpu.memory_space<semaphore_mem>>, %arg16: memref<!tpu.dma_semaphore, #tpu.memory_space<semaphore_mem>>, %arg17: memref<!tpu.dma_semaphore, #tpu.memory_space<semaphore_mem>>, %arg18: memref<!tpu.dma_semaphore, #tpu.memory_space<semaphore_mem>>, %arg19: memref<!tpu.dma_semaphore, #tpu.memory_space<semaphore_mem>>, %arg20: memref<!tpu.dma_semaphore, #tpu.memory_space<semaphore_mem>>, %arg21: memref<!tpu.dma_semaphore, #tpu.memory_space<semaphore_mem>>) attributes {dimension_semantics = [#tpu.dimension_semantics<core_parallel>, #tpu.dimension_semantics<subcore_parallel>], iteration_bounds = array<i64: 2, 16>, scalar_prefetch = 0 : i64, scratch_operands = 16 : i64, tpu.core_type = #tpu.core_type<sc_vector_subcore>, window_params = [{transform_indices = #map}, {transform_indices = #map1}, {transform_indices = #map1}, {transform_indices = #map2}]} {
    %mul3A = arith.constant 16 : i32
    %mul3A_0 = arith.muli %arg0, %mul3A : i32
    %add3A = arith.addi %mul3A_0, %arg1 : i32
    %mul3A_1 = arith.constant 10000 : i32
    %mul3A_2 = arith.muli %add3A, %mul3A_1 : i32
    %mul3A_3 = arith.constant 624 : i32
    %mul3A_4 = arith.muli %arg1, %mul3A_3 : i32
    %mul3A_5 = arith.constant 624 : i32
    %mul3A_6 = arith.muli %arg1, %mul3A_5 : i32
    "tpu.region"() ({
      %run_scoped3A_166 = tpu.sem_alloc : memref<!tpu.dma_semaphore, #tpu.memory_space<semaphore_mem>>
      %dma_start3A_167 = arith.constant 0 : i32
      %dma_start3A_168 = tpu.memref_slice %arg11[%mul3A_6, %dma_start3A_167] : memref<10000x128xf32, #tpu.memory_space<vmem_shared>> -> memref<624x128xf32, #tpu.memory_space<vmem_shared>>
      %dma_start3A_169 = arith.constant 0 : i32
      %dma_start3A_170 = tpu.memref_slice %arg2[%mul3A_4, %dma_start3A_169] : memref<10000x128xf32, #tpu.memory_space<hbm>> -> memref<624x128xf32, #tpu.memory_space<hbm>>
      tpu.enqueue_dma source(%dma_start3A_170 : memref<624x128xf32, #tpu.memory_space<hbm>>) target(%dma_start3A_168 : memref<624x128xf32, #tpu.memory_space<vmem_shared>>) target_semaphore(%run_scoped3A_166 : memref<!tpu.dma_semaphore, #tpu.memory_space<semaphore_mem>>)
      %dma_wait3A_171 = arith.constant 0 : i32
      %dma_wait3A_172 = tpu.memref_slice %arg11[%mul3A_6, %dma_wait3A_171] : memref<10000x128xf32, #tpu.memory_space<vmem_shared>> -> memref<624x128xf32, #tpu.memory_space<vmem_shared>>
      %dma_wait3A_173 = arith.constant 0 : i32
      %dma_wait3A_174 = tpu.memref_slice %arg2[%mul3A_4, %dma_wait3A_173] : memref<10000x128xf32, #tpu.memory_space<hbm>> -> memref<624x128xf32, #tpu.memory_space<hbm>>
      tpu.wait_dma2 semaphore(%run_scoped3A_166 : memref<!tpu.dma_semaphore, #tpu.memory_space<semaphore_mem>>) src(%dma_wait3A_174 : memref<624x128xf32, #tpu.memory_space<hbm>>) dst(%dma_wait3A_172 : memref<624x128xf32, #tpu.memory_space<vmem_shared>>)
      tpu.yield
    }) : () -> ()
    %eq3A = arith.constant 0 : i32
    %eq3A_7 = arith.cmpi eq, %arg1, %eq3A : i32
    %convert_element_type3A = arith.extui %eq3A_7 : i1 to i32
    %cond3A = arith.constant 0 : i32
    %cond3A_8 = arith.cmpi ne, %convert_element_type3A, %cond3A : i32
    scf.if %cond3A_8 {
      "tpu.region"() ({
        %run_scoped3A_166 = tpu.sem_alloc : memref<!tpu.dma_semaphore, #tpu.memory_space<semaphore_mem>>
        %dma_start3A_167 = arith.constant 9984 : i32
        %dma_start3A_168 = arith.constant 0 : i32
        %dma_start3A_169 = tpu.memref_slice %arg11[%dma_start3A_167, %dma_start3A_168] : memref<10000x128xf32, #tpu.memory_space<vmem_shared>> -> memref<16x128xf32, #tpu.memory_space<vmem_shared>>
        %dma_start3A_170 = arith.constant 9984 : i32
        %dma_start3A_171 = arith.constant 0 : i32
        %dma_start3A_172 = tpu.memref_slice %arg2[%dma_start3A_170, %dma_start3A_171] : memref<10000x128xf32, #tpu.memory_space<hbm>> -> memref<16x128xf32, #tpu.memory_space<hbm>>
        tpu.enqueue_dma source(%dma_start3A_172 : memref<16x128xf32, #tpu.memory_space<hbm>>) target(%dma_start3A_169 : memref<16x128xf32, #tpu.memory_space<vmem_shared>>) target_semaphore(%run_scoped3A_166 : memref<!tpu.dma_semaphore, #tpu.memory_space<semaphore_mem>>)
        %dma_wait3A_173 = arith.constant 9984 : i32
        %dma_wait3A_174 = arith.constant 0 : i32
        %dma_wait3A_175 = tpu.memref_slice %arg11[%dma_wait3A_173, %dma_wait3A_174] : memref<10000x128xf32, #tpu.memory_space<vmem_shared>> -> memref<16x128xf32, #tpu.memory_space<vmem_shared>>
        %dma_wait3A_176 = arith.constant 9984 : i32
        %dma_wait3A_177 = arith.constant 0 : i32
        %dma_wait3A_178 = tpu.memref_slice %arg2[%dma_wait3A_176, %dma_wait3A_177] : memref<10000x128xf32, #tpu.memory_space<hbm>> -> memref<16x128xf32, #tpu.memory_space<hbm>>
        tpu.wait_dma2 semaphore(%run_scoped3A_166 : memref<!tpu.dma_semaphore, #tpu.memory_space<semaphore_mem>>) src(%dma_wait3A_178 : memref<16x128xf32, #tpu.memory_space<hbm>>) dst(%dma_wait3A_175 : memref<16x128xf32, #tpu.memory_space<vmem_shared>>)
        tpu.yield
      }) : () -> ()
    } else {
    }
    %barrier3A = arith.constant 0 : index
    tpu.barrier barrier_id(%barrier3A)
    %add3A_9 = arith.constant 0 : i32
    %add3A_10 = arith.addi %mul3A_2, %add3A_9 : i32
    %multiple_of3A = tpu.assume_multiple %add3A_10, 8 : i32
    %dma_start3A = arith.constant 0 : i32
    %dma_start3A_11 = arith.constant 0 : i32
    %dma_start3A_12 = tpu.memref_slice %arg6[%dma_start3A, %dma_start3A_11] : memref<6x128xi32, #tpu.memory_space<vmem>> -> memref<1x128xi32, #tpu.memory_space<vmem>>
    %dma_start3A_13 = tpu.memref_squeeze %dma_start3A_12 : memref<1x128xi32, #tpu.memory_space<vmem>> -> memref<128xi32, #tpu.memory_space<vmem>>
    %dma_start3A_14 = tpu.memref_slice %arg3[%multiple_of3A] : memref<320000xi32, #tpu.memory_space<hbm>> -> memref<128xi32, #tpu.memory_space<hbm>>
    %dma_start3A_15 = arith.constant 0 : i32
    %dma_start3A_16 = tpu.memref_slice %arg6[%dma_start3A, %dma_start3A_15] : memref<6x128xi32, #tpu.memory_space<vmem>> -> memref<1x128xi32, #tpu.memory_space<vmem>>
    %dma_start3A_17 = tpu.memref_squeeze %dma_start3A_16 : memref<1x128xi32, #tpu.memory_space<vmem>> -> memref<128xi32, #tpu.memory_space<vmem>>
    %dma_start3A_18 = tpu.memref_slice %arg3[%multiple_of3A] : memref<320000xi32, #tpu.memory_space<hbm>> -> memref<128xi32, #tpu.memory_space<hbm>>
    tpu.enqueue_dma source(%dma_start3A_18 : memref<128xi32, #tpu.memory_space<hbm>>) target(%dma_start3A_17 : memref<128xi32, #tpu.memory_space<vmem>>) target_semaphore(%arg12 : memref<!tpu.dma_semaphore, #tpu.memory_space<semaphore_mem>>)
    %dma_start3A_19 = arith.constant 0 : i32
    %dma_start3A_20 = arith.constant 0 : i32
    %dma_start3A_21 = tpu.memref_slice %arg7[%dma_start3A_19, %dma_start3A_20] : memref<6x128xi32, #tpu.memory_space<vmem>> -> memref<1x128xi32, #tpu.memory_space<vmem>>
    %dma_start3A_22 = tpu.memref_squeeze %dma_start3A_21 : memref<1x128xi32, #tpu.memory_space<vmem>> -> memref<128xi32, #tpu.memory_space<vmem>>
    %dma_start3A_23 = tpu.memref_slice %arg4[%multiple_of3A] : memref<320000xi32, #tpu.memory_space<hbm>> -> memref<128xi32, #tpu.memory_space<hbm>>
    %dma_start3A_24 = arith.constant 0 : i32
    %dma_start3A_25 = tpu.memref_slice %arg7[%dma_start3A_19, %dma_start3A_24] : memref<6x128xi32, #tpu.memory_space<vmem>> -> memref<1x128xi32, #tpu.memory_space<vmem>>
    %dma_start3A_26 = tpu.memref_squeeze %dma_start3A_25 : memref<1x128xi32, #tpu.memory_space<vmem>> -> memref<128xi32, #tpu.memory_space<vmem>>
    %dma_start3A_27 = tpu.memref_slice %arg4[%multiple_of3A] : memref<320000xi32, #tpu.memory_space<hbm>> -> memref<128xi32, #tpu.memory_space<hbm>>
    tpu.enqueue_dma source(%dma_start3A_27 : memref<128xi32, #tpu.memory_space<hbm>>) target(%dma_start3A_26 : memref<128xi32, #tpu.memory_space<vmem>>) target_semaphore(%arg12 : memref<!tpu.dma_semaphore, #tpu.memory_space<semaphore_mem>>)
    %add3A_28 = arith.constant 128 : i32
    %add3A_29 = arith.addi %mul3A_2, %add3A_28 : i32
    %multiple_of3A_30 = tpu.assume_multiple %add3A_29, 8 : i32
    %dma_start3A_31 = arith.constant 1 : i32
    %dma_start3A_32 = arith.constant 0 : i32
    %dma_start3A_33 = tpu.memref_slice %arg6[%dma_start3A_31, %dma_start3A_32] : memref<6x128xi32, #tpu.memory_space<vmem>> -> memref<1x128xi32, #tpu.memory_space<vmem>>
    %dma_start3A_34 = tpu.memref_squeeze %dma_start3A_33 : memref<1x128xi32, #tpu.memory_space<vmem>> -> memref<128xi32, #tpu.memory_space<vmem>>
    %dma_start3A_35 = tpu.memref_slice %arg3[%multiple_of3A_30] : memref<320000xi32, #tpu.memory_space<hbm>> -> memref<128xi32, #tpu.memory_space<hbm>>
    %dma_start3A_36 = arith.constant 0 : i32
    %dma_start3A_37 = tpu.memref_slice %arg6[%dma_start3A_31, %dma_start3A_36] : memref<6x128xi32, #tpu.memory_space<vmem>> -> memref<1x128xi32, #tpu.memory_space<vmem>>
    %dma_start3A_38 = tpu.memref_squeeze %dma_start3A_37 : memref<1x128xi32, #tpu.memory_space<vmem>> -> memref<128xi32, #tpu.memory_space<vmem>>
    %dma_start3A_39 = tpu.memref_slice %arg3[%multiple_of3A_30] : memref<320000xi32, #tpu.memory_space<hbm>> -> memref<128xi32, #tpu.memory_space<hbm>>
    tpu.enqueue_dma source(%dma_start3A_39 : memref<128xi32, #tpu.memory_space<hbm>>) target(%dma_start3A_38 : memref<128xi32, #tpu.memory_space<vmem>>) target_semaphore(%arg13 : memref<!tpu.dma_semaphore, #tpu.memory_space<semaphore_mem>>)
    %dma_start3A_40 = arith.constant 1 : i32
    %dma_start3A_41 = arith.constant 0 : i32
    %dma_start3A_42 = tpu.memref_slice %arg7[%dma_start3A_40, %dma_start3A_41] : memref<6x128xi32, #tpu.memory_space<vmem>> -> memref<1x128xi32, #tpu.memory_space<vmem>>
    %dma_start3A_43 = tpu.memref_squeeze %dma_start3A_42 : memref<1x128xi32, #tpu.memory_space<vmem>> -> memref<128xi32, #tpu.memory_space<vmem>>
    %dma_start3A_44 = tpu.memref_slice %arg4[%multiple_of3A_30] : memref<320000xi32, #tpu.memory_space<hbm>> -> memref<128xi32, #tpu.memory_space<hbm>>
    %dma_start3A_45 = arith.constant 0 : i32
    %dma_start3A_46 = tpu.memref_slice %arg7[%dma_start3A_40, %dma_start3A_45] : memref<6x128xi32, #tpu.memory_space<vmem>> -> memref<1x128xi32, #tpu.memory_space<vmem>>
    %dma_start3A_47 = tpu.memref_squeeze %dma_start3A_46 : memref<1x128xi32, #tpu.memory_space<vmem>> -> memref<128xi32, #tpu.memory_space<vmem>>
    %dma_start3A_48 = tpu.memref_slice %arg4[%multiple_of3A_30] : memref<320000xi32, #tpu.memory_space<hbm>> -> memref<128xi32, #tpu.memory_space<hbm>>
    tpu.enqueue_dma source(%dma_start3A_48 : memref<128xi32, #tpu.memory_space<hbm>>) target(%dma_start3A_47 : memref<128xi32, #tpu.memory_space<vmem>>) target_semaphore(%arg13 : memref<!tpu.dma_semaphore, #tpu.memory_space<semaphore_mem>>)
    %add3A_49 = arith.constant 256 : i32
    %add3A_50 = arith.addi %mul3A_2, %add3A_49 : i32
    %multiple_of3A_51 = tpu.assume_multiple %add3A_50, 8 : i32
    %dma_start3A_52 = arith.constant 2 : i32
    %dma_start3A_53 = arith.constant 0 : i32
    %dma_start3A_54 = tpu.memref_slice %arg6[%dma_start3A_52, %dma_start3A_53] : memref<6x128xi32, #tpu.memory_space<vmem>> -> memref<1x128xi32, #tpu.memory_space<vmem>>
    %dma_start3A_55 = tpu.memref_squeeze %dma_start3A_54 : memref<1x128xi32, #tpu.memory_space<vmem>> -> memref<128xi32, #tpu.memory_space<vmem>>
    %dma_start3A_56 = tpu.memref_slice %arg3[%multiple_of3A_51] : memref<320000xi32, #tpu.memory_space<hbm>> -> memref<128xi32, #tpu.memory_space<hbm>>
    %dma_start3A_57 = arith.constant 0 : i32
    %dma_start3A_58 = tpu.memref_slice %arg6[%dma_start3A_52, %dma_start3A_57] : memref<6x128xi32, #tpu.memory_space<vmem>> -> memref<1x128xi32, #tpu.memory_space<vmem>>
    %dma_start3A_59 = tpu.memref_squeeze %dma_start3A_58 : memref<1x128xi32, #tpu.memory_space<vmem>> -> memref<128xi32, #tpu.memory_space<vmem>>
    %dma_start3A_60 = tpu.memref_slice %arg3[%multiple_of3A_51] : memref<320000xi32, #tpu.memory_space<hbm>> -> memref<128xi32, #tpu.memory_space<hbm>>
    tpu.enqueue_dma source(%dma_start3A_60 : memref<128xi32, #tpu.memory_space<hbm>>) target(%dma_start3A_59 : memref<128xi32, #tpu.memory_space<vmem>>) target_semaphore(%arg14 : memref<!tpu.dma_semaphore, #tpu.memory_space<semaphore_mem>>)
    %dma_start3A_61 = arith.constant 2 : i32
    %dma_start3A_62 = arith.constant 0 : i32
    %dma_start3A_63 = tpu.memref_slice %arg7[%dma_start3A_61, %dma_start3A_62] : memref<6x128xi32, #tpu.memory_space<vmem>> -> memref<1x128xi32, #tpu.memory_space<vmem>>
    %dma_start3A_64 = tpu.memref_squeeze %dma_start3A_63 : memref<1x128xi32, #tpu.memory_space<vmem>> -> memref<128xi32, #tpu.memory_space<vmem>>
    %dma_start3A_65 = tpu.memref_slice %arg4[%multiple_of3A_51] : memref<320000xi32, #tpu.memory_space<hbm>> -> memref<128xi32, #tpu.memory_space<hbm>>
    %dma_start3A_66 = arith.constant 0 : i32
    %dma_start3A_67 = tpu.memref_slice %arg7[%dma_start3A_61, %dma_start3A_66] : memref<6x128xi32, #tpu.memory_space<vmem>> -> memref<1x128xi32, #tpu.memory_space<vmem>>
    %dma_start3A_68 = tpu.memref_squeeze %dma_start3A_67 : memref<1x128xi32, #tpu.memory_space<vmem>> -> memref<128xi32, #tpu.memory_space<vmem>>
    %dma_start3A_69 = tpu.memref_slice %arg4[%multiple_of3A_51] : memref<320000xi32, #tpu.memory_space<hbm>> -> memref<128xi32, #tpu.memory_space<hbm>>
    tpu.enqueue_dma source(%dma_start3A_69 : memref<128xi32, #tpu.memory_space<hbm>>) target(%dma_start3A_68 : memref<128xi32, #tpu.memory_space<vmem>>) target_semaphore(%arg14 : memref<!tpu.dma_semaphore, #tpu.memory_space<semaphore_mem>>)
    %add3A_70 = arith.constant 384 : i32
    %add3A_71 = arith.addi %mul3A_2, %add3A_70 : i32
    %multiple_of3A_72 = tpu.assume_multiple %add3A_71, 8 : i32
    %dma_start3A_73 = arith.constant 3 : i32
    %dma_start3A_74 = arith.constant 0 : i32
    %dma_start3A_75 = tpu.memref_slice %arg6[%dma_start3A_73, %dma_start3A_74] : memref<6x128xi32, #tpu.memory_space<vmem>> -> memref<1x128xi32, #tpu.memory_space<vmem>>
    %dma_start3A_76 = tpu.memref_squeeze %dma_start3A_75 : memref<1x128xi32, #tpu.memory_space<vmem>> -> memref<128xi32, #tpu.memory_space<vmem>>
    %dma_start3A_77 = tpu.memref_slice %arg3[%multiple_of3A_72] : memref<320000xi32, #tpu.memory_space<hbm>> -> memref<128xi32, #tpu.memory_space<hbm>>
    %dma_start3A_78 = arith.constant 0 : i32
    %dma_start3A_79 = tpu.memref_slice %arg6[%dma_start3A_73, %dma_start3A_78] : memref<6x128xi32, #tpu.memory_space<vmem>> -> memref<1x128xi32, #tpu.memory_space<vmem>>
    %dma_start3A_80 = tpu.memref_squeeze %dma_start3A_79 : memref<1x128xi32, #tpu.memory_space<vmem>> -> memref<128xi32, #tpu.memory_space<vmem>>
    %dma_start3A_81 = tpu.memref_slice %arg3[%multiple_of3A_72] : memref<320000xi32, #tpu.memory_space<hbm>> -> memref<128xi32, #tpu.memory_space<hbm>>
    tpu.enqueue_dma source(%dma_start3A_81 : memref<128xi32, #tpu.memory_space<hbm>>) target(%dma_start3A_80 : memref<128xi32, #tpu.memory_space<vmem>>) target_semaphore(%arg15 : memref<!tpu.dma_semaphore, #tpu.memory_space<semaphore_mem>>)
    %dma_start3A_82 = arith.constant 3 : i32
    %dma_start3A_83 = arith.constant 0 : i32
    %dma_start3A_84 = tpu.memref_slice %arg7[%dma_start3A_82, %dma_start3A_83] : memref<6x128xi32, #tpu.memory_space<vmem>> -> memref<1x128xi32, #tpu.memory_space<vmem>>
    %dma_start3A_85 = tpu.memref_squeeze %dma_start3A_84 : memref<1x128xi32, #tpu.memory_space<vmem>> -> memref<128xi32, #tpu.memory_space<vmem>>
    %dma_start3A_86 = tpu.memref_slice %arg4[%multiple_of3A_72] : memref<320000xi32, #tpu.memory_space<hbm>> -> memref<128xi32, #tpu.memory_space<hbm>>
    %dma_start3A_87 = arith.constant 0 : i32
    %dma_start3A_88 = tpu.memref_slice %arg7[%dma_start3A_82, %dma_start3A_87] : memref<6x128xi32, #tpu.memory_space<vmem>> -> memref<1x128xi32, #tpu.memory_space<vmem>>
    %dma_start3A_89 = tpu.memref_squeeze %dma_start3A_88 : memref<1x128xi32, #tpu.memory_space<vmem>> -> memref<128xi32, #tpu.memory_space<vmem>>
    %dma_start3A_90 = tpu.memref_slice %arg4[%multiple_of3A_72] : memref<320000xi32, #tpu.memory_space<hbm>> -> memref<128xi32, #tpu.memory_space<hbm>>
    tpu.enqueue_dma source(%dma_start3A_90 : memref<128xi32, #tpu.memory_space<hbm>>) target(%dma_start3A_89 : memref<128xi32, #tpu.memory_space<vmem>>) target_semaphore(%arg15 : memref<!tpu.dma_semaphore, #tpu.memory_space<semaphore_mem>>)
    %add3A_91 = arith.constant 0 : i32
    %add3A_92 = arith.addi %mul3A_2, %add3A_91 : i32
    %multiple_of3A_93 = tpu.assume_multiple %add3A_92, 8 : i32
    %dma_wait3A = arith.constant 0 : i32
    %dma_wait3A_94 = arith.constant 0 : i32
    %dma_wait3A_95 = tpu.memref_slice %arg6[%dma_wait3A, %dma_wait3A_94] : memref<6x128xi32, #tpu.memory_space<vmem>> -> memref<1x128xi32, #tpu.memory_space<vmem>>
    %dma_wait3A_96 = tpu.memref_squeeze %dma_wait3A_95 : memref<1x128xi32, #tpu.memory_space<vmem>> -> memref<128xi32, #tpu.memory_space<vmem>>
    %dma_wait3A_97 = tpu.memref_slice %arg3[%multiple_of3A_93] : memref<320000xi32, #tpu.memory_space<hbm>> -> memref<128xi32, #tpu.memory_space<hbm>>
    %dma_wait3A_98 = arith.constant 0 : i32
    %dma_wait3A_99 = tpu.memref_slice %arg6[%dma_wait3A, %dma_wait3A_98] : memref<6x128xi32, #tpu.memory_space<vmem>> -> memref<1x128xi32, #tpu.memory_space<vmem>>
    %dma_wait3A_100 = tpu.memref_squeeze %dma_wait3A_99 : memref<1x128xi32, #tpu.memory_space<vmem>> -> memref<128xi32, #tpu.memory_space<vmem>>
    %dma_wait3A_101 = tpu.memref_slice %arg3[%multiple_of3A_93] : memref<320000xi32, #tpu.memory_space<hbm>> -> memref<128xi32, #tpu.memory_space<hbm>>
    tpu.wait_dma2 semaphore(%arg12 : memref<!tpu.dma_semaphore, #tpu.memory_space<semaphore_mem>>) src(%dma_wait3A_101 : memref<128xi32, #tpu.memory_space<hbm>>) dst(%dma_wait3A_100 : memref<128xi32, #tpu.memory_space<vmem>>)
    %dma_wait3A_102 = arith.constant 0 : i32
    %dma_wait3A_103 = arith.constant 0 : i32
    %dma_wait3A_104 = tpu.memref_slice %arg7[%dma_wait3A_102, %dma_wait3A_103] : memref<6x128xi32, #tpu.memory_space<vmem>> -> memref<1x128xi32, #tpu.memory_space<vmem>>
    %dma_wait3A_105 = tpu.memref_squeeze %dma_wait3A_104 : memref<1x128xi32, #tpu.memory_space<vmem>> -> memref<128xi32, #tpu.memory_space<vmem>>
    %dma_wait3A_106 = tpu.memref_slice %arg4[%multiple_of3A_93] : memref<320000xi32, #tpu.memory_space<hbm>> -> memref<128xi32, #tpu.memory_space<hbm>>
    %dma_wait3A_107 = arith.constant 0 : i32
    %dma_wait3A_108 = tpu.memref_slice %arg7[%dma_wait3A_102, %dma_wait3A_107] : memref<6x128xi32, #tpu.memory_space<vmem>> -> memref<1x128xi32, #tpu.memory_space<vmem>>
    %dma_wait3A_109 = tpu.memref_squeeze %dma_wait3A_108 : memref<1x128xi32, #tpu.memory_space<vmem>> -> memref<128xi32, #tpu.memory_space<vmem>>
    %dma_wait3A_110 = tpu.memref_slice %arg4[%multiple_of3A_93] : memref<320000xi32, #tpu.memory_space<hbm>> -> memref<128xi32, #tpu.memory_space<hbm>>
    tpu.wait_dma2 semaphore(%arg12 : memref<!tpu.dma_semaphore, #tpu.memory_space<semaphore_mem>>) src(%dma_wait3A_110 : memref<128xi32, #tpu.memory_space<hbm>>) dst(%dma_wait3A_109 : memref<128xi32, #tpu.memory_space<vmem>>)
    %dma_start3A_111 = arith.constant 0 : i32
    %dma_start3A_112 = arith.constant 0 : i32
    %dma_start3A_113 = arith.constant 0 : i32
    %dma_start3A_114 = arith.constant 0 : i32
    %dma_start3A_115 = tpu.memref_slice %arg10[%dma_start3A_112, %dma_start3A_113, %dma_start3A_114] : memref<2x128x128xf32, #tpu.memory_space<vmem>> -> memref<1x128x128xf32, #tpu.memory_space<vmem>>
    %dma_start3A_116 = tpu.memref_squeeze %dma_start3A_115 : memref<1x128x128xf32, #tpu.memory_space<vmem>> -> memref<128x128xf32, #tpu.memory_space<vmem>>
    %dma_start3A_117 = arith.constant 0 : i32
    %dma_start3A_118 = tpu.memref_slice %arg6[%dma_start3A_111, %dma_start3A_117] : memref<6x128xi32, #tpu.memory_space<vmem>> -> memref<1x128xi32, #tpu.memory_space<vmem>>
    %dma_start3A_119 = tpu.memref_squeeze %dma_start3A_118 : memref<1x128xi32, #tpu.memory_space<vmem>> -> memref<128xi32, #tpu.memory_space<vmem>>
    %dma_start3A_120 = arith.constant 0 : i32
    %dma_start3A_121 = arith.constant 0 : i32
    %dma_start3A_122 = tpu.memref_slice %arg2[%dma_start3A_120, %dma_start3A_121] : memref<10000x128xf32, #tpu.memory_space<hbm>> -> memref<10000x128xf32, #tpu.memory_space<hbm>>
    tpu.enqueue_indirect_dma source(%dma_start3A_122 : memref<10000x128xf32, #tpu.memory_space<hbm>>) target(%dma_start3A_116 : memref<128x128xf32, #tpu.memory_space<vmem>>) offsets(%dma_start3A_119 : memref<128xi32, #tpu.memory_space<vmem>>) semaphore(%arg18 : memref<!tpu.dma_semaphore, #tpu.memory_space<semaphore_mem>>)
    %scan3A = arith.constant 0 : i32
    %scan3A_123 = arith.constant 0 : i32
    %scan3A_124 = arith.constant 13 : i32
    %scan3A_125 = arith.addi %scan3A_123, %scan3A_124 : i32
    %scan3A_126 = arith.constant 1 : i32
    scf.for %scan3A_166 = %scan3A_123 to %scan3A_125 step %scan3A_126  : i32 {
      %mul3A_167 = arith.constant 6 : i32
      %mul3A_168 = arith.muli %mul3A_167, %scan3A_166 : i32
      %add3A_169 = arith.constant 0 : i32
      %add3A_170 = arith.addi %mul3A_168, %add3A_169 : i32
      %dma_wait3A_171 = arith.constant 0 : i32
      %dma_wait3A_172 = arith.constant 0 : i32
      %dma_wait3A_173 = arith.constant 0 : i32
      %dma_wait3A_174 = arith.constant 0 : i32
      %dma_wait3A_175 = tpu.memref_slice %arg10[%dma_wait3A_172, %dma_wait3A_173, %dma_wait3A_174] : memref<2x128x128xf32, #tpu.memory_space<vmem>> -> memref<1x128x128xf32, #tpu.memory_space<vmem>>
      %dma_wait3A_176 = tpu.memref_squeeze %dma_wait3A_175 : memref<1x128x128xf32, #tpu.memory_space<vmem>> -> memref<128x128xf32, #tpu.memory_space<vmem>>
      %dma_wait3A_177 = arith.constant 0 : i32
      %dma_wait3A_178 = tpu.memref_slice %arg6[%dma_wait3A_171, %dma_wait3A_177] : memref<6x128xi32, #tpu.memory_space<vmem>> -> memref<1x128xi32, #tpu.memory_space<vmem>>
      %dma_wait3A_179 = tpu.memref_squeeze %dma_wait3A_178 : memref<1x128xi32, #tpu.memory_space<vmem>> -> memref<128xi32, #tpu.memory_space<vmem>>
      %dma_wait3A_180 = arith.constant 0 : i32
      %dma_wait3A_181 = arith.constant 0 : i32
      %dma_wait3A_182 = tpu.memref_slice %arg2[%dma_wait3A_180, %dma_wait3A_181] : memref<10000x128xf32, #tpu.memory_space<hbm>> -> memref<10000x128xf32, #tpu.memory_space<hbm>>
      tpu.wait_indirect_dma semaphore(%arg18 : memref<!tpu.dma_semaphore, #tpu.memory_space<semaphore_mem>>) src(%dma_wait3A_182 : memref<10000x128xf32, #tpu.memory_space<hbm>>) dst(%dma_wait3A_176 : memref<128x128xf32, #tpu.memory_space<vmem>>)
      %dma_start3A_183 = arith.constant 0 : i32
      %dma_start3A_184 = arith.constant 0 : i32
      %dma_start3A_185 = arith.constant 0 : i32
      %dma_start3A_186 = arith.constant 0 : i32
      %dma_start3A_187 = tpu.memref_slice %arg10[%dma_start3A_183, %dma_start3A_185, %dma_start3A_186] : memref<2x128x128xf32, #tpu.memory_space<vmem>> -> memref<1x128x128xf32, #tpu.memory_space<vmem>>
      %dma_start3A_188 = tpu.memref_squeeze %dma_start3A_187 : memref<1x128x128xf32, #tpu.memory_space<vmem>> -> memref<128x128xf32, #tpu.memory_space<vmem>>
      %dma_start3A_189 = arith.constant 0 : i32
      %dma_start3A_190 = tpu.memref_slice %arg7[%dma_start3A_184, %dma_start3A_189] : memref<6x128xi32, #tpu.memory_space<vmem>> -> memref<1x128xi32, #tpu.memory_space<vmem>>
      %dma_start3A_191 = tpu.memref_squeeze %dma_start3A_190 : memref<1x128xi32, #tpu.memory_space<vmem>> -> memref<128xi32, #tpu.memory_space<vmem>>
      %dma_start3A_192 = arith.constant 0 : i32
      %dma_start3A_193 = arith.constant 0 : i32
      %dma_start3A_194 = tpu.memref_slice %arg11[%dma_start3A_192, %dma_start3A_193] : memref<10000x128xf32, #tpu.memory_space<vmem_shared>> -> memref<10000x128xf32, #tpu.memory_space<vmem_shared>>
      tpu.enqueue_indirect_dma source(%dma_start3A_188 : memref<128x128xf32, #tpu.memory_space<vmem>>) target(%dma_start3A_194 : memref<10000x128xf32, #tpu.memory_space<vmem_shared>>) offsets(%dma_start3A_191 : memref<128xi32, #tpu.memory_space<vmem>>) semaphore(%arg20 : memref<!tpu.dma_semaphore, #tpu.memory_space<semaphore_mem>>) {add = true}
      %add3A_195 = arith.constant 1 : i32
      %add3A_196 = arith.addi %add3A_170, %add3A_195 : i32
      %lt3A = arith.constant 78 : i32
      %lt3A_197 = arith.cmpi slt, %add3A_196, %lt3A : i32
      %convert_element_type3A_198 = arith.extui %lt3A_197 : i1 to i32
      %cond3A_199 = arith.constant 0 : i32
      %cond3A_200 = arith.cmpi ne, %convert_element_type3A_198, %cond3A_199 : i32
      scf.if %cond3A_200 {
        %ge3A = arith.constant 1 : i32
        %ge3A_366 = arith.cmpi sge, %add3A_170, %ge3A : i32
        %convert_element_type3A_367 = arith.extui %ge3A_366 : i1 to i32
        %cond3A_368 = arith.constant 0 : i32
        %cond3A_369 = arith.cmpi ne, %convert_element_type3A_367, %cond3A_368 : i32
        scf.if %cond3A_369 {
          %dma_wait3A_413 = arith.constant 1 : i32
          %dma_wait3A_414 = arith.constant 5 : i32
          %dma_wait3A_415 = arith.constant 0 : i32
          %dma_wait3A_416 = arith.constant 0 : i32
          %dma_wait3A_417 = tpu.memref_slice %arg10[%dma_wait3A_413, %dma_wait3A_415, %dma_wait3A_416] : memref<2x128x128xf32, #tpu.memory_space<vmem>> -> memref<1x128x128xf32, #tpu.memory_space<vmem>>
          %dma_wait3A_418 = tpu.memref_squeeze %dma_wait3A_417 : memref<1x128x128xf32, #tpu.memory_space<vmem>> -> memref<128x128xf32, #tpu.memory_space<vmem>>
          %dma_wait3A_419 = arith.constant 0 : i32
          %dma_wait3A_420 = tpu.memref_slice %arg7[%dma_wait3A_414, %dma_wait3A_419] : memref<6x128xi32, #tpu.memory_space<vmem>> -> memref<1x128xi32, #tpu.memory_space<vmem>>
          %dma_wait3A_421 = tpu.memref_squeeze %dma_wait3A_420 : memref<1x128xi32, #tpu.memory_space<vmem>> -> memref<128xi32, #tpu.memory_space<vmem>>
          %dma_wait3A_422 = arith.constant 0 : i32
          %dma_wait3A_423 = arith.constant 0 : i32
          %dma_wait3A_424 = tpu.memref_slice %arg11[%dma_wait3A_422, %dma_wait3A_423] : memref<10000x128xf32, #tpu.memory_space<vmem_shared>> -> memref<10000x128xf32, #tpu.memory_space<vmem_shared>>
          tpu.wait_indirect_dma semaphore(%arg21 : memref<!tpu.dma_semaphore, #tpu.memory_space<semaphore_mem>>) src(%dma_wait3A_418 : memref<128x128xf32, #tpu.memory_space<vmem>>) dst(%dma_wait3A_424 : memref<10000x128xf32, #tpu.memory_space<vmem_shared>>)
        } else {
        }
        %add3A_370 = arith.constant 4 : i32
        %add3A_371 = arith.addi %add3A_170, %add3A_370 : i32
        %lt3A_372 = arith.constant 78 : i32
        %lt3A_373 = arith.cmpi slt, %add3A_371, %lt3A_372 : i32
        %convert_element_type3A_374 = arith.extui %lt3A_373 : i1 to i32
        %cond3A_375 = arith.constant 0 : i32
        %cond3A_376 = arith.cmpi ne, %convert_element_type3A_374, %cond3A_375 : i32
        scf.if %cond3A_376 {
          %add3A_413 = arith.constant 4 : i32
          %add3A_414 = arith.addi %add3A_170, %add3A_413 : i32
          %mul3A_415 = arith.constant 128 : i32
          %mul3A_416 = arith.muli %add3A_414, %mul3A_415 : i32
          %add3A_417 = arith.addi %mul3A_2, %mul3A_416 : i32
          %multiple_of3A_418 = tpu.assume_multiple %add3A_417, 8 : i32
          %dma_start3A_419 = arith.constant 4 : i32
          %dma_start3A_420 = arith.constant 0 : i32
          %dma_start3A_421 = tpu.memref_slice %arg6[%dma_start3A_419, %dma_start3A_420] : memref<6x128xi32, #tpu.memory_space<vmem>> -> memref<1x128xi32, #tpu.memory_space<vmem>>
          %dma_start3A_422 = tpu.memref_squeeze %dma_start3A_421 : memref<1x128xi32, #tpu.memory_space<vmem>> -> memref<128xi32, #tpu.memory_space<vmem>>
          %dma_start3A_423 = tpu.memref_slice %arg3[%multiple_of3A_418] : memref<320000xi32, #tpu.memory_space<hbm>> -> memref<128xi32, #tpu.memory_space<hbm>>
          %dma_start3A_424 = arith.constant 0 : i32
          %dma_start3A_425 = tpu.memref_slice %arg6[%dma_start3A_419, %dma_start3A_424] : memref<6x128xi32, #tpu.memory_space<vmem>> -> memref<1x128xi32, #tpu.memory_space<vmem>>
          %dma_start3A_426 = tpu.memref_squeeze %dma_start3A_425 : memref<1x128xi32, #tpu.memory_space<vmem>> -> memref<128xi32, #tpu.memory_space<vmem>>
          %dma_start3A_427 = tpu.memref_slice %arg3[%multiple_of3A_418] : memref<320000xi32, #tpu.memory_space<hbm>> -> memref<128xi32, #tpu.memory_space<hbm>>
          tpu.enqueue_dma source(%dma_start3A_427 : memref<128xi32, #tpu.memory_space<hbm>>) target(%dma_start3A_426 : memref<128xi32, #tpu.memory_space<vmem>>) target_semaphore(%arg16 : memref<!tpu.dma_semaphore, #tpu.memory_space<semaphore_mem>>)
          %dma_start3A_428 = arith.constant 4 : i32
          %dma_start3A_429 = arith.constant 0 : i32
          %dma_start3A_430 = tpu.memref_slice %arg7[%dma_start3A_428, %dma_start3A_429] : memref<6x128xi32, #tpu.memory_space<vmem>> -> memref<1x128xi32, #tpu.memory_space<vmem>>
          %dma_start3A_431 = tpu.memref_squeeze %dma_start3A_430 : memref<1x128xi32, #tpu.memory_space<vmem>> -> memref<128xi32, #tpu.memory_space<vmem>>
          %dma_start3A_432 = tpu.memref_slice %arg4[%multiple_of3A_418] : memref<320000xi32, #tpu.memory_space<hbm>> -> memref<128xi32, #tpu.memory_space<hbm>>
          %dma_start3A_433 = arith.constant 0 : i32
          %dma_start3A_434 = tpu.memref_slice %arg7[%dma_start3A_428, %dma_start3A_433] : memref<6x128xi32, #tpu.memory_space<vmem>> -> memref<1x128xi32, #tpu.memory_space<vmem>>
          %dma_start3A_435 = tpu.memref_squeeze %dma_start3A_434 : memref<1x128xi32, #tpu.memory_space<vmem>> -> memref<128xi32, #tpu.memory_space<vmem>>
          %dma_start3A_436 = tpu.memref_slice %arg4[%multiple_of3A_418] : memref<320000xi32, #tpu.memory_space<hbm>> -> memref<128xi32, #tpu.memory_space<hbm>>
          tpu.enqueue_dma source(%dma_start3A_436 : memref<128xi32, #tpu.memory_space<hbm>>) target(%dma_start3A_435 : memref<128xi32, #tpu.memory_space<vmem>>) target_semaphore(%arg16 : memref<!tpu.dma_semaphore, #tpu.memory_space<semaphore_mem>>)
        } else {
        }
        %add3A_377 = arith.constant 1 : i32
        %add3A_378 = arith.addi %add3A_170, %add3A_377 : i32
        %mul3A_379 = arith.constant 128 : i32
        %mul3A_380 = arith.muli %add3A_378, %mul3A_379 : i32
        %add3A_381 = arith.addi %mul3A_2, %mul3A_380 : i32
        %multiple_of3A_382 = tpu.assume_multiple %add3A_381, 8 : i32
        %dma_wait3A_383 = arith.constant 1 : i32
        %dma_wait3A_384 = arith.constant 0 : i32
        %dma_wait3A_385 = tpu.memref_slice %arg6[%dma_wait3A_383, %dma_wait3A_384] : memref<6x128xi32, #tpu.memory_space<vmem>> -> memref<1x128xi32, #tpu.memory_space<vmem>>
        %dma_wait3A_386 = tpu.memref_squeeze %dma_wait3A_385 : memref<1x128xi32, #tpu.memory_space<vmem>> -> memref<128xi32, #tpu.memory_space<vmem>>
        %dma_wait3A_387 = tpu.memref_slice %arg3[%multiple_of3A_382] : memref<320000xi32, #tpu.memory_space<hbm>> -> memref<128xi32, #tpu.memory_space<hbm>>
        %dma_wait3A_388 = arith.constant 0 : i32
        %dma_wait3A_389 = tpu.memref_slice %arg6[%dma_wait3A_383, %dma_wait3A_388] : memref<6x128xi32, #tpu.memory_space<vmem>> -> memref<1x128xi32, #tpu.memory_space<vmem>>
        %dma_wait3A_390 = tpu.memref_squeeze %dma_wait3A_389 : memref<1x128xi32, #tpu.memory_space<vmem>> -> memref<128xi32, #tpu.memory_space<vmem>>
        %dma_wait3A_391 = tpu.memref_slice %arg3[%multiple_of3A_382] : memref<320000xi32, #tpu.memory_space<hbm>> -> memref<128xi32, #tpu.memory_space<hbm>>
        tpu.wait_dma2 semaphore(%arg13 : memref<!tpu.dma_semaphore, #tpu.memory_space<semaphore_mem>>) src(%dma_wait3A_391 : memref<128xi32, #tpu.memory_space<hbm>>) dst(%dma_wait3A_390 : memref<128xi32, #tpu.memory_space<vmem>>)
        %dma_wait3A_392 = arith.constant 1 : i32
        %dma_wait3A_393 = arith.constant 0 : i32
        %dma_wait3A_394 = tpu.memref_slice %arg7[%dma_wait3A_392, %dma_wait3A_393] : memref<6x128xi32, #tpu.memory_space<vmem>> -> memref<1x128xi32, #tpu.memory_space<vmem>>
        %dma_wait3A_395 = tpu.memref_squeeze %dma_wait3A_394 : memref<1x128xi32, #tpu.memory_space<vmem>> -> memref<128xi32, #tpu.memory_space<vmem>>
        %dma_wait3A_396 = tpu.memref_slice %arg4[%multiple_of3A_382] : memref<320000xi32, #tpu.memory_space<hbm>> -> memref<128xi32, #tpu.memory_space<hbm>>
        %dma_wait3A_397 = arith.constant 0 : i32
        %dma_wait3A_398 = tpu.memref_slice %arg7[%dma_wait3A_392, %dma_wait3A_397] : memref<6x128xi32, #tpu.memory_space<vmem>> -> memref<1x128xi32, #tpu.memory_space<vmem>>
        %dma_wait3A_399 = tpu.memref_squeeze %dma_wait3A_398 : memref<1x128xi32, #tpu.memory_space<vmem>> -> memref<128xi32, #tpu.memory_space<vmem>>
        %dma_wait3A_400 = tpu.memref_slice %arg4[%multiple_of3A_382] : memref<320000xi32, #tpu.memory_space<hbm>> -> memref<128xi32, #tpu.memory_space<hbm>>
        tpu.wait_dma2 semaphore(%arg13 : memref<!tpu.dma_semaphore, #tpu.memory_space<semaphore_mem>>) src(%dma_wait3A_400 : memref<128xi32, #tpu.memory_space<hbm>>) dst(%dma_wait3A_399 : memref<128xi32, #tpu.memory_space<vmem>>)
        %dma_start3A_401 = arith.constant 1 : i32
        %dma_start3A_402 = arith.constant 1 : i32
        %dma_start3A_403 = arith.constant 0 : i32
        %dma_start3A_404 = arith.constant 0 : i32
        %dma_start3A_405 = tpu.memref_slice %arg10[%dma_start3A_402, %dma_start3A_403, %dma_start3A_404] : memref<2x128x128xf32, #tpu.memory_space<vmem>> -> memref<1x128x128xf32, #tpu.memory_space<vmem>>
        %dma_start3A_406 = tpu.memref_squeeze %dma_start3A_405 : memref<1x128x128xf32, #tpu.memory_space<vmem>> -> memref<128x128xf32, #tpu.memory_space<vmem>>
        %dma_start3A_407 = arith.constant 0 : i32
        %dma_start3A_408 = tpu.memref_slice %arg6[%dma_start3A_401, %dma_start3A_407] : memref<6x128xi32, #tpu.memory_space<vmem>> -> memref<1x128xi32, #tpu.memory_space<vmem>>
        %dma_start3A_409 = tpu.memref_squeeze %dma_start3A_408 : memref<1x128xi32, #tpu.memory_space<vmem>> -> memref<128xi32, #tpu.memory_space<vmem>>
        %dma_start3A_410 = arith.constant 0 : i32
        %dma_start3A_411 = arith.constant 0 : i32
        %dma_start3A_412 = tpu.memref_slice %arg2[%dma_start3A_410, %dma_start3A_411] : memref<10000x128xf32, #tpu.memory_space<hbm>> -> memref<10000x128xf32, #tpu.memory_space<hbm>>
        tpu.enqueue_indirect_dma source(%dma_start3A_412 : memref<10000x128xf32, #tpu.memory_space<hbm>>) target(%dma_start3A_406 : memref<128x128xf32, #tpu.memory_space<vmem>>) offsets(%dma_start3A_409 : memref<128xi32, #tpu.memory_space<vmem>>) semaphore(%arg19 : memref<!tpu.dma_semaphore, #tpu.memory_space<semaphore_mem>>)
      } else {
      }
      %add3A_201 = arith.constant 1 : i32
      %add3A_202 = arith.addi %mul3A_168, %add3A_201 : i32
      %dma_wait3A_203 = arith.constant 1 : i32
      %dma_wait3A_204 = arith.constant 1 : i32
      %dma_wait3A_205 = arith.constant 0 : i32
      %dma_wait3A_206 = arith.constant 0 : i32
      %dma_wait3A_207 = tpu.memref_slice %arg10[%dma_wait3A_204, %dma_wait3A_205, %dma_wait3A_206] : memref<2x128x128xf32, #tpu.memory_space<vmem>> -> memref<1x128x128xf32, #tpu.memory_space<vmem>>
      %dma_wait3A_208 = tpu.memref_squeeze %dma_wait3A_207 : memref<1x128x128xf32, #tpu.memory_space<vmem>> -> memref<128x128xf32, #tpu.memory_space<vmem>>
      %dma_wait3A_209 = arith.constant 0 : i32
      %dma_wait3A_210 = tpu.memref_slice %arg6[%dma_wait3A_203, %dma_wait3A_209] : memref<6x128xi32, #tpu.memory_space<vmem>> -> memref<1x128xi32, #tpu.memory_space<vmem>>
      %dma_wait3A_211 = tpu.memref_squeeze %dma_wait3A_210 : memref<1x128xi32, #tpu.memory_space<vmem>> -> memref<128xi32, #tpu.memory_space<vmem>>
      %dma_wait3A_212 = arith.constant 0 : i32
      %dma_wait3A_213 = arith.constant 0 : i32
      %dma_wait3A_214 = tpu.memref_slice %arg2[%dma_wait3A_212, %dma_wait3A_213] : memref<10000x128xf32, #tpu.memory_space<hbm>> -> memref<10000x128xf32, #tpu.memory_space<hbm>>
      tpu.wait_indirect_dma semaphore(%arg19 : memref<!tpu.dma_semaphore, #tpu.memory_space<semaphore_mem>>) src(%dma_wait3A_214 : memref<10000x128xf32, #tpu.memory_space<hbm>>) dst(%dma_wait3A_208 : memref<128x128xf32, #tpu.memory_space<vmem>>)
      %dma_start3A_215 = arith.constant 1 : i32
      %dma_start3A_216 = arith.constant 1 : i32
      %dma_start3A_217 = arith.constant 0 : i32
      %dma_start3A_218 = arith.constant 0 : i32
      %dma_start3A_219 = tpu.memref_slice %arg10[%dma_start3A_215, %dma_start3A_217, %dma_start3A_218] : memref<2x128x128xf32, #tpu.memory_space<vmem>> -> memref<1x128x128xf32, #tpu.memory_space<vmem>>
      %dma_start3A_220 = tpu.memref_squeeze %dma_start3A_219 : memref<1x128x128xf32, #tpu.memory_space<vmem>> -> memref<128x128xf32, #tpu.memory_space<vmem>>
      %dma_start3A_221 = arith.constant 0 : i32
      %dma_start3A_222 = tpu.memref_slice %arg7[%dma_start3A_216, %dma_start3A_221] : memref<6x128xi32, #tpu.memory_space<vmem>> -> memref<1x128xi32, #tpu.memory_space<vmem>>
      %dma_start3A_223 = tpu.memref_squeeze %dma_start3A_222 : memref<1x128xi32, #tpu.memory_space<vmem>> -> memref<128xi32, #tpu.memory_space<vmem>>
      %dma_start3A_224 = arith.constant 0 : i32
      %dma_start3A_225 = arith.constant 0 : i32
      %dma_start3A_226 = tpu.memref_slice %arg11[%dma_start3A_224, %dma_start3A_225] : memref<10000x128xf32, #tpu.memory_space<vmem_shared>> -> memref<10000x128xf32, #tpu.memory_space<vmem_shared>>
      tpu.enqueue_indirect_dma source(%dma_start3A_220 : memref<128x128xf32, #tpu.memory_space<vmem>>) target(%dma_start3A_226 : memref<10000x128xf32, #tpu.memory_space<vmem_shared>>) offsets(%dma_start3A_223 : memref<128xi32, #tpu.memory_space<vmem>>) semaphore(%arg21 : memref<!tpu.dma_semaphore, #tpu.memory_space<semaphore_mem>>) {add = true}
      %add3A_227 = arith.constant 1 : i32
      %add3A_228 = arith.addi %add3A_202, %add3A_227 : i32
      %lt3A_229 = arith.constant 78 : i32
      %lt3A_230 = arith.cmpi slt, %add3A_228, %lt3A_229 : i32
      %convert_element_type3A_231 = arith.extui %lt3A_230 : i1 to i32
      %cond3A_232 = arith.constant 0 : i32
      %cond3A_233 = arith.cmpi ne, %convert_element_type3A_231, %cond3A_232 : i32
      scf.if %cond3A_233 {
        %ge3A = arith.constant 1 : i32
        %ge3A_366 = arith.cmpi sge, %add3A_202, %ge3A : i32
        %convert_element_type3A_367 = arith.extui %ge3A_366 : i1 to i32
        %cond3A_368 = arith.constant 0 : i32
        %cond3A_369 = arith.cmpi ne, %convert_element_type3A_367, %cond3A_368 : i32
        scf.if %cond3A_369 {
          %dma_wait3A_413 = arith.constant 0 : i32
          %dma_wait3A_414 = arith.constant 0 : i32
          %dma_wait3A_415 = arith.constant 0 : i32
          %dma_wait3A_416 = arith.constant 0 : i32
          %dma_wait3A_417 = tpu.memref_slice %arg10[%dma_wait3A_413, %dma_wait3A_415, %dma_wait3A_416] : memref<2x128x128xf32, #tpu.memory_space<vmem>> -> memref<1x128x128xf32, #tpu.memory_space<vmem>>
          %dma_wait3A_418 = tpu.memref_squeeze %dma_wait3A_417 : memref<1x128x128xf32, #tpu.memory_space<vmem>> -> memref<128x128xf32, #tpu.memory_space<vmem>>
          %dma_wait3A_419 = arith.constant 0 : i32
          %dma_wait3A_420 = tpu.memref_slice %arg7[%dma_wait3A_414, %dma_wait3A_419] : memref<6x128xi32, #tpu.memory_space<vmem>> -> memref<1x128xi32, #tpu.memory_space<vmem>>
          %dma_wait3A_421 = tpu.memref_squeeze %dma_wait3A_420 : memref<1x128xi32, #tpu.memory_space<vmem>> -> memref<128xi32, #tpu.memory_space<vmem>>
          %dma_wait3A_422 = arith.constant 0 : i32
          %dma_wait3A_423 = arith.constant 0 : i32
          %dma_wait3A_424 = tpu.memref_slice %arg11[%dma_wait3A_422, %dma_wait3A_423] : memref<10000x128xf32, #tpu.memory_space<vmem_shared>> -> memref<10000x128xf32, #tpu.memory_space<vmem_shared>>
          tpu.wait_indirect_dma semaphore(%arg20 : memref<!tpu.dma_semaphore, #tpu.memory_space<semaphore_mem>>) src(%dma_wait3A_418 : memref<128x128xf32, #tpu.memory_space<vmem>>) dst(%dma_wait3A_424 : memref<10000x128xf32, #tpu.memory_space<vmem_shared>>)
        } else {
        }
        %add3A_370 = arith.constant 4 : i32
        %add3A_371 = arith.addi %add3A_202, %add3A_370 : i32
        %lt3A_372 = arith.constant 78 : i32
        %lt3A_373 = arith.cmpi slt, %add3A_371, %lt3A_372 : i32
        %convert_element_type3A_374 = arith.extui %lt3A_373 : i1 to i32
        %cond3A_375 = arith.constant 0 : i32
        %cond3A_376 = arith.cmpi ne, %convert_element_type3A_374, %cond3A_375 : i32
        scf.if %cond3A_376 {
          %add3A_413 = arith.constant 4 : i32
          %add3A_414 = arith.addi %add3A_202, %add3A_413 : i32
          %mul3A_415 = arith.constant 128 : i32
          %mul3A_416 = arith.muli %add3A_414, %mul3A_415 : i32
          %add3A_417 = arith.addi %mul3A_2, %mul3A_416 : i32
          %multiple_of3A_418 = tpu.assume_multiple %add3A_417, 8 : i32
          %dma_start3A_419 = arith.constant 5 : i32
          %dma_start3A_420 = arith.constant 0 : i32
          %dma_start3A_421 = tpu.memref_slice %arg6[%dma_start3A_419, %dma_start3A_420] : memref<6x128xi32, #tpu.memory_space<vmem>> -> memref<1x128xi32, #tpu.memory_space<vmem>>
          %dma_start3A_422 = tpu.memref_squeeze %dma_start3A_421 : memref<1x128xi32, #tpu.memory_space<vmem>> -> memref<128xi32, #tpu.memory_space<vmem>>
          %dma_start3A_423 = tpu.memref_slice %arg3[%multiple_of3A_418] : memref<320000xi32, #tpu.memory_space<hbm>> -> memref<128xi32, #tpu.memory_space<hbm>>
          %dma_start3A_424 = arith.constant 0 : i32
          %dma_start3A_425 = tpu.memref_slice %arg6[%dma_start3A_419, %dma_start3A_424] : memref<6x128xi32, #tpu.memory_space<vmem>> -> memref<1x128xi32, #tpu.memory_space<vmem>>
          %dma_start3A_426 = tpu.memref_squeeze %dma_start3A_425 : memref<1x128xi32, #tpu.memory_space<vmem>> -> memref<128xi32, #tpu.memory_space<vmem>>
          %dma_start3A_427 = tpu.memref_slice %arg3[%multiple_of3A_418] : memref<320000xi32, #tpu.memory_space<hbm>> -> memref<128xi32, #tpu.memory_space<hbm>>
          tpu.enqueue_dma source(%dma_start3A_427 : memref<128xi32, #tpu.memory_space<hbm>>) target(%dma_start3A_426 : memref<128xi32, #tpu.memory_space<vmem>>) target_semaphore(%arg17 : memref<!tpu.dma_semaphore, #tpu.memory_space<semaphore_mem>>)
          %dma_start3A_428 = arith.constant 5 : i32
          %dma_start3A_429 = arith.constant 0 : i32
          %dma_start3A_430 = tpu.memref_slice %arg7[%dma_start3A_428, %dma_start3A_429] : memref<6x128xi32, #tpu.memory_space<vmem>> -> memref<1x128xi32, #tpu.memory_space<vmem>>
          %dma_start3A_431 = tpu.memref_squeeze %dma_start3A_430 : memref<1x128xi32, #tpu.memory_space<vmem>> -> memref<128xi32, #tpu.memory_space<vmem>>
          %dma_start3A_432 = tpu.memref_slice %arg4[%multiple_of3A_418] : memref<320000xi32, #tpu.memory_space<hbm>> -> memref<128xi32, #tpu.memory_space<hbm>>
          %dma_start3A_433 = arith.constant 0 : i32
          %dma_start3A_434 = tpu.memref_slice %arg7[%dma_start3A_428, %dma_start3A_433] : memref<6x128xi32, #tpu.memory_space<vmem>> -> memref<1x128xi32, #tpu.memory_space<vmem>>
          %dma_start3A_435 = tpu.memref_squeeze %dma_start3A_434 : memref<1x128xi32, #tpu.memory_space<vmem>> -> memref<128xi32, #tpu.memory_space<vmem>>
          %dma_start3A_436 = tpu.memref_slice %arg4[%multiple_of3A_418] : memref<320000xi32, #tpu.memory_space<hbm>> -> memref<128xi32, #tpu.memory_space<hbm>>
          tpu.enqueue_dma source(%dma_start3A_436 : memref<128xi32, #tpu.memory_space<hbm>>) target(%dma_start3A_435 : memref<128xi32, #tpu.memory_space<vmem>>) target_semaphore(%arg17 : memref<!tpu.dma_semaphore, #tpu.memory_space<semaphore_mem>>)
        } else {
        }
        %add3A_377 = arith.constant 1 : i32
        %add3A_378 = arith.addi %add3A_202, %add3A_377 : i32
        %mul3A_379 = arith.constant 128 : i32
        %mul3A_380 = arith.muli %add3A_378, %mul3A_379 : i32
        %add3A_381 = arith.addi %mul3A_2, %mul3A_380 : i32
        %multiple_of3A_382 = tpu.assume_multiple %add3A_381, 8 : i32
        %dma_wait3A_383 = arith.constant 2 : i32
        %dma_wait3A_384 = arith.constant 0 : i32
        %dma_wait3A_385 = tpu.memref_slice %arg6[%dma_wait3A_383, %dma_wait3A_384] : memref<6x128xi32, #tpu.memory_space<vmem>> -> memref<1x128xi32, #tpu.memory_space<vmem>>
        %dma_wait3A_386 = tpu.memref_squeeze %dma_wait3A_385 : memref<1x128xi32, #tpu.memory_space<vmem>> -> memref<128xi32, #tpu.memory_space<vmem>>
        %dma_wait3A_387 = tpu.memref_slice %arg3[%multiple_of3A_382] : memref<320000xi32, #tpu.memory_space<hbm>> -> memref<128xi32, #tpu.memory_space<hbm>>
        %dma_wait3A_388 = arith.constant 0 : i32
        %dma_wait3A_389 = tpu.memref_slice %arg6[%dma_wait3A_383, %dma_wait3A_388] : memref<6x128xi32, #tpu.memory_space<vmem>> -> memref<1x128xi32, #tpu.memory_space<vmem>>
        %dma_wait3A_390 = tpu.memref_squeeze %dma_wait3A_389 : memref<1x128xi32, #tpu.memory_space<vmem>> -> memref<128xi32, #tpu.memory_space<vmem>>
        %dma_wait3A_391 = tpu.memref_slice %arg3[%multiple_of3A_382] : memref<320000xi32, #tpu.memory_space<hbm>> -> memref<128xi32, #tpu.memory_space<hbm>>
        tpu.wait_dma2 semaphore(%arg14 : memref<!tpu.dma_semaphore, #tpu.memory_space<semaphore_mem>>) src(%dma_wait3A_391 : memref<128xi32, #tpu.memory_space<hbm>>) dst(%dma_wait3A_390 : memref<128xi32, #tpu.memory_space<vmem>>)
        %dma_wait3A_392 = arith.constant 2 : i32
        %dma_wait3A_393 = arith.constant 0 : i32
        %dma_wait3A_394 = tpu.memref_slice %arg7[%dma_wait3A_392, %dma_wait3A_393] : memref<6x128xi32, #tpu.memory_space<vmem>> -> memref<1x128xi32, #tpu.memory_space<vmem>>
        %dma_wait3A_395 = tpu.memref_squeeze %dma_wait3A_394 : memref<1x128xi32, #tpu.memory_space<vmem>> -> memref<128xi32, #tpu.memory_space<vmem>>
        %dma_wait3A_396 = tpu.memref_slice %arg4[%multiple_of3A_382] : memref<320000xi32, #tpu.memory_space<hbm>> -> memref<128xi32, #tpu.memory_space<hbm>>
        %dma_wait3A_397 = arith.constant 0 : i32
        %dma_wait3A_398 = tpu.memref_slice %arg7[%dma_wait3A_392, %dma_wait3A_397] : memref<6x128xi32, #tpu.memory_space<vmem>> -> memref<1x128xi32, #tpu.memory_space<vmem>>
        %dma_wait3A_399 = tpu.memref_squeeze %dma_wait3A_398 : memref<1x128xi32, #tpu.memory_space<vmem>> -> memref<128xi32, #tpu.memory_space<vmem>>
        %dma_wait3A_400 = tpu.memref_slice %arg4[%multiple_of3A_382] : memref<320000xi32, #tpu.memory_space<hbm>> -> memref<128xi32, #tpu.memory_space<hbm>>
        tpu.wait_dma2 semaphore(%arg14 : memref<!tpu.dma_semaphore, #tpu.memory_space<semaphore_mem>>) src(%dma_wait3A_400 : memref<128xi32, #tpu.memory_space<hbm>>) dst(%dma_wait3A_399 : memref<128xi32, #tpu.memory_space<vmem>>)
        %dma_start3A_401 = arith.constant 2 : i32
        %dma_start3A_402 = arith.constant 0 : i32
        %dma_start3A_403 = arith.constant 0 : i32
        %dma_start3A_404 = arith.constant 0 : i32
        %dma_start3A_405 = tpu.memref_slice %arg10[%dma_start3A_402, %dma_start3A_403, %dma_start3A_404] : memref<2x128x128xf32, #tpu.memory_space<vmem>> -> memref<1x128x128xf32, #tpu.memory_space<vmem>>
        %dma_start3A_406 = tpu.memref_squeeze %dma_start3A_405 : memref<1x128x128xf32, #tpu.memory_space<vmem>> -> memref<128x128xf32, #tpu.memory_space<vmem>>
        %dma_start3A_407 = arith.constant 0 : i32
        %dma_start3A_408 = tpu.memref_slice %arg6[%dma_start3A_401, %dma_start3A_407] : memref<6x128xi32, #tpu.memory_space<vmem>> -> memref<1x128xi32, #tpu.memory_space<vmem>>
        %dma_start3A_409 = tpu.memref_squeeze %dma_start3A_408 : memref<1x128xi32, #tpu.memory_space<vmem>> -> memref<128xi32, #tpu.memory_space<vmem>>
        %dma_start3A_410 = arith.constant 0 : i32
        %dma_start3A_411 = arith.constant 0 : i32
        %dma_start3A_412 = tpu.memref_slice %arg2[%dma_start3A_410, %dma_start3A_411] : memref<10000x128xf32, #tpu.memory_space<hbm>> -> memref<10000x128xf32, #tpu.memory_space<hbm>>
        tpu.enqueue_indirect_dma source(%dma_start3A_412 : memref<10000x128xf32, #tpu.memory_space<hbm>>) target(%dma_start3A_406 : memref<128x128xf32, #tpu.memory_space<vmem>>) offsets(%dma_start3A_409 : memref<128xi32, #tpu.memory_space<vmem>>) semaphore(%arg18 : memref<!tpu.dma_semaphore, #tpu.memory_space<semaphore_mem>>)
      } else {
      }
      %add3A_234 = arith.constant 2 : i32
      %add3A_235 = arith.addi %mul3A_168, %add3A_234 : i32
      %dma_wait3A_236 = arith.constant 2 : i32
      %dma_wait3A_237 = arith.constant 0 : i32
      %dma_wait3A_238 = arith.constant 0 : i32
      %dma_wait3A_239 = arith.constant 0 : i32
      %dma_wait3A_240 = tpu.memref_slice %arg10[%dma_wait3A_237, %dma_wait3A_238, %dma_wait3A_239] : memref<2x128x128xf32, #tpu.memory_space<vmem>> -> memref<1x128x128xf32, #tpu.memory_space<vmem>>
      %dma_wait3A_241 = tpu.memref_squeeze %dma_wait3A_240 : memref<1x128x128xf32, #tpu.memory_space<vmem>> -> memref<128x128xf32, #tpu.memory_space<vmem>>
      %dma_wait3A_242 = arith.constant 0 : i32
      %dma_wait3A_243 = tpu.memref_slice %arg6[%dma_wait3A_236, %dma_wait3A_242] : memref<6x128xi32, #tpu.memory_space<vmem>> -> memref<1x128xi32, #tpu.memory_space<vmem>>
      %dma_wait3A_244 = tpu.memref_squeeze %dma_wait3A_243 : memref<1x128xi32, #tpu.memory_space<vmem>> -> memref<128xi32, #tpu.memory_space<vmem>>
      %dma_wait3A_245 = arith.constant 0 : i32
      %dma_wait3A_246 = arith.constant 0 : i32
      %dma_wait3A_247 = tpu.memref_slice %arg2[%dma_wait3A_245, %dma_wait3A_246] : memref<10000x128xf32, #tpu.memory_space<hbm>> -> memref<10000x128xf32, #tpu.memory_space<hbm>>
      tpu.wait_indirect_dma semaphore(%arg18 : memref<!tpu.dma_semaphore, #tpu.memory_space<semaphore_mem>>) src(%dma_wait3A_247 : memref<10000x128xf32, #tpu.memory_space<hbm>>) dst(%dma_wait3A_241 : memref<128x128xf32, #tpu.memory_space<vmem>>)
      %dma_start3A_248 = arith.constant 0 : i32
      %dma_start3A_249 = arith.constant 2 : i32
      %dma_start3A_250 = arith.constant 0 : i32
      %dma_start3A_251 = arith.constant 0 : i32
      %dma_start3A_252 = tpu.memref_slice %arg10[%dma_start3A_248, %dma_start3A_250, %dma_start3A_251] : memref<2x128x128xf32, #tpu.memory_space<vmem>> -> memref<1x128x128xf32, #tpu.memory_space<vmem>>
      %dma_start3A_253 = tpu.memref_squeeze %dma_start3A_252 : memref<1x128x128xf32, #tpu.memory_space<vmem>> -> memref<128x128xf32, #tpu.memory_space<vmem>>
      %dma_start3A_254 = arith.constant 0 : i32
      %dma_start3A_255 = tpu.memref_slice %arg7[%dma_start3A_249, %dma_start3A_254] : memref<6x128xi32, #tpu.memory_space<vmem>> -> memref<1x128xi32, #tpu.memory_space<vmem>>
      %dma_start3A_256 = tpu.memref_squeeze %dma_start3A_255 : memref<1x128xi32, #tpu.memory_space<vmem>> -> memref<128xi32, #tpu.memory_space<vmem>>
      %dma_start3A_257 = arith.constant 0 : i32
      %dma_start3A_258 = arith.constant 0 : i32
      %dma_start3A_259 = tpu.memref_slice %arg11[%dma_start3A_257, %dma_start3A_258] : memref<10000x128xf32, #tpu.memory_space<vmem_shared>> -> memref<10000x128xf32, #tpu.memory_space<vmem_shared>>
      tpu.enqueue_indirect_dma source(%dma_start3A_253 : memref<128x128xf32, #tpu.memory_space<vmem>>) target(%dma_start3A_259 : memref<10000x128xf32, #tpu.memory_space<vmem_shared>>) offsets(%dma_start3A_256 : memref<128xi32, #tpu.memory_space<vmem>>) semaphore(%arg20 : memref<!tpu.dma_semaphore, #tpu.memory_space<semaphore_mem>>) {add = true}
      %add3A_260 = arith.constant 1 : i32
      %add3A_261 = arith.addi %add3A_235, %add3A_260 : i32
      %lt3A_262 = arith.constant 78 : i32
      %lt3A_263 = arith.cmpi slt, %add3A_261, %lt3A_262 : i32
      %convert_element_type3A_264 = arith.extui %lt3A_263 : i1 to i32
      %cond3A_265 = arith.constant 0 : i32
      %cond3A_266 = arith.cmpi ne, %convert_element_type3A_264, %cond3A_265 : i32
      scf.if %cond3A_266 {
        %ge3A = arith.constant 1 : i32
        %ge3A_366 = arith.cmpi sge, %add3A_235, %ge3A : i32
        %convert_element_type3A_367 = arith.extui %ge3A_366 : i1 to i32
        %cond3A_368 = arith.constant 0 : i32
        %cond3A_369 = arith.cmpi ne, %convert_element_type3A_367, %cond3A_368 : i32
        scf.if %cond3A_369 {
          %dma_wait3A_413 = arith.constant 1 : i32
          %dma_wait3A_414 = arith.constant 1 : i32
          %dma_wait3A_415 = arith.constant 0 : i32
          %dma_wait3A_416 = arith.constant 0 : i32
          %dma_wait3A_417 = tpu.memref_slice %arg10[%dma_wait3A_413, %dma_wait3A_415, %dma_wait3A_416] : memref<2x128x128xf32, #tpu.memory_space<vmem>> -> memref<1x128x128xf32, #tpu.memory_space<vmem>>
          %dma_wait3A_418 = tpu.memref_squeeze %dma_wait3A_417 : memref<1x128x128xf32, #tpu.memory_space<vmem>> -> memref<128x128xf32, #tpu.memory_space<vmem>>
          %dma_wait3A_419 = arith.constant 0 : i32
          %dma_wait3A_420 = tpu.memref_slice %arg7[%dma_wait3A_414, %dma_wait3A_419] : memref<6x128xi32, #tpu.memory_space<vmem>> -> memref<1x128xi32, #tpu.memory_space<vmem>>
          %dma_wait3A_421 = tpu.memref_squeeze %dma_wait3A_420 : memref<1x128xi32, #tpu.memory_space<vmem>> -> memref<128xi32, #tpu.memory_space<vmem>>
          %dma_wait3A_422 = arith.constant 0 : i32
          %dma_wait3A_423 = arith.constant 0 : i32
          %dma_wait3A_424 = tpu.memref_slice %arg11[%dma_wait3A_422, %dma_wait3A_423] : memref<10000x128xf32, #tpu.memory_space<vmem_shared>> -> memref<10000x128xf32, #tpu.memory_space<vmem_shared>>
          tpu.wait_indirect_dma semaphore(%arg21 : memref<!tpu.dma_semaphore, #tpu.memory_space<semaphore_mem>>) src(%dma_wait3A_418 : memref<128x128xf32, #tpu.memory_space<vmem>>) dst(%dma_wait3A_424 : memref<10000x128xf32, #tpu.memory_space<vmem_shared>>)
        } else {
        }
        %add3A_370 = arith.constant 4 : i32
        %add3A_371 = arith.addi %add3A_235, %add3A_370 : i32
        %lt3A_372 = arith.constant 78 : i32
        %lt3A_373 = arith.cmpi slt, %add3A_371, %lt3A_372 : i32
        %convert_element_type3A_374 = arith.extui %lt3A_373 : i1 to i32
        %cond3A_375 = arith.constant 0 : i32
        %cond3A_376 = arith.cmpi ne, %convert_element_type3A_374, %cond3A_375 : i32
        scf.if %cond3A_376 {
          %add3A_413 = arith.constant 4 : i32
          %add3A_414 = arith.addi %add3A_235, %add3A_413 : i32
          %mul3A_415 = arith.constant 128 : i32
          %mul3A_416 = arith.muli %add3A_414, %mul3A_415 : i32
          %add3A_417 = arith.addi %mul3A_2, %mul3A_416 : i32
          %multiple_of3A_418 = tpu.assume_multiple %add3A_417, 8 : i32
          %dma_start3A_419 = arith.constant 0 : i32
          %dma_start3A_420 = arith.constant 0 : i32
          %dma_start3A_421 = tpu.memref_slice %arg6[%dma_start3A_419, %dma_start3A_420] : memref<6x128xi32, #tpu.memory_space<vmem>> -> memref<1x128xi32, #tpu.memory_space<vmem>>
          %dma_start3A_422 = tpu.memref_squeeze %dma_start3A_421 : memref<1x128xi32, #tpu.memory_space<vmem>> -> memref<128xi32, #tpu.memory_space<vmem>>
          %dma_start3A_423 = tpu.memref_slice %arg3[%multiple_of3A_418] : memref<320000xi32, #tpu.memory_space<hbm>> -> memref<128xi32, #tpu.memory_space<hbm>>
          %dma_start3A_424 = arith.constant 0 : i32
          %dma_start3A_425 = tpu.memref_slice %arg6[%dma_start3A_419, %dma_start3A_424] : memref<6x128xi32, #tpu.memory_space<vmem>> -> memref<1x128xi32, #tpu.memory_space<vmem>>
          %dma_start3A_426 = tpu.memref_squeeze %dma_start3A_425 : memref<1x128xi32, #tpu.memory_space<vmem>> -> memref<128xi32, #tpu.memory_space<vmem>>
          %dma_start3A_427 = tpu.memref_slice %arg3[%multiple_of3A_418] : memref<320000xi32, #tpu.memory_space<hbm>> -> memref<128xi32, #tpu.memory_space<hbm>>
          tpu.enqueue_dma source(%dma_start3A_427 : memref<128xi32, #tpu.memory_space<hbm>>) target(%dma_start3A_426 : memref<128xi32, #tpu.memory_space<vmem>>) target_semaphore(%arg12 : memref<!tpu.dma_semaphore, #tpu.memory_space<semaphore_mem>>)
          %dma_start3A_428 = arith.constant 0 : i32
          %dma_start3A_429 = arith.constant 0 : i32
          %dma_start3A_430 = tpu.memref_slice %arg7[%dma_start3A_428, %dma_start3A_429] : memref<6x128xi32, #tpu.memory_space<vmem>> -> memref<1x128xi32, #tpu.memory_space<vmem>>
          %dma_start3A_431 = tpu.memref_squeeze %dma_start3A_430 : memref<1x128xi32, #tpu.memory_space<vmem>> -> memref<128xi32, #tpu.memory_space<vmem>>
          %dma_start3A_432 = tpu.memref_slice %arg4[%multiple_of3A_418] : memref<320000xi32, #tpu.memory_space<hbm>> -> memref<128xi32, #tpu.memory_space<hbm>>
          %dma_start3A_433 = arith.constant 0 : i32
          %dma_start3A_434 = tpu.memref_slice %arg7[%dma_start3A_428, %dma_start3A_433] : memref<6x128xi32, #tpu.memory_space<vmem>> -> memref<1x128xi32, #tpu.memory_space<vmem>>
          %dma_start3A_435 = tpu.memref_squeeze %dma_start3A_434 : memref<1x128xi32, #tpu.memory_space<vmem>> -> memref<128xi32, #tpu.memory_space<vmem>>
          %dma_start3A_436 = tpu.memref_slice %arg4[%multiple_of3A_418] : memref<320000xi32, #tpu.memory_space<hbm>> -> memref<128xi32, #tpu.memory_space<hbm>>
          tpu.enqueue_dma source(%dma_start3A_436 : memref<128xi32, #tpu.memory_space<hbm>>) target(%dma_start3A_435 : memref<128xi32, #tpu.memory_space<vmem>>) target_semaphore(%arg12 : memref<!tpu.dma_semaphore, #tpu.memory_space<semaphore_mem>>)
        } else {
        }
        %add3A_377 = arith.constant 1 : i32
        %add3A_378 = arith.addi %add3A_235, %add3A_377 : i32
        %mul3A_379 = arith.constant 128 : i32
        %mul3A_380 = arith.muli %add3A_378, %mul3A_379 : i32
        %add3A_381 = arith.addi %mul3A_2, %mul3A_380 : i32
        %multiple_of3A_382 = tpu.assume_multiple %add3A_381, 8 : i32
        %dma_wait3A_383 = arith.constant 3 : i32
        %dma_wait3A_384 = arith.constant 0 : i32
        %dma_wait3A_385 = tpu.memref_slice %arg6[%dma_wait3A_383, %dma_wait3A_384] : memref<6x128xi32, #tpu.memory_space<vmem>> -> memref<1x128xi32, #tpu.memory_space<vmem>>
        %dma_wait3A_386 = tpu.memref_squeeze %dma_wait3A_385 : memref<1x128xi32, #tpu.memory_space<vmem>> -> memref<128xi32, #tpu.memory_space<vmem>>
        %dma_wait3A_387 = tpu.memref_slice %arg3[%multiple_of3A_382] : memref<320000xi32, #tpu.memory_space<hbm>> -> memref<128xi32, #tpu.memory_space<hbm>>
        %dma_wait3A_388 = arith.constant 0 : i32
        %dma_wait3A_389 = tpu.memref_slice %arg6[%dma_wait3A_383, %dma_wait3A_388] : memref<6x128xi32, #tpu.memory_space<vmem>> -> memref<1x128xi32, #tpu.memory_space<vmem>>
        %dma_wait3A_390 = tpu.memref_squeeze %dma_wait3A_389 : memref<1x128xi32, #tpu.memory_space<vmem>> -> memref<128xi32, #tpu.memory_space<vmem>>
        %dma_wait3A_391 = tpu.memref_slice %arg3[%multiple_of3A_382] : memref<320000xi32, #tpu.memory_space<hbm>> -> memref<128xi32, #tpu.memory_space<hbm>>
        tpu.wait_dma2 semaphore(%arg15 : memref<!tpu.dma_semaphore, #tpu.memory_space<semaphore_mem>>) src(%dma_wait3A_391 : memref<128xi32, #tpu.memory_space<hbm>>) dst(%dma_wait3A_390 : memref<128xi32, #tpu.memory_space<vmem>>)
        %dma_wait3A_392 = arith.constant 3 : i32
        %dma_wait3A_393 = arith.constant 0 : i32
        %dma_wait3A_394 = tpu.memref_slice %arg7[%dma_wait3A_392, %dma_wait3A_393] : memref<6x128xi32, #tpu.memory_space<vmem>> -> memref<1x128xi32, #tpu.memory_space<vmem>>
        %dma_wait3A_395 = tpu.memref_squeeze %dma_wait3A_394 : memref<1x128xi32, #tpu.memory_space<vmem>> -> memref<128xi32, #tpu.memory_space<vmem>>
        %dma_wait3A_396 = tpu.memref_slice %arg4[%multiple_of3A_382] : memref<320000xi32, #tpu.memory_space<hbm>> -> memref<128xi32, #tpu.memory_space<hbm>>
        %dma_wait3A_397 = arith.constant 0 : i32
        %dma_wait3A_398 = tpu.memref_slice %arg7[%dma_wait3A_392, %dma_wait3A_397] : memref<6x128xi32, #tpu.memory_space<vmem>> -> memref<1x128xi32, #tpu.memory_space<vmem>>
        %dma_wait3A_399 = tpu.memref_squeeze %dma_wait3A_398 : memref<1x128xi32, #tpu.memory_space<vmem>> -> memref<128xi32, #tpu.memory_space<vmem>>
        %dma_wait3A_400 = tpu.memref_slice %arg4[%multiple_of3A_382] : memref<320000xi32, #tpu.memory_space<hbm>> -> memref<128xi32, #tpu.memory_space<hbm>>
        tpu.wait_dma2 semaphore(%arg15 : memref<!tpu.dma_semaphore, #tpu.memory_space<semaphore_mem>>) src(%dma_wait3A_400 : memref<128xi32, #tpu.memory_space<hbm>>) dst(%dma_wait3A_399 : memref<128xi32, #tpu.memory_space<vmem>>)
        %dma_start3A_401 = arith.constant 3 : i32
        %dma_start3A_402 = arith.constant 1 : i32
        %dma_start3A_403 = arith.constant 0 : i32
        %dma_start3A_404 = arith.constant 0 : i32
        %dma_start3A_405 = tpu.memref_slice %arg10[%dma_start3A_402, %dma_start3A_403, %dma_start3A_404] : memref<2x128x128xf32, #tpu.memory_space<vmem>> -> memref<1x128x128xf32, #tpu.memory_space<vmem>>
        %dma_start3A_406 = tpu.memref_squeeze %dma_start3A_405 : memref<1x128x128xf32, #tpu.memory_space<vmem>> -> memref<128x128xf32, #tpu.memory_space<vmem>>
        %dma_start3A_407 = arith.constant 0 : i32
        %dma_start3A_408 = tpu.memref_slice %arg6[%dma_start3A_401, %dma_start3A_407] : memref<6x128xi32, #tpu.memory_space<vmem>> -> memref<1x128xi32, #tpu.memory_space<vmem>>
        %dma_start3A_409 = tpu.memref_squeeze %dma_start3A_408 : memref<1x128xi32, #tpu.memory_space<vmem>> -> memref<128xi32, #tpu.memory_space<vmem>>
        %dma_start3A_410 = arith.constant 0 : i32
        %dma_start3A_411 = arith.constant 0 : i32
        %dma_start3A_412 = tpu.memref_slice %arg2[%dma_start3A_410, %dma_start3A_411] : memref<10000x128xf32, #tpu.memory_space<hbm>> -> memref<10000x128xf32, #tpu.memory_space<hbm>>
        tpu.enqueue_indirect_dma source(%dma_start3A_412 : memref<10000x128xf32, #tpu.memory_space<hbm>>) target(%dma_start3A_406 : memref<128x128xf32, #tpu.memory_space<vmem>>) offsets(%dma_start3A_409 : memref<128xi32, #tpu.memory_space<vmem>>) semaphore(%arg19 : memref<!tpu.dma_semaphore, #tpu.memory_space<semaphore_mem>>)
      } else {
      }
      %add3A_267 = arith.constant 3 : i32
      %add3A_268 = arith.addi %mul3A_168, %add3A_267 : i32
      %dma_wait3A_269 = arith.constant 3 : i32
      %dma_wait3A_270 = arith.constant 1 : i32
      %dma_wait3A_271 = arith.constant 0 : i32
      %dma_wait3A_272 = arith.constant 0 : i32
      %dma_wait3A_273 = tpu.memref_slice %arg10[%dma_wait3A_270, %dma_wait3A_271, %dma_wait3A_272] : memref<2x128x128xf32, #tpu.memory_space<vmem>> -> memref<1x128x128xf32, #tpu.memory_space<vmem>>
      %dma_wait3A_274 = tpu.memref_squeeze %dma_wait3A_273 : memref<1x128x128xf32, #tpu.memory_space<vmem>> -> memref<128x128xf32, #tpu.memory_space<vmem>>
      %dma_wait3A_275 = arith.constant 0 : i32
      %dma_wait3A_276 = tpu.memref_slice %arg6[%dma_wait3A_269, %dma_wait3A_275] : memref<6x128xi32, #tpu.memory_space<vmem>> -> memref<1x128xi32, #tpu.memory_space<vmem>>
      %dma_wait3A_277 = tpu.memref_squeeze %dma_wait3A_276 : memref<1x128xi32, #tpu.memory_space<vmem>> -> memref<128xi32, #tpu.memory_space<vmem>>
      %dma_wait3A_278 = arith.constant 0 : i32
      %dma_wait3A_279 = arith.constant 0 : i32
      %dma_wait3A_280 = tpu.memref_slice %arg2[%dma_wait3A_278, %dma_wait3A_279] : memref<10000x128xf32, #tpu.memory_space<hbm>> -> memref<10000x128xf32, #tpu.memory_space<hbm>>
      tpu.wait_indirect_dma semaphore(%arg19 : memref<!tpu.dma_semaphore, #tpu.memory_space<semaphore_mem>>) src(%dma_wait3A_280 : memref<10000x128xf32, #tpu.memory_space<hbm>>) dst(%dma_wait3A_274 : memref<128x128xf32, #tpu.memory_space<vmem>>)
      %dma_start3A_281 = arith.constant 1 : i32
      %dma_start3A_282 = arith.constant 3 : i32
      %dma_start3A_283 = arith.constant 0 : i32
      %dma_start3A_284 = arith.constant 0 : i32
      %dma_start3A_285 = tpu.memref_slice %arg10[%dma_start3A_281, %dma_start3A_283, %dma_start3A_284] : memref<2x128x128xf32, #tpu.memory_space<vmem>> -> memref<1x128x128xf32, #tpu.memory_space<vmem>>
      %dma_start3A_286 = tpu.memref_squeeze %dma_start3A_285 : memref<1x128x128xf32, #tpu.memory_space<vmem>> -> memref<128x128xf32, #tpu.memory_space<vmem>>
      %dma_start3A_287 = arith.constant 0 : i32
      %dma_start3A_288 = tpu.memref_slice %arg7[%dma_start3A_282, %dma_start3A_287] : memref<6x128xi32, #tpu.memory_space<vmem>> -> memref<1x128xi32, #tpu.memory_space<vmem>>
      %dma_start3A_289 = tpu.memref_squeeze %dma_start3A_288 : memref<1x128xi32, #tpu.memory_space<vmem>> -> memref<128xi32, #tpu.memory_space<vmem>>
      %dma_start3A_290 = arith.constant 0 : i32
      %dma_start3A_291 = arith.constant 0 : i32
      %dma_start3A_292 = tpu.memref_slice %arg11[%dma_start3A_290, %dma_start3A_291] : memref<10000x128xf32, #tpu.memory_space<vmem_shared>> -> memref<10000x128xf32, #tpu.memory_space<vmem_shared>>
      tpu.enqueue_indirect_dma source(%dma_start3A_286 : memref<128x128xf32, #tpu.memory_space<vmem>>) target(%dma_start3A_292 : memref<10000x128xf32, #tpu.memory_space<vmem_shared>>) offsets(%dma_start3A_289 : memref<128xi32, #tpu.memory_space<vmem>>) semaphore(%arg21 : memref<!tpu.dma_semaphore, #tpu.memory_space<semaphore_mem>>) {add = true}
      %add3A_293 = arith.constant 1 : i32
      %add3A_294 = arith.addi %add3A_268, %add3A_293 : i32
      %lt3A_295 = arith.constant 78 : i32
      %lt3A_296 = arith.cmpi slt, %add3A_294, %lt3A_295 : i32
      %convert_element_type3A_297 = arith.extui %lt3A_296 : i1 to i32
      %cond3A_298 = arith.constant 0 : i32
      %cond3A_299 = arith.cmpi ne, %convert_element_type3A_297, %cond3A_298 : i32
      scf.if %cond3A_299 {
        %ge3A = arith.constant 1 : i32
        %ge3A_366 = arith.cmpi sge, %add3A_268, %ge3A : i32
        %convert_element_type3A_367 = arith.extui %ge3A_366 : i1 to i32
        %cond3A_368 = arith.constant 0 : i32
        %cond3A_369 = arith.cmpi ne, %convert_element_type3A_367, %cond3A_368 : i32
        scf.if %cond3A_369 {
          %dma_wait3A_413 = arith.constant 0 : i32
          %dma_wait3A_414 = arith.constant 2 : i32
          %dma_wait3A_415 = arith.constant 0 : i32
          %dma_wait3A_416 = arith.constant 0 : i32
          %dma_wait3A_417 = tpu.memref_slice %arg10[%dma_wait3A_413, %dma_wait3A_415, %dma_wait3A_416] : memref<2x128x128xf32, #tpu.memory_space<vmem>> -> memref<1x128x128xf32, #tpu.memory_space<vmem>>
          %dma_wait3A_418 = tpu.memref_squeeze %dma_wait3A_417 : memref<1x128x128xf32, #tpu.memory_space<vmem>> -> memref<128x128xf32, #tpu.memory_space<vmem>>
          %dma_wait3A_419 = arith.constant 0 : i32
          %dma_wait3A_420 = tpu.memref_slice %arg7[%dma_wait3A_414, %dma_wait3A_419] : memref<6x128xi32, #tpu.memory_space<vmem>> -> memref<1x128xi32, #tpu.memory_space<vmem>>
          %dma_wait3A_421 = tpu.memref_squeeze %dma_wait3A_420 : memref<1x128xi32, #tpu.memory_space<vmem>> -> memref<128xi32, #tpu.memory_space<vmem>>
          %dma_wait3A_422 = arith.constant 0 : i32
          %dma_wait3A_423 = arith.constant 0 : i32
          %dma_wait3A_424 = tpu.memref_slice %arg11[%dma_wait3A_422, %dma_wait3A_423] : memref<10000x128xf32, #tpu.memory_space<vmem_shared>> -> memref<10000x128xf32, #tpu.memory_space<vmem_shared>>
          tpu.wait_indirect_dma semaphore(%arg20 : memref<!tpu.dma_semaphore, #tpu.memory_space<semaphore_mem>>) src(%dma_wait3A_418 : memref<128x128xf32, #tpu.memory_space<vmem>>) dst(%dma_wait3A_424 : memref<10000x128xf32, #tpu.memory_space<vmem_shared>>)
        } else {
        }
        %add3A_370 = arith.constant 4 : i32
        %add3A_371 = arith.addi %add3A_268, %add3A_370 : i32
        %lt3A_372 = arith.constant 78 : i32
        %lt3A_373 = arith.cmpi slt, %add3A_371, %lt3A_372 : i32
        %convert_element_type3A_374 = arith.extui %lt3A_373 : i1 to i32
        %cond3A_375 = arith.constant 0 : i32
        %cond3A_376 = arith.cmpi ne, %convert_element_type3A_374, %cond3A_375 : i32
        scf.if %cond3A_376 {
          %add3A_413 = arith.constant 4 : i32
          %add3A_414 = arith.addi %add3A_268, %add3A_413 : i32
          %mul3A_415 = arith.constant 128 : i32
          %mul3A_416 = arith.muli %add3A_414, %mul3A_415 : i32
          %add3A_417 = arith.addi %mul3A_2, %mul3A_416 : i32
          %multiple_of3A_418 = tpu.assume_multiple %add3A_417, 8 : i32
          %dma_start3A_419 = arith.constant 1 : i32
          %dma_start3A_420 = arith.constant 0 : i32
          %dma_start3A_421 = tpu.memref_slice %arg6[%dma_start3A_419, %dma_start3A_420] : memref<6x128xi32, #tpu.memory_space<vmem>> -> memref<1x128xi32, #tpu.memory_space<vmem>>
          %dma_start3A_422 = tpu.memref_squeeze %dma_start3A_421 : memref<1x128xi32, #tpu.memory_space<vmem>> -> memref<128xi32, #tpu.memory_space<vmem>>
          %dma_start3A_423 = tpu.memref_slice %arg3[%multiple_of3A_418] : memref<320000xi32, #tpu.memory_space<hbm>> -> memref<128xi32, #tpu.memory_space<hbm>>
          %dma_start3A_424 = arith.constant 0 : i32
          %dma_start3A_425 = tpu.memref_slice %arg6[%dma_start3A_419, %dma_start3A_424] : memref<6x128xi32, #tpu.memory_space<vmem>> -> memref<1x128xi32, #tpu.memory_space<vmem>>
          %dma_start3A_426 = tpu.memref_squeeze %dma_start3A_425 : memref<1x128xi32, #tpu.memory_space<vmem>> -> memref<128xi32, #tpu.memory_space<vmem>>
          %dma_start3A_427 = tpu.memref_slice %arg3[%multiple_of3A_418] : memref<320000xi32, #tpu.memory_space<hbm>> -> memref<128xi32, #tpu.memory_space<hbm>>
          tpu.enqueue_dma source(%dma_start3A_427 : memref<128xi32, #tpu.memory_space<hbm>>) target(%dma_start3A_426 : memref<128xi32, #tpu.memory_space<vmem>>) target_semaphore(%arg13 : memref<!tpu.dma_semaphore, #tpu.memory_space<semaphore_mem>>)
          %dma_start3A_428 = arith.constant 1 : i32
          %dma_start3A_429 = arith.constant 0 : i32
          %dma_start3A_430 = tpu.memref_slice %arg7[%dma_start3A_428, %dma_start3A_429] : memref<6x128xi32, #tpu.memory_space<vmem>> -> memref<1x128xi32, #tpu.memory_space<vmem>>
          %dma_start3A_431 = tpu.memref_squeeze %dma_start3A_430 : memref<1x128xi32, #tpu.memory_space<vmem>> -> memref<128xi32, #tpu.memory_space<vmem>>
          %dma_start3A_432 = tpu.memref_slice %arg4[%multiple_of3A_418] : memref<320000xi32, #tpu.memory_space<hbm>> -> memref<128xi32, #tpu.memory_space<hbm>>
          %dma_start3A_433 = arith.constant 0 : i32
          %dma_start3A_434 = tpu.memref_slice %arg7[%dma_start3A_428, %dma_start3A_433] : memref<6x128xi32, #tpu.memory_space<vmem>> -> memref<1x128xi32, #tpu.memory_space<vmem>>
          %dma_start3A_435 = tpu.memref_squeeze %dma_start3A_434 : memref<1x128xi32, #tpu.memory_space<vmem>> -> memref<128xi32, #tpu.memory_space<vmem>>
          %dma_start3A_436 = tpu.memref_slice %arg4[%multiple_of3A_418] : memref<320000xi32, #tpu.memory_space<hbm>> -> memref<128xi32, #tpu.memory_space<hbm>>
          tpu.enqueue_dma source(%dma_start3A_436 : memref<128xi32, #tpu.memory_space<hbm>>) target(%dma_start3A_435 : memref<128xi32, #tpu.memory_space<vmem>>) target_semaphore(%arg13 : memref<!tpu.dma_semaphore, #tpu.memory_space<semaphore_mem>>)
        } else {
        }
        %add3A_377 = arith.constant 1 : i32
        %add3A_378 = arith.addi %add3A_268, %add3A_377 : i32
        %mul3A_379 = arith.constant 128 : i32
        %mul3A_380 = arith.muli %add3A_378, %mul3A_379 : i32
        %add3A_381 = arith.addi %mul3A_2, %mul3A_380 : i32
        %multiple_of3A_382 = tpu.assume_multiple %add3A_381, 8 : i32
        %dma_wait3A_383 = arith.constant 4 : i32
        %dma_wait3A_384 = arith.constant 0 : i32
        %dma_wait3A_385 = tpu.memref_slice %arg6[%dma_wait3A_383, %dma_wait3A_384] : memref<6x128xi32, #tpu.memory_space<vmem>> -> memref<1x128xi32, #tpu.memory_space<vmem>>
        %dma_wait3A_386 = tpu.memref_squeeze %dma_wait3A_385 : memref<1x128xi32, #tpu.memory_space<vmem>> -> memref<128xi32, #tpu.memory_space<vmem>>
        %dma_wait3A_387 = tpu.memref_slice %arg3[%multiple_of3A_382] : memref<320000xi32, #tpu.memory_space<hbm>> -> memref<128xi32, #tpu.memory_space<hbm>>
        %dma_wait3A_388 = arith.constant 0 : i32
        %dma_wait3A_389 = tpu.memref_slice %arg6[%dma_wait3A_383, %dma_wait3A_388] : memref<6x128xi32, #tpu.memory_space<vmem>> -> memref<1x128xi32, #tpu.memory_space<vmem>>
        %dma_wait3A_390 = tpu.memref_squeeze %dma_wait3A_389 : memref<1x128xi32, #tpu.memory_space<vmem>> -> memref<128xi32, #tpu.memory_space<vmem>>
        %dma_wait3A_391 = tpu.memref_slice %arg3[%multiple_of3A_382] : memref<320000xi32, #tpu.memory_space<hbm>> -> memref<128xi32, #tpu.memory_space<hbm>>
        tpu.wait_dma2 semaphore(%arg16 : memref<!tpu.dma_semaphore, #tpu.memory_space<semaphore_mem>>) src(%dma_wait3A_391 : memref<128xi32, #tpu.memory_space<hbm>>) dst(%dma_wait3A_390 : memref<128xi32, #tpu.memory_space<vmem>>)
        %dma_wait3A_392 = arith.constant 4 : i32
        %dma_wait3A_393 = arith.constant 0 : i32
        %dma_wait3A_394 = tpu.memref_slice %arg7[%dma_wait3A_392, %dma_wait3A_393] : memref<6x128xi32, #tpu.memory_space<vmem>> -> memref<1x128xi32, #tpu.memory_space<vmem>>
        %dma_wait3A_395 = tpu.memref_squeeze %dma_wait3A_394 : memref<1x128xi32, #tpu.memory_space<vmem>> -> memref<128xi32, #tpu.memory_space<vmem>>
        %dma_wait3A_396 = tpu.memref_slice %arg4[%multiple_of3A_382] : memref<320000xi32, #tpu.memory_space<hbm>> -> memref<128xi32, #tpu.memory_space<hbm>>
        %dma_wait3A_397 = arith.constant 0 : i32
        %dma_wait3A_398 = tpu.memref_slice %arg7[%dma_wait3A_392, %dma_wait3A_397] : memref<6x128xi32, #tpu.memory_space<vmem>> -> memref<1x128xi32, #tpu.memory_space<vmem>>
        %dma_wait3A_399 = tpu.memref_squeeze %dma_wait3A_398 : memref<1x128xi32, #tpu.memory_space<vmem>> -> memref<128xi32, #tpu.memory_space<vmem>>
        %dma_wait3A_400 = tpu.memref_slice %arg4[%multiple_of3A_382] : memref<320000xi32, #tpu.memory_space<hbm>> -> memref<128xi32, #tpu.memory_space<hbm>>
        tpu.wait_dma2 semaphore(%arg16 : memref<!tpu.dma_semaphore, #tpu.memory_space<semaphore_mem>>) src(%dma_wait3A_400 : memref<128xi32, #tpu.memory_space<hbm>>) dst(%dma_wait3A_399 : memref<128xi32, #tpu.memory_space<vmem>>)
        %dma_start3A_401 = arith.constant 4 : i32
        %dma_start3A_402 = arith.constant 0 : i32
        %dma_start3A_403 = arith.constant 0 : i32
        %dma_start3A_404 = arith.constant 0 : i32
        %dma_start3A_405 = tpu.memref_slice %arg10[%dma_start3A_402, %dma_start3A_403, %dma_start3A_404] : memref<2x128x128xf32, #tpu.memory_space<vmem>> -> memref<1x128x128xf32, #tpu.memory_space<vmem>>
        %dma_start3A_406 = tpu.memref_squeeze %dma_start3A_405 : memref<1x128x128xf32, #tpu.memory_space<vmem>> -> memref<128x128xf32, #tpu.memory_space<vmem>>
        %dma_start3A_407 = arith.constant 0 : i32
        %dma_start3A_408 = tpu.memref_slice %arg6[%dma_start3A_401, %dma_start3A_407] : memref<6x128xi32, #tpu.memory_space<vmem>> -> memref<1x128xi32, #tpu.memory_space<vmem>>
        %dma_start3A_409 = tpu.memref_squeeze %dma_start3A_408 : memref<1x128xi32, #tpu.memory_space<vmem>> -> memref<128xi32, #tpu.memory_space<vmem>>
        %dma_start3A_410 = arith.constant 0 : i32
        %dma_start3A_411 = arith.constant 0 : i32
        %dma_start3A_412 = tpu.memref_slice %arg2[%dma_start3A_410, %dma_start3A_411] : memref<10000x128xf32, #tpu.memory_space<hbm>> -> memref<10000x128xf32, #tpu.memory_space<hbm>>
        tpu.enqueue_indirect_dma source(%dma_start3A_412 : memref<10000x128xf32, #tpu.memory_space<hbm>>) target(%dma_start3A_406 : memref<128x128xf32, #tpu.memory_space<vmem>>) offsets(%dma_start3A_409 : memref<128xi32, #tpu.memory_space<vmem>>) semaphore(%arg18 : memref<!tpu.dma_semaphore, #tpu.memory_space<semaphore_mem>>)
      } else {
      }
      %add3A_300 = arith.constant 4 : i32
      %add3A_301 = arith.addi %mul3A_168, %add3A_300 : i32
      %dma_wait3A_302 = arith.constant 4 : i32
      %dma_wait3A_303 = arith.constant 0 : i32
      %dma_wait3A_304 = arith.constant 0 : i32
      %dma_wait3A_305 = arith.constant 0 : i32
      %dma_wait3A_306 = tpu.memref_slice %arg10[%dma_wait3A_303, %dma_wait3A_304, %dma_wait3A_305] : memref<2x128x128xf32, #tpu.memory_space<vmem>> -> memref<1x128x128xf32, #tpu.memory_space<vmem>>
      %dma_wait3A_307 = tpu.memref_squeeze %dma_wait3A_306 : memref<1x128x128xf32, #tpu.memory_space<vmem>> -> memref<128x128xf32, #tpu.memory_space<vmem>>
      %dma_wait3A_308 = arith.constant 0 : i32
      %dma_wait3A_309 = tpu.memref_slice %arg6[%dma_wait3A_302, %dma_wait3A_308] : memref<6x128xi32, #tpu.memory_space<vmem>> -> memref<1x128xi32, #tpu.memory_space<vmem>>
      %dma_wait3A_310 = tpu.memref_squeeze %dma_wait3A_309 : memref<1x128xi32, #tpu.memory_space<vmem>> -> memref<128xi32, #tpu.memory_space<vmem>>
      %dma_wait3A_311 = arith.constant 0 : i32
      %dma_wait3A_312 = arith.constant 0 : i32
      %dma_wait3A_313 = tpu.memref_slice %arg2[%dma_wait3A_311, %dma_wait3A_312] : memref<10000x128xf32, #tpu.memory_space<hbm>> -> memref<10000x128xf32, #tpu.memory_space<hbm>>
      tpu.wait_indirect_dma semaphore(%arg18 : memref<!tpu.dma_semaphore, #tpu.memory_space<semaphore_mem>>) src(%dma_wait3A_313 : memref<10000x128xf32, #tpu.memory_space<hbm>>) dst(%dma_wait3A_307 : memref<128x128xf32, #tpu.memory_space<vmem>>)
      %dma_start3A_314 = arith.constant 0 : i32
      %dma_start3A_315 = arith.constant 4 : i32
      %dma_start3A_316 = arith.constant 0 : i32
      %dma_start3A_317 = arith.constant 0 : i32
      %dma_start3A_318 = tpu.memref_slice %arg10[%dma_start3A_314, %dma_start3A_316, %dma_start3A_317] : memref<2x128x128xf32, #tpu.memory_space<vmem>> -> memref<1x128x128xf32, #tpu.memory_space<vmem>>
      %dma_start3A_319 = tpu.memref_squeeze %dma_start3A_318 : memref<1x128x128xf32, #tpu.memory_space<vmem>> -> memref<128x128xf32, #tpu.memory_space<vmem>>
      %dma_start3A_320 = arith.constant 0 : i32
      %dma_start3A_321 = tpu.memref_slice %arg7[%dma_start3A_315, %dma_start3A_320] : memref<6x128xi32, #tpu.memory_space<vmem>> -> memref<1x128xi32, #tpu.memory_space<vmem>>
      %dma_start3A_322 = tpu.memref_squeeze %dma_start3A_321 : memref<1x128xi32, #tpu.memory_space<vmem>> -> memref<128xi32, #tpu.memory_space<vmem>>
      %dma_start3A_323 = arith.constant 0 : i32
      %dma_start3A_324 = arith.constant 0 : i32
      %dma_start3A_325 = tpu.memref_slice %arg11[%dma_start3A_323, %dma_start3A_324] : memref<10000x128xf32, #tpu.memory_space<vmem_shared>> -> memref<10000x128xf32, #tpu.memory_space<vmem_shared>>
      tpu.enqueue_indirect_dma source(%dma_start3A_319 : memref<128x128xf32, #tpu.memory_space<vmem>>) target(%dma_start3A_325 : memref<10000x128xf32, #tpu.memory_space<vmem_shared>>) offsets(%dma_start3A_322 : memref<128xi32, #tpu.memory_space<vmem>>) semaphore(%arg20 : memref<!tpu.dma_semaphore, #tpu.memory_space<semaphore_mem>>) {add = true}
      %add3A_326 = arith.constant 1 : i32
      %add3A_327 = arith.addi %add3A_301, %add3A_326 : i32
      %lt3A_328 = arith.constant 78 : i32
      %lt3A_329 = arith.cmpi slt, %add3A_327, %lt3A_328 : i32
      %convert_element_type3A_330 = arith.extui %lt3A_329 : i1 to i32
      %cond3A_331 = arith.constant 0 : i32
      %cond3A_332 = arith.cmpi ne, %convert_element_type3A_330, %cond3A_331 : i32
      scf.if %cond3A_332 {
        %ge3A = arith.constant 1 : i32
        %ge3A_366 = arith.cmpi sge, %add3A_301, %ge3A : i32
        %convert_element_type3A_367 = arith.extui %ge3A_366 : i1 to i32
        %cond3A_368 = arith.constant 0 : i32
        %cond3A_369 = arith.cmpi ne, %convert_element_type3A_367, %cond3A_368 : i32
        scf.if %cond3A_369 {
          %dma_wait3A_413 = arith.constant 1 : i32
          %dma_wait3A_414 = arith.constant 3 : i32
          %dma_wait3A_415 = arith.constant 0 : i32
          %dma_wait3A_416 = arith.constant 0 : i32
          %dma_wait3A_417 = tpu.memref_slice %arg10[%dma_wait3A_413, %dma_wait3A_415, %dma_wait3A_416] : memref<2x128x128xf32, #tpu.memory_space<vmem>> -> memref<1x128x128xf32, #tpu.memory_space<vmem>>
          %dma_wait3A_418 = tpu.memref_squeeze %dma_wait3A_417 : memref<1x128x128xf32, #tpu.memory_space<vmem>> -> memref<128x128xf32, #tpu.memory_space<vmem>>
          %dma_wait3A_419 = arith.constant 0 : i32
          %dma_wait3A_420 = tpu.memref_slice %arg7[%dma_wait3A_414, %dma_wait3A_419] : memref<6x128xi32, #tpu.memory_space<vmem>> -> memref<1x128xi32, #tpu.memory_space<vmem>>
          %dma_wait3A_421 = tpu.memref_squeeze %dma_wait3A_420 : memref<1x128xi32, #tpu.memory_space<vmem>> -> memref<128xi32, #tpu.memory_space<vmem>>
          %dma_wait3A_422 = arith.constant 0 : i32
          %dma_wait3A_423 = arith.constant 0 : i32
          %dma_wait3A_424 = tpu.memref_slice %arg11[%dma_wait3A_422, %dma_wait3A_423] : memref<10000x128xf32, #tpu.memory_space<vmem_shared>> -> memref<10000x128xf32, #tpu.memory_space<vmem_shared>>
          tpu.wait_indirect_dma semaphore(%arg21 : memref<!tpu.dma_semaphore, #tpu.memory_space<semaphore_mem>>) src(%dma_wait3A_418 : memref<128x128xf32, #tpu.memory_space<vmem>>) dst(%dma_wait3A_424 : memref<10000x128xf32, #tpu.memory_space<vmem_shared>>)
        } else {
        }
        %add3A_370 = arith.constant 4 : i32
        %add3A_371 = arith.addi %add3A_301, %add3A_370 : i32
        %lt3A_372 = arith.constant 78 : i32
        %lt3A_373 = arith.cmpi slt, %add3A_371, %lt3A_372 : i32
        %convert_element_type3A_374 = arith.extui %lt3A_373 : i1 to i32
        %cond3A_375 = arith.constant 0 : i32
        %cond3A_376 = arith.cmpi ne, %convert_element_type3A_374, %cond3A_375 : i32
        scf.if %cond3A_376 {
          %add3A_413 = arith.constant 4 : i32
          %add3A_414 = arith.addi %add3A_301, %add3A_413 : i32
          %mul3A_415 = arith.constant 128 : i32
          %mul3A_416 = arith.muli %add3A_414, %mul3A_415 : i32
          %add3A_417 = arith.addi %mul3A_2, %mul3A_416 : i32
          %multiple_of3A_418 = tpu.assume_multiple %add3A_417, 8 : i32
          %dma_start3A_419 = arith.constant 2 : i32
          %dma_start3A_420 = arith.constant 0 : i32
          %dma_start3A_421 = tpu.memref_slice %arg6[%dma_start3A_419, %dma_start3A_420] : memref<6x128xi32, #tpu.memory_space<vmem>> -> memref<1x128xi32, #tpu.memory_space<vmem>>
          %dma_start3A_422 = tpu.memref_squeeze %dma_start3A_421 : memref<1x128xi32, #tpu.memory_space<vmem>> -> memref<128xi32, #tpu.memory_space<vmem>>
          %dma_start3A_423 = tpu.memref_slice %arg3[%multiple_of3A_418] : memref<320000xi32, #tpu.memory_space<hbm>> -> memref<128xi32, #tpu.memory_space<hbm>>
          %dma_start3A_424 = arith.constant 0 : i32
          %dma_start3A_425 = tpu.memref_slice %arg6[%dma_start3A_419, %dma_start3A_424] : memref<6x128xi32, #tpu.memory_space<vmem>> -> memref<1x128xi32, #tpu.memory_space<vmem>>
          %dma_start3A_426 = tpu.memref_squeeze %dma_start3A_425 : memref<1x128xi32, #tpu.memory_space<vmem>> -> memref<128xi32, #tpu.memory_space<vmem>>
          %dma_start3A_427 = tpu.memref_slice %arg3[%multiple_of3A_418] : memref<320000xi32, #tpu.memory_space<hbm>> -> memref<128xi32, #tpu.memory_space<hbm>>
          tpu.enqueue_dma source(%dma_start3A_427 : memref<128xi32, #tpu.memory_space<hbm>>) target(%dma_start3A_426 : memref<128xi32, #tpu.memory_space<vmem>>) target_semaphore(%arg14 : memref<!tpu.dma_semaphore, #tpu.memory_space<semaphore_mem>>)
          %dma_start3A_428 = arith.constant 2 : i32
          %dma_start3A_429 = arith.constant 0 : i32
          %dma_start3A_430 = tpu.memref_slice %arg7[%dma_start3A_428, %dma_start3A_429] : memref<6x128xi32, #tpu.memory_space<vmem>> -> memref<1x128xi32, #tpu.memory_space<vmem>>
          %dma_start3A_431 = tpu.memref_squeeze %dma_start3A_430 : memref<1x128xi32, #tpu.memory_space<vmem>> -> memref<128xi32, #tpu.memory_space<vmem>>
          %dma_start3A_432 = tpu.memref_slice %arg4[%multiple_of3A_418] : memref<320000xi32, #tpu.memory_space<hbm>> -> memref<128xi32, #tpu.memory_space<hbm>>
          %dma_start3A_433 = arith.constant 0 : i32
          %dma_start3A_434 = tpu.memref_slice %arg7[%dma_start3A_428, %dma_start3A_433] : memref<6x128xi32, #tpu.memory_space<vmem>> -> memref<1x128xi32, #tpu.memory_space<vmem>>
          %dma_start3A_435 = tpu.memref_squeeze %dma_start3A_434 : memref<1x128xi32, #tpu.memory_space<vmem>> -> memref<128xi32, #tpu.memory_space<vmem>>
          %dma_start3A_436 = tpu.memref_slice %arg4[%multiple_of3A_418] : memref<320000xi32, #tpu.memory_space<hbm>> -> memref<128xi32, #tpu.memory_space<hbm>>
          tpu.enqueue_dma source(%dma_start3A_436 : memref<128xi32, #tpu.memory_space<hbm>>) target(%dma_start3A_435 : memref<128xi32, #tpu.memory_space<vmem>>) target_semaphore(%arg14 : memref<!tpu.dma_semaphore, #tpu.memory_space<semaphore_mem>>)
        } else {
        }
        %add3A_377 = arith.constant 1 : i32
        %add3A_378 = arith.addi %add3A_301, %add3A_377 : i32
        %mul3A_379 = arith.constant 128 : i32
        %mul3A_380 = arith.muli %add3A_378, %mul3A_379 : i32
        %add3A_381 = arith.addi %mul3A_2, %mul3A_380 : i32
        %multiple_of3A_382 = tpu.assume_multiple %add3A_381, 8 : i32
        %dma_wait3A_383 = arith.constant 5 : i32
        %dma_wait3A_384 = arith.constant 0 : i32
        %dma_wait3A_385 = tpu.memref_slice %arg6[%dma_wait3A_383, %dma_wait3A_384] : memref<6x128xi32, #tpu.memory_space<vmem>> -> memref<1x128xi32, #tpu.memory_space<vmem>>
        %dma_wait3A_386 = tpu.memref_squeeze %dma_wait3A_385 : memref<1x128xi32, #tpu.memory_space<vmem>> -> memref<128xi32, #tpu.memory_space<vmem>>
        %dma_wait3A_387 = tpu.memref_slice %arg3[%multiple_of3A_382] : memref<320000xi32, #tpu.memory_space<hbm>> -> memref<128xi32, #tpu.memory_space<hbm>>
        %dma_wait3A_388 = arith.constant 0 : i32
        %dma_wait3A_389 = tpu.memref_slice %arg6[%dma_wait3A_383, %dma_wait3A_388] : memref<6x128xi32, #tpu.memory_space<vmem>> -> memref<1x128xi32, #tpu.memory_space<vmem>>
        %dma_wait3A_390 = tpu.memref_squeeze %dma_wait3A_389 : memref<1x128xi32, #tpu.memory_space<vmem>> -> memref<128xi32, #tpu.memory_space<vmem>>
        %dma_wait3A_391 = tpu.memref_slice %arg3[%multiple_of3A_382] : memref<320000xi32, #tpu.memory_space<hbm>> -> memref<128xi32, #tpu.memory_space<hbm>>
        tpu.wait_dma2 semaphore(%arg17 : memref<!tpu.dma_semaphore, #tpu.memory_space<semaphore_mem>>) src(%dma_wait3A_391 : memref<128xi32, #tpu.memory_space<hbm>>) dst(%dma_wait3A_390 : memref<128xi32, #tpu.memory_space<vmem>>)
        %dma_wait3A_392 = arith.constant 5 : i32
        %dma_wait3A_393 = arith.constant 0 : i32
        %dma_wait3A_394 = tpu.memref_slice %arg7[%dma_wait3A_392, %dma_wait3A_393] : memref<6x128xi32, #tpu.memory_space<vmem>> -> memref<1x128xi32, #tpu.memory_space<vmem>>
        %dma_wait3A_395 = tpu.memref_squeeze %dma_wait3A_394 : memref<1x128xi32, #tpu.memory_space<vmem>> -> memref<128xi32, #tpu.memory_space<vmem>>
        %dma_wait3A_396 = tpu.memref_slice %arg4[%multiple_of3A_382] : memref<320000xi32, #tpu.memory_space<hbm>> -> memref<128xi32, #tpu.memory_space<hbm>>
        %dma_wait3A_397 = arith.constant 0 : i32
        %dma_wait3A_398 = tpu.memref_slice %arg7[%dma_wait3A_392, %dma_wait3A_397] : memref<6x128xi32, #tpu.memory_space<vmem>> -> memref<1x128xi32, #tpu.memory_space<vmem>>
        %dma_wait3A_399 = tpu.memref_squeeze %dma_wait3A_398 : memref<1x128xi32, #tpu.memory_space<vmem>> -> memref<128xi32, #tpu.memory_space<vmem>>
        %dma_wait3A_400 = tpu.memref_slice %arg4[%multiple_of3A_382] : memref<320000xi32, #tpu.memory_space<hbm>> -> memref<128xi32, #tpu.memory_space<hbm>>
        tpu.wait_dma2 semaphore(%arg17 : memref<!tpu.dma_semaphore, #tpu.memory_space<semaphore_mem>>) src(%dma_wait3A_400 : memref<128xi32, #tpu.memory_space<hbm>>) dst(%dma_wait3A_399 : memref<128xi32, #tpu.memory_space<vmem>>)
        %dma_start3A_401 = arith.constant 5 : i32
        %dma_start3A_402 = arith.constant 1 : i32
        %dma_start3A_403 = arith.constant 0 : i32
        %dma_start3A_404 = arith.constant 0 : i32
        %dma_start3A_405 = tpu.memref_slice %arg10[%dma_start3A_402, %dma_start3A_403, %dma_start3A_404] : memref<2x128x128xf32, #tpu.memory_space<vmem>> -> memref<1x128x128xf32, #tpu.memory_space<vmem>>
        %dma_start3A_406 = tpu.memref_squeeze %dma_start3A_405 : memref<1x128x128xf32, #tpu.memory_space<vmem>> -> memref<128x128xf32, #tpu.memory_space<vmem>>
        %dma_start3A_407 = arith.constant 0 : i32
        %dma_start3A_408 = tpu.memref_slice %arg6[%dma_start3A_401, %dma_start3A_407] : memref<6x128xi32, #tpu.memory_space<vmem>> -> memref<1x128xi32, #tpu.memory_space<vmem>>
        %dma_start3A_409 = tpu.memref_squeeze %dma_start3A_408 : memref<1x128xi32, #tpu.memory_space<vmem>> -> memref<128xi32, #tpu.memory_space<vmem>>
        %dma_start3A_410 = arith.constant 0 : i32
        %dma_start3A_411 = arith.constant 0 : i32
        %dma_start3A_412 = tpu.memref_slice %arg2[%dma_start3A_410, %dma_start3A_411] : memref<10000x128xf32, #tpu.memory_space<hbm>> -> memref<10000x128xf32, #tpu.memory_space<hbm>>
        tpu.enqueue_indirect_dma source(%dma_start3A_412 : memref<10000x128xf32, #tpu.memory_space<hbm>>) target(%dma_start3A_406 : memref<128x128xf32, #tpu.memory_space<vmem>>) offsets(%dma_start3A_409 : memref<128xi32, #tpu.memory_space<vmem>>) semaphore(%arg19 : memref<!tpu.dma_semaphore, #tpu.memory_space<semaphore_mem>>)
      } else {
      }
      %add3A_333 = arith.constant 5 : i32
      %add3A_334 = arith.addi %mul3A_168, %add3A_333 : i32
      %dma_wait3A_335 = arith.constant 5 : i32
      %dma_wait3A_336 = arith.constant 1 : i32
      %dma_wait3A_337 = arith.constant 0 : i32
      %dma_wait3A_338 = arith.constant 0 : i32
      %dma_wait3A_339 = tpu.memref_slice %arg10[%dma_wait3A_336, %dma_wait3A_337, %dma_wait3A_338] : memref<2x128x128xf32, #tpu.memory_space<vmem>> -> memref<1x128x128xf32, #tpu.memory_space<vmem>>
      %dma_wait3A_340 = tpu.memref_squeeze %dma_wait3A_339 : memref<1x128x128xf32, #tpu.memory_space<vmem>> -> memref<128x128xf32, #tpu.memory_space<vmem>>
      %dma_wait3A_341 = arith.constant 0 : i32
      %dma_wait3A_342 = tpu.memref_slice %arg6[%dma_wait3A_335, %dma_wait3A_341] : memref<6x128xi32, #tpu.memory_space<vmem>> -> memref<1x128xi32, #tpu.memory_space<vmem>>
      %dma_wait3A_343 = tpu.memref_squeeze %dma_wait3A_342 : memref<1x128xi32, #tpu.memory_space<vmem>> -> memref<128xi32, #tpu.memory_space<vmem>>
      %dma_wait3A_344 = arith.constant 0 : i32
      %dma_wait3A_345 = arith.constant 0 : i32
      %dma_wait3A_346 = tpu.memref_slice %arg2[%dma_wait3A_344, %dma_wait3A_345] : memref<10000x128xf32, #tpu.memory_space<hbm>> -> memref<10000x128xf32, #tpu.memory_space<hbm>>
      tpu.wait_indirect_dma semaphore(%arg19 : memref<!tpu.dma_semaphore, #tpu.memory_space<semaphore_mem>>) src(%dma_wait3A_346 : memref<10000x128xf32, #tpu.memory_space<hbm>>) dst(%dma_wait3A_340 : memref<128x128xf32, #tpu.memory_space<vmem>>)
      %dma_start3A_347 = arith.constant 1 : i32
      %dma_start3A_348 = arith.constant 5 : i32
      %dma_start3A_349 = arith.constant 0 : i32
      %dma_start3A_350 = arith.constant 0 : i32
      %dma_start3A_351 = tpu.memref_slice %arg10[%dma_start3A_347, %dma_start3A_349, %dma_start3A_350] : memref<2x128x128xf32, #tpu.memory_space<vmem>> -> memref<1x128x128xf32, #tpu.memory_space<vmem>>
      %dma_start3A_352 = tpu.memref_squeeze %dma_start3A_351 : memref<1x128x128xf32, #tpu.memory_space<vmem>> -> memref<128x128xf32, #tpu.memory_space<vmem>>
      %dma_start3A_353 = arith.constant 0 : i32
      %dma_start3A_354 = tpu.memref_slice %arg7[%dma_start3A_348, %dma_start3A_353] : memref<6x128xi32, #tpu.memory_space<vmem>> -> memref<1x128xi32, #tpu.memory_space<vmem>>
      %dma_start3A_355 = tpu.memref_squeeze %dma_start3A_354 : memref<1x128xi32, #tpu.memory_space<vmem>> -> memref<128xi32, #tpu.memory_space<vmem>>
      %dma_start3A_356 = arith.constant 0 : i32
      %dma_start3A_357 = arith.constant 0 : i32
      %dma_start3A_358 = tpu.memref_slice %arg11[%dma_start3A_356, %dma_start3A_357] : memref<10000x128xf32, #tpu.memory_space<vmem_shared>> -> memref<10000x128xf32, #tpu.memory_space<vmem_shared>>
      tpu.enqueue_indirect_dma source(%dma_start3A_352 : memref<128x128xf32, #tpu.memory_space<vmem>>) target(%dma_start3A_358 : memref<10000x128xf32, #tpu.memory_space<vmem_shared>>) offsets(%dma_start3A_355 : memref<128xi32, #tpu.memory_space<vmem>>) semaphore(%arg21 : memref<!tpu.dma_semaphore, #tpu.memory_space<semaphore_mem>>) {add = true}
      %add3A_359 = arith.constant 1 : i32
      %add3A_360 = arith.addi %add3A_334, %add3A_359 : i32
      %lt3A_361 = arith.constant 78 : i32
      %lt3A_362 = arith.cmpi slt, %add3A_360, %lt3A_361 : i32
      %convert_element_type3A_363 = arith.extui %lt3A_362 : i1 to i32
      %cond3A_364 = arith.constant 0 : i32
      %cond3A_365 = arith.cmpi ne, %convert_element_type3A_363, %cond3A_364 : i32
      scf.if %cond3A_365 {
        %ge3A = arith.constant 1 : i32
        %ge3A_366 = arith.cmpi sge, %add3A_334, %ge3A : i32
        %convert_element_type3A_367 = arith.extui %ge3A_366 : i1 to i32
        %cond3A_368 = arith.constant 0 : i32
        %cond3A_369 = arith.cmpi ne, %convert_element_type3A_367, %cond3A_368 : i32
        scf.if %cond3A_369 {
          %dma_wait3A_413 = arith.constant 0 : i32
          %dma_wait3A_414 = arith.constant 4 : i32
          %dma_wait3A_415 = arith.constant 0 : i32
          %dma_wait3A_416 = arith.constant 0 : i32
          %dma_wait3A_417 = tpu.memref_slice %arg10[%dma_wait3A_413, %dma_wait3A_415, %dma_wait3A_416] : memref<2x128x128xf32, #tpu.memory_space<vmem>> -> memref<1x128x128xf32, #tpu.memory_space<vmem>>
          %dma_wait3A_418 = tpu.memref_squeeze %dma_wait3A_417 : memref<1x128x128xf32, #tpu.memory_space<vmem>> -> memref<128x128xf32, #tpu.memory_space<vmem>>
          %dma_wait3A_419 = arith.constant 0 : i32
          %dma_wait3A_420 = tpu.memref_slice %arg7[%dma_wait3A_414, %dma_wait3A_419] : memref<6x128xi32, #tpu.memory_space<vmem>> -> memref<1x128xi32, #tpu.memory_space<vmem>>
          %dma_wait3A_421 = tpu.memref_squeeze %dma_wait3A_420 : memref<1x128xi32, #tpu.memory_space<vmem>> -> memref<128xi32, #tpu.memory_space<vmem>>
          %dma_wait3A_422 = arith.constant 0 : i32
          %dma_wait3A_423 = arith.constant 0 : i32
          %dma_wait3A_424 = tpu.memref_slice %arg11[%dma_wait3A_422, %dma_wait3A_423] : memref<10000x128xf32, #tpu.memory_space<vmem_shared>> -> memref<10000x128xf32, #tpu.memory_space<vmem_shared>>
          tpu.wait_indirect_dma semaphore(%arg20 : memref<!tpu.dma_semaphore, #tpu.memory_space<semaphore_mem>>) src(%dma_wait3A_418 : memref<128x128xf32, #tpu.memory_space<vmem>>) dst(%dma_wait3A_424 : memref<10000x128xf32, #tpu.memory_space<vmem_shared>>)
        } else {
        }
        %add3A_370 = arith.constant 4 : i32
        %add3A_371 = arith.addi %add3A_334, %add3A_370 : i32
        %lt3A_372 = arith.constant 78 : i32
        %lt3A_373 = arith.cmpi slt, %add3A_371, %lt3A_372 : i32
        %convert_element_type3A_374 = arith.extui %lt3A_373 : i1 to i32
        %cond3A_375 = arith.constant 0 : i32
        %cond3A_376 = arith.cmpi ne, %convert_element_type3A_374, %cond3A_375 : i32
        scf.if %cond3A_376 {
          %add3A_413 = arith.constant 4 : i32
          %add3A_414 = arith.addi %add3A_334, %add3A_413 : i32
          %mul3A_415 = arith.constant 128 : i32
          %mul3A_416 = arith.muli %add3A_414, %mul3A_415 : i32
          %add3A_417 = arith.addi %mul3A_2, %mul3A_416 : i32
          %multiple_of3A_418 = tpu.assume_multiple %add3A_417, 8 : i32
          %dma_start3A_419 = arith.constant 3 : i32
          %dma_start3A_420 = arith.constant 0 : i32
          %dma_start3A_421 = tpu.memref_slice %arg6[%dma_start3A_419, %dma_start3A_420] : memref<6x128xi32, #tpu.memory_space<vmem>> -> memref<1x128xi32, #tpu.memory_space<vmem>>
          %dma_start3A_422 = tpu.memref_squeeze %dma_start3A_421 : memref<1x128xi32, #tpu.memory_space<vmem>> -> memref<128xi32, #tpu.memory_space<vmem>>
          %dma_start3A_423 = tpu.memref_slice %arg3[%multiple_of3A_418] : memref<320000xi32, #tpu.memory_space<hbm>> -> memref<128xi32, #tpu.memory_space<hbm>>
          %dma_start3A_424 = arith.constant 0 : i32
          %dma_start3A_425 = tpu.memref_slice %arg6[%dma_start3A_419, %dma_start3A_424] : memref<6x128xi32, #tpu.memory_space<vmem>> -> memref<1x128xi32, #tpu.memory_space<vmem>>
          %dma_start3A_426 = tpu.memref_squeeze %dma_start3A_425 : memref<1x128xi32, #tpu.memory_space<vmem>> -> memref<128xi32, #tpu.memory_space<vmem>>
          %dma_start3A_427 = tpu.memref_slice %arg3[%multiple_of3A_418] : memref<320000xi32, #tpu.memory_space<hbm>> -> memref<128xi32, #tpu.memory_space<hbm>>
          tpu.enqueue_dma source(%dma_start3A_427 : memref<128xi32, #tpu.memory_space<hbm>>) target(%dma_start3A_426 : memref<128xi32, #tpu.memory_space<vmem>>) target_semaphore(%arg15 : memref<!tpu.dma_semaphore, #tpu.memory_space<semaphore_mem>>)
          %dma_start3A_428 = arith.constant 3 : i32
          %dma_start3A_429 = arith.constant 0 : i32
          %dma_start3A_430 = tpu.memref_slice %arg7[%dma_start3A_428, %dma_start3A_429] : memref<6x128xi32, #tpu.memory_space<vmem>> -> memref<1x128xi32, #tpu.memory_space<vmem>>
          %dma_start3A_431 = tpu.memref_squeeze %dma_start3A_430 : memref<1x128xi32, #tpu.memory_space<vmem>> -> memref<128xi32, #tpu.memory_space<vmem>>
          %dma_start3A_432 = tpu.memref_slice %arg4[%multiple_of3A_418] : memref<320000xi32, #tpu.memory_space<hbm>> -> memref<128xi32, #tpu.memory_space<hbm>>
          %dma_start3A_433 = arith.constant 0 : i32
          %dma_start3A_434 = tpu.memref_slice %arg7[%dma_start3A_428, %dma_start3A_433] : memref<6x128xi32, #tpu.memory_space<vmem>> -> memref<1x128xi32, #tpu.memory_space<vmem>>
          %dma_start3A_435 = tpu.memref_squeeze %dma_start3A_434 : memref<1x128xi32, #tpu.memory_space<vmem>> -> memref<128xi32, #tpu.memory_space<vmem>>
          %dma_start3A_436 = tpu.memref_slice %arg4[%multiple_of3A_418] : memref<320000xi32, #tpu.memory_space<hbm>> -> memref<128xi32, #tpu.memory_space<hbm>>
          tpu.enqueue_dma source(%dma_start3A_436 : memref<128xi32, #tpu.memory_space<hbm>>) target(%dma_start3A_435 : memref<128xi32, #tpu.memory_space<vmem>>) target_semaphore(%arg15 : memref<!tpu.dma_semaphore, #tpu.memory_space<semaphore_mem>>)
        } else {
        }
        %add3A_377 = arith.constant 1 : i32
        %add3A_378 = arith.addi %add3A_334, %add3A_377 : i32
        %mul3A_379 = arith.constant 128 : i32
        %mul3A_380 = arith.muli %add3A_378, %mul3A_379 : i32
        %add3A_381 = arith.addi %mul3A_2, %mul3A_380 : i32
        %multiple_of3A_382 = tpu.assume_multiple %add3A_381, 8 : i32
        %dma_wait3A_383 = arith.constant 0 : i32
        %dma_wait3A_384 = arith.constant 0 : i32
        %dma_wait3A_385 = tpu.memref_slice %arg6[%dma_wait3A_383, %dma_wait3A_384] : memref<6x128xi32, #tpu.memory_space<vmem>> -> memref<1x128xi32, #tpu.memory_space<vmem>>
        %dma_wait3A_386 = tpu.memref_squeeze %dma_wait3A_385 : memref<1x128xi32, #tpu.memory_space<vmem>> -> memref<128xi32, #tpu.memory_space<vmem>>
        %dma_wait3A_387 = tpu.memref_slice %arg3[%multiple_of3A_382] : memref<320000xi32, #tpu.memory_space<hbm>> -> memref<128xi32, #tpu.memory_space<hbm>>
        %dma_wait3A_388 = arith.constant 0 : i32
        %dma_wait3A_389 = tpu.memref_slice %arg6[%dma_wait3A_383, %dma_wait3A_388] : memref<6x128xi32, #tpu.memory_space<vmem>> -> memref<1x128xi32, #tpu.memory_space<vmem>>
        %dma_wait3A_390 = tpu.memref_squeeze %dma_wait3A_389 : memref<1x128xi32, #tpu.memory_space<vmem>> -> memref<128xi32, #tpu.memory_space<vmem>>
        %dma_wait3A_391 = tpu.memref_slice %arg3[%multiple_of3A_382] : memref<320000xi32, #tpu.memory_space<hbm>> -> memref<128xi32, #tpu.memory_space<hbm>>
        tpu.wait_dma2 semaphore(%arg12 : memref<!tpu.dma_semaphore, #tpu.memory_space<semaphore_mem>>) src(%dma_wait3A_391 : memref<128xi32, #tpu.memory_space<hbm>>) dst(%dma_wait3A_390 : memref<128xi32, #tpu.memory_space<vmem>>)
        %dma_wait3A_392 = arith.constant 0 : i32
        %dma_wait3A_393 = arith.constant 0 : i32
        %dma_wait3A_394 = tpu.memref_slice %arg7[%dma_wait3A_392, %dma_wait3A_393] : memref<6x128xi32, #tpu.memory_space<vmem>> -> memref<1x128xi32, #tpu.memory_space<vmem>>
        %dma_wait3A_395 = tpu.memref_squeeze %dma_wait3A_394 : memref<1x128xi32, #tpu.memory_space<vmem>> -> memref<128xi32, #tpu.memory_space<vmem>>
        %dma_wait3A_396 = tpu.memref_slice %arg4[%multiple_of3A_382] : memref<320000xi32, #tpu.memory_space<hbm>> -> memref<128xi32, #tpu.memory_space<hbm>>
        %dma_wait3A_397 = arith.constant 0 : i32
        %dma_wait3A_398 = tpu.memref_slice %arg7[%dma_wait3A_392, %dma_wait3A_397] : memref<6x128xi32, #tpu.memory_space<vmem>> -> memref<1x128xi32, #tpu.memory_space<vmem>>
        %dma_wait3A_399 = tpu.memref_squeeze %dma_wait3A_398 : memref<1x128xi32, #tpu.memory_space<vmem>> -> memref<128xi32, #tpu.memory_space<vmem>>
        %dma_wait3A_400 = tpu.memref_slice %arg4[%multiple_of3A_382] : memref<320000xi32, #tpu.memory_space<hbm>> -> memref<128xi32, #tpu.memory_space<hbm>>
        tpu.wait_dma2 semaphore(%arg12 : memref<!tpu.dma_semaphore, #tpu.memory_space<semaphore_mem>>) src(%dma_wait3A_400 : memref<128xi32, #tpu.memory_space<hbm>>) dst(%dma_wait3A_399 : memref<128xi32, #tpu.memory_space<vmem>>)
        %dma_start3A_401 = arith.constant 0 : i32
        %dma_start3A_402 = arith.constant 0 : i32
        %dma_start3A_403 = arith.constant 0 : i32
        %dma_start3A_404 = arith.constant 0 : i32
        %dma_start3A_405 = tpu.memref_slice %arg10[%dma_start3A_402, %dma_start3A_403, %dma_start3A_404] : memref<2x128x128xf32, #tpu.memory_space<vmem>> -> memref<1x128x128xf32, #tpu.memory_space<vmem>>
        %dma_start3A_406 = tpu.memref_squeeze %dma_start3A_405 : memref<1x128x128xf32, #tpu.memory_space<vmem>> -> memref<128x128xf32, #tpu.memory_space<vmem>>
        %dma_start3A_407 = arith.constant 0 : i32
        %dma_start3A_408 = tpu.memref_slice %arg6[%dma_start3A_401, %dma_start3A_407] : memref<6x128xi32, #tpu.memory_space<vmem>> -> memref<1x128xi32, #tpu.memory_space<vmem>>
        %dma_start3A_409 = tpu.memref_squeeze %dma_start3A_408 : memref<1x128xi32, #tpu.memory_space<vmem>> -> memref<128xi32, #tpu.memory_space<vmem>>
        %dma_start3A_410 = arith.constant 0 : i32
        %dma_start3A_411 = arith.constant 0 : i32
        %dma_start3A_412 = tpu.memref_slice %arg2[%dma_start3A_410, %dma_start3A_411] : memref<10000x128xf32, #tpu.memory_space<hbm>> -> memref<10000x128xf32, #tpu.memory_space<hbm>>
        tpu.enqueue_indirect_dma source(%dma_start3A_412 : memref<10000x128xf32, #tpu.memory_space<hbm>>) target(%dma_start3A_406 : memref<128x128xf32, #tpu.memory_space<vmem>>) offsets(%dma_start3A_409 : memref<128xi32, #tpu.memory_space<vmem>>) semaphore(%arg18 : memref<!tpu.dma_semaphore, #tpu.memory_space<semaphore_mem>>)
      } else {
      }
    }
    %scan3A_127 = arith.constant 13 : i32
    %dma_wait3A_128 = arith.constant 0 : i32
    %dma_wait3A_129 = arith.constant 4 : i32
    %dma_wait3A_130 = arith.constant 0 : i32
    %dma_wait3A_131 = arith.constant 0 : i32
    %dma_wait3A_132 = tpu.memref_slice %arg10[%dma_wait3A_128, %dma_wait3A_130, %dma_wait3A_131] : memref<2x128x128xf32, #tpu.memory_space<vmem>> -> memref<1x128x128xf32, #tpu.memory_space<vmem>>
    %dma_wait3A_133 = tpu.memref_squeeze %dma_wait3A_132 : memref<1x128x128xf32, #tpu.memory_space<vmem>> -> memref<128x128xf32, #tpu.memory_space<vmem>>
    %dma_wait3A_134 = arith.constant 0 : i32
    %dma_wait3A_135 = tpu.memref_slice %arg7[%dma_wait3A_129, %dma_wait3A_134] : memref<6x128xi32, #tpu.memory_space<vmem>> -> memref<1x128xi32, #tpu.memory_space<vmem>>
    %dma_wait3A_136 = tpu.memref_squeeze %dma_wait3A_135 : memref<1x128xi32, #tpu.memory_space<vmem>> -> memref<128xi32, #tpu.memory_space<vmem>>
    %dma_wait3A_137 = arith.constant 0 : i32
    %dma_wait3A_138 = arith.constant 0 : i32
    %dma_wait3A_139 = tpu.memref_slice %arg11[%dma_wait3A_137, %dma_wait3A_138] : memref<10000x128xf32, #tpu.memory_space<vmem_shared>> -> memref<10000x128xf32, #tpu.memory_space<vmem_shared>>
    tpu.wait_indirect_dma semaphore(%arg20 : memref<!tpu.dma_semaphore, #tpu.memory_space<semaphore_mem>>) src(%dma_wait3A_133 : memref<128x128xf32, #tpu.memory_space<vmem>>) dst(%dma_wait3A_139 : memref<10000x128xf32, #tpu.memory_space<vmem_shared>>)
    %dma_wait3A_140 = arith.constant 1 : i32
    %dma_wait3A_141 = arith.constant 5 : i32
    %dma_wait3A_142 = arith.constant 0 : i32
    %dma_wait3A_143 = arith.constant 0 : i32
    %dma_wait3A_144 = tpu.memref_slice %arg10[%dma_wait3A_140, %dma_wait3A_142, %dma_wait3A_143] : memref<2x128x128xf32, #tpu.memory_space<vmem>> -> memref<1x128x128xf32, #tpu.memory_space<vmem>>
    %dma_wait3A_145 = tpu.memref_squeeze %dma_wait3A_144 : memref<1x128x128xf32, #tpu.memory_space<vmem>> -> memref<128x128xf32, #tpu.memory_space<vmem>>
    %dma_wait3A_146 = arith.constant 0 : i32
    %dma_wait3A_147 = tpu.memref_slice %arg7[%dma_wait3A_141, %dma_wait3A_146] : memref<6x128xi32, #tpu.memory_space<vmem>> -> memref<1x128xi32, #tpu.memory_space<vmem>>
    %dma_wait3A_148 = tpu.memref_squeeze %dma_wait3A_147 : memref<1x128xi32, #tpu.memory_space<vmem>> -> memref<128xi32, #tpu.memory_space<vmem>>
    %dma_wait3A_149 = arith.constant 0 : i32
    %dma_wait3A_150 = arith.constant 0 : i32
    %dma_wait3A_151 = tpu.memref_slice %arg11[%dma_wait3A_149, %dma_wait3A_150] : memref<10000x128xf32, #tpu.memory_space<vmem_shared>> -> memref<10000x128xf32, #tpu.memory_space<vmem_shared>>
    tpu.wait_indirect_dma semaphore(%arg21 : memref<!tpu.dma_semaphore, #tpu.memory_space<semaphore_mem>>) src(%dma_wait3A_145 : memref<128x128xf32, #tpu.memory_space<vmem>>) dst(%dma_wait3A_151 : memref<10000x128xf32, #tpu.memory_space<vmem_shared>>)
    %add3A_152 = arith.constant 9984 : i32
    %add3A_153 = arith.addi %mul3A_2, %add3A_152 : i32
    %multiple_of3A_154 = tpu.assume_multiple %add3A_153, 8 : i32
    "tpu.region"() ({
      %run_scoped3A_166 = tpu.sem_alloc : memref<!tpu.dma_semaphore, #tpu.memory_space<semaphore_mem>>
      %dma_start3A_167 = tpu.memref_slice %arg3[%multiple_of3A_154] : memref<320000xi32, #tpu.memory_space<hbm>> -> memref<16xi32, #tpu.memory_space<hbm>>
      %dma_start3A_168 = tpu.memref_slice %arg3[%multiple_of3A_154] : memref<320000xi32, #tpu.memory_space<hbm>> -> memref<16xi32, #tpu.memory_space<hbm>>
      tpu.enqueue_dma source(%dma_start3A_168 : memref<16xi32, #tpu.memory_space<hbm>>) target(%arg8 : memref<16xi32, #tpu.memory_space<vmem>>) target_semaphore(%run_scoped3A_166 : memref<!tpu.dma_semaphore, #tpu.memory_space<semaphore_mem>>)
      %dma_wait3A_169 = tpu.memref_slice %arg3[%multiple_of3A_154] : memref<320000xi32, #tpu.memory_space<hbm>> -> memref<16xi32, #tpu.memory_space<hbm>>
      %dma_wait3A_170 = tpu.memref_slice %arg3[%multiple_of3A_154] : memref<320000xi32, #tpu.memory_space<hbm>> -> memref<16xi32, #tpu.memory_space<hbm>>
      tpu.wait_dma2 semaphore(%run_scoped3A_166 : memref<!tpu.dma_semaphore, #tpu.memory_space<semaphore_mem>>) src(%dma_wait3A_170 : memref<16xi32, #tpu.memory_space<hbm>>) dst(%arg8 : memref<16xi32, #tpu.memory_space<vmem>>)
      tpu.yield
    }) : () -> ()
    "tpu.region"() ({
      %run_scoped3A_166 = tpu.sem_alloc : memref<!tpu.dma_semaphore, #tpu.memory_space<semaphore_mem>>
      %dma_start3A_167 = tpu.memref_slice %arg4[%multiple_of3A_154] : memref<320000xi32, #tpu.memory_space<hbm>> -> memref<16xi32, #tpu.memory_space<hbm>>
      %dma_start3A_168 = tpu.memref_slice %arg4[%multiple_of3A_154] : memref<320000xi32, #tpu.memory_space<hbm>> -> memref<16xi32, #tpu.memory_space<hbm>>
      tpu.enqueue_dma source(%dma_start3A_168 : memref<16xi32, #tpu.memory_space<hbm>>) target(%arg9 : memref<16xi32, #tpu.memory_space<vmem>>) target_semaphore(%run_scoped3A_166 : memref<!tpu.dma_semaphore, #tpu.memory_space<semaphore_mem>>)
      %dma_wait3A_169 = tpu.memref_slice %arg4[%multiple_of3A_154] : memref<320000xi32, #tpu.memory_space<hbm>> -> memref<16xi32, #tpu.memory_space<hbm>>
      %dma_wait3A_170 = tpu.memref_slice %arg4[%multiple_of3A_154] : memref<320000xi32, #tpu.memory_space<hbm>> -> memref<16xi32, #tpu.memory_space<hbm>>
      tpu.wait_dma2 semaphore(%run_scoped3A_166 : memref<!tpu.dma_semaphore, #tpu.memory_space<semaphore_mem>>) src(%dma_wait3A_170 : memref<16xi32, #tpu.memory_space<hbm>>) dst(%arg9 : memref<16xi32, #tpu.memory_space<vmem>>)
      tpu.yield
    }) : () -> ()
    %run_scoped3A = arith.constant 0 : i32
    "tpu.region"() ({
      %run_scoped3A_166 = tpu.sem_alloc : memref<!tpu.dma_semaphore, #tpu.memory_space<semaphore_mem>>
      %dma_start3A_167 = arith.constant 0 : i32
      %dma_start3A_168 = arith.constant 0 : i32
      %dma_start3A_169 = tpu.memref_slice %arg10[%run_scoped3A, %dma_start3A_167, %dma_start3A_168] : memref<2x128x128xf32, #tpu.memory_space<vmem>> -> memref<1x16x128xf32, #tpu.memory_space<vmem>>
      %dma_start3A_170 = tpu.memref_squeeze %dma_start3A_169 : memref<1x16x128xf32, #tpu.memory_space<vmem>> -> memref<16x128xf32, #tpu.memory_space<vmem>>
      %dma_start3A_171 = arith.constant 0 : i32
      %dma_start3A_172 = arith.constant 0 : i32
      %dma_start3A_173 = tpu.memref_slice %arg2[%dma_start3A_171, %dma_start3A_172] : memref<10000x128xf32, #tpu.memory_space<hbm>> -> memref<10000x128xf32, #tpu.memory_space<hbm>>
      tpu.enqueue_indirect_dma source(%dma_start3A_173 : memref<10000x128xf32, #tpu.memory_space<hbm>>) target(%dma_start3A_170 : memref<16x128xf32, #tpu.memory_space<vmem>>) offsets(%arg8 : memref<16xi32, #tpu.memory_space<vmem>>) semaphore(%run_scoped3A_166 : memref<!tpu.dma_semaphore, #tpu.memory_space<semaphore_mem>>)
      %dma_wait3A_174 = arith.constant 0 : i32
      %dma_wait3A_175 = arith.constant 0 : i32
      %dma_wait3A_176 = tpu.memref_slice %arg10[%run_scoped3A, %dma_wait3A_174, %dma_wait3A_175] : memref<2x128x128xf32, #tpu.memory_space<vmem>> -> memref<1x16x128xf32, #tpu.memory_space<vmem>>
      %dma_wait3A_177 = tpu.memref_squeeze %dma_wait3A_176 : memref<1x16x128xf32, #tpu.memory_space<vmem>> -> memref<16x128xf32, #tpu.memory_space<vmem>>
      %dma_wait3A_178 = arith.constant 0 : i32
      %dma_wait3A_179 = arith.constant 0 : i32
      %dma_wait3A_180 = tpu.memref_slice %arg2[%dma_wait3A_178, %dma_wait3A_179] : memref<10000x128xf32, #tpu.memory_space<hbm>> -> memref<10000x128xf32, #tpu.memory_space<hbm>>
      tpu.wait_indirect_dma semaphore(%run_scoped3A_166 : memref<!tpu.dma_semaphore, #tpu.memory_space<semaphore_mem>>) src(%dma_wait3A_180 : memref<10000x128xf32, #tpu.memory_space<hbm>>) dst(%dma_wait3A_177 : memref<16x128xf32, #tpu.memory_space<vmem>>)
      tpu.yield
    }) : () -> ()
    %run_scoped3A_155 = arith.constant 0 : i32
    "tpu.region"() ({
      %run_scoped3A_166 = tpu.sem_alloc : memref<!tpu.dma_semaphore, #tpu.memory_space<semaphore_mem>>
      %dma_start3A_167 = arith.constant 0 : i32
      %dma_start3A_168 = arith.constant 0 : i32
      %dma_start3A_169 = tpu.memref_slice %arg10[%run_scoped3A_155, %dma_start3A_167, %dma_start3A_168] : memref<2x128x128xf32, #tpu.memory_space<vmem>> -> memref<1x16x128xf32, #tpu.memory_space<vmem>>
      %dma_start3A_170 = tpu.memref_squeeze %dma_start3A_169 : memref<1x16x128xf32, #tpu.memory_space<vmem>> -> memref<16x128xf32, #tpu.memory_space<vmem>>
      %dma_start3A_171 = arith.constant 0 : i32
      %dma_start3A_172 = arith.constant 0 : i32
      %dma_start3A_173 = tpu.memref_slice %arg11[%dma_start3A_171, %dma_start3A_172] : memref<10000x128xf32, #tpu.memory_space<vmem_shared>> -> memref<10000x128xf32, #tpu.memory_space<vmem_shared>>
      tpu.enqueue_indirect_dma source(%dma_start3A_170 : memref<16x128xf32, #tpu.memory_space<vmem>>) target(%dma_start3A_173 : memref<10000x128xf32, #tpu.memory_space<vmem_shared>>) offsets(%arg9 : memref<16xi32, #tpu.memory_space<vmem>>) semaphore(%run_scoped3A_166 : memref<!tpu.dma_semaphore, #tpu.memory_space<semaphore_mem>>) {add = true}
      %dma_wait3A_174 = arith.constant 0 : i32
      %dma_wait3A_175 = arith.constant 0 : i32
      %dma_wait3A_176 = tpu.memref_slice %arg10[%run_scoped3A_155, %dma_wait3A_174, %dma_wait3A_175] : memref<2x128x128xf32, #tpu.memory_space<vmem>> -> memref<1x16x128xf32, #tpu.memory_space<vmem>>
      %dma_wait3A_177 = tpu.memref_squeeze %dma_wait3A_176 : memref<1x16x128xf32, #tpu.memory_space<vmem>> -> memref<16x128xf32, #tpu.memory_space<vmem>>
      %dma_wait3A_178 = arith.constant 0 : i32
      %dma_wait3A_179 = arith.constant 0 : i32
      %dma_wait3A_180 = tpu.memref_slice %arg11[%dma_wait3A_178, %dma_wait3A_179] : memref<10000x128xf32, #tpu.memory_space<vmem_shared>> -> memref<10000x128xf32, #tpu.memory_space<vmem_shared>>
      tpu.wait_indirect_dma semaphore(%run_scoped3A_166 : memref<!tpu.dma_semaphore, #tpu.memory_space<semaphore_mem>>) src(%dma_wait3A_177 : memref<16x128xf32, #tpu.memory_space<vmem>>) dst(%dma_wait3A_180 : memref<10000x128xf32, #tpu.memory_space<vmem_shared>>)
      tpu.yield
    }) : () -> ()
    %barrier3A_156 = arith.constant 0 : index
    tpu.barrier barrier_id(%barrier3A_156)
    %mul3A_157 = arith.constant 624 : i32
    %mul3A_158 = arith.muli %arg1, %mul3A_157 : i32
    %mul3A_159 = arith.constant 624 : i32
    %mul3A_160 = arith.muli %arg1, %mul3A_159 : i32
    "tpu.region"() ({
      %run_scoped3A_166 = tpu.sem_alloc : memref<!tpu.dma_semaphore, #tpu.memory_space<semaphore_mem>>
      %dma_start3A_167 = arith.constant 0 : i32
      %dma_start3A_168 = tpu.memref_slice %arg5[%arg0, %mul3A_160, %dma_start3A_167] : memref<2x10000x128xf32, #tpu.memory_space<hbm>> -> memref<1x624x128xf32, #tpu.memory_space<hbm>>
      %dma_start3A_169 = tpu.memref_squeeze %dma_start3A_168 : memref<1x624x128xf32, #tpu.memory_space<hbm>> -> memref<624x128xf32, #tpu.memory_space<hbm>>
      %dma_start3A_170 = arith.constant 0 : i32
      %dma_start3A_171 = tpu.memref_slice %arg11[%mul3A_158, %dma_start3A_170] : memref<10000x128xf32, #tpu.memory_space<vmem_shared>> -> memref<624x128xf32, #tpu.memory_space<vmem_shared>>
      tpu.enqueue_dma source(%dma_start3A_171 : memref<624x128xf32, #tpu.memory_space<vmem_shared>>) target(%dma_start3A_169 : memref<624x128xf32, #tpu.memory_space<hbm>>) target_semaphore(%run_scoped3A_166 : memref<!tpu.dma_semaphore, #tpu.memory_space<semaphore_mem>>)
      %dma_wait3A_172 = arith.constant 0 : i32
      %dma_wait3A_173 = tpu.memref_slice %arg5[%arg0, %mul3A_160, %dma_wait3A_172] : memref<2x10000x128xf32, #tpu.memory_space<hbm>> -> memref<1x624x128xf32, #tpu.memory_space<hbm>>
      %dma_wait3A_174 = tpu.memref_squeeze %dma_wait3A_173 : memref<1x624x128xf32, #tpu.memory_space<hbm>> -> memref<624x128xf32, #tpu.memory_space<hbm>>
      %dma_wait3A_175 = arith.constant 0 : i32
      %dma_wait3A_176 = tpu.memref_slice %arg11[%mul3A_158, %dma_wait3A_175] : memref<10000x128xf32, #tpu.memory_space<vmem_shared>> -> memref<624x128xf32, #tpu.memory_space<vmem_shared>>
      tpu.wait_dma2 semaphore(%run_scoped3A_166 : memref<!tpu.dma_semaphore, #tpu.memory_space<semaphore_mem>>) src(%dma_wait3A_176 : memref<624x128xf32, #tpu.memory_space<vmem_shared>>) dst(%dma_wait3A_174 : memref<624x128xf32, #tpu.memory_space<hbm>>)
      tpu.yield
    }) : () -> ()
    %eq3A_161 = arith.constant 0 : i32
    %eq3A_162 = arith.cmpi eq, %arg1, %eq3A_161 : i32
    %convert_element_type3A_163 = arith.extui %eq3A_162 : i1 to i32
    %cond3A_164 = arith.constant 0 : i32
    %cond3A_165 = arith.cmpi ne, %convert_element_type3A_163, %cond3A_164 : i32
    scf.if %cond3A_165 {
      "tpu.region"() ({
        %run_scoped3A_166 = tpu.sem_alloc : memref<!tpu.dma_semaphore, #tpu.memory_space<semaphore_mem>>
        %dma_start3A_167 = arith.constant 9984 : i32
        %dma_start3A_168 = arith.constant 0 : i32
        %dma_start3A_169 = tpu.memref_slice %arg5[%arg0, %dma_start3A_167, %dma_start3A_168] : memref<2x10000x128xf32, #tpu.memory_space<hbm>> -> memref<1x16x128xf32, #tpu.memory_space<hbm>>
        %dma_start3A_170 = tpu.memref_squeeze %dma_start3A_169 : memref<1x16x128xf32, #tpu.memory_space<hbm>> -> memref<16x128xf32, #tpu.memory_space<hbm>>
        %dma_start3A_171 = arith.constant 9984 : i32
        %dma_start3A_172 = arith.constant 0 : i32
        %dma_start3A_173 = tpu.memref_slice %arg11[%dma_start3A_171, %dma_start3A_172] : memref<10000x128xf32, #tpu.memory_space<vmem_shared>> -> memref<16x128xf32, #tpu.memory_space<vmem_shared>>
        tpu.enqueue_dma source(%dma_start3A_173 : memref<16x128xf32, #tpu.memory_space<vmem_shared>>) target(%dma_start3A_170 : memref<16x128xf32, #tpu.memory_space<hbm>>) target_semaphore(%run_scoped3A_166 : memref<!tpu.dma_semaphore, #tpu.memory_space<semaphore_mem>>)
        %dma_wait3A_174 = arith.constant 9984 : i32
        %dma_wait3A_175 = arith.constant 0 : i32
        %dma_wait3A_176 = tpu.memref_slice %arg5[%arg0, %dma_wait3A_174, %dma_wait3A_175] : memref<2x10000x128xf32, #tpu.memory_space<hbm>> -> memref<1x16x128xf32, #tpu.memory_space<hbm>>
        %dma_wait3A_177 = tpu.memref_squeeze %dma_wait3A_176 : memref<1x16x128xf32, #tpu.memory_space<hbm>> -> memref<16x128xf32, #tpu.memory_space<hbm>>
        %dma_wait3A_178 = arith.constant 9984 : i32
        %dma_wait3A_179 = arith.constant 0 : i32
        %dma_wait3A_180 = tpu.memref_slice %arg11[%dma_wait3A_178, %dma_wait3A_179] : memref<10000x128xf32, #tpu.memory_space<vmem_shared>> -> memref<16x128xf32, #tpu.memory_space<vmem_shared>>
        tpu.wait_dma2 semaphore(%run_scoped3A_166 : memref<!tpu.dma_semaphore, #tpu.memory_space<semaphore_mem>>) src(%dma_wait3A_180 : memref<16x128xf32, #tpu.memory_space<vmem_shared>>) dst(%dma_wait3A_177 : memref<16x128xf32, #tpu.memory_space<hbm>>)
        tpu.yield
      }) : () -> ()
    } else {
    }
    return
  }
}

#map = affine_map<(d0, d1) -> (0, 0)>
#map1 = affine_map<(d0, d1) -> (0)>
#map2 = affine_map<(d0, d1) -> (0, 0, 0)>
module attributes {stable_mosaic.version = 14 : i64} {
  func.func @_sc_segsum_body(%arg0: i32, %arg1: i32, %arg2: memref<10000x128xf32, #tpu.memory_space<hbm>>, %arg3: memref<320000xi32, #tpu.memory_space<hbm>>, %arg4: memref<320000xi32, #tpu.memory_space<hbm>>, %arg5: memref<2x10000x128xf32, #tpu.memory_space<hbm>>, %arg6: memref<6x128xi32, #tpu.memory_space<vmem>>, %arg7: memref<6x128xi32, #tpu.memory_space<vmem>>, %arg8: memref<16xi32, #tpu.memory_space<vmem>>, %arg9: memref<16xi32, #tpu.memory_space<vmem>>, %arg10: memref<2x128x128xf32, #tpu.memory_space<vmem>>, %arg11: memref<10000x128xf32, #tpu.memory_space<vmem_shared>>, %arg12: memref<!tpu.dma_semaphore, #tpu.memory_space<semaphore_mem>>, %arg13: memref<!tpu.dma_semaphore, #tpu.memory_space<semaphore_mem>>, %arg14: memref<!tpu.dma_semaphore, #tpu.memory_space<semaphore_mem>>, %arg15: memref<!tpu.dma_semaphore, #tpu.memory_space<semaphore_mem>>, %arg16: memref<!tpu.dma_semaphore, #tpu.memory_space<semaphore_mem>>, %arg17: memref<!tpu.dma_semaphore, #tpu.memory_space<semaphore_mem>>, %arg18: memref<!tpu.dma_semaphore, #tpu.memory_space<semaphore_mem>>, %arg19: memref<!tpu.dma_semaphore, #tpu.memory_space<semaphore_mem>>, %arg20: memref<!tpu.dma_semaphore, #tpu.memory_space<semaphore_mem>>, %arg21: memref<!tpu.dma_semaphore, #tpu.memory_space<semaphore_mem>>) attributes {dimension_semantics = [#tpu.dimension_semantics<core_parallel>, #tpu.dimension_semantics<subcore_parallel>], iteration_bounds = array<i64: 2, 16>, scalar_prefetch = 0 : i64, scratch_operands = 16 : i64, tpu.core_type = #tpu.core_type<sc_vector_subcore>, window_params = [{transform_indices = #map}, {transform_indices = #map1}, {transform_indices = #map1}, {transform_indices = #map2}]} {
    %mul3A = arith.constant 16 : i32
    %mul3A_0 = arith.muli %arg0, %mul3A : i32
    %add3A = arith.addi %mul3A_0, %arg1 : i32
    %mul3A_1 = arith.constant 10000 : i32
    %mul3A_2 = arith.muli %add3A, %mul3A_1 : i32
    %mul3A_3 = arith.constant 624 : i32
    %mul3A_4 = arith.muli %arg1, %mul3A_3 : i32
    %mul3A_5 = arith.constant 624 : i32
    %mul3A_6 = arith.muli %arg1, %mul3A_5 : i32
    "tpu.region"() ({
      %run_scoped3A_166 = tpu.sem_alloc : memref<!tpu.dma_semaphore, #tpu.memory_space<semaphore_mem>>
      %dma_start3A_167 = arith.constant 0 : i32
      %dma_start3A_168 = tpu.memref_slice %arg11[%mul3A_6, %dma_start3A_167] : memref<10000x128xf32, #tpu.memory_space<vmem_shared>> -> memref<624x128xf32, #tpu.memory_space<vmem_shared>>
      %dma_start3A_169 = arith.constant 0 : i32
      %dma_start3A_170 = tpu.memref_slice %arg2[%mul3A_4, %dma_start3A_169] : memref<10000x128xf32, #tpu.memory_space<hbm>> -> memref<624x128xf32, #tpu.memory_space<hbm>>
      tpu.enqueue_dma source(%dma_start3A_170 : memref<624x128xf32, #tpu.memory_space<hbm>>) target(%dma_start3A_168 : memref<624x128xf32, #tpu.memory_space<vmem_shared>>) target_semaphore(%run_scoped3A_166 : memref<!tpu.dma_semaphore, #tpu.memory_space<semaphore_mem>>)
      %dma_wait3A_171 = arith.constant 0 : i32
      %dma_wait3A_172 = tpu.memref_slice %arg11[%mul3A_6, %dma_wait3A_171] : memref<10000x128xf32, #tpu.memory_space<vmem_shared>> -> memref<624x128xf32, #tpu.memory_space<vmem_shared>>
      %dma_wait3A_173 = arith.constant 0 : i32
      %dma_wait3A_174 = tpu.memref_slice %arg2[%mul3A_4, %dma_wait3A_173] : memref<10000x128xf32, #tpu.memory_space<hbm>> -> memref<624x128xf32, #tpu.memory_space<hbm>>
      tpu.wait_dma2 semaphore(%run_scoped3A_166 : memref<!tpu.dma_semaphore, #tpu.memory_space<semaphore_mem>>) src(%dma_wait3A_174 : memref<624x128xf32, #tpu.memory_space<hbm>>) dst(%dma_wait3A_172 : memref<624x128xf32, #tpu.memory_space<vmem_shared>>)
      tpu.yield
    }) : () -> ()
    %eq3A = arith.constant 0 : i32
    %eq3A_7 = arith.cmpi eq, %arg1, %eq3A : i32
    %convert_element_type3A = arith.extui %eq3A_7 : i1 to i32
    %cond3A = arith.constant 0 : i32
    %cond3A_8 = arith.cmpi ne, %convert_element_type3A, %cond3A : i32
    scf.if %cond3A_8 {
      "tpu.region"() ({
        %run_scoped3A_166 = tpu.sem_alloc : memref<!tpu.dma_semaphore, #tpu.memory_space<semaphore_mem>>
        %dma_start3A_167 = arith.constant 9984 : i32
        %dma_start3A_168 = arith.constant 0 : i32
        %dma_start3A_169 = tpu.memref_slice %arg11[%dma_start3A_167, %dma_start3A_168] : memref<10000x128xf32, #tpu.memory_space<vmem_shared>> -> memref<16x128xf32, #tpu.memory_space<vmem_shared>>
        %dma_start3A_170 = arith.constant 9984 : i32
        %dma_start3A_171 = arith.constant 0 : i32
        %dma_start3A_172 = tpu.memref_slice %arg2[%dma_start3A_170, %dma_start3A_171] : memref<10000x128xf32, #tpu.memory_space<hbm>> -> memref<16x128xf32, #tpu.memory_space<hbm>>
        tpu.enqueue_dma source(%dma_start3A_172 : memref<16x128xf32, #tpu.memory_space<hbm>>) target(%dma_start3A_169 : memref<16x128xf32, #tpu.memory_space<vmem_shared>>) target_semaphore(%run_scoped3A_166 : memref<!tpu.dma_semaphore, #tpu.memory_space<semaphore_mem>>)
        %dma_wait3A_173 = arith.constant 9984 : i32
        %dma_wait3A_174 = arith.constant 0 : i32
        %dma_wait3A_175 = tpu.memref_slice %arg11[%dma_wait3A_173, %dma_wait3A_174] : memref<10000x128xf32, #tpu.memory_space<vmem_shared>> -> memref<16x128xf32, #tpu.memory_space<vmem_shared>>
        %dma_wait3A_176 = arith.constant 9984 : i32
        %dma_wait3A_177 = arith.constant 0 : i32
        %dma_wait3A_178 = tpu.memref_slice %arg2[%dma_wait3A_176, %dma_wait3A_177] : memref<10000x128xf32, #tpu.memory_space<hbm>> -> memref<16x128xf32, #tpu.memory_space<hbm>>
        tpu.wait_dma2 semaphore(%run_scoped3A_166 : memref<!tpu.dma_semaphore, #tpu.memory_space<semaphore_mem>>) src(%dma_wait3A_178 : memref<16x128xf32, #tpu.memory_space<hbm>>) dst(%dma_wait3A_175 : memref<16x128xf32, #tpu.memory_space<vmem_shared>>)
        tpu.yield
      }) : () -> ()
    } else {
    }
    %barrier3A = arith.constant 0 : index
    tpu.barrier barrier_id(%barrier3A)
    %add3A_9 = arith.constant 0 : i32
    %add3A_10 = arith.addi %mul3A_2, %add3A_9 : i32
    %multiple_of3A = tpu.assume_multiple %add3A_10, 8 : i32
    %dma_start3A = arith.constant 0 : i32
    %dma_start3A_11 = arith.constant 0 : i32
    %dma_start3A_12 = tpu.memref_slice %arg6[%dma_start3A, %dma_start3A_11] : memref<6x128xi32, #tpu.memory_space<vmem>> -> memref<1x128xi32, #tpu.memory_space<vmem>>
    %dma_start3A_13 = tpu.memref_squeeze %dma_start3A_12 : memref<1x128xi32, #tpu.memory_space<vmem>> -> memref<128xi32, #tpu.memory_space<vmem>>
    %dma_start3A_14 = tpu.memref_slice %arg3[%multiple_of3A] : memref<320000xi32, #tpu.memory_space<hbm>> -> memref<128xi32, #tpu.memory_space<hbm>>
    %dma_start3A_15 = arith.constant 0 : i32
    %dma_start3A_16 = tpu.memref_slice %arg6[%dma_start3A, %dma_start3A_15] : memref<6x128xi32, #tpu.memory_space<vmem>> -> memref<1x128xi32, #tpu.memory_space<vmem>>
    %dma_start3A_17 = tpu.memref_squeeze %dma_start3A_16 : memref<1x128xi32, #tpu.memory_space<vmem>> -> memref<128xi32, #tpu.memory_space<vmem>>
    %dma_start3A_18 = tpu.memref_slice %arg3[%multiple_of3A] : memref<320000xi32, #tpu.memory_space<hbm>> -> memref<128xi32, #tpu.memory_space<hbm>>
    tpu.enqueue_dma source(%dma_start3A_18 : memref<128xi32, #tpu.memory_space<hbm>>) target(%dma_start3A_17 : memref<128xi32, #tpu.memory_space<vmem>>) target_semaphore(%arg12 : memref<!tpu.dma_semaphore, #tpu.memory_space<semaphore_mem>>)
    %dma_start3A_19 = arith.constant 0 : i32
    %dma_start3A_20 = arith.constant 0 : i32
    %dma_start3A_21 = tpu.memref_slice %arg7[%dma_start3A_19, %dma_start3A_20] : memref<6x128xi32, #tpu.memory_space<vmem>> -> memref<1x128xi32, #tpu.memory_space<vmem>>
    %dma_start3A_22 = tpu.memref_squeeze %dma_start3A_21 : memref<1x128xi32, #tpu.memory_space<vmem>> -> memref<128xi32, #tpu.memory_space<vmem>>
    %dma_start3A_23 = tpu.memref_slice %arg4[%multiple_of3A] : memref<320000xi32, #tpu.memory_space<hbm>> -> memref<128xi32, #tpu.memory_space<hbm>>
    %dma_start3A_24 = arith.constant 0 : i32
    %dma_start3A_25 = tpu.memref_slice %arg7[%dma_start3A_19, %dma_start3A_24] : memref<6x128xi32, #tpu.memory_space<vmem>> -> memref<1x128xi32, #tpu.memory_space<vmem>>
    %dma_start3A_26 = tpu.memref_squeeze %dma_start3A_25 : memref<1x128xi32, #tpu.memory_space<vmem>> -> memref<128xi32, #tpu.memory_space<vmem>>
    %dma_start3A_27 = tpu.memref_slice %arg4[%multiple_of3A] : memref<320000xi32, #tpu.memory_space<hbm>> -> memref<128xi32, #tpu.memory_space<hbm>>
    tpu.enqueue_dma source(%dma_start3A_27 : memref<128xi32, #tpu.memory_space<hbm>>) target(%dma_start3A_26 : memref<128xi32, #tpu.memory_space<vmem>>) target_semaphore(%arg12 : memref<!tpu.dma_semaphore, #tpu.memory_space<semaphore_mem>>)
    %add3A_28 = arith.constant 128 : i32
    %add3A_29 = arith.addi %mul3A_2, %add3A_28 : i32
    %multiple_of3A_30 = tpu.assume_multiple %add3A_29, 8 : i32
    %dma_start3A_31 = arith.constant 1 : i32
    %dma_start3A_32 = arith.constant 0 : i32
    %dma_start3A_33 = tpu.memref_slice %arg6[%dma_start3A_31, %dma_start3A_32] : memref<6x128xi32, #tpu.memory_space<vmem>> -> memref<1x128xi32, #tpu.memory_space<vmem>>
    %dma_start3A_34 = tpu.memref_squeeze %dma_start3A_33 : memref<1x128xi32, #tpu.memory_space<vmem>> -> memref<128xi32, #tpu.memory_space<vmem>>
    %dma_start3A_35 = tpu.memref_slice %arg3[%multiple_of3A_30] : memref<320000xi32, #tpu.memory_space<hbm>> -> memref<128xi32, #tpu.memory_space<hbm>>
    %dma_start3A_36 = arith.constant 0 : i32
    %dma_start3A_37 = tpu.memref_slice %arg6[%dma_start3A_31, %dma_start3A_36] : memref<6x128xi32, #tpu.memory_space<vmem>> -> memref<1x128xi32, #tpu.memory_space<vmem>>
    %dma_start3A_38 = tpu.memref_squeeze %dma_start3A_37 : memref<1x128xi32, #tpu.memory_space<vmem>> -> memref<128xi32, #tpu.memory_space<vmem>>
    %dma_start3A_39 = tpu.memref_slice %arg3[%multiple_of3A_30] : memref<320000xi32, #tpu.memory_space<hbm>> -> memref<128xi32, #tpu.memory_space<hbm>>
    tpu.enqueue_dma source(%dma_start3A_39 : memref<128xi32, #tpu.memory_space<hbm>>) target(%dma_start3A_38 : memref<128xi32, #tpu.memory_space<vmem>>) target_semaphore(%arg13 : memref<!tpu.dma_semaphore, #tpu.memory_space<semaphore_mem>>)
    %dma_start3A_40 = arith.constant 1 : i32
    %dma_start3A_41 = arith.constant 0 : i32
    %dma_start3A_42 = tpu.memref_slice %arg7[%dma_start3A_40, %dma_start3A_41] : memref<6x128xi32, #tpu.memory_space<vmem>> -> memref<1x128xi32, #tpu.memory_space<vmem>>
    %dma_start3A_43 = tpu.memref_squeeze %dma_start3A_42 : memref<1x128xi32, #tpu.memory_space<vmem>> -> memref<128xi32, #tpu.memory_space<vmem>>
    %dma_start3A_44 = tpu.memref_slice %arg4[%multiple_of3A_30] : memref<320000xi32, #tpu.memory_space<hbm>> -> memref<128xi32, #tpu.memory_space<hbm>>
    %dma_start3A_45 = arith.constant 0 : i32
    %dma_start3A_46 = tpu.memref_slice %arg7[%dma_start3A_40, %dma_start3A_45] : memref<6x128xi32, #tpu.memory_space<vmem>> -> memref<1x128xi32, #tpu.memory_space<vmem>>
    %dma_start3A_47 = tpu.memref_squeeze %dma_start3A_46 : memref<1x128xi32, #tpu.memory_space<vmem>> -> memref<128xi32, #tpu.memory_space<vmem>>
    %dma_start3A_48 = tpu.memref_slice %arg4[%multiple_of3A_30] : memref<320000xi32, #tpu.memory_space<hbm>> -> memref<128xi32, #tpu.memory_space<hbm>>
    tpu.enqueue_dma source(%dma_start3A_48 : memref<128xi32, #tpu.memory_space<hbm>>) target(%dma_start3A_47 : memref<128xi32, #tpu.memory_space<vmem>>) target_semaphore(%arg13 : memref<!tpu.dma_semaphore, #tpu.memory_space<semaphore_mem>>)
    %add3A_49 = arith.constant 256 : i32
    %add3A_50 = arith.addi %mul3A_2, %add3A_49 : i32
    %multiple_of3A_51 = tpu.assume_multiple %add3A_50, 8 : i32
    %dma_start3A_52 = arith.constant 2 : i32
    %dma_start3A_53 = arith.constant 0 : i32
    %dma_start3A_54 = tpu.memref_slice %arg6[%dma_start3A_52, %dma_start3A_53] : memref<6x128xi32, #tpu.memory_space<vmem>> -> memref<1x128xi32, #tpu.memory_space<vmem>>
    %dma_start3A_55 = tpu.memref_squeeze %dma_start3A_54 : memref<1x128xi32, #tpu.memory_space<vmem>> -> memref<128xi32, #tpu.memory_space<vmem>>
    %dma_start3A_56 = tpu.memref_slice %arg3[%multiple_of3A_51] : memref<320000xi32, #tpu.memory_space<hbm>> -> memref<128xi32, #tpu.memory_space<hbm>>
    %dma_start3A_57 = arith.constant 0 : i32
    %dma_start3A_58 = tpu.memref_slice %arg6[%dma_start3A_52, %dma_start3A_57] : memref<6x128xi32, #tpu.memory_space<vmem>> -> memref<1x128xi32, #tpu.memory_space<vmem>>
    %dma_start3A_59 = tpu.memref_squeeze %dma_start3A_58 : memref<1x128xi32, #tpu.memory_space<vmem>> -> memref<128xi32, #tpu.memory_space<vmem>>
    %dma_start3A_60 = tpu.memref_slice %arg3[%multiple_of3A_51] : memref<320000xi32, #tpu.memory_space<hbm>> -> memref<128xi32, #tpu.memory_space<hbm>>
    tpu.enqueue_dma source(%dma_start3A_60 : memref<128xi32, #tpu.memory_space<hbm>>) target(%dma_start3A_59 : memref<128xi32, #tpu.memory_space<vmem>>) target_semaphore(%arg14 : memref<!tpu.dma_semaphore, #tpu.memory_space<semaphore_mem>>)
    %dma_start3A_61 = arith.constant 2 : i32
    %dma_start3A_62 = arith.constant 0 : i32
    %dma_start3A_63 = tpu.memref_slice %arg7[%dma_start3A_61, %dma_start3A_62] : memref<6x128xi32, #tpu.memory_space<vmem>> -> memref<1x128xi32, #tpu.memory_space<vmem>>
    %dma_start3A_64 = tpu.memref_squeeze %dma_start3A_63 : memref<1x128xi32, #tpu.memory_space<vmem>> -> memref<128xi32, #tpu.memory_space<vmem>>
    %dma_start3A_65 = tpu.memref_slice %arg4[%multiple_of3A_51] : memref<320000xi32, #tpu.memory_space<hbm>> -> memref<128xi32, #tpu.memory_space<hbm>>
    %dma_start3A_66 = arith.constant 0 : i32
    %dma_start3A_67 = tpu.memref_slice %arg7[%dma_start3A_61, %dma_start3A_66] : memref<6x128xi32, #tpu.memory_space<vmem>> -> memref<1x128xi32, #tpu.memory_space<vmem>>
    %dma_start3A_68 = tpu.memref_squeeze %dma_start3A_67 : memref<1x128xi32, #tpu.memory_space<vmem>> -> memref<128xi32, #tpu.memory_space<vmem>>
    %dma_start3A_69 = tpu.memref_slice %arg4[%multiple_of3A_51] : memref<320000xi32, #tpu.memory_space<hbm>> -> memref<128xi32, #tpu.memory_space<hbm>>
    tpu.enqueue_dma source(%dma_start3A_69 : memref<128xi32, #tpu.memory_space<hbm>>) target(%dma_start3A_68 : memref<128xi32, #tpu.memory_space<vmem>>) target_semaphore(%arg14 : memref<!tpu.dma_semaphore, #tpu.memory_space<semaphore_mem>>)
    %add3A_70 = arith.constant 384 : i32
    %add3A_71 = arith.addi %mul3A_2, %add3A_70 : i32
    %multiple_of3A_72 = tpu.assume_multiple %add3A_71, 8 : i32
    %dma_start3A_73 = arith.constant 3 : i32
    %dma_start3A_74 = arith.constant 0 : i32
    %dma_start3A_75 = tpu.memref_slice %arg6[%dma_start3A_73, %dma_start3A_74] : memref<6x128xi32, #tpu.memory_space<vmem>> -> memref<1x128xi32, #tpu.memory_space<vmem>>
    %dma_start3A_76 = tpu.memref_squeeze %dma_start3A_75 : memref<1x128xi32, #tpu.memory_space<vmem>> -> memref<128xi32, #tpu.memory_space<vmem>>
    %dma_start3A_77 = tpu.memref_slice %arg3[%multiple_of3A_72] : memref<320000xi32, #tpu.memory_space<hbm>> -> memref<128xi32, #tpu.memory_space<hbm>>
    %dma_start3A_78 = arith.constant 0 : i32
    %dma_start3A_79 = tpu.memref_slice %arg6[%dma_start3A_73, %dma_start3A_78] : memref<6x128xi32, #tpu.memory_space<vmem>> -> memref<1x128xi32, #tpu.memory_space<vmem>>
    %dma_start3A_80 = tpu.memref_squeeze %dma_start3A_79 : memref<1x128xi32, #tpu.memory_space<vmem>> -> memref<128xi32, #tpu.memory_space<vmem>>
    %dma_start3A_81 = tpu.memref_slice %arg3[%multiple_of3A_72] : memref<320000xi32, #tpu.memory_space<hbm>> -> memref<128xi32, #tpu.memory_space<hbm>>
    tpu.enqueue_dma source(%dma_start3A_81 : memref<128xi32, #tpu.memory_space<hbm>>) target(%dma_start3A_80 : memref<128xi32, #tpu.memory_space<vmem>>) target_semaphore(%arg15 : memref<!tpu.dma_semaphore, #tpu.memory_space<semaphore_mem>>)
    %dma_start3A_82 = arith.constant 3 : i32
    %dma_start3A_83 = arith.constant 0 : i32
    %dma_start3A_84 = tpu.memref_slice %arg7[%dma_start3A_82, %dma_start3A_83] : memref<6x128xi32, #tpu.memory_space<vmem>> -> memref<1x128xi32, #tpu.memory_space<vmem>>
    %dma_start3A_85 = tpu.memref_squeeze %dma_start3A_84 : memref<1x128xi32, #tpu.memory_space<vmem>> -> memref<128xi32, #tpu.memory_space<vmem>>
    %dma_start3A_86 = tpu.memref_slice %arg4[%multiple_of3A_72] : memref<320000xi32, #tpu.memory_space<hbm>> -> memref<128xi32, #tpu.memory_space<hbm>>
    %dma_start3A_87 = arith.constant 0 : i32
    %dma_start3A_88 = tpu.memref_slice %arg7[%dma_start3A_82, %dma_start3A_87] : memref<6x128xi32, #tpu.memory_space<vmem>> -> memref<1x128xi32, #tpu.memory_space<vmem>>
    %dma_start3A_89 = tpu.memref_squeeze %dma_start3A_88 : memref<1x128xi32, #tpu.memory_space<vmem>> -> memref<128xi32, #tpu.memory_space<vmem>>
    %dma_start3A_90 = tpu.memref_slice %arg4[%multiple_of3A_72] : memref<320000xi32, #tpu.memory_space<hbm>> -> memref<128xi32, #tpu.memory_space<hbm>>
    tpu.enqueue_dma source(%dma_start3A_90 : memref<128xi32, #tpu.memory_space<hbm>>) target(%dma_start3A_89 : memref<128xi32, #tpu.memory_space<vmem>>) target_semaphore(%arg15 : memref<!tpu.dma_semaphore, #tpu.memory_space<semaphore_mem>>)
    %add3A_91 = arith.constant 0 : i32
    %add3A_92 = arith.addi %mul3A_2, %add3A_91 : i32
    %multiple_of3A_93 = tpu.assume_multiple %add3A_92, 8 : i32
    %dma_wait3A = arith.constant 0 : i32
    %dma_wait3A_94 = arith.constant 0 : i32
    %dma_wait3A_95 = tpu.memref_slice %arg6[%dma_wait3A, %dma_wait3A_94] : memref<6x128xi32, #tpu.memory_space<vmem>> -> memref<1x128xi32, #tpu.memory_space<vmem>>
    %dma_wait3A_96 = tpu.memref_squeeze %dma_wait3A_95 : memref<1x128xi32, #tpu.memory_space<vmem>> -> memref<128xi32, #tpu.memory_space<vmem>>
    %dma_wait3A_97 = tpu.memref_slice %arg3[%multiple_of3A_93] : memref<320000xi32, #tpu.memory_space<hbm>> -> memref<128xi32, #tpu.memory_space<hbm>>
    %dma_wait3A_98 = arith.constant 0 : i32
    %dma_wait3A_99 = tpu.memref_slice %arg6[%dma_wait3A, %dma_wait3A_98] : memref<6x128xi32, #tpu.memory_space<vmem>> -> memref<1x128xi32, #tpu.memory_space<vmem>>
    %dma_wait3A_100 = tpu.memref_squeeze %dma_wait3A_99 : memref<1x128xi32, #tpu.memory_space<vmem>> -> memref<128xi32, #tpu.memory_space<vmem>>
    %dma_wait3A_101 = tpu.memref_slice %arg3[%multiple_of3A_93] : memref<320000xi32, #tpu.memory_space<hbm>> -> memref<128xi32, #tpu.memory_space<hbm>>
    tpu.wait_dma2 semaphore(%arg12 : memref<!tpu.dma_semaphore, #tpu.memory_space<semaphore_mem>>) src(%dma_wait3A_101 : memref<128xi32, #tpu.memory_space<hbm>>) dst(%dma_wait3A_100 : memref<128xi32, #tpu.memory_space<vmem>>)
    %dma_wait3A_102 = arith.constant 0 : i32
    %dma_wait3A_103 = arith.constant 0 : i32
    %dma_wait3A_104 = tpu.memref_slice %arg7[%dma_wait3A_102, %dma_wait3A_103] : memref<6x128xi32, #tpu.memory_space<vmem>> -> memref<1x128xi32, #tpu.memory_space<vmem>>
    %dma_wait3A_105 = tpu.memref_squeeze %dma_wait3A_104 : memref<1x128xi32, #tpu.memory_space<vmem>> -> memref<128xi32, #tpu.memory_space<vmem>>
    %dma_wait3A_106 = tpu.memref_slice %arg4[%multiple_of3A_93] : memref<320000xi32, #tpu.memory_space<hbm>> -> memref<128xi32, #tpu.memory_space<hbm>>
    %dma_wait3A_107 = arith.constant 0 : i32
    %dma_wait3A_108 = tpu.memref_slice %arg7[%dma_wait3A_102, %dma_wait3A_107] : memref<6x128xi32, #tpu.memory_space<vmem>> -> memref<1x128xi32, #tpu.memory_space<vmem>>
    %dma_wait3A_109 = tpu.memref_squeeze %dma_wait3A_108 : memref<1x128xi32, #tpu.memory_space<vmem>> -> memref<128xi32, #tpu.memory_space<vmem>>
    %dma_wait3A_110 = tpu.memref_slice %arg4[%multiple_of3A_93] : memref<320000xi32, #tpu.memory_space<hbm>> -> memref<128xi32, #tpu.memory_space<hbm>>
    tpu.wait_dma2 semaphore(%arg12 : memref<!tpu.dma_semaphore, #tpu.memory_space<semaphore_mem>>) src(%dma_wait3A_110 : memref<128xi32, #tpu.memory_space<hbm>>) dst(%dma_wait3A_109 : memref<128xi32, #tpu.memory_space<vmem>>)
    %dma_start3A_111 = arith.constant 0 : i32
    %dma_start3A_112 = arith.constant 0 : i32
    %dma_start3A_113 = arith.constant 0 : i32
    %dma_start3A_114 = arith.constant 0 : i32
    %dma_start3A_115 = tpu.memref_slice %arg10[%dma_start3A_112, %dma_start3A_113, %dma_start3A_114] : memref<2x128x128xf32, #tpu.memory_space<vmem>> -> memref<1x128x128xf32, #tpu.memory_space<vmem>>
    %dma_start3A_116 = tpu.memref_squeeze %dma_start3A_115 : memref<1x128x128xf32, #tpu.memory_space<vmem>> -> memref<128x128xf32, #tpu.memory_space<vmem>>
    %dma_start3A_117 = arith.constant 0 : i32
    %dma_start3A_118 = tpu.memref_slice %arg6[%dma_start3A_111, %dma_start3A_117] : memref<6x128xi32, #tpu.memory_space<vmem>> -> memref<1x128xi32, #tpu.memory_space<vmem>>
    %dma_start3A_119 = tpu.memref_squeeze %dma_start3A_118 : memref<1x128xi32, #tpu.memory_space<vmem>> -> memref<128xi32, #tpu.memory_space<vmem>>
    %dma_start3A_120 = arith.constant 0 : i32
    %dma_start3A_121 = arith.constant 0 : i32
    %dma_start3A_122 = tpu.memref_slice %arg2[%dma_start3A_120, %dma_start3A_121] : memref<10000x128xf32, #tpu.memory_space<hbm>> -> memref<10000x128xf32, #tpu.memory_space<hbm>>
    tpu.enqueue_indirect_dma source(%dma_start3A_122 : memref<10000x128xf32, #tpu.memory_space<hbm>>) target(%dma_start3A_116 : memref<128x128xf32, #tpu.memory_space<vmem>>) offsets(%dma_start3A_119 : memref<128xi32, #tpu.memory_space<vmem>>) semaphore(%arg18 : memref<!tpu.dma_semaphore, #tpu.memory_space<semaphore_mem>>)
    %scan3A = arith.constant 0 : i32
    %scan3A_123 = arith.constant 0 : i32
    %scan3A_124 = arith.constant 13 : i32
    %scan3A_125 = arith.addi %scan3A_123, %scan3A_124 : i32
    %scan3A_126 = arith.constant 1 : i32
    scf.for %scan3A_166 = %scan3A_123 to %scan3A_125 step %scan3A_126  : i32 {
      %mul3A_167 = arith.constant 6 : i32
      %mul3A_168 = arith.muli %mul3A_167, %scan3A_166 : i32
      %add3A_169 = arith.constant 0 : i32
      %add3A_170 = arith.addi %mul3A_168, %add3A_169 : i32
      %dma_wait3A_171 = arith.constant 0 : i32
      %dma_wait3A_172 = arith.constant 0 : i32
      %dma_wait3A_173 = arith.constant 0 : i32
      %dma_wait3A_174 = arith.constant 0 : i32
      %dma_wait3A_175 = tpu.memref_slice %arg10[%dma_wait3A_172, %dma_wait3A_173, %dma_wait3A_174] : memref<2x128x128xf32, #tpu.memory_space<vmem>> -> memref<1x128x128xf32, #tpu.memory_space<vmem>>
      %dma_wait3A_176 = tpu.memref_squeeze %dma_wait3A_175 : memref<1x128x128xf32, #tpu.memory_space<vmem>> -> memref<128x128xf32, #tpu.memory_space<vmem>>
      %dma_wait3A_177 = arith.constant 0 : i32
      %dma_wait3A_178 = tpu.memref_slice %arg6[%dma_wait3A_171, %dma_wait3A_177] : memref<6x128xi32, #tpu.memory_space<vmem>> -> memref<1x128xi32, #tpu.memory_space<vmem>>
      %dma_wait3A_179 = tpu.memref_squeeze %dma_wait3A_178 : memref<1x128xi32, #tpu.memory_space<vmem>> -> memref<128xi32, #tpu.memory_space<vmem>>
      %dma_wait3A_180 = arith.constant 0 : i32
      %dma_wait3A_181 = arith.constant 0 : i32
      %dma_wait3A_182 = tpu.memref_slice %arg2[%dma_wait3A_180, %dma_wait3A_181] : memref<10000x128xf32, #tpu.memory_space<hbm>> -> memref<10000x128xf32, #tpu.memory_space<hbm>>
      tpu.wait_indirect_dma semaphore(%arg18 : memref<!tpu.dma_semaphore, #tpu.memory_space<semaphore_mem>>) src(%dma_wait3A_182 : memref<10000x128xf32, #tpu.memory_space<hbm>>) dst(%dma_wait3A_176 : memref<128x128xf32, #tpu.memory_space<vmem>>)
      %dma_start3A_183 = arith.constant 0 : i32
      %dma_start3A_184 = arith.constant 0 : i32
      %dma_start3A_185 = arith.constant 0 : i32
      %dma_start3A_186 = arith.constant 0 : i32
      %dma_start3A_187 = tpu.memref_slice %arg10[%dma_start3A_183, %dma_start3A_185, %dma_start3A_186] : memref<2x128x128xf32, #tpu.memory_space<vmem>> -> memref<1x128x128xf32, #tpu.memory_space<vmem>>
      %dma_start3A_188 = tpu.memref_squeeze %dma_start3A_187 : memref<1x128x128xf32, #tpu.memory_space<vmem>> -> memref<128x128xf32, #tpu.memory_space<vmem>>
      %dma_start3A_189 = arith.constant 0 : i32
      %dma_start3A_190 = tpu.memref_slice %arg7[%dma_start3A_184, %dma_start3A_189] : memref<6x128xi32, #tpu.memory_space<vmem>> -> memref<1x128xi32, #tpu.memory_space<vmem>>
      %dma_start3A_191 = tpu.memref_squeeze %dma_start3A_190 : memref<1x128xi32, #tpu.memory_space<vmem>> -> memref<128xi32, #tpu.memory_space<vmem>>
      %dma_start3A_192 = arith.constant 0 : i32
      %dma_start3A_193 = arith.constant 0 : i32
      %dma_start3A_194 = tpu.memref_slice %arg11[%dma_start3A_192, %dma_start3A_193] : memref<10000x128xf32, #tpu.memory_space<vmem_shared>> -> memref<10000x128xf32, #tpu.memory_space<vmem_shared>>
      tpu.enqueue_indirect_dma source(%dma_start3A_188 : memref<128x128xf32, #tpu.memory_space<vmem>>) target(%dma_start3A_194 : memref<10000x128xf32, #tpu.memory_space<vmem_shared>>) offsets(%dma_start3A_191 : memref<128xi32, #tpu.memory_space<vmem>>) semaphore(%arg20 : memref<!tpu.dma_semaphore, #tpu.memory_space<semaphore_mem>>) {add = true}
      %add3A_195 = arith.constant 1 : i32
      %add3A_196 = arith.addi %add3A_170, %add3A_195 : i32
      %lt3A = arith.constant 78 : i32
      %lt3A_197 = arith.cmpi slt, %add3A_196, %lt3A : i32
      %convert_element_type3A_198 = arith.extui %lt3A_197 : i1 to i32
      %cond3A_199 = arith.constant 0 : i32
      %cond3A_200 = arith.cmpi ne, %convert_element_type3A_198, %cond3A_199 : i32
      scf.if %cond3A_200 {
        %ge3A = arith.constant 1 : i32
        %ge3A_366 = arith.cmpi sge, %add3A_170, %ge3A : i32
        %convert_element_type3A_367 = arith.extui %ge3A_366 : i1 to i32
        %cond3A_368 = arith.constant 0 : i32
        %cond3A_369 = arith.cmpi ne, %convert_element_type3A_367, %cond3A_368 : i32
        scf.if %cond3A_369 {
          %dma_wait3A_413 = arith.constant 1 : i32
          %dma_wait3A_414 = arith.constant 5 : i32
          %dma_wait3A_415 = arith.constant 0 : i32
          %dma_wait3A_416 = arith.constant 0 : i32
          %dma_wait3A_417 = tpu.memref_slice %arg10[%dma_wait3A_413, %dma_wait3A_415, %dma_wait3A_416] : memref<2x128x128xf32, #tpu.memory_space<vmem>> -> memref<1x128x128xf32, #tpu.memory_space<vmem>>
          %dma_wait3A_418 = tpu.memref_squeeze %dma_wait3A_417 : memref<1x128x128xf32, #tpu.memory_space<vmem>> -> memref<128x128xf32, #tpu.memory_space<vmem>>
          %dma_wait3A_419 = arith.constant 0 : i32
          %dma_wait3A_420 = tpu.memref_slice %arg7[%dma_wait3A_414, %dma_wait3A_419] : memref<6x128xi32, #tpu.memory_space<vmem>> -> memref<1x128xi32, #tpu.memory_space<vmem>>
          %dma_wait3A_421 = tpu.memref_squeeze %dma_wait3A_420 : memref<1x128xi32, #tpu.memory_space<vmem>> -> memref<128xi32, #tpu.memory_space<vmem>>
          %dma_wait3A_422 = arith.constant 0 : i32
          %dma_wait3A_423 = arith.constant 0 : i32
          %dma_wait3A_424 = tpu.memref_slice %arg11[%dma_wait3A_422, %dma_wait3A_423] : memref<10000x128xf32, #tpu.memory_space<vmem_shared>> -> memref<10000x128xf32, #tpu.memory_space<vmem_shared>>
          tpu.wait_indirect_dma semaphore(%arg21 : memref<!tpu.dma_semaphore, #tpu.memory_space<semaphore_mem>>) src(%dma_wait3A_418 : memref<128x128xf32, #tpu.memory_space<vmem>>) dst(%dma_wait3A_424 : memref<10000x128xf32, #tpu.memory_space<vmem_shared>>)
        } else {
        }
        %add3A_370 = arith.constant 4 : i32
        %add3A_371 = arith.addi %add3A_170, %add3A_370 : i32
        %lt3A_372 = arith.constant 78 : i32
        %lt3A_373 = arith.cmpi slt, %add3A_371, %lt3A_372 : i32
        %convert_element_type3A_374 = arith.extui %lt3A_373 : i1 to i32
        %cond3A_375 = arith.constant 0 : i32
        %cond3A_376 = arith.cmpi ne, %convert_element_type3A_374, %cond3A_375 : i32
        scf.if %cond3A_376 {
          %add3A_413 = arith.constant 4 : i32
          %add3A_414 = arith.addi %add3A_170, %add3A_413 : i32
          %mul3A_415 = arith.constant 128 : i32
          %mul3A_416 = arith.muli %add3A_414, %mul3A_415 : i32
          %add3A_417 = arith.addi %mul3A_2, %mul3A_416 : i32
          %multiple_of3A_418 = tpu.assume_multiple %add3A_417, 8 : i32
          %dma_start3A_419 = arith.constant 4 : i32
          %dma_start3A_420 = arith.constant 0 : i32
          %dma_start3A_421 = tpu.memref_slice %arg6[%dma_start3A_419, %dma_start3A_420] : memref<6x128xi32, #tpu.memory_space<vmem>> -> memref<1x128xi32, #tpu.memory_space<vmem>>
          %dma_start3A_422 = tpu.memref_squeeze %dma_start3A_421 : memref<1x128xi32, #tpu.memory_space<vmem>> -> memref<128xi32, #tpu.memory_space<vmem>>
          %dma_start3A_423 = tpu.memref_slice %arg3[%multiple_of3A_418] : memref<320000xi32, #tpu.memory_space<hbm>> -> memref<128xi32, #tpu.memory_space<hbm>>
          %dma_start3A_424 = arith.constant 0 : i32
          %dma_start3A_425 = tpu.memref_slice %arg6[%dma_start3A_419, %dma_start3A_424] : memref<6x128xi32, #tpu.memory_space<vmem>> -> memref<1x128xi32, #tpu.memory_space<vmem>>
          %dma_start3A_426 = tpu.memref_squeeze %dma_start3A_425 : memref<1x128xi32, #tpu.memory_space<vmem>> -> memref<128xi32, #tpu.memory_space<vmem>>
          %dma_start3A_427 = tpu.memref_slice %arg3[%multiple_of3A_418] : memref<320000xi32, #tpu.memory_space<hbm>> -> memref<128xi32, #tpu.memory_space<hbm>>
          tpu.enqueue_dma source(%dma_start3A_427 : memref<128xi32, #tpu.memory_space<hbm>>) target(%dma_start3A_426 : memref<128xi32, #tpu.memory_space<vmem>>) target_semaphore(%arg16 : memref<!tpu.dma_semaphore, #tpu.memory_space<semaphore_mem>>)
          %dma_start3A_428 = arith.constant 4 : i32
          %dma_start3A_429 = arith.constant 0 : i32
          %dma_start3A_430 = tpu.memref_slice %arg7[%dma_start3A_428, %dma_start3A_429] : memref<6x128xi32, #tpu.memory_space<vmem>> -> memref<1x128xi32, #tpu.memory_space<vmem>>
          %dma_start3A_431 = tpu.memref_squeeze %dma_start3A_430 : memref<1x128xi32, #tpu.memory_space<vmem>> -> memref<128xi32, #tpu.memory_space<vmem>>
          %dma_start3A_432 = tpu.memref_slice %arg4[%multiple_of3A_418] : memref<320000xi32, #tpu.memory_space<hbm>> -> memref<128xi32, #tpu.memory_space<hbm>>
          %dma_start3A_433 = arith.constant 0 : i32
          %dma_start3A_434 = tpu.memref_slice %arg7[%dma_start3A_428, %dma_start3A_433] : memref<6x128xi32, #tpu.memory_space<vmem>> -> memref<1x128xi32, #tpu.memory_space<vmem>>
          %dma_start3A_435 = tpu.memref_squeeze %dma_start3A_434 : memref<1x128xi32, #tpu.memory_space<vmem>> -> memref<128xi32, #tpu.memory_space<vmem>>
          %dma_start3A_436 = tpu.memref_slice %arg4[%multiple_of3A_418] : memref<320000xi32, #tpu.memory_space<hbm>> -> memref<128xi32, #tpu.memory_space<hbm>>
          tpu.enqueue_dma source(%dma_start3A_436 : memref<128xi32, #tpu.memory_space<hbm>>) target(%dma_start3A_435 : memref<128xi32, #tpu.memory_space<vmem>>) target_semaphore(%arg16 : memref<!tpu.dma_semaphore, #tpu.memory_space<semaphore_mem>>)
        } else {
        }
        %add3A_377 = arith.constant 1 : i32
        %add3A_378 = arith.addi %add3A_170, %add3A_377 : i32
        %mul3A_379 = arith.constant 128 : i32
        %mul3A_380 = arith.muli %add3A_378, %mul3A_379 : i32
        %add3A_381 = arith.addi %mul3A_2, %mul3A_380 : i32
        %multiple_of3A_382 = tpu.assume_multiple %add3A_381, 8 : i32
        %dma_wait3A_383 = arith.constant 1 : i32
        %dma_wait3A_384 = arith.constant 0 : i32
        %dma_wait3A_385 = tpu.memref_slice %arg6[%dma_wait3A_383, %dma_wait3A_384] : memref<6x128xi32, #tpu.memory_space<vmem>> -> memref<1x128xi32, #tpu.memory_space<vmem>>
        %dma_wait3A_386 = tpu.memref_squeeze %dma_wait3A_385 : memref<1x128xi32, #tpu.memory_space<vmem>> -> memref<128xi32, #tpu.memory_space<vmem>>
        %dma_wait3A_387 = tpu.memref_slice %arg3[%multiple_of3A_382] : memref<320000xi32, #tpu.memory_space<hbm>> -> memref<128xi32, #tpu.memory_space<hbm>>
        %dma_wait3A_388 = arith.constant 0 : i32
        %dma_wait3A_389 = tpu.memref_slice %arg6[%dma_wait3A_383, %dma_wait3A_388] : memref<6x128xi32, #tpu.memory_space<vmem>> -> memref<1x128xi32, #tpu.memory_space<vmem>>
        %dma_wait3A_390 = tpu.memref_squeeze %dma_wait3A_389 : memref<1x128xi32, #tpu.memory_space<vmem>> -> memref<128xi32, #tpu.memory_space<vmem>>
        %dma_wait3A_391 = tpu.memref_slice %arg3[%multiple_of3A_382] : memref<320000xi32, #tpu.memory_space<hbm>> -> memref<128xi32, #tpu.memory_space<hbm>>
        tpu.wait_dma2 semaphore(%arg13 : memref<!tpu.dma_semaphore, #tpu.memory_space<semaphore_mem>>) src(%dma_wait3A_391 : memref<128xi32, #tpu.memory_space<hbm>>) dst(%dma_wait3A_390 : memref<128xi32, #tpu.memory_space<vmem>>)
        %dma_wait3A_392 = arith.constant 1 : i32
        %dma_wait3A_393 = arith.constant 0 : i32
        %dma_wait3A_394 = tpu.memref_slice %arg7[%dma_wait3A_392, %dma_wait3A_393] : memref<6x128xi32, #tpu.memory_space<vmem>> -> memref<1x128xi32, #tpu.memory_space<vmem>>
        %dma_wait3A_395 = tpu.memref_squeeze %dma_wait3A_394 : memref<1x128xi32, #tpu.memory_space<vmem>> -> memref<128xi32, #tpu.memory_space<vmem>>
        %dma_wait3A_396 = tpu.memref_slice %arg4[%multiple_of3A_382] : memref<320000xi32, #tpu.memory_space<hbm>> -> memref<128xi32, #tpu.memory_space<hbm>>
        %dma_wait3A_397 = arith.constant 0 : i32
        %dma_wait3A_398 = tpu.memref_slice %arg7[%dma_wait3A_392, %dma_wait3A_397] : memref<6x128xi32, #tpu.memory_space<vmem>> -> memref<1x128xi32, #tpu.memory_space<vmem>>
        %dma_wait3A_399 = tpu.memref_squeeze %dma_wait3A_398 : memref<1x128xi32, #tpu.memory_space<vmem>> -> memref<128xi32, #tpu.memory_space<vmem>>
        %dma_wait3A_400 = tpu.memref_slice %arg4[%multiple_of3A_382] : memref<320000xi32, #tpu.memory_space<hbm>> -> memref<128xi32, #tpu.memory_space<hbm>>
        tpu.wait_dma2 semaphore(%arg13 : memref<!tpu.dma_semaphore, #tpu.memory_space<semaphore_mem>>) src(%dma_wait3A_400 : memref<128xi32, #tpu.memory_space<hbm>>) dst(%dma_wait3A_399 : memref<128xi32, #tpu.memory_space<vmem>>)
        %dma_start3A_401 = arith.constant 1 : i32
        %dma_start3A_402 = arith.constant 1 : i32
        %dma_start3A_403 = arith.constant 0 : i32
        %dma_start3A_404 = arith.constant 0 : i32
        %dma_start3A_405 = tpu.memref_slice %arg10[%dma_start3A_402, %dma_start3A_403, %dma_start3A_404] : memref<2x128x128xf32, #tpu.memory_space<vmem>> -> memref<1x128x128xf32, #tpu.memory_space<vmem>>
        %dma_start3A_406 = tpu.memref_squeeze %dma_start3A_405 : memref<1x128x128xf32, #tpu.memory_space<vmem>> -> memref<128x128xf32, #tpu.memory_space<vmem>>
        %dma_start3A_407 = arith.constant 0 : i32
        %dma_start3A_408 = tpu.memref_slice %arg6[%dma_start3A_401, %dma_start3A_407] : memref<6x128xi32, #tpu.memory_space<vmem>> -> memref<1x128xi32, #tpu.memory_space<vmem>>
        %dma_start3A_409 = tpu.memref_squeeze %dma_start3A_408 : memref<1x128xi32, #tpu.memory_space<vmem>> -> memref<128xi32, #tpu.memory_space<vmem>>
        %dma_start3A_410 = arith.constant 0 : i32
        %dma_start3A_411 = arith.constant 0 : i32
        %dma_start3A_412 = tpu.memref_slice %arg2[%dma_start3A_410, %dma_start3A_411] : memref<10000x128xf32, #tpu.memory_space<hbm>> -> memref<10000x128xf32, #tpu.memory_space<hbm>>
        tpu.enqueue_indirect_dma source(%dma_start3A_412 : memref<10000x128xf32, #tpu.memory_space<hbm>>) target(%dma_start3A_406 : memref<128x128xf32, #tpu.memory_space<vmem>>) offsets(%dma_start3A_409 : memref<128xi32, #tpu.memory_space<vmem>>) semaphore(%arg19 : memref<!tpu.dma_semaphore, #tpu.memory_space<semaphore_mem>>)
      } else {
      }
      %add3A_201 = arith.constant 1 : i32
      %add3A_202 = arith.addi %mul3A_168, %add3A_201 : i32
      %dma_wait3A_203 = arith.constant 1 : i32
      %dma_wait3A_204 = arith.constant 1 : i32
      %dma_wait3A_205 = arith.constant 0 : i32
      %dma_wait3A_206 = arith.constant 0 : i32
      %dma_wait3A_207 = tpu.memref_slice %arg10[%dma_wait3A_204, %dma_wait3A_205, %dma_wait3A_206] : memref<2x128x128xf32, #tpu.memory_space<vmem>> -> memref<1x128x128xf32, #tpu.memory_space<vmem>>
      %dma_wait3A_208 = tpu.memref_squeeze %dma_wait3A_207 : memref<1x128x128xf32, #tpu.memory_space<vmem>> -> memref<128x128xf32, #tpu.memory_space<vmem>>
      %dma_wait3A_209 = arith.constant 0 : i32
      %dma_wait3A_210 = tpu.memref_slice %arg6[%dma_wait3A_203, %dma_wait3A_209] : memref<6x128xi32, #tpu.memory_space<vmem>> -> memref<1x128xi32, #tpu.memory_space<vmem>>
      %dma_wait3A_211 = tpu.memref_squeeze %dma_wait3A_210 : memref<1x128xi32, #tpu.memory_space<vmem>> -> memref<128xi32, #tpu.memory_space<vmem>>
      %dma_wait3A_212 = arith.constant 0 : i32
      %dma_wait3A_213 = arith.constant 0 : i32
      %dma_wait3A_214 = tpu.memref_slice %arg2[%dma_wait3A_212, %dma_wait3A_213] : memref<10000x128xf32, #tpu.memory_space<hbm>> -> memref<10000x128xf32, #tpu.memory_space<hbm>>
      tpu.wait_indirect_dma semaphore(%arg19 : memref<!tpu.dma_semaphore, #tpu.memory_space<semaphore_mem>>) src(%dma_wait3A_214 : memref<10000x128xf32, #tpu.memory_space<hbm>>) dst(%dma_wait3A_208 : memref<128x128xf32, #tpu.memory_space<vmem>>)
      %dma_start3A_215 = arith.constant 1 : i32
      %dma_start3A_216 = arith.constant 1 : i32
      %dma_start3A_217 = arith.constant 0 : i32
      %dma_start3A_218 = arith.constant 0 : i32
      %dma_start3A_219 = tpu.memref_slice %arg10[%dma_start3A_215, %dma_start3A_217, %dma_start3A_218] : memref<2x128x128xf32, #tpu.memory_space<vmem>> -> memref<1x128x128xf32, #tpu.memory_space<vmem>>
      %dma_start3A_220 = tpu.memref_squeeze %dma_start3A_219 : memref<1x128x128xf32, #tpu.memory_space<vmem>> -> memref<128x128xf32, #tpu.memory_space<vmem>>
      %dma_start3A_221 = arith.constant 0 : i32
      %dma_start3A_222 = tpu.memref_slice %arg7[%dma_start3A_216, %dma_start3A_221] : memref<6x128xi32, #tpu.memory_space<vmem>> -> memref<1x128xi32, #tpu.memory_space<vmem>>
      %dma_start3A_223 = tpu.memref_squeeze %dma_start3A_222 : memref<1x128xi32, #tpu.memory_space<vmem>> -> memref<128xi32, #tpu.memory_space<vmem>>
      %dma_start3A_224 = arith.constant 0 : i32
      %dma_start3A_225 = arith.constant 0 : i32
      %dma_start3A_226 = tpu.memref_slice %arg11[%dma_start3A_224, %dma_start3A_225] : memref<10000x128xf32, #tpu.memory_space<vmem_shared>> -> memref<10000x128xf32, #tpu.memory_space<vmem_shared>>
      tpu.enqueue_indirect_dma source(%dma_start3A_220 : memref<128x128xf32, #tpu.memory_space<vmem>>) target(%dma_start3A_226 : memref<10000x128xf32, #tpu.memory_space<vmem_shared>>) offsets(%dma_start3A_223 : memref<128xi32, #tpu.memory_space<vmem>>) semaphore(%arg21 : memref<!tpu.dma_semaphore, #tpu.memory_space<semaphore_mem>>) {add = true}
      %add3A_227 = arith.constant 1 : i32
      %add3A_228 = arith.addi %add3A_202, %add3A_227 : i32
      %lt3A_229 = arith.constant 78 : i32
      %lt3A_230 = arith.cmpi slt, %add3A_228, %lt3A_229 : i32
      %convert_element_type3A_231 = arith.extui %lt3A_230 : i1 to i32
      %cond3A_232 = arith.constant 0 : i32
      %cond3A_233 = arith.cmpi ne, %convert_element_type3A_231, %cond3A_232 : i32
      scf.if %cond3A_233 {
        %ge3A = arith.constant 1 : i32
        %ge3A_366 = arith.cmpi sge, %add3A_202, %ge3A : i32
        %convert_element_type3A_367 = arith.extui %ge3A_366 : i1 to i32
        %cond3A_368 = arith.constant 0 : i32
        %cond3A_369 = arith.cmpi ne, %convert_element_type3A_367, %cond3A_368 : i32
        scf.if %cond3A_369 {
          %dma_wait3A_413 = arith.constant 0 : i32
          %dma_wait3A_414 = arith.constant 0 : i32
          %dma_wait3A_415 = arith.constant 0 : i32
          %dma_wait3A_416 = arith.constant 0 : i32
          %dma_wait3A_417 = tpu.memref_slice %arg10[%dma_wait3A_413, %dma_wait3A_415, %dma_wait3A_416] : memref<2x128x128xf32, #tpu.memory_space<vmem>> -> memref<1x128x128xf32, #tpu.memory_space<vmem>>
          %dma_wait3A_418 = tpu.memref_squeeze %dma_wait3A_417 : memref<1x128x128xf32, #tpu.memory_space<vmem>> -> memref<128x128xf32, #tpu.memory_space<vmem>>
          %dma_wait3A_419 = arith.constant 0 : i32
          %dma_wait3A_420 = tpu.memref_slice %arg7[%dma_wait3A_414, %dma_wait3A_419] : memref<6x128xi32, #tpu.memory_space<vmem>> -> memref<1x128xi32, #tpu.memory_space<vmem>>
          %dma_wait3A_421 = tpu.memref_squeeze %dma_wait3A_420 : memref<1x128xi32, #tpu.memory_space<vmem>> -> memref<128xi32, #tpu.memory_space<vmem>>
          %dma_wait3A_422 = arith.constant 0 : i32
          %dma_wait3A_423 = arith.constant 0 : i32
          %dma_wait3A_424 = tpu.memref_slice %arg11[%dma_wait3A_422, %dma_wait3A_423] : memref<10000x128xf32, #tpu.memory_space<vmem_shared>> -> memref<10000x128xf32, #tpu.memory_space<vmem_shared>>
          tpu.wait_indirect_dma semaphore(%arg20 : memref<!tpu.dma_semaphore, #tpu.memory_space<semaphore_mem>>) src(%dma_wait3A_418 : memref<128x128xf32, #tpu.memory_space<vmem>>) dst(%dma_wait3A_424 : memref<10000x128xf32, #tpu.memory_space<vmem_shared>>)
        } else {
        }
        %add3A_370 = arith.constant 4 : i32
        %add3A_371 = arith.addi %add3A_202, %add3A_370 : i32
        %lt3A_372 = arith.constant 78 : i32
        %lt3A_373 = arith.cmpi slt, %add3A_371, %lt3A_372 : i32
        %convert_element_type3A_374 = arith.extui %lt3A_373 : i1 to i32
        %cond3A_375 = arith.constant 0 : i32
        %cond3A_376 = arith.cmpi ne, %convert_element_type3A_374, %cond3A_375 : i32
        scf.if %cond3A_376 {
          %add3A_413 = arith.constant 4 : i32
          %add3A_414 = arith.addi %add3A_202, %add3A_413 : i32
          %mul3A_415 = arith.constant 128 : i32
          %mul3A_416 = arith.muli %add3A_414, %mul3A_415 : i32
          %add3A_417 = arith.addi %mul3A_2, %mul3A_416 : i32
          %multiple_of3A_418 = tpu.assume_multiple %add3A_417, 8 : i32
          %dma_start3A_419 = arith.constant 5 : i32
          %dma_start3A_420 = arith.constant 0 : i32
          %dma_start3A_421 = tpu.memref_slice %arg6[%dma_start3A_419, %dma_start3A_420] : memref<6x128xi32, #tpu.memory_space<vmem>> -> memref<1x128xi32, #tpu.memory_space<vmem>>
          %dma_start3A_422 = tpu.memref_squeeze %dma_start3A_421 : memref<1x128xi32, #tpu.memory_space<vmem>> -> memref<128xi32, #tpu.memory_space<vmem>>
          %dma_start3A_423 = tpu.memref_slice %arg3[%multiple_of3A_418] : memref<320000xi32, #tpu.memory_space<hbm>> -> memref<128xi32, #tpu.memory_space<hbm>>
          %dma_start3A_424 = arith.constant 0 : i32
          %dma_start3A_425 = tpu.memref_slice %arg6[%dma_start3A_419, %dma_start3A_424] : memref<6x128xi32, #tpu.memory_space<vmem>> -> memref<1x128xi32, #tpu.memory_space<vmem>>
          %dma_start3A_426 = tpu.memref_squeeze %dma_start3A_425 : memref<1x128xi32, #tpu.memory_space<vmem>> -> memref<128xi32, #tpu.memory_space<vmem>>
          %dma_start3A_427 = tpu.memref_slice %arg3[%multiple_of3A_418] : memref<320000xi32, #tpu.memory_space<hbm>> -> memref<128xi32, #tpu.memory_space<hbm>>
          tpu.enqueue_dma source(%dma_start3A_427 : memref<128xi32, #tpu.memory_space<hbm>>) target(%dma_start3A_426 : memref<128xi32, #tpu.memory_space<vmem>>) target_semaphore(%arg17 : memref<!tpu.dma_semaphore, #tpu.memory_space<semaphore_mem>>)
          %dma_start3A_428 = arith.constant 5 : i32
          %dma_start3A_429 = arith.constant 0 : i32
          %dma_start3A_430 = tpu.memref_slice %arg7[%dma_start3A_428, %dma_start3A_429] : memref<6x128xi32, #tpu.memory_space<vmem>> -> memref<1x128xi32, #tpu.memory_space<vmem>>
          %dma_start3A_431 = tpu.memref_squeeze %dma_start3A_430 : memref<1x128xi32, #tpu.memory_space<vmem>> -> memref<128xi32, #tpu.memory_space<vmem>>
          %dma_start3A_432 = tpu.memref_slice %arg4[%multiple_of3A_418] : memref<320000xi32, #tpu.memory_space<hbm>> -> memref<128xi32, #tpu.memory_space<hbm>>
          %dma_start3A_433 = arith.constant 0 : i32
          %dma_start3A_434 = tpu.memref_slice %arg7[%dma_start3A_428, %dma_start3A_433] : memref<6x128xi32, #tpu.memory_space<vmem>> -> memref<1x128xi32, #tpu.memory_space<vmem>>
          %dma_start3A_435 = tpu.memref_squeeze %dma_start3A_434 : memref<1x128xi32, #tpu.memory_space<vmem>> -> memref<128xi32, #tpu.memory_space<vmem>>
          %dma_start3A_436 = tpu.memref_slice %arg4[%multiple_of3A_418] : memref<320000xi32, #tpu.memory_space<hbm>> -> memref<128xi32, #tpu.memory_space<hbm>>
          tpu.enqueue_dma source(%dma_start3A_436 : memref<128xi32, #tpu.memory_space<hbm>>) target(%dma_start3A_435 : memref<128xi32, #tpu.memory_space<vmem>>) target_semaphore(%arg17 : memref<!tpu.dma_semaphore, #tpu.memory_space<semaphore_mem>>)
        } else {
        }
        %add3A_377 = arith.constant 1 : i32
        %add3A_378 = arith.addi %add3A_202, %add3A_377 : i32
        %mul3A_379 = arith.constant 128 : i32
        %mul3A_380 = arith.muli %add3A_378, %mul3A_379 : i32
        %add3A_381 = arith.addi %mul3A_2, %mul3A_380 : i32
        %multiple_of3A_382 = tpu.assume_multiple %add3A_381, 8 : i32
        %dma_wait3A_383 = arith.constant 2 : i32
        %dma_wait3A_384 = arith.constant 0 : i32
        %dma_wait3A_385 = tpu.memref_slice %arg6[%dma_wait3A_383, %dma_wait3A_384] : memref<6x128xi32, #tpu.memory_space<vmem>> -> memref<1x128xi32, #tpu.memory_space<vmem>>
        %dma_wait3A_386 = tpu.memref_squeeze %dma_wait3A_385 : memref<1x128xi32, #tpu.memory_space<vmem>> -> memref<128xi32, #tpu.memory_space<vmem>>
        %dma_wait3A_387 = tpu.memref_slice %arg3[%multiple_of3A_382] : memref<320000xi32, #tpu.memory_space<hbm>> -> memref<128xi32, #tpu.memory_space<hbm>>
        %dma_wait3A_388 = arith.constant 0 : i32
        %dma_wait3A_389 = tpu.memref_slice %arg6[%dma_wait3A_383, %dma_wait3A_388] : memref<6x128xi32, #tpu.memory_space<vmem>> -> memref<1x128xi32, #tpu.memory_space<vmem>>
        %dma_wait3A_390 = tpu.memref_squeeze %dma_wait3A_389 : memref<1x128xi32, #tpu.memory_space<vmem>> -> memref<128xi32, #tpu.memory_space<vmem>>
        %dma_wait3A_391 = tpu.memref_slice %arg3[%multiple_of3A_382] : memref<320000xi32, #tpu.memory_space<hbm>> -> memref<128xi32, #tpu.memory_space<hbm>>
        tpu.wait_dma2 semaphore(%arg14 : memref<!tpu.dma_semaphore, #tpu.memory_space<semaphore_mem>>) src(%dma_wait3A_391 : memref<128xi32, #tpu.memory_space<hbm>>) dst(%dma_wait3A_390 : memref<128xi32, #tpu.memory_space<vmem>>)
        %dma_wait3A_392 = arith.constant 2 : i32
        %dma_wait3A_393 = arith.constant 0 : i32
        %dma_wait3A_394 = tpu.memref_slice %arg7[%dma_wait3A_392, %dma_wait3A_393] : memref<6x128xi32, #tpu.memory_space<vmem>> -> memref<1x128xi32, #tpu.memory_space<vmem>>
        %dma_wait3A_395 = tpu.memref_squeeze %dma_wait3A_394 : memref<1x128xi32, #tpu.memory_space<vmem>> -> memref<128xi32, #tpu.memory_space<vmem>>
        %dma_wait3A_396 = tpu.memref_slice %arg4[%multiple_of3A_382] : memref<320000xi32, #tpu.memory_space<hbm>> -> memref<128xi32, #tpu.memory_space<hbm>>
        %dma_wait3A_397 = arith.constant 0 : i32
        %dma_wait3A_398 = tpu.memref_slice %arg7[%dma_wait3A_392, %dma_wait3A_397] : memref<6x128xi32, #tpu.memory_space<vmem>> -> memref<1x128xi32, #tpu.memory_space<vmem>>
        %dma_wait3A_399 = tpu.memref_squeeze %dma_wait3A_398 : memref<1x128xi32, #tpu.memory_space<vmem>> -> memref<128xi32, #tpu.memory_space<vmem>>
        %dma_wait3A_400 = tpu.memref_slice %arg4[%multiple_of3A_382] : memref<320000xi32, #tpu.memory_space<hbm>> -> memref<128xi32, #tpu.memory_space<hbm>>
        tpu.wait_dma2 semaphore(%arg14 : memref<!tpu.dma_semaphore, #tpu.memory_space<semaphore_mem>>) src(%dma_wait3A_400 : memref<128xi32, #tpu.memory_space<hbm>>) dst(%dma_wait3A_399 : memref<128xi32, #tpu.memory_space<vmem>>)
        %dma_start3A_401 = arith.constant 2 : i32
        %dma_start3A_402 = arith.constant 0 : i32
        %dma_start3A_403 = arith.constant 0 : i32
        %dma_start3A_404 = arith.constant 0 : i32
        %dma_start3A_405 = tpu.memref_slice %arg10[%dma_start3A_402, %dma_start3A_403, %dma_start3A_404] : memref<2x128x128xf32, #tpu.memory_space<vmem>> -> memref<1x128x128xf32, #tpu.memory_space<vmem>>
        %dma_start3A_406 = tpu.memref_squeeze %dma_start3A_405 : memref<1x128x128xf32, #tpu.memory_space<vmem>> -> memref<128x128xf32, #tpu.memory_space<vmem>>
        %dma_start3A_407 = arith.constant 0 : i32
        %dma_start3A_408 = tpu.memref_slice %arg6[%dma_start3A_401, %dma_start3A_407] : memref<6x128xi32, #tpu.memory_space<vmem>> -> memref<1x128xi32, #tpu.memory_space<vmem>>
        %dma_start3A_409 = tpu.memref_squeeze %dma_start3A_408 : memref<1x128xi32, #tpu.memory_space<vmem>> -> memref<128xi32, #tpu.memory_space<vmem>>
        %dma_start3A_410 = arith.constant 0 : i32
        %dma_start3A_411 = arith.constant 0 : i32
        %dma_start3A_412 = tpu.memref_slice %arg2[%dma_start3A_410, %dma_start3A_411] : memref<10000x128xf32, #tpu.memory_space<hbm>> -> memref<10000x128xf32, #tpu.memory_space<hbm>>
        tpu.enqueue_indirect_dma source(%dma_start3A_412 : memref<10000x128xf32, #tpu.memory_space<hbm>>) target(%dma_start3A_406 : memref<128x128xf32, #tpu.memory_space<vmem>>) offsets(%dma_start3A_409 : memref<128xi32, #tpu.memory_space<vmem>>) semaphore(%arg18 : memref<!tpu.dma_semaphore, #tpu.memory_space<semaphore_mem>>)
      } else {
      }
      %add3A_234 = arith.constant 2 : i32
      %add3A_235 = arith.addi %mul3A_168, %add3A_234 : i32
      %dma_wait3A_236 = arith.constant 2 : i32
      %dma_wait3A_237 = arith.constant 0 : i32
      %dma_wait3A_238 = arith.constant 0 : i32
      %dma_wait3A_239 = arith.constant 0 : i32
      %dma_wait3A_240 = tpu.memref_slice %arg10[%dma_wait3A_237, %dma_wait3A_238, %dma_wait3A_239] : memref<2x128x128xf32, #tpu.memory_space<vmem>> -> memref<1x128x128xf32, #tpu.memory_space<vmem>>
      %dma_wait3A_241 = tpu.memref_squeeze %dma_wait3A_240 : memref<1x128x128xf32, #tpu.memory_space<vmem>> -> memref<128x128xf32, #tpu.memory_space<vmem>>
      %dma_wait3A_242 = arith.constant 0 : i32
      %dma_wait3A_243 = tpu.memref_slice %arg6[%dma_wait3A_236, %dma_wait3A_242] : memref<6x128xi32, #tpu.memory_space<vmem>> -> memref<1x128xi32, #tpu.memory_space<vmem>>
      %dma_wait3A_244 = tpu.memref_squeeze %dma_wait3A_243 : memref<1x128xi32, #tpu.memory_space<vmem>> -> memref<128xi32, #tpu.memory_space<vmem>>
      %dma_wait3A_245 = arith.constant 0 : i32
      %dma_wait3A_246 = arith.constant 0 : i32
      %dma_wait3A_247 = tpu.memref_slice %arg2[%dma_wait3A_245, %dma_wait3A_246] : memref<10000x128xf32, #tpu.memory_space<hbm>> -> memref<10000x128xf32, #tpu.memory_space<hbm>>
      tpu.wait_indirect_dma semaphore(%arg18 : memref<!tpu.dma_semaphore, #tpu.memory_space<semaphore_mem>>) src(%dma_wait3A_247 : memref<10000x128xf32, #tpu.memory_space<hbm>>) dst(%dma_wait3A_241 : memref<128x128xf32, #tpu.memory_space<vmem>>)
      %dma_start3A_248 = arith.constant 0 : i32
      %dma_start3A_249 = arith.constant 2 : i32
      %dma_start3A_250 = arith.constant 0 : i32
      %dma_start3A_251 = arith.constant 0 : i32
      %dma_start3A_252 = tpu.memref_slice %arg10[%dma_start3A_248, %dma_start3A_250, %dma_start3A_251] : memref<2x128x128xf32, #tpu.memory_space<vmem>> -> memref<1x128x128xf32, #tpu.memory_space<vmem>>
      %dma_start3A_253 = tpu.memref_squeeze %dma_start3A_252 : memref<1x128x128xf32, #tpu.memory_space<vmem>> -> memref<128x128xf32, #tpu.memory_space<vmem>>
      %dma_start3A_254 = arith.constant 0 : i32
      %dma_start3A_255 = tpu.memref_slice %arg7[%dma_start3A_249, %dma_start3A_254] : memref<6x128xi32, #tpu.memory_space<vmem>> -> memref<1x128xi32, #tpu.memory_space<vmem>>
      %dma_start3A_256 = tpu.memref_squeeze %dma_start3A_255 : memref<1x128xi32, #tpu.memory_space<vmem>> -> memref<128xi32, #tpu.memory_space<vmem>>
      %dma_start3A_257 = arith.constant 0 : i32
      %dma_start3A_258 = arith.constant 0 : i32
      %dma_start3A_259 = tpu.memref_slice %arg11[%dma_start3A_257, %dma_start3A_258] : memref<10000x128xf32, #tpu.memory_space<vmem_shared>> -> memref<10000x128xf32, #tpu.memory_space<vmem_shared>>
      tpu.enqueue_indirect_dma source(%dma_start3A_253 : memref<128x128xf32, #tpu.memory_space<vmem>>) target(%dma_start3A_259 : memref<10000x128xf32, #tpu.memory_space<vmem_shared>>) offsets(%dma_start3A_256 : memref<128xi32, #tpu.memory_space<vmem>>) semaphore(%arg20 : memref<!tpu.dma_semaphore, #tpu.memory_space<semaphore_mem>>) {add = true}
      %add3A_260 = arith.constant 1 : i32
      %add3A_261 = arith.addi %add3A_235, %add3A_260 : i32
      %lt3A_262 = arith.constant 78 : i32
      %lt3A_263 = arith.cmpi slt, %add3A_261, %lt3A_262 : i32
      %convert_element_type3A_264 = arith.extui %lt3A_263 : i1 to i32
      %cond3A_265 = arith.constant 0 : i32
      %cond3A_266 = arith.cmpi ne, %convert_element_type3A_264, %cond3A_265 : i32
      scf.if %cond3A_266 {
        %ge3A = arith.constant 1 : i32
        %ge3A_366 = arith.cmpi sge, %add3A_235, %ge3A : i32
        %convert_element_type3A_367 = arith.extui %ge3A_366 : i1 to i32
        %cond3A_368 = arith.constant 0 : i32
        %cond3A_369 = arith.cmpi ne, %convert_element_type3A_367, %cond3A_368 : i32
        scf.if %cond3A_369 {
          %dma_wait3A_413 = arith.constant 1 : i32
          %dma_wait3A_414 = arith.constant 1 : i32
          %dma_wait3A_415 = arith.constant 0 : i32
          %dma_wait3A_416 = arith.constant 0 : i32
          %dma_wait3A_417 = tpu.memref_slice %arg10[%dma_wait3A_413, %dma_wait3A_415, %dma_wait3A_416] : memref<2x128x128xf32, #tpu.memory_space<vmem>> -> memref<1x128x128xf32, #tpu.memory_space<vmem>>
          %dma_wait3A_418 = tpu.memref_squeeze %dma_wait3A_417 : memref<1x128x128xf32, #tpu.memory_space<vmem>> -> memref<128x128xf32, #tpu.memory_space<vmem>>
          %dma_wait3A_419 = arith.constant 0 : i32
          %dma_wait3A_420 = tpu.memref_slice %arg7[%dma_wait3A_414, %dma_wait3A_419] : memref<6x128xi32, #tpu.memory_space<vmem>> -> memref<1x128xi32, #tpu.memory_space<vmem>>
          %dma_wait3A_421 = tpu.memref_squeeze %dma_wait3A_420 : memref<1x128xi32, #tpu.memory_space<vmem>> -> memref<128xi32, #tpu.memory_space<vmem>>
          %dma_wait3A_422 = arith.constant 0 : i32
          %dma_wait3A_423 = arith.constant 0 : i32
          %dma_wait3A_424 = tpu.memref_slice %arg11[%dma_wait3A_422, %dma_wait3A_423] : memref<10000x128xf32, #tpu.memory_space<vmem_shared>> -> memref<10000x128xf32, #tpu.memory_space<vmem_shared>>
          tpu.wait_indirect_dma semaphore(%arg21 : memref<!tpu.dma_semaphore, #tpu.memory_space<semaphore_mem>>) src(%dma_wait3A_418 : memref<128x128xf32, #tpu.memory_space<vmem>>) dst(%dma_wait3A_424 : memref<10000x128xf32, #tpu.memory_space<vmem_shared>>)
        } else {
        }
        %add3A_370 = arith.constant 4 : i32
        %add3A_371 = arith.addi %add3A_235, %add3A_370 : i32
        %lt3A_372 = arith.constant 78 : i32
        %lt3A_373 = arith.cmpi slt, %add3A_371, %lt3A_372 : i32
        %convert_element_type3A_374 = arith.extui %lt3A_373 : i1 to i32
        %cond3A_375 = arith.constant 0 : i32
        %cond3A_376 = arith.cmpi ne, %convert_element_type3A_374, %cond3A_375 : i32
        scf.if %cond3A_376 {
          %add3A_413 = arith.constant 4 : i32
          %add3A_414 = arith.addi %add3A_235, %add3A_413 : i32
          %mul3A_415 = arith.constant 128 : i32
          %mul3A_416 = arith.muli %add3A_414, %mul3A_415 : i32
          %add3A_417 = arith.addi %mul3A_2, %mul3A_416 : i32
          %multiple_of3A_418 = tpu.assume_multiple %add3A_417, 8 : i32
          %dma_start3A_419 = arith.constant 0 : i32
          %dma_start3A_420 = arith.constant 0 : i32
          %dma_start3A_421 = tpu.memref_slice %arg6[%dma_start3A_419, %dma_start3A_420] : memref<6x128xi32, #tpu.memory_space<vmem>> -> memref<1x128xi32, #tpu.memory_space<vmem>>
          %dma_start3A_422 = tpu.memref_squeeze %dma_start3A_421 : memref<1x128xi32, #tpu.memory_space<vmem>> -> memref<128xi32, #tpu.memory_space<vmem>>
          %dma_start3A_423 = tpu.memref_slice %arg3[%multiple_of3A_418] : memref<320000xi32, #tpu.memory_space<hbm>> -> memref<128xi32, #tpu.memory_space<hbm>>
          %dma_start3A_424 = arith.constant 0 : i32
          %dma_start3A_425 = tpu.memref_slice %arg6[%dma_start3A_419, %dma_start3A_424] : memref<6x128xi32, #tpu.memory_space<vmem>> -> memref<1x128xi32, #tpu.memory_space<vmem>>
          %dma_start3A_426 = tpu.memref_squeeze %dma_start3A_425 : memref<1x128xi32, #tpu.memory_space<vmem>> -> memref<128xi32, #tpu.memory_space<vmem>>
          %dma_start3A_427 = tpu.memref_slice %arg3[%multiple_of3A_418] : memref<320000xi32, #tpu.memory_space<hbm>> -> memref<128xi32, #tpu.memory_space<hbm>>
          tpu.enqueue_dma source(%dma_start3A_427 : memref<128xi32, #tpu.memory_space<hbm>>) target(%dma_start3A_426 : memref<128xi32, #tpu.memory_space<vmem>>) target_semaphore(%arg12 : memref<!tpu.dma_semaphore, #tpu.memory_space<semaphore_mem>>)
          %dma_start3A_428 = arith.constant 0 : i32
          %dma_start3A_429 = arith.constant 0 : i32
          %dma_start3A_430 = tpu.memref_slice %arg7[%dma_start3A_428, %dma_start3A_429] : memref<6x128xi32, #tpu.memory_space<vmem>> -> memref<1x128xi32, #tpu.memory_space<vmem>>
          %dma_start3A_431 = tpu.memref_squeeze %dma_start3A_430 : memref<1x128xi32, #tpu.memory_space<vmem>> -> memref<128xi32, #tpu.memory_space<vmem>>
          %dma_start3A_432 = tpu.memref_slice %arg4[%multiple_of3A_418] : memref<320000xi32, #tpu.memory_space<hbm>> -> memref<128xi32, #tpu.memory_space<hbm>>
          %dma_start3A_433 = arith.constant 0 : i32
          %dma_start3A_434 = tpu.memref_slice %arg7[%dma_start3A_428, %dma_start3A_433] : memref<6x128xi32, #tpu.memory_space<vmem>> -> memref<1x128xi32, #tpu.memory_space<vmem>>
          %dma_start3A_435 = tpu.memref_squeeze %dma_start3A_434 : memref<1x128xi32, #tpu.memory_space<vmem>> -> memref<128xi32, #tpu.memory_space<vmem>>
          %dma_start3A_436 = tpu.memref_slice %arg4[%multiple_of3A_418] : memref<320000xi32, #tpu.memory_space<hbm>> -> memref<128xi32, #tpu.memory_space<hbm>>
          tpu.enqueue_dma source(%dma_start3A_436 : memref<128xi32, #tpu.memory_space<hbm>>) target(%dma_start3A_435 : memref<128xi32, #tpu.memory_space<vmem>>) target_semaphore(%arg12 : memref<!tpu.dma_semaphore, #tpu.memory_space<semaphore_mem>>)
        } else {
        }
        %add3A_377 = arith.constant 1 : i32
        %add3A_378 = arith.addi %add3A_235, %add3A_377 : i32
        %mul3A_379 = arith.constant 128 : i32
        %mul3A_380 = arith.muli %add3A_378, %mul3A_379 : i32
        %add3A_381 = arith.addi %mul3A_2, %mul3A_380 : i32
        %multiple_of3A_382 = tpu.assume_multiple %add3A_381, 8 : i32
        %dma_wait3A_383 = arith.constant 3 : i32
        %dma_wait3A_384 = arith.constant 0 : i32
        %dma_wait3A_385 = tpu.memref_slice %arg6[%dma_wait3A_383, %dma_wait3A_384] : memref<6x128xi32, #tpu.memory_space<vmem>> -> memref<1x128xi32, #tpu.memory_space<vmem>>
        %dma_wait3A_386 = tpu.memref_squeeze %dma_wait3A_385 : memref<1x128xi32, #tpu.memory_space<vmem>> -> memref<128xi32, #tpu.memory_space<vmem>>
        %dma_wait3A_387 = tpu.memref_slice %arg3[%multiple_of3A_382] : memref<320000xi32, #tpu.memory_space<hbm>> -> memref<128xi32, #tpu.memory_space<hbm>>
        %dma_wait3A_388 = arith.constant 0 : i32
        %dma_wait3A_389 = tpu.memref_slice %arg6[%dma_wait3A_383, %dma_wait3A_388] : memref<6x128xi32, #tpu.memory_space<vmem>> -> memref<1x128xi32, #tpu.memory_space<vmem>>
        %dma_wait3A_390 = tpu.memref_squeeze %dma_wait3A_389 : memref<1x128xi32, #tpu.memory_space<vmem>> -> memref<128xi32, #tpu.memory_space<vmem>>
        %dma_wait3A_391 = tpu.memref_slice %arg3[%multiple_of3A_382] : memref<320000xi32, #tpu.memory_space<hbm>> -> memref<128xi32, #tpu.memory_space<hbm>>
        tpu.wait_dma2 semaphore(%arg15 : memref<!tpu.dma_semaphore, #tpu.memory_space<semaphore_mem>>) src(%dma_wait3A_391 : memref<128xi32, #tpu.memory_space<hbm>>) dst(%dma_wait3A_390 : memref<128xi32, #tpu.memory_space<vmem>>)
        %dma_wait3A_392 = arith.constant 3 : i32
        %dma_wait3A_393 = arith.constant 0 : i32
        %dma_wait3A_394 = tpu.memref_slice %arg7[%dma_wait3A_392, %dma_wait3A_393] : memref<6x128xi32, #tpu.memory_space<vmem>> -> memref<1x128xi32, #tpu.memory_space<vmem>>
        %dma_wait3A_395 = tpu.memref_squeeze %dma_wait3A_394 : memref<1x128xi32, #tpu.memory_space<vmem>> -> memref<128xi32, #tpu.memory_space<vmem>>
        %dma_wait3A_396 = tpu.memref_slice %arg4[%multiple_of3A_382] : memref<320000xi32, #tpu.memory_space<hbm>> -> memref<128xi32, #tpu.memory_space<hbm>>
        %dma_wait3A_397 = arith.constant 0 : i32
        %dma_wait3A_398 = tpu.memref_slice %arg7[%dma_wait3A_392, %dma_wait3A_397] : memref<6x128xi32, #tpu.memory_space<vmem>> -> memref<1x128xi32, #tpu.memory_space<vmem>>
        %dma_wait3A_399 = tpu.memref_squeeze %dma_wait3A_398 : memref<1x128xi32, #tpu.memory_space<vmem>> -> memref<128xi32, #tpu.memory_space<vmem>>
        %dma_wait3A_400 = tpu.memref_slice %arg4[%multiple_of3A_382] : memref<320000xi32, #tpu.memory_space<hbm>> -> memref<128xi32, #tpu.memory_space<hbm>>
        tpu.wait_dma2 semaphore(%arg15 : memref<!tpu.dma_semaphore, #tpu.memory_space<semaphore_mem>>) src(%dma_wait3A_400 : memref<128xi32, #tpu.memory_space<hbm>>) dst(%dma_wait3A_399 : memref<128xi32, #tpu.memory_space<vmem>>)
        %dma_start3A_401 = arith.constant 3 : i32
        %dma_start3A_402 = arith.constant 1 : i32
        %dma_start3A_403 = arith.constant 0 : i32
        %dma_start3A_404 = arith.constant 0 : i32
        %dma_start3A_405 = tpu.memref_slice %arg10[%dma_start3A_402, %dma_start3A_403, %dma_start3A_404] : memref<2x128x128xf32, #tpu.memory_space<vmem>> -> memref<1x128x128xf32, #tpu.memory_space<vmem>>
        %dma_start3A_406 = tpu.memref_squeeze %dma_start3A_405 : memref<1x128x128xf32, #tpu.memory_space<vmem>> -> memref<128x128xf32, #tpu.memory_space<vmem>>
        %dma_start3A_407 = arith.constant 0 : i32
        %dma_start3A_408 = tpu.memref_slice %arg6[%dma_start3A_401, %dma_start3A_407] : memref<6x128xi32, #tpu.memory_space<vmem>> -> memref<1x128xi32, #tpu.memory_space<vmem>>
        %dma_start3A_409 = tpu.memref_squeeze %dma_start3A_408 : memref<1x128xi32, #tpu.memory_space<vmem>> -> memref<128xi32, #tpu.memory_space<vmem>>
        %dma_start3A_410 = arith.constant 0 : i32
        %dma_start3A_411 = arith.constant 0 : i32
        %dma_start3A_412 = tpu.memref_slice %arg2[%dma_start3A_410, %dma_start3A_411] : memref<10000x128xf32, #tpu.memory_space<hbm>> -> memref<10000x128xf32, #tpu.memory_space<hbm>>
        tpu.enqueue_indirect_dma source(%dma_start3A_412 : memref<10000x128xf32, #tpu.memory_space<hbm>>) target(%dma_start3A_406 : memref<128x128xf32, #tpu.memory_space<vmem>>) offsets(%dma_start3A_409 : memref<128xi32, #tpu.memory_space<vmem>>) semaphore(%arg19 : memref<!tpu.dma_semaphore, #tpu.memory_space<semaphore_mem>>)
      } else {
      }
      %add3A_267 = arith.constant 3 : i32
      %add3A_268 = arith.addi %mul3A_168, %add3A_267 : i32
      %dma_wait3A_269 = arith.constant 3 : i32
      %dma_wait3A_270 = arith.constant 1 : i32
      %dma_wait3A_271 = arith.constant 0 : i32
      %dma_wait3A_272 = arith.constant 0 : i32
      %dma_wait3A_273 = tpu.memref_slice %arg10[%dma_wait3A_270, %dma_wait3A_271, %dma_wait3A_272] : memref<2x128x128xf32, #tpu.memory_space<vmem>> -> memref<1x128x128xf32, #tpu.memory_space<vmem>>
      %dma_wait3A_274 = tpu.memref_squeeze %dma_wait3A_273 : memref<1x128x128xf32, #tpu.memory_space<vmem>> -> memref<128x128xf32, #tpu.memory_space<vmem>>
      %dma_wait3A_275 = arith.constant 0 : i32
      %dma_wait3A_276 = tpu.memref_slice %arg6[%dma_wait3A_269, %dma_wait3A_275] : memref<6x128xi32, #tpu.memory_space<vmem>> -> memref<1x128xi32, #tpu.memory_space<vmem>>
      %dma_wait3A_277 = tpu.memref_squeeze %dma_wait3A_276 : memref<1x128xi32, #tpu.memory_space<vmem>> -> memref<128xi32, #tpu.memory_space<vmem>>
      %dma_wait3A_278 = arith.constant 0 : i32
      %dma_wait3A_279 = arith.constant 0 : i32
      %dma_wait3A_280 = tpu.memref_slice %arg2[%dma_wait3A_278, %dma_wait3A_279] : memref<10000x128xf32, #tpu.memory_space<hbm>> -> memref<10000x128xf32, #tpu.memory_space<hbm>>
      tpu.wait_indirect_dma semaphore(%arg19 : memref<!tpu.dma_semaphore, #tpu.memory_space<semaphore_mem>>) src(%dma_wait3A_280 : memref<10000x128xf32, #tpu.memory_space<hbm>>) dst(%dma_wait3A_274 : memref<128x128xf32, #tpu.memory_space<vmem>>)
      %dma_start3A_281 = arith.constant 1 : i32
      %dma_start3A_282 = arith.constant 3 : i32
      %dma_start3A_283 = arith.constant 0 : i32
      %dma_start3A_284 = arith.constant 0 : i32
      %dma_start3A_285 = tpu.memref_slice %arg10[%dma_start3A_281, %dma_start3A_283, %dma_start3A_284] : memref<2x128x128xf32, #tpu.memory_space<vmem>> -> memref<1x128x128xf32, #tpu.memory_space<vmem>>
      %dma_start3A_286 = tpu.memref_squeeze %dma_start3A_285 : memref<1x128x128xf32, #tpu.memory_space<vmem>> -> memref<128x128xf32, #tpu.memory_space<vmem>>
      %dma_start3A_287 = arith.constant 0 : i32
      %dma_start3A_288 = tpu.memref_slice %arg7[%dma_start3A_282, %dma_start3A_287] : memref<6x128xi32, #tpu.memory_space<vmem>> -> memref<1x128xi32, #tpu.memory_space<vmem>>
      %dma_start3A_289 = tpu.memref_squeeze %dma_start3A_288 : memref<1x128xi32, #tpu.memory_space<vmem>> -> memref<128xi32, #tpu.memory_space<vmem>>
      %dma_start3A_290 = arith.constant 0 : i32
      %dma_start3A_291 = arith.constant 0 : i32
      %dma_start3A_292 = tpu.memref_slice %arg11[%dma_start3A_290, %dma_start3A_291] : memref<10000x128xf32, #tpu.memory_space<vmem_shared>> -> memref<10000x128xf32, #tpu.memory_space<vmem_shared>>
      tpu.enqueue_indirect_dma source(%dma_start3A_286 : memref<128x128xf32, #tpu.memory_space<vmem>>) target(%dma_start3A_292 : memref<10000x128xf32, #tpu.memory_space<vmem_shared>>) offsets(%dma_start3A_289 : memref<128xi32, #tpu.memory_space<vmem>>) semaphore(%arg21 : memref<!tpu.dma_semaphore, #tpu.memory_space<semaphore_mem>>) {add = true}
      %add3A_293 = arith.constant 1 : i32
      %add3A_294 = arith.addi %add3A_268, %add3A_293 : i32
      %lt3A_295 = arith.constant 78 : i32
      %lt3A_296 = arith.cmpi slt, %add3A_294, %lt3A_295 : i32
      %convert_element_type3A_297 = arith.extui %lt3A_296 : i1 to i32
      %cond3A_298 = arith.constant 0 : i32
      %cond3A_299 = arith.cmpi ne, %convert_element_type3A_297, %cond3A_298 : i32
      scf.if %cond3A_299 {
        %ge3A = arith.constant 1 : i32
        %ge3A_366 = arith.cmpi sge, %add3A_268, %ge3A : i32
        %convert_element_type3A_367 = arith.extui %ge3A_366 : i1 to i32
        %cond3A_368 = arith.constant 0 : i32
        %cond3A_369 = arith.cmpi ne, %convert_element_type3A_367, %cond3A_368 : i32
        scf.if %cond3A_369 {
          %dma_wait3A_413 = arith.constant 0 : i32
          %dma_wait3A_414 = arith.constant 2 : i32
          %dma_wait3A_415 = arith.constant 0 : i32
          %dma_wait3A_416 = arith.constant 0 : i32
          %dma_wait3A_417 = tpu.memref_slice %arg10[%dma_wait3A_413, %dma_wait3A_415, %dma_wait3A_416] : memref<2x128x128xf32, #tpu.memory_space<vmem>> -> memref<1x128x128xf32, #tpu.memory_space<vmem>>
          %dma_wait3A_418 = tpu.memref_squeeze %dma_wait3A_417 : memref<1x128x128xf32, #tpu.memory_space<vmem>> -> memref<128x128xf32, #tpu.memory_space<vmem>>
          %dma_wait3A_419 = arith.constant 0 : i32
          %dma_wait3A_420 = tpu.memref_slice %arg7[%dma_wait3A_414, %dma_wait3A_419] : memref<6x128xi32, #tpu.memory_space<vmem>> -> memref<1x128xi32, #tpu.memory_space<vmem>>
          %dma_wait3A_421 = tpu.memref_squeeze %dma_wait3A_420 : memref<1x128xi32, #tpu.memory_space<vmem>> -> memref<128xi32, #tpu.memory_space<vmem>>
          %dma_wait3A_422 = arith.constant 0 : i32
          %dma_wait3A_423 = arith.constant 0 : i32
          %dma_wait3A_424 = tpu.memref_slice %arg11[%dma_wait3A_422, %dma_wait3A_423] : memref<10000x128xf32, #tpu.memory_space<vmem_shared>> -> memref<10000x128xf32, #tpu.memory_space<vmem_shared>>
          tpu.wait_indirect_dma semaphore(%arg20 : memref<!tpu.dma_semaphore, #tpu.memory_space<semaphore_mem>>) src(%dma_wait3A_418 : memref<128x128xf32, #tpu.memory_space<vmem>>) dst(%dma_wait3A_424 : memref<10000x128xf32, #tpu.memory_space<vmem_shared>>)
        } else {
        }
        %add3A_370 = arith.constant 4 : i32
        %add3A_371 = arith.addi %add3A_268, %add3A_370 : i32
        %lt3A_372 = arith.constant 78 : i32
        %lt3A_373 = arith.cmpi slt, %add3A_371, %lt3A_372 : i32
        %convert_element_type3A_374 = arith.extui %lt3A_373 : i1 to i32
        %cond3A_375 = arith.constant 0 : i32
        %cond3A_376 = arith.cmpi ne, %convert_element_type3A_374, %cond3A_375 : i32
        scf.if %cond3A_376 {
          %add3A_413 = arith.constant 4 : i32
          %add3A_414 = arith.addi %add3A_268, %add3A_413 : i32
          %mul3A_415 = arith.constant 128 : i32
          %mul3A_416 = arith.muli %add3A_414, %mul3A_415 : i32
          %add3A_417 = arith.addi %mul3A_2, %mul3A_416 : i32
          %multiple_of3A_418 = tpu.assume_multiple %add3A_417, 8 : i32
          %dma_start3A_419 = arith.constant 1 : i32
          %dma_start3A_420 = arith.constant 0 : i32
          %dma_start3A_421 = tpu.memref_slice %arg6[%dma_start3A_419, %dma_start3A_420] : memref<6x128xi32, #tpu.memory_space<vmem>> -> memref<1x128xi32, #tpu.memory_space<vmem>>
          %dma_start3A_422 = tpu.memref_squeeze %dma_start3A_421 : memref<1x128xi32, #tpu.memory_space<vmem>> -> memref<128xi32, #tpu.memory_space<vmem>>
          %dma_start3A_423 = tpu.memref_slice %arg3[%multiple_of3A_418] : memref<320000xi32, #tpu.memory_space<hbm>> -> memref<128xi32, #tpu.memory_space<hbm>>
          %dma_start3A_424 = arith.constant 0 : i32
          %dma_start3A_425 = tpu.memref_slice %arg6[%dma_start3A_419, %dma_start3A_424] : memref<6x128xi32, #tpu.memory_space<vmem>> -> memref<1x128xi32, #tpu.memory_space<vmem>>
          %dma_start3A_426 = tpu.memref_squeeze %dma_start3A_425 : memref<1x128xi32, #tpu.memory_space<vmem>> -> memref<128xi32, #tpu.memory_space<vmem>>
          %dma_start3A_427 = tpu.memref_slice %arg3[%multiple_of3A_418] : memref<320000xi32, #tpu.memory_space<hbm>> -> memref<128xi32, #tpu.memory_space<hbm>>
          tpu.enqueue_dma source(%dma_start3A_427 : memref<128xi32, #tpu.memory_space<hbm>>) target(%dma_start3A_426 : memref<128xi32, #tpu.memory_space<vmem>>) target_semaphore(%arg13 : memref<!tpu.dma_semaphore, #tpu.memory_space<semaphore_mem>>)
          %dma_start3A_428 = arith.constant 1 : i32
          %dma_start3A_429 = arith.constant 0 : i32
          %dma_start3A_430 = tpu.memref_slice %arg7[%dma_start3A_428, %dma_start3A_429] : memref<6x128xi32, #tpu.memory_space<vmem>> -> memref<1x128xi32, #tpu.memory_space<vmem>>
          %dma_start3A_431 = tpu.memref_squeeze %dma_start3A_430 : memref<1x128xi32, #tpu.memory_space<vmem>> -> memref<128xi32, #tpu.memory_space<vmem>>
          %dma_start3A_432 = tpu.memref_slice %arg4[%multiple_of3A_418] : memref<320000xi32, #tpu.memory_space<hbm>> -> memref<128xi32, #tpu.memory_space<hbm>>
          %dma_start3A_433 = arith.constant 0 : i32
          %dma_start3A_434 = tpu.memref_slice %arg7[%dma_start3A_428, %dma_start3A_433] : memref<6x128xi32, #tpu.memory_space<vmem>> -> memref<1x128xi32, #tpu.memory_space<vmem>>
          %dma_start3A_435 = tpu.memref_squeeze %dma_start3A_434 : memref<1x128xi32, #tpu.memory_space<vmem>> -> memref<128xi32, #tpu.memory_space<vmem>>
          %dma_start3A_436 = tpu.memref_slice %arg4[%multiple_of3A_418] : memref<320000xi32, #tpu.memory_space<hbm>> -> memref<128xi32, #tpu.memory_space<hbm>>
          tpu.enqueue_dma source(%dma_start3A_436 : memref<128xi32, #tpu.memory_space<hbm>>) target(%dma_start3A_435 : memref<128xi32, #tpu.memory_space<vmem>>) target_semaphore(%arg13 : memref<!tpu.dma_semaphore, #tpu.memory_space<semaphore_mem>>)
        } else {
        }
        %add3A_377 = arith.constant 1 : i32
        %add3A_378 = arith.addi %add3A_268, %add3A_377 : i32
        %mul3A_379 = arith.constant 128 : i32
        %mul3A_380 = arith.muli %add3A_378, %mul3A_379 : i32
        %add3A_381 = arith.addi %mul3A_2, %mul3A_380 : i32
        %multiple_of3A_382 = tpu.assume_multiple %add3A_381, 8 : i32
        %dma_wait3A_383 = arith.constant 4 : i32
        %dma_wait3A_384 = arith.constant 0 : i32
        %dma_wait3A_385 = tpu.memref_slice %arg6[%dma_wait3A_383, %dma_wait3A_384] : memref<6x128xi32, #tpu.memory_space<vmem>> -> memref<1x128xi32, #tpu.memory_space<vmem>>
        %dma_wait3A_386 = tpu.memref_squeeze %dma_wait3A_385 : memref<1x128xi32, #tpu.memory_space<vmem>> -> memref<128xi32, #tpu.memory_space<vmem>>
        %dma_wait3A_387 = tpu.memref_slice %arg3[%multiple_of3A_382] : memref<320000xi32, #tpu.memory_space<hbm>> -> memref<128xi32, #tpu.memory_space<hbm>>
        %dma_wait3A_388 = arith.constant 0 : i32
        %dma_wait3A_389 = tpu.memref_slice %arg6[%dma_wait3A_383, %dma_wait3A_388] : memref<6x128xi32, #tpu.memory_space<vmem>> -> memref<1x128xi32, #tpu.memory_space<vmem>>
        %dma_wait3A_390 = tpu.memref_squeeze %dma_wait3A_389 : memref<1x128xi32, #tpu.memory_space<vmem>> -> memref<128xi32, #tpu.memory_space<vmem>>
        %dma_wait3A_391 = tpu.memref_slice %arg3[%multiple_of3A_382] : memref<320000xi32, #tpu.memory_space<hbm>> -> memref<128xi32, #tpu.memory_space<hbm>>
        tpu.wait_dma2 semaphore(%arg16 : memref<!tpu.dma_semaphore, #tpu.memory_space<semaphore_mem>>) src(%dma_wait3A_391 : memref<128xi32, #tpu.memory_space<hbm>>) dst(%dma_wait3A_390 : memref<128xi32, #tpu.memory_space<vmem>>)
        %dma_wait3A_392 = arith.constant 4 : i32
        %dma_wait3A_393 = arith.constant 0 : i32
        %dma_wait3A_394 = tpu.memref_slice %arg7[%dma_wait3A_392, %dma_wait3A_393] : memref<6x128xi32, #tpu.memory_space<vmem>> -> memref<1x128xi32, #tpu.memory_space<vmem>>
        %dma_wait3A_395 = tpu.memref_squeeze %dma_wait3A_394 : memref<1x128xi32, #tpu.memory_space<vmem>> -> memref<128xi32, #tpu.memory_space<vmem>>
        %dma_wait3A_396 = tpu.memref_slice %arg4[%multiple_of3A_382] : memref<320000xi32, #tpu.memory_space<hbm>> -> memref<128xi32, #tpu.memory_space<hbm>>
        %dma_wait3A_397 = arith.constant 0 : i32
        %dma_wait3A_398 = tpu.memref_slice %arg7[%dma_wait3A_392, %dma_wait3A_397] : memref<6x128xi32, #tpu.memory_space<vmem>> -> memref<1x128xi32, #tpu.memory_space<vmem>>
        %dma_wait3A_399 = tpu.memref_squeeze %dma_wait3A_398 : memref<1x128xi32, #tpu.memory_space<vmem>> -> memref<128xi32, #tpu.memory_space<vmem>>
        %dma_wait3A_400 = tpu.memref_slice %arg4[%multiple_of3A_382] : memref<320000xi32, #tpu.memory_space<hbm>> -> memref<128xi32, #tpu.memory_space<hbm>>
        tpu.wait_dma2 semaphore(%arg16 : memref<!tpu.dma_semaphore, #tpu.memory_space<semaphore_mem>>) src(%dma_wait3A_400 : memref<128xi32, #tpu.memory_space<hbm>>) dst(%dma_wait3A_399 : memref<128xi32, #tpu.memory_space<vmem>>)
        %dma_start3A_401 = arith.constant 4 : i32
        %dma_start3A_402 = arith.constant 0 : i32
        %dma_start3A_403 = arith.constant 0 : i32
        %dma_start3A_404 = arith.constant 0 : i32
        %dma_start3A_405 = tpu.memref_slice %arg10[%dma_start3A_402, %dma_start3A_403, %dma_start3A_404] : memref<2x128x128xf32, #tpu.memory_space<vmem>> -> memref<1x128x128xf32, #tpu.memory_space<vmem>>
        %dma_start3A_406 = tpu.memref_squeeze %dma_start3A_405 : memref<1x128x128xf32, #tpu.memory_space<vmem>> -> memref<128x128xf32, #tpu.memory_space<vmem>>
        %dma_start3A_407 = arith.constant 0 : i32
        %dma_start3A_408 = tpu.memref_slice %arg6[%dma_start3A_401, %dma_start3A_407] : memref<6x128xi32, #tpu.memory_space<vmem>> -> memref<1x128xi32, #tpu.memory_space<vmem>>
        %dma_start3A_409 = tpu.memref_squeeze %dma_start3A_408 : memref<1x128xi32, #tpu.memory_space<vmem>> -> memref<128xi32, #tpu.memory_space<vmem>>
        %dma_start3A_410 = arith.constant 0 : i32
        %dma_start3A_411 = arith.constant 0 : i32
        %dma_start3A_412 = tpu.memref_slice %arg2[%dma_start3A_410, %dma_start3A_411] : memref<10000x128xf32, #tpu.memory_space<hbm>> -> memref<10000x128xf32, #tpu.memory_space<hbm>>
        tpu.enqueue_indirect_dma source(%dma_start3A_412 : memref<10000x128xf32, #tpu.memory_space<hbm>>) target(%dma_start3A_406 : memref<128x128xf32, #tpu.memory_space<vmem>>) offsets(%dma_start3A_409 : memref<128xi32, #tpu.memory_space<vmem>>) semaphore(%arg18 : memref<!tpu.dma_semaphore, #tpu.memory_space<semaphore_mem>>)
      } else {
      }
      %add3A_300 = arith.constant 4 : i32
      %add3A_301 = arith.addi %mul3A_168, %add3A_300 : i32
      %dma_wait3A_302 = arith.constant 4 : i32
      %dma_wait3A_303 = arith.constant 0 : i32
      %dma_wait3A_304 = arith.constant 0 : i32
      %dma_wait3A_305 = arith.constant 0 : i32
      %dma_wait3A_306 = tpu.memref_slice %arg10[%dma_wait3A_303, %dma_wait3A_304, %dma_wait3A_305] : memref<2x128x128xf32, #tpu.memory_space<vmem>> -> memref<1x128x128xf32, #tpu.memory_space<vmem>>
      %dma_wait3A_307 = tpu.memref_squeeze %dma_wait3A_306 : memref<1x128x128xf32, #tpu.memory_space<vmem>> -> memref<128x128xf32, #tpu.memory_space<vmem>>
      %dma_wait3A_308 = arith.constant 0 : i32
      %dma_wait3A_309 = tpu.memref_slice %arg6[%dma_wait3A_302, %dma_wait3A_308] : memref<6x128xi32, #tpu.memory_space<vmem>> -> memref<1x128xi32, #tpu.memory_space<vmem>>
      %dma_wait3A_310 = tpu.memref_squeeze %dma_wait3A_309 : memref<1x128xi32, #tpu.memory_space<vmem>> -> memref<128xi32, #tpu.memory_space<vmem>>
      %dma_wait3A_311 = arith.constant 0 : i32
      %dma_wait3A_312 = arith.constant 0 : i32
      %dma_wait3A_313 = tpu.memref_slice %arg2[%dma_wait3A_311, %dma_wait3A_312] : memref<10000x128xf32, #tpu.memory_space<hbm>> -> memref<10000x128xf32, #tpu.memory_space<hbm>>
      tpu.wait_indirect_dma semaphore(%arg18 : memref<!tpu.dma_semaphore, #tpu.memory_space<semaphore_mem>>) src(%dma_wait3A_313 : memref<10000x128xf32, #tpu.memory_space<hbm>>) dst(%dma_wait3A_307 : memref<128x128xf32, #tpu.memory_space<vmem>>)
      %dma_start3A_314 = arith.constant 0 : i32
      %dma_start3A_315 = arith.constant 4 : i32
      %dma_start3A_316 = arith.constant 0 : i32
      %dma_start3A_317 = arith.constant 0 : i32
      %dma_start3A_318 = tpu.memref_slice %arg10[%dma_start3A_314, %dma_start3A_316, %dma_start3A_317] : memref<2x128x128xf32, #tpu.memory_space<vmem>> -> memref<1x128x128xf32, #tpu.memory_space<vmem>>
      %dma_start3A_319 = tpu.memref_squeeze %dma_start3A_318 : memref<1x128x128xf32, #tpu.memory_space<vmem>> -> memref<128x128xf32, #tpu.memory_space<vmem>>
      %dma_start3A_320 = arith.constant 0 : i32
      %dma_start3A_321 = tpu.memref_slice %arg7[%dma_start3A_315, %dma_start3A_320] : memref<6x128xi32, #tpu.memory_space<vmem>> -> memref<1x128xi32, #tpu.memory_space<vmem>>
      %dma_start3A_322 = tpu.memref_squeeze %dma_start3A_321 : memref<1x128xi32, #tpu.memory_space<vmem>> -> memref<128xi32, #tpu.memory_space<vmem>>
      %dma_start3A_323 = arith.constant 0 : i32
      %dma_start3A_324 = arith.constant 0 : i32
      %dma_start3A_325 = tpu.memref_slice %arg11[%dma_start3A_323, %dma_start3A_324] : memref<10000x128xf32, #tpu.memory_space<vmem_shared>> -> memref<10000x128xf32, #tpu.memory_space<vmem_shared>>
      tpu.enqueue_indirect_dma source(%dma_start3A_319 : memref<128x128xf32, #tpu.memory_space<vmem>>) target(%dma_start3A_325 : memref<10000x128xf32, #tpu.memory_space<vmem_shared>>) offsets(%dma_start3A_322 : memref<128xi32, #tpu.memory_space<vmem>>) semaphore(%arg20 : memref<!tpu.dma_semaphore, #tpu.memory_space<semaphore_mem>>) {add = true}
      %add3A_326 = arith.constant 1 : i32
      %add3A_327 = arith.addi %add3A_301, %add3A_326 : i32
      %lt3A_328 = arith.constant 78 : i32
      %lt3A_329 = arith.cmpi slt, %add3A_327, %lt3A_328 : i32
      %convert_element_type3A_330 = arith.extui %lt3A_329 : i1 to i32
      %cond3A_331 = arith.constant 0 : i32
      %cond3A_332 = arith.cmpi ne, %convert_element_type3A_330, %cond3A_331 : i32
      scf.if %cond3A_332 {
        %ge3A = arith.constant 1 : i32
        %ge3A_366 = arith.cmpi sge, %add3A_301, %ge3A : i32
        %convert_element_type3A_367 = arith.extui %ge3A_366 : i1 to i32
        %cond3A_368 = arith.constant 0 : i32
        %cond3A_369 = arith.cmpi ne, %convert_element_type3A_367, %cond3A_368 : i32
        scf.if %cond3A_369 {
          %dma_wait3A_413 = arith.constant 1 : i32
          %dma_wait3A_414 = arith.constant 3 : i32
          %dma_wait3A_415 = arith.constant 0 : i32
          %dma_wait3A_416 = arith.constant 0 : i32
          %dma_wait3A_417 = tpu.memref_slice %arg10[%dma_wait3A_413, %dma_wait3A_415, %dma_wait3A_416] : memref<2x128x128xf32, #tpu.memory_space<vmem>> -> memref<1x128x128xf32, #tpu.memory_space<vmem>>
          %dma_wait3A_418 = tpu.memref_squeeze %dma_wait3A_417 : memref<1x128x128xf32, #tpu.memory_space<vmem>> -> memref<128x128xf32, #tpu.memory_space<vmem>>
          %dma_wait3A_419 = arith.constant 0 : i32
          %dma_wait3A_420 = tpu.memref_slice %arg7[%dma_wait3A_414, %dma_wait3A_419] : memref<6x128xi32, #tpu.memory_space<vmem>> -> memref<1x128xi32, #tpu.memory_space<vmem>>
          %dma_wait3A_421 = tpu.memref_squeeze %dma_wait3A_420 : memref<1x128xi32, #tpu.memory_space<vmem>> -> memref<128xi32, #tpu.memory_space<vmem>>
          %dma_wait3A_422 = arith.constant 0 : i32
          %dma_wait3A_423 = arith.constant 0 : i32
          %dma_wait3A_424 = tpu.memref_slice %arg11[%dma_wait3A_422, %dma_wait3A_423] : memref<10000x128xf32, #tpu.memory_space<vmem_shared>> -> memref<10000x128xf32, #tpu.memory_space<vmem_shared>>
          tpu.wait_indirect_dma semaphore(%arg21 : memref<!tpu.dma_semaphore, #tpu.memory_space<semaphore_mem>>) src(%dma_wait3A_418 : memref<128x128xf32, #tpu.memory_space<vmem>>) dst(%dma_wait3A_424 : memref<10000x128xf32, #tpu.memory_space<vmem_shared>>)
        } else {
        }
        %add3A_370 = arith.constant 4 : i32
        %add3A_371 = arith.addi %add3A_301, %add3A_370 : i32
        %lt3A_372 = arith.constant 78 : i32
        %lt3A_373 = arith.cmpi slt, %add3A_371, %lt3A_372 : i32
        %convert_element_type3A_374 = arith.extui %lt3A_373 : i1 to i32
        %cond3A_375 = arith.constant 0 : i32
        %cond3A_376 = arith.cmpi ne, %convert_element_type3A_374, %cond3A_375 : i32
        scf.if %cond3A_376 {
          %add3A_413 = arith.constant 4 : i32
          %add3A_414 = arith.addi %add3A_301, %add3A_413 : i32
          %mul3A_415 = arith.constant 128 : i32
          %mul3A_416 = arith.muli %add3A_414, %mul3A_415 : i32
          %add3A_417 = arith.addi %mul3A_2, %mul3A_416 : i32
          %multiple_of3A_418 = tpu.assume_multiple %add3A_417, 8 : i32
          %dma_start3A_419 = arith.constant 2 : i32
          %dma_start3A_420 = arith.constant 0 : i32
          %dma_start3A_421 = tpu.memref_slice %arg6[%dma_start3A_419, %dma_start3A_420] : memref<6x128xi32, #tpu.memory_space<vmem>> -> memref<1x128xi32, #tpu.memory_space<vmem>>
          %dma_start3A_422 = tpu.memref_squeeze %dma_start3A_421 : memref<1x128xi32, #tpu.memory_space<vmem>> -> memref<128xi32, #tpu.memory_space<vmem>>
          %dma_start3A_423 = tpu.memref_slice %arg3[%multiple_of3A_418] : memref<320000xi32, #tpu.memory_space<hbm>> -> memref<128xi32, #tpu.memory_space<hbm>>
          %dma_start3A_424 = arith.constant 0 : i32
          %dma_start3A_425 = tpu.memref_slice %arg6[%dma_start3A_419, %dma_start3A_424] : memref<6x128xi32, #tpu.memory_space<vmem>> -> memref<1x128xi32, #tpu.memory_space<vmem>>
          %dma_start3A_426 = tpu.memref_squeeze %dma_start3A_425 : memref<1x128xi32, #tpu.memory_space<vmem>> -> memref<128xi32, #tpu.memory_space<vmem>>
          %dma_start3A_427 = tpu.memref_slice %arg3[%multiple_of3A_418] : memref<320000xi32, #tpu.memory_space<hbm>> -> memref<128xi32, #tpu.memory_space<hbm>>
          tpu.enqueue_dma source(%dma_start3A_427 : memref<128xi32, #tpu.memory_space<hbm>>) target(%dma_start3A_426 : memref<128xi32, #tpu.memory_space<vmem>>) target_semaphore(%arg14 : memref<!tpu.dma_semaphore, #tpu.memory_space<semaphore_mem>>)
          %dma_start3A_428 = arith.constant 2 : i32
          %dma_start3A_429 = arith.constant 0 : i32
          %dma_start3A_430 = tpu.memref_slice %arg7[%dma_start3A_428, %dma_start3A_429] : memref<6x128xi32, #tpu.memory_space<vmem>> -> memref<1x128xi32, #tpu.memory_space<vmem>>
          %dma_start3A_431 = tpu.memref_squeeze %dma_start3A_430 : memref<1x128xi32, #tpu.memory_space<vmem>> -> memref<128xi32, #tpu.memory_space<vmem>>
          %dma_start3A_432 = tpu.memref_slice %arg4[%multiple_of3A_418] : memref<320000xi32, #tpu.memory_space<hbm>> -> memref<128xi32, #tpu.memory_space<hbm>>
          %dma_start3A_433 = arith.constant 0 : i32
          %dma_start3A_434 = tpu.memref_slice %arg7[%dma_start3A_428, %dma_start3A_433] : memref<6x128xi32, #tpu.memory_space<vmem>> -> memref<1x128xi32, #tpu.memory_space<vmem>>
          %dma_start3A_435 = tpu.memref_squeeze %dma_start3A_434 : memref<1x128xi32, #tpu.memory_space<vmem>> -> memref<128xi32, #tpu.memory_space<vmem>>
          %dma_start3A_436 = tpu.memref_slice %arg4[%multiple_of3A_418] : memref<320000xi32, #tpu.memory_space<hbm>> -> memref<128xi32, #tpu.memory_space<hbm>>
          tpu.enqueue_dma source(%dma_start3A_436 : memref<128xi32, #tpu.memory_space<hbm>>) target(%dma_start3A_435 : memref<128xi32, #tpu.memory_space<vmem>>) target_semaphore(%arg14 : memref<!tpu.dma_semaphore, #tpu.memory_space<semaphore_mem>>)
        } else {
        }
        %add3A_377 = arith.constant 1 : i32
        %add3A_378 = arith.addi %add3A_301, %add3A_377 : i32
        %mul3A_379 = arith.constant 128 : i32
        %mul3A_380 = arith.muli %add3A_378, %mul3A_379 : i32
        %add3A_381 = arith.addi %mul3A_2, %mul3A_380 : i32
        %multiple_of3A_382 = tpu.assume_multiple %add3A_381, 8 : i32
        %dma_wait3A_383 = arith.constant 5 : i32
        %dma_wait3A_384 = arith.constant 0 : i32
        %dma_wait3A_385 = tpu.memref_slice %arg6[%dma_wait3A_383, %dma_wait3A_384] : memref<6x128xi32, #tpu.memory_space<vmem>> -> memref<1x128xi32, #tpu.memory_space<vmem>>
        %dma_wait3A_386 = tpu.memref_squeeze %dma_wait3A_385 : memref<1x128xi32, #tpu.memory_space<vmem>> -> memref<128xi32, #tpu.memory_space<vmem>>
        %dma_wait3A_387 = tpu.memref_slice %arg3[%multiple_of3A_382] : memref<320000xi32, #tpu.memory_space<hbm>> -> memref<128xi32, #tpu.memory_space<hbm>>
        %dma_wait3A_388 = arith.constant 0 : i32
        %dma_wait3A_389 = tpu.memref_slice %arg6[%dma_wait3A_383, %dma_wait3A_388] : memref<6x128xi32, #tpu.memory_space<vmem>> -> memref<1x128xi32, #tpu.memory_space<vmem>>
        %dma_wait3A_390 = tpu.memref_squeeze %dma_wait3A_389 : memref<1x128xi32, #tpu.memory_space<vmem>> -> memref<128xi32, #tpu.memory_space<vmem>>
        %dma_wait3A_391 = tpu.memref_slice %arg3[%multiple_of3A_382] : memref<320000xi32, #tpu.memory_space<hbm>> -> memref<128xi32, #tpu.memory_space<hbm>>
        tpu.wait_dma2 semaphore(%arg17 : memref<!tpu.dma_semaphore, #tpu.memory_space<semaphore_mem>>) src(%dma_wait3A_391 : memref<128xi32, #tpu.memory_space<hbm>>) dst(%dma_wait3A_390 : memref<128xi32, #tpu.memory_space<vmem>>)
        %dma_wait3A_392 = arith.constant 5 : i32
        %dma_wait3A_393 = arith.constant 0 : i32
        %dma_wait3A_394 = tpu.memref_slice %arg7[%dma_wait3A_392, %dma_wait3A_393] : memref<6x128xi32, #tpu.memory_space<vmem>> -> memref<1x128xi32, #tpu.memory_space<vmem>>
        %dma_wait3A_395 = tpu.memref_squeeze %dma_wait3A_394 : memref<1x128xi32, #tpu.memory_space<vmem>> -> memref<128xi32, #tpu.memory_space<vmem>>
        %dma_wait3A_396 = tpu.memref_slice %arg4[%multiple_of3A_382] : memref<320000xi32, #tpu.memory_space<hbm>> -> memref<128xi32, #tpu.memory_space<hbm>>
        %dma_wait3A_397 = arith.constant 0 : i32
        %dma_wait3A_398 = tpu.memref_slice %arg7[%dma_wait3A_392, %dma_wait3A_397] : memref<6x128xi32, #tpu.memory_space<vmem>> -> memref<1x128xi32, #tpu.memory_space<vmem>>
        %dma_wait3A_399 = tpu.memref_squeeze %dma_wait3A_398 : memref<1x128xi32, #tpu.memory_space<vmem>> -> memref<128xi32, #tpu.memory_space<vmem>>
        %dma_wait3A_400 = tpu.memref_slice %arg4[%multiple_of3A_382] : memref<320000xi32, #tpu.memory_space<hbm>> -> memref<128xi32, #tpu.memory_space<hbm>>
        tpu.wait_dma2 semaphore(%arg17 : memref<!tpu.dma_semaphore, #tpu.memory_space<semaphore_mem>>) src(%dma_wait3A_400 : memref<128xi32, #tpu.memory_space<hbm>>) dst(%dma_wait3A_399 : memref<128xi32, #tpu.memory_space<vmem>>)
        %dma_start3A_401 = arith.constant 5 : i32
        %dma_start3A_402 = arith.constant 1 : i32
        %dma_start3A_403 = arith.constant 0 : i32
        %dma_start3A_404 = arith.constant 0 : i32
        %dma_start3A_405 = tpu.memref_slice %arg10[%dma_start3A_402, %dma_start3A_403, %dma_start3A_404] : memref<2x128x128xf32, #tpu.memory_space<vmem>> -> memref<1x128x128xf32, #tpu.memory_space<vmem>>
        %dma_start3A_406 = tpu.memref_squeeze %dma_start3A_405 : memref<1x128x128xf32, #tpu.memory_space<vmem>> -> memref<128x128xf32, #tpu.memory_space<vmem>>
        %dma_start3A_407 = arith.constant 0 : i32
        %dma_start3A_408 = tpu.memref_slice %arg6[%dma_start3A_401, %dma_start3A_407] : memref<6x128xi32, #tpu.memory_space<vmem>> -> memref<1x128xi32, #tpu.memory_space<vmem>>
        %dma_start3A_409 = tpu.memref_squeeze %dma_start3A_408 : memref<1x128xi32, #tpu.memory_space<vmem>> -> memref<128xi32, #tpu.memory_space<vmem>>
        %dma_start3A_410 = arith.constant 0 : i32
        %dma_start3A_411 = arith.constant 0 : i32
        %dma_start3A_412 = tpu.memref_slice %arg2[%dma_start3A_410, %dma_start3A_411] : memref<10000x128xf32, #tpu.memory_space<hbm>> -> memref<10000x128xf32, #tpu.memory_space<hbm>>
        tpu.enqueue_indirect_dma source(%dma_start3A_412 : memref<10000x128xf32, #tpu.memory_space<hbm>>) target(%dma_start3A_406 : memref<128x128xf32, #tpu.memory_space<vmem>>) offsets(%dma_start3A_409 : memref<128xi32, #tpu.memory_space<vmem>>) semaphore(%arg19 : memref<!tpu.dma_semaphore, #tpu.memory_space<semaphore_mem>>)
      } else {
      }
      %add3A_333 = arith.constant 5 : i32
      %add3A_334 = arith.addi %mul3A_168, %add3A_333 : i32
      %dma_wait3A_335 = arith.constant 5 : i32
      %dma_wait3A_336 = arith.constant 1 : i32
      %dma_wait3A_337 = arith.constant 0 : i32
      %dma_wait3A_338 = arith.constant 0 : i32
      %dma_wait3A_339 = tpu.memref_slice %arg10[%dma_wait3A_336, %dma_wait3A_337, %dma_wait3A_338] : memref<2x128x128xf32, #tpu.memory_space<vmem>> -> memref<1x128x128xf32, #tpu.memory_space<vmem>>
      %dma_wait3A_340 = tpu.memref_squeeze %dma_wait3A_339 : memref<1x128x128xf32, #tpu.memory_space<vmem>> -> memref<128x128xf32, #tpu.memory_space<vmem>>
      %dma_wait3A_341 = arith.constant 0 : i32
      %dma_wait3A_342 = tpu.memref_slice %arg6[%dma_wait3A_335, %dma_wait3A_341] : memref<6x128xi32, #tpu.memory_space<vmem>> -> memref<1x128xi32, #tpu.memory_space<vmem>>
      %dma_wait3A_343 = tpu.memref_squeeze %dma_wait3A_342 : memref<1x128xi32, #tpu.memory_space<vmem>> -> memref<128xi32, #tpu.memory_space<vmem>>
      %dma_wait3A_344 = arith.constant 0 : i32
      %dma_wait3A_345 = arith.constant 0 : i32
      %dma_wait3A_346 = tpu.memref_slice %arg2[%dma_wait3A_344, %dma_wait3A_345] : memref<10000x128xf32, #tpu.memory_space<hbm>> -> memref<10000x128xf32, #tpu.memory_space<hbm>>
      tpu.wait_indirect_dma semaphore(%arg19 : memref<!tpu.dma_semaphore, #tpu.memory_space<semaphore_mem>>) src(%dma_wait3A_346 : memref<10000x128xf32, #tpu.memory_space<hbm>>) dst(%dma_wait3A_340 : memref<128x128xf32, #tpu.memory_space<vmem>>)
      %dma_start3A_347 = arith.constant 1 : i32
      %dma_start3A_348 = arith.constant 5 : i32
      %dma_start3A_349 = arith.constant 0 : i32
      %dma_start3A_350 = arith.constant 0 : i32
      %dma_start3A_351 = tpu.memref_slice %arg10[%dma_start3A_347, %dma_start3A_349, %dma_start3A_350] : memref<2x128x128xf32, #tpu.memory_space<vmem>> -> memref<1x128x128xf32, #tpu.memory_space<vmem>>
      %dma_start3A_352 = tpu.memref_squeeze %dma_start3A_351 : memref<1x128x128xf32, #tpu.memory_space<vmem>> -> memref<128x128xf32, #tpu.memory_space<vmem>>
      %dma_start3A_353 = arith.constant 0 : i32
      %dma_start3A_354 = tpu.memref_slice %arg7[%dma_start3A_348, %dma_start3A_353] : memref<6x128xi32, #tpu.memory_space<vmem>> -> memref<1x128xi32, #tpu.memory_space<vmem>>
      %dma_start3A_355 = tpu.memref_squeeze %dma_start3A_354 : memref<1x128xi32, #tpu.memory_space<vmem>> -> memref<128xi32, #tpu.memory_space<vmem>>
      %dma_start3A_356 = arith.constant 0 : i32
      %dma_start3A_357 = arith.constant 0 : i32
      %dma_start3A_358 = tpu.memref_slice %arg11[%dma_start3A_356, %dma_start3A_357] : memref<10000x128xf32, #tpu.memory_space<vmem_shared>> -> memref<10000x128xf32, #tpu.memory_space<vmem_shared>>
      tpu.enqueue_indirect_dma source(%dma_start3A_352 : memref<128x128xf32, #tpu.memory_space<vmem>>) target(%dma_start3A_358 : memref<10000x128xf32, #tpu.memory_space<vmem_shared>>) offsets(%dma_start3A_355 : memref<128xi32, #tpu.memory_space<vmem>>) semaphore(%arg21 : memref<!tpu.dma_semaphore, #tpu.memory_space<semaphore_mem>>) {add = true}
      %add3A_359 = arith.constant 1 : i32
      %add3A_360 = arith.addi %add3A_334, %add3A_359 : i32
      %lt3A_361 = arith.constant 78 : i32
      %lt3A_362 = arith.cmpi slt, %add3A_360, %lt3A_361 : i32
      %convert_element_type3A_363 = arith.extui %lt3A_362 : i1 to i32
      %cond3A_364 = arith.constant 0 : i32
      %cond3A_365 = arith.cmpi ne, %convert_element_type3A_363, %cond3A_364 : i32
      scf.if %cond3A_365 {
        %ge3A = arith.constant 1 : i32
        %ge3A_366 = arith.cmpi sge, %add3A_334, %ge3A : i32
        %convert_element_type3A_367 = arith.extui %ge3A_366 : i1 to i32
        %cond3A_368 = arith.constant 0 : i32
        %cond3A_369 = arith.cmpi ne, %convert_element_type3A_367, %cond3A_368 : i32
        scf.if %cond3A_369 {
          %dma_wait3A_413 = arith.constant 0 : i32
          %dma_wait3A_414 = arith.constant 4 : i32
          %dma_wait3A_415 = arith.constant 0 : i32
          %dma_wait3A_416 = arith.constant 0 : i32
          %dma_wait3A_417 = tpu.memref_slice %arg10[%dma_wait3A_413, %dma_wait3A_415, %dma_wait3A_416] : memref<2x128x128xf32, #tpu.memory_space<vmem>> -> memref<1x128x128xf32, #tpu.memory_space<vmem>>
          %dma_wait3A_418 = tpu.memref_squeeze %dma_wait3A_417 : memref<1x128x128xf32, #tpu.memory_space<vmem>> -> memref<128x128xf32, #tpu.memory_space<vmem>>
          %dma_wait3A_419 = arith.constant 0 : i32
          %dma_wait3A_420 = tpu.memref_slice %arg7[%dma_wait3A_414, %dma_wait3A_419] : memref<6x128xi32, #tpu.memory_space<vmem>> -> memref<1x128xi32, #tpu.memory_space<vmem>>
          %dma_wait3A_421 = tpu.memref_squeeze %dma_wait3A_420 : memref<1x128xi32, #tpu.memory_space<vmem>> -> memref<128xi32, #tpu.memory_space<vmem>>
          %dma_wait3A_422 = arith.constant 0 : i32
          %dma_wait3A_423 = arith.constant 0 : i32
          %dma_wait3A_424 = tpu.memref_slice %arg11[%dma_wait3A_422, %dma_wait3A_423] : memref<10000x128xf32, #tpu.memory_space<vmem_shared>> -> memref<10000x128xf32, #tpu.memory_space<vmem_shared>>
          tpu.wait_indirect_dma semaphore(%arg20 : memref<!tpu.dma_semaphore, #tpu.memory_space<semaphore_mem>>) src(%dma_wait3A_418 : memref<128x128xf32, #tpu.memory_space<vmem>>) dst(%dma_wait3A_424 : memref<10000x128xf32, #tpu.memory_space<vmem_shared>>)
        } else {
        }
        %add3A_370 = arith.constant 4 : i32
        %add3A_371 = arith.addi %add3A_334, %add3A_370 : i32
        %lt3A_372 = arith.constant 78 : i32
        %lt3A_373 = arith.cmpi slt, %add3A_371, %lt3A_372 : i32
        %convert_element_type3A_374 = arith.extui %lt3A_373 : i1 to i32
        %cond3A_375 = arith.constant 0 : i32
        %cond3A_376 = arith.cmpi ne, %convert_element_type3A_374, %cond3A_375 : i32
        scf.if %cond3A_376 {
          %add3A_413 = arith.constant 4 : i32
          %add3A_414 = arith.addi %add3A_334, %add3A_413 : i32
          %mul3A_415 = arith.constant 128 : i32
          %mul3A_416 = arith.muli %add3A_414, %mul3A_415 : i32
          %add3A_417 = arith.addi %mul3A_2, %mul3A_416 : i32
          %multiple_of3A_418 = tpu.assume_multiple %add3A_417, 8 : i32
          %dma_start3A_419 = arith.constant 3 : i32
          %dma_start3A_420 = arith.constant 0 : i32
          %dma_start3A_421 = tpu.memref_slice %arg6[%dma_start3A_419, %dma_start3A_420] : memref<6x128xi32, #tpu.memory_space<vmem>> -> memref<1x128xi32, #tpu.memory_space<vmem>>
          %dma_start3A_422 = tpu.memref_squeeze %dma_start3A_421 : memref<1x128xi32, #tpu.memory_space<vmem>> -> memref<128xi32, #tpu.memory_space<vmem>>
          %dma_start3A_423 = tpu.memref_slice %arg3[%multiple_of3A_418] : memref<320000xi32, #tpu.memory_space<hbm>> -> memref<128xi32, #tpu.memory_space<hbm>>
          %dma_start3A_424 = arith.constant 0 : i32
          %dma_start3A_425 = tpu.memref_slice %arg6[%dma_start3A_419, %dma_start3A_424] : memref<6x128xi32, #tpu.memory_space<vmem>> -> memref<1x128xi32, #tpu.memory_space<vmem>>
          %dma_start3A_426 = tpu.memref_squeeze %dma_start3A_425 : memref<1x128xi32, #tpu.memory_space<vmem>> -> memref<128xi32, #tpu.memory_space<vmem>>
          %dma_start3A_427 = tpu.memref_slice %arg3[%multiple_of3A_418] : memref<320000xi32, #tpu.memory_space<hbm>> -> memref<128xi32, #tpu.memory_space<hbm>>
          tpu.enqueue_dma source(%dma_start3A_427 : memref<128xi32, #tpu.memory_space<hbm>>) target(%dma_start3A_426 : memref<128xi32, #tpu.memory_space<vmem>>) target_semaphore(%arg15 : memref<!tpu.dma_semaphore, #tpu.memory_space<semaphore_mem>>)
          %dma_start3A_428 = arith.constant 3 : i32
          %dma_start3A_429 = arith.constant 0 : i32
          %dma_start3A_430 = tpu.memref_slice %arg7[%dma_start3A_428, %dma_start3A_429] : memref<6x128xi32, #tpu.memory_space<vmem>> -> memref<1x128xi32, #tpu.memory_space<vmem>>
          %dma_start3A_431 = tpu.memref_squeeze %dma_start3A_430 : memref<1x128xi32, #tpu.memory_space<vmem>> -> memref<128xi32, #tpu.memory_space<vmem>>
          %dma_start3A_432 = tpu.memref_slice %arg4[%multiple_of3A_418] : memref<320000xi32, #tpu.memory_space<hbm>> -> memref<128xi32, #tpu.memory_space<hbm>>
          %dma_start3A_433 = arith.constant 0 : i32
          %dma_start3A_434 = tpu.memref_slice %arg7[%dma_start3A_428, %dma_start3A_433] : memref<6x128xi32, #tpu.memory_space<vmem>> -> memref<1x128xi32, #tpu.memory_space<vmem>>
          %dma_start3A_435 = tpu.memref_squeeze %dma_start3A_434 : memref<1x128xi32, #tpu.memory_space<vmem>> -> memref<128xi32, #tpu.memory_space<vmem>>
          %dma_start3A_436 = tpu.memref_slice %arg4[%multiple_of3A_418] : memref<320000xi32, #tpu.memory_space<hbm>> -> memref<128xi32, #tpu.memory_space<hbm>>
          tpu.enqueue_dma source(%dma_start3A_436 : memref<128xi32, #tpu.memory_space<hbm>>) target(%dma_start3A_435 : memref<128xi32, #tpu.memory_space<vmem>>) target_semaphore(%arg15 : memref<!tpu.dma_semaphore, #tpu.memory_space<semaphore_mem>>)
        } else {
        }
        %add3A_377 = arith.constant 1 : i32
        %add3A_378 = arith.addi %add3A_334, %add3A_377 : i32
        %mul3A_379 = arith.constant 128 : i32
        %mul3A_380 = arith.muli %add3A_378, %mul3A_379 : i32
        %add3A_381 = arith.addi %mul3A_2, %mul3A_380 : i32
        %multiple_of3A_382 = tpu.assume_multiple %add3A_381, 8 : i32
        %dma_wait3A_383 = arith.constant 0 : i32
        %dma_wait3A_384 = arith.constant 0 : i32
        %dma_wait3A_385 = tpu.memref_slice %arg6[%dma_wait3A_383, %dma_wait3A_384] : memref<6x128xi32, #tpu.memory_space<vmem>> -> memref<1x128xi32, #tpu.memory_space<vmem>>
        %dma_wait3A_386 = tpu.memref_squeeze %dma_wait3A_385 : memref<1x128xi32, #tpu.memory_space<vmem>> -> memref<128xi32, #tpu.memory_space<vmem>>
        %dma_wait3A_387 = tpu.memref_slice %arg3[%multiple_of3A_382] : memref<320000xi32, #tpu.memory_space<hbm>> -> memref<128xi32, #tpu.memory_space<hbm>>
        %dma_wait3A_388 = arith.constant 0 : i32
        %dma_wait3A_389 = tpu.memref_slice %arg6[%dma_wait3A_383, %dma_wait3A_388] : memref<6x128xi32, #tpu.memory_space<vmem>> -> memref<1x128xi32, #tpu.memory_space<vmem>>
        %dma_wait3A_390 = tpu.memref_squeeze %dma_wait3A_389 : memref<1x128xi32, #tpu.memory_space<vmem>> -> memref<128xi32, #tpu.memory_space<vmem>>
        %dma_wait3A_391 = tpu.memref_slice %arg3[%multiple_of3A_382] : memref<320000xi32, #tpu.memory_space<hbm>> -> memref<128xi32, #tpu.memory_space<hbm>>
        tpu.wait_dma2 semaphore(%arg12 : memref<!tpu.dma_semaphore, #tpu.memory_space<semaphore_mem>>) src(%dma_wait3A_391 : memref<128xi32, #tpu.memory_space<hbm>>) dst(%dma_wait3A_390 : memref<128xi32, #tpu.memory_space<vmem>>)
        %dma_wait3A_392 = arith.constant 0 : i32
        %dma_wait3A_393 = arith.constant 0 : i32
        %dma_wait3A_394 = tpu.memref_slice %arg7[%dma_wait3A_392, %dma_wait3A_393] : memref<6x128xi32, #tpu.memory_space<vmem>> -> memref<1x128xi32, #tpu.memory_space<vmem>>
        %dma_wait3A_395 = tpu.memref_squeeze %dma_wait3A_394 : memref<1x128xi32, #tpu.memory_space<vmem>> -> memref<128xi32, #tpu.memory_space<vmem>>
        %dma_wait3A_396 = tpu.memref_slice %arg4[%multiple_of3A_382] : memref<320000xi32, #tpu.memory_space<hbm>> -> memref<128xi32, #tpu.memory_space<hbm>>
        %dma_wait3A_397 = arith.constant 0 : i32
        %dma_wait3A_398 = tpu.memref_slice %arg7[%dma_wait3A_392, %dma_wait3A_397] : memref<6x128xi32, #tpu.memory_space<vmem>> -> memref<1x128xi32, #tpu.memory_space<vmem>>
        %dma_wait3A_399 = tpu.memref_squeeze %dma_wait3A_398 : memref<1x128xi32, #tpu.memory_space<vmem>> -> memref<128xi32, #tpu.memory_space<vmem>>
        %dma_wait3A_400 = tpu.memref_slice %arg4[%multiple_of3A_382] : memref<320000xi32, #tpu.memory_space<hbm>> -> memref<128xi32, #tpu.memory_space<hbm>>
        tpu.wait_dma2 semaphore(%arg12 : memref<!tpu.dma_semaphore, #tpu.memory_space<semaphore_mem>>) src(%dma_wait3A_400 : memref<128xi32, #tpu.memory_space<hbm>>) dst(%dma_wait3A_399 : memref<128xi32, #tpu.memory_space<vmem>>)
        %dma_start3A_401 = arith.constant 0 : i32
        %dma_start3A_402 = arith.constant 0 : i32
        %dma_start3A_403 = arith.constant 0 : i32
        %dma_start3A_404 = arith.constant 0 : i32
        %dma_start3A_405 = tpu.memref_slice %arg10[%dma_start3A_402, %dma_start3A_403, %dma_start3A_404] : memref<2x128x128xf32, #tpu.memory_space<vmem>> -> memref<1x128x128xf32, #tpu.memory_space<vmem>>
        %dma_start3A_406 = tpu.memref_squeeze %dma_start3A_405 : memref<1x128x128xf32, #tpu.memory_space<vmem>> -> memref<128x128xf32, #tpu.memory_space<vmem>>
        %dma_start3A_407 = arith.constant 0 : i32
        %dma_start3A_408 = tpu.memref_slice %arg6[%dma_start3A_401, %dma_start3A_407] : memref<6x128xi32, #tpu.memory_space<vmem>> -> memref<1x128xi32, #tpu.memory_space<vmem>>
        %dma_start3A_409 = tpu.memref_squeeze %dma_start3A_408 : memref<1x128xi32, #tpu.memory_space<vmem>> -> memref<128xi32, #tpu.memory_space<vmem>>
        %dma_start3A_410 = arith.constant 0 : i32
        %dma_start3A_411 = arith.constant 0 : i32
        %dma_start3A_412 = tpu.memref_slice %arg2[%dma_start3A_410, %dma_start3A_411] : memref<10000x128xf32, #tpu.memory_space<hbm>> -> memref<10000x128xf32, #tpu.memory_space<hbm>>
        tpu.enqueue_indirect_dma source(%dma_start3A_412 : memref<10000x128xf32, #tpu.memory_space<hbm>>) target(%dma_start3A_406 : memref<128x128xf32, #tpu.memory_space<vmem>>) offsets(%dma_start3A_409 : memref<128xi32, #tpu.memory_space<vmem>>) semaphore(%arg18 : memref<!tpu.dma_semaphore, #tpu.memory_space<semaphore_mem>>)
      } else {
      }
    }
    %scan3A_127 = arith.constant 13 : i32
    %dma_wait3A_128 = arith.constant 0 : i32
    %dma_wait3A_129 = arith.constant 4 : i32
    %dma_wait3A_130 = arith.constant 0 : i32
    %dma_wait3A_131 = arith.constant 0 : i32
    %dma_wait3A_132 = tpu.memref_slice %arg10[%dma_wait3A_128, %dma_wait3A_130, %dma_wait3A_131] : memref<2x128x128xf32, #tpu.memory_space<vmem>> -> memref<1x128x128xf32, #tpu.memory_space<vmem>>
    %dma_wait3A_133 = tpu.memref_squeeze %dma_wait3A_132 : memref<1x128x128xf32, #tpu.memory_space<vmem>> -> memref<128x128xf32, #tpu.memory_space<vmem>>
    %dma_wait3A_134 = arith.constant 0 : i32
    %dma_wait3A_135 = tpu.memref_slice %arg7[%dma_wait3A_129, %dma_wait3A_134] : memref<6x128xi32, #tpu.memory_space<vmem>> -> memref<1x128xi32, #tpu.memory_space<vmem>>
    %dma_wait3A_136 = tpu.memref_squeeze %dma_wait3A_135 : memref<1x128xi32, #tpu.memory_space<vmem>> -> memref<128xi32, #tpu.memory_space<vmem>>
    %dma_wait3A_137 = arith.constant 0 : i32
    %dma_wait3A_138 = arith.constant 0 : i32
    %dma_wait3A_139 = tpu.memref_slice %arg11[%dma_wait3A_137, %dma_wait3A_138] : memref<10000x128xf32, #tpu.memory_space<vmem_shared>> -> memref<10000x128xf32, #tpu.memory_space<vmem_shared>>
    tpu.wait_indirect_dma semaphore(%arg20 : memref<!tpu.dma_semaphore, #tpu.memory_space<semaphore_mem>>) src(%dma_wait3A_133 : memref<128x128xf32, #tpu.memory_space<vmem>>) dst(%dma_wait3A_139 : memref<10000x128xf32, #tpu.memory_space<vmem_shared>>)
    %dma_wait3A_140 = arith.constant 1 : i32
    %dma_wait3A_141 = arith.constant 5 : i32
    %dma_wait3A_142 = arith.constant 0 : i32
    %dma_wait3A_143 = arith.constant 0 : i32
    %dma_wait3A_144 = tpu.memref_slice %arg10[%dma_wait3A_140, %dma_wait3A_142, %dma_wait3A_143] : memref<2x128x128xf32, #tpu.memory_space<vmem>> -> memref<1x128x128xf32, #tpu.memory_space<vmem>>
    %dma_wait3A_145 = tpu.memref_squeeze %dma_wait3A_144 : memref<1x128x128xf32, #tpu.memory_space<vmem>> -> memref<128x128xf32, #tpu.memory_space<vmem>>
    %dma_wait3A_146 = arith.constant 0 : i32
    %dma_wait3A_147 = tpu.memref_slice %arg7[%dma_wait3A_141, %dma_wait3A_146] : memref<6x128xi32, #tpu.memory_space<vmem>> -> memref<1x128xi32, #tpu.memory_space<vmem>>
    %dma_wait3A_148 = tpu.memref_squeeze %dma_wait3A_147 : memref<1x128xi32, #tpu.memory_space<vmem>> -> memref<128xi32, #tpu.memory_space<vmem>>
    %dma_wait3A_149 = arith.constant 0 : i32
    %dma_wait3A_150 = arith.constant 0 : i32
    %dma_wait3A_151 = tpu.memref_slice %arg11[%dma_wait3A_149, %dma_wait3A_150] : memref<10000x128xf32, #tpu.memory_space<vmem_shared>> -> memref<10000x128xf32, #tpu.memory_space<vmem_shared>>
    tpu.wait_indirect_dma semaphore(%arg21 : memref<!tpu.dma_semaphore, #tpu.memory_space<semaphore_mem>>) src(%dma_wait3A_145 : memref<128x128xf32, #tpu.memory_space<vmem>>) dst(%dma_wait3A_151 : memref<10000x128xf32, #tpu.memory_space<vmem_shared>>)
    %add3A_152 = arith.constant 9984 : i32
    %add3A_153 = arith.addi %mul3A_2, %add3A_152 : i32
    %multiple_of3A_154 = tpu.assume_multiple %add3A_153, 8 : i32
    "tpu.region"() ({
      %run_scoped3A_166 = tpu.sem_alloc : memref<!tpu.dma_semaphore, #tpu.memory_space<semaphore_mem>>
      %dma_start3A_167 = tpu.memref_slice %arg3[%multiple_of3A_154] : memref<320000xi32, #tpu.memory_space<hbm>> -> memref<16xi32, #tpu.memory_space<hbm>>
      %dma_start3A_168 = tpu.memref_slice %arg3[%multiple_of3A_154] : memref<320000xi32, #tpu.memory_space<hbm>> -> memref<16xi32, #tpu.memory_space<hbm>>
      tpu.enqueue_dma source(%dma_start3A_168 : memref<16xi32, #tpu.memory_space<hbm>>) target(%arg8 : memref<16xi32, #tpu.memory_space<vmem>>) target_semaphore(%run_scoped3A_166 : memref<!tpu.dma_semaphore, #tpu.memory_space<semaphore_mem>>)
      %dma_wait3A_169 = tpu.memref_slice %arg3[%multiple_of3A_154] : memref<320000xi32, #tpu.memory_space<hbm>> -> memref<16xi32, #tpu.memory_space<hbm>>
      %dma_wait3A_170 = tpu.memref_slice %arg3[%multiple_of3A_154] : memref<320000xi32, #tpu.memory_space<hbm>> -> memref<16xi32, #tpu.memory_space<hbm>>
      tpu.wait_dma2 semaphore(%run_scoped3A_166 : memref<!tpu.dma_semaphore, #tpu.memory_space<semaphore_mem>>) src(%dma_wait3A_170 : memref<16xi32, #tpu.memory_space<hbm>>) dst(%arg8 : memref<16xi32, #tpu.memory_space<vmem>>)
      tpu.yield
    }) : () -> ()
    "tpu.region"() ({
      %run_scoped3A_166 = tpu.sem_alloc : memref<!tpu.dma_semaphore, #tpu.memory_space<semaphore_mem>>
      %dma_start3A_167 = tpu.memref_slice %arg4[%multiple_of3A_154] : memref<320000xi32, #tpu.memory_space<hbm>> -> memref<16xi32, #tpu.memory_space<hbm>>
      %dma_start3A_168 = tpu.memref_slice %arg4[%multiple_of3A_154] : memref<320000xi32, #tpu.memory_space<hbm>> -> memref<16xi32, #tpu.memory_space<hbm>>
      tpu.enqueue_dma source(%dma_start3A_168 : memref<16xi32, #tpu.memory_space<hbm>>) target(%arg9 : memref<16xi32, #tpu.memory_space<vmem>>) target_semaphore(%run_scoped3A_166 : memref<!tpu.dma_semaphore, #tpu.memory_space<semaphore_mem>>)
      %dma_wait3A_169 = tpu.memref_slice %arg4[%multiple_of3A_154] : memref<320000xi32, #tpu.memory_space<hbm>> -> memref<16xi32, #tpu.memory_space<hbm>>
      %dma_wait3A_170 = tpu.memref_slice %arg4[%multiple_of3A_154] : memref<320000xi32, #tpu.memory_space<hbm>> -> memref<16xi32, #tpu.memory_space<hbm>>
      tpu.wait_dma2 semaphore(%run_scoped3A_166 : memref<!tpu.dma_semaphore, #tpu.memory_space<semaphore_mem>>) src(%dma_wait3A_170 : memref<16xi32, #tpu.memory_space<hbm>>) dst(%arg9 : memref<16xi32, #tpu.memory_space<vmem>>)
      tpu.yield
    }) : () -> ()
    %run_scoped3A = arith.constant 0 : i32
    "tpu.region"() ({
      %run_scoped3A_166 = tpu.sem_alloc : memref<!tpu.dma_semaphore, #tpu.memory_space<semaphore_mem>>
      %dma_start3A_167 = arith.constant 0 : i32
      %dma_start3A_168 = arith.constant 0 : i32
      %dma_start3A_169 = tpu.memref_slice %arg10[%run_scoped3A, %dma_start3A_167, %dma_start3A_168] : memref<2x128x128xf32, #tpu.memory_space<vmem>> -> memref<1x16x128xf32, #tpu.memory_space<vmem>>
      %dma_start3A_170 = tpu.memref_squeeze %dma_start3A_169 : memref<1x16x128xf32, #tpu.memory_space<vmem>> -> memref<16x128xf32, #tpu.memory_space<vmem>>
      %dma_start3A_171 = arith.constant 0 : i32
      %dma_start3A_172 = arith.constant 0 : i32
      %dma_start3A_173 = tpu.memref_slice %arg2[%dma_start3A_171, %dma_start3A_172] : memref<10000x128xf32, #tpu.memory_space<hbm>> -> memref<10000x128xf32, #tpu.memory_space<hbm>>
      tpu.enqueue_indirect_dma source(%dma_start3A_173 : memref<10000x128xf32, #tpu.memory_space<hbm>>) target(%dma_start3A_170 : memref<16x128xf32, #tpu.memory_space<vmem>>) offsets(%arg8 : memref<16xi32, #tpu.memory_space<vmem>>) semaphore(%run_scoped3A_166 : memref<!tpu.dma_semaphore, #tpu.memory_space<semaphore_mem>>)
      %dma_wait3A_174 = arith.constant 0 : i32
      %dma_wait3A_175 = arith.constant 0 : i32
      %dma_wait3A_176 = tpu.memref_slice %arg10[%run_scoped3A, %dma_wait3A_174, %dma_wait3A_175] : memref<2x128x128xf32, #tpu.memory_space<vmem>> -> memref<1x16x128xf32, #tpu.memory_space<vmem>>
      %dma_wait3A_177 = tpu.memref_squeeze %dma_wait3A_176 : memref<1x16x128xf32, #tpu.memory_space<vmem>> -> memref<16x128xf32, #tpu.memory_space<vmem>>
      %dma_wait3A_178 = arith.constant 0 : i32
      %dma_wait3A_179 = arith.constant 0 : i32
      %dma_wait3A_180 = tpu.memref_slice %arg2[%dma_wait3A_178, %dma_wait3A_179] : memref<10000x128xf32, #tpu.memory_space<hbm>> -> memref<10000x128xf32, #tpu.memory_space<hbm>>
      tpu.wait_indirect_dma semaphore(%run_scoped3A_166 : memref<!tpu.dma_semaphore, #tpu.memory_space<semaphore_mem>>) src(%dma_wait3A_180 : memref<10000x128xf32, #tpu.memory_space<hbm>>) dst(%dma_wait3A_177 : memref<16x128xf32, #tpu.memory_space<vmem>>)
      tpu.yield
    }) : () -> ()
    %run_scoped3A_155 = arith.constant 0 : i32
    "tpu.region"() ({
      %run_scoped3A_166 = tpu.sem_alloc : memref<!tpu.dma_semaphore, #tpu.memory_space<semaphore_mem>>
      %dma_start3A_167 = arith.constant 0 : i32
      %dma_start3A_168 = arith.constant 0 : i32
      %dma_start3A_169 = tpu.memref_slice %arg10[%run_scoped3A_155, %dma_start3A_167, %dma_start3A_168] : memref<2x128x128xf32, #tpu.memory_space<vmem>> -> memref<1x16x128xf32, #tpu.memory_space<vmem>>
      %dma_start3A_170 = tpu.memref_squeeze %dma_start3A_169 : memref<1x16x128xf32, #tpu.memory_space<vmem>> -> memref<16x128xf32, #tpu.memory_space<vmem>>
      %dma_start3A_171 = arith.constant 0 : i32
      %dma_start3A_172 = arith.constant 0 : i32
      %dma_start3A_173 = tpu.memref_slice %arg11[%dma_start3A_171, %dma_start3A_172] : memref<10000x128xf32, #tpu.memory_space<vmem_shared>> -> memref<10000x128xf32, #tpu.memory_space<vmem_shared>>
      tpu.enqueue_indirect_dma source(%dma_start3A_170 : memref<16x128xf32, #tpu.memory_space<vmem>>) target(%dma_start3A_173 : memref<10000x128xf32, #tpu.memory_space<vmem_shared>>) offsets(%arg9 : memref<16xi32, #tpu.memory_space<vmem>>) semaphore(%run_scoped3A_166 : memref<!tpu.dma_semaphore, #tpu.memory_space<semaphore_mem>>) {add = true}
      %dma_wait3A_174 = arith.constant 0 : i32
      %dma_wait3A_175 = arith.constant 0 : i32
      %dma_wait3A_176 = tpu.memref_slice %arg10[%run_scoped3A_155, %dma_wait3A_174, %dma_wait3A_175] : memref<2x128x128xf32, #tpu.memory_space<vmem>> -> memref<1x16x128xf32, #tpu.memory_space<vmem>>
      %dma_wait3A_177 = tpu.memref_squeeze %dma_wait3A_176 : memref<1x16x128xf32, #tpu.memory_space<vmem>> -> memref<16x128xf32, #tpu.memory_space<vmem>>
      %dma_wait3A_178 = arith.constant 0 : i32
      %dma_wait3A_179 = arith.constant 0 : i32
      %dma_wait3A_180 = tpu.memref_slice %arg11[%dma_wait3A_178, %dma_wait3A_179] : memref<10000x128xf32, #tpu.memory_space<vmem_shared>> -> memref<10000x128xf32, #tpu.memory_space<vmem_shared>>
      tpu.wait_indirect_dma semaphore(%run_scoped3A_166 : memref<!tpu.dma_semaphore, #tpu.memory_space<semaphore_mem>>) src(%dma_wait3A_177 : memref<16x128xf32, #tpu.memory_space<vmem>>) dst(%dma_wait3A_180 : memref<10000x128xf32, #tpu.memory_space<vmem_shared>>)
      tpu.yield
    }) : () -> ()
    %barrier3A_156 = arith.constant 0 : index
    tpu.barrier barrier_id(%barrier3A_156)
    %mul3A_157 = arith.constant 624 : i32
    %mul3A_158 = arith.muli %arg1, %mul3A_157 : i32
    %mul3A_159 = arith.constant 624 : i32
    %mul3A_160 = arith.muli %arg1, %mul3A_159 : i32
    "tpu.region"() ({
      %run_scoped3A_166 = tpu.sem_alloc : memref<!tpu.dma_semaphore, #tpu.memory_space<semaphore_mem>>
      %dma_start3A_167 = arith.constant 0 : i32
      %dma_start3A_168 = tpu.memref_slice %arg5[%arg0, %mul3A_160, %dma_start3A_167] : memref<2x10000x128xf32, #tpu.memory_space<hbm>> -> memref<1x624x128xf32, #tpu.memory_space<hbm>>
      %dma_start3A_169 = tpu.memref_squeeze %dma_start3A_168 : memref<1x624x128xf32, #tpu.memory_space<hbm>> -> memref<624x128xf32, #tpu.memory_space<hbm>>
      %dma_start3A_170 = arith.constant 0 : i32
      %dma_start3A_171 = tpu.memref_slice %arg11[%mul3A_158, %dma_start3A_170] : memref<10000x128xf32, #tpu.memory_space<vmem_shared>> -> memref<624x128xf32, #tpu.memory_space<vmem_shared>>
      tpu.enqueue_dma source(%dma_start3A_171 : memref<624x128xf32, #tpu.memory_space<vmem_shared>>) target(%dma_start3A_169 : memref<624x128xf32, #tpu.memory_space<hbm>>) target_semaphore(%run_scoped3A_166 : memref<!tpu.dma_semaphore, #tpu.memory_space<semaphore_mem>>)
      %dma_wait3A_172 = arith.constant 0 : i32
      %dma_wait3A_173 = tpu.memref_slice %arg5[%arg0, %mul3A_160, %dma_wait3A_172] : memref<2x10000x128xf32, #tpu.memory_space<hbm>> -> memref<1x624x128xf32, #tpu.memory_space<hbm>>
      %dma_wait3A_174 = tpu.memref_squeeze %dma_wait3A_173 : memref<1x624x128xf32, #tpu.memory_space<hbm>> -> memref<624x128xf32, #tpu.memory_space<hbm>>
      %dma_wait3A_175 = arith.constant 0 : i32
      %dma_wait3A_176 = tpu.memref_slice %arg11[%mul3A_158, %dma_wait3A_175] : memref<10000x128xf32, #tpu.memory_space<vmem_shared>> -> memref<624x128xf32, #tpu.memory_space<vmem_shared>>
      tpu.wait_dma2 semaphore(%run_scoped3A_166 : memref<!tpu.dma_semaphore, #tpu.memory_space<semaphore_mem>>) src(%dma_wait3A_176 : memref<624x128xf32, #tpu.memory_space<vmem_shared>>) dst(%dma_wait3A_174 : memref<624x128xf32, #tpu.memory_space<hbm>>)
      tpu.yield
    }) : () -> ()
    %eq3A_161 = arith.constant 0 : i32
    %eq3A_162 = arith.cmpi eq, %arg1, %eq3A_161 : i32
    %convert_element_type3A_163 = arith.extui %eq3A_162 : i1 to i32
    %cond3A_164 = arith.constant 0 : i32
    %cond3A_165 = arith.cmpi ne, %convert_element_type3A_163, %cond3A_164 : i32
    scf.if %cond3A_165 {
      "tpu.region"() ({
        %run_scoped3A_166 = tpu.sem_alloc : memref<!tpu.dma_semaphore, #tpu.memory_space<semaphore_mem>>
        %dma_start3A_167 = arith.constant 9984 : i32
        %dma_start3A_168 = arith.constant 0 : i32
        %dma_start3A_169 = tpu.memref_slice %arg5[%arg0, %dma_start3A_167, %dma_start3A_168] : memref<2x10000x128xf32, #tpu.memory_space<hbm>> -> memref<1x16x128xf32, #tpu.memory_space<hbm>>
        %dma_start3A_170 = tpu.memref_squeeze %dma_start3A_169 : memref<1x16x128xf32, #tpu.memory_space<hbm>> -> memref<16x128xf32, #tpu.memory_space<hbm>>
        %dma_start3A_171 = arith.constant 9984 : i32
        %dma_start3A_172 = arith.constant 0 : i32
        %dma_start3A_173 = tpu.memref_slice %arg11[%dma_start3A_171, %dma_start3A_172] : memref<10000x128xf32, #tpu.memory_space<vmem_shared>> -> memref<16x128xf32, #tpu.memory_space<vmem_shared>>
        tpu.enqueue_dma source(%dma_start3A_173 : memref<16x128xf32, #tpu.memory_space<vmem_shared>>) target(%dma_start3A_170 : memref<16x128xf32, #tpu.memory_space<hbm>>) target_semaphore(%run_scoped3A_166 : memref<!tpu.dma_semaphore, #tpu.memory_space<semaphore_mem>>)
        %dma_wait3A_174 = arith.constant 9984 : i32
        %dma_wait3A_175 = arith.constant 0 : i32
        %dma_wait3A_176 = tpu.memref_slice %arg5[%arg0, %dma_wait3A_174, %dma_wait3A_175] : memref<2x10000x128xf32, #tpu.memory_space<hbm>> -> memref<1x16x128xf32, #tpu.memory_space<hbm>>
        %dma_wait3A_177 = tpu.memref_squeeze %dma_wait3A_176 : memref<1x16x128xf32, #tpu.memory_space<hbm>> -> memref<16x128xf32, #tpu.memory_space<hbm>>
        %dma_wait3A_178 = arith.constant 9984 : i32
        %dma_wait3A_179 = arith.constant 0 : i32
        %dma_wait3A_180 = tpu.memref_slice %arg11[%dma_wait3A_178, %dma_wait3A_179] : memref<10000x128xf32, #tpu.memory_space<vmem_shared>> -> memref<16x128xf32, #tpu.memory_space<vmem_shared>>
        tpu.wait_dma2 semaphore(%run_scoped3A_166 : memref<!tpu.dma_semaphore, #tpu.memory_space<semaphore_mem>>) src(%dma_wait3A_180 : memref<16x128xf32, #tpu.memory_space<vmem_shared>>) dst(%dma_wait3A_177 : memref<16x128xf32, #tpu.memory_space<hbm>>)
        tpu.yield
      }) : () -> ()
    } else {
    }
    return
  }
}

#map = affine_map<(d0, d1) -> (0, 0, 0)>
#map1 = affine_map<(d0, d1) -> (0)>
module attributes {stable_mosaic.version = 14 : i64} {
  func.func @_sc_degree_body(%arg0: i32, %arg1: i32, %arg2: memref<8000x2x40xi32, #tpu.memory_space<hbm>>, %arg3: memref<20480xf32, #tpu.memory_space<hbm>>, %arg4: memref<125x2x40xi32, #tpu.memory_space<vmem>>, %arg5: memref<48xf32, #tpu.memory_space<vmem>>, %arg6: memref<640xf32, #tpu.memory_space<vmem>>, %arg7: memref<10240xf32, #tpu.memory_space<vmem_shared>>) attributes {dimension_semantics = [#tpu.dimension_semantics<core_parallel>, #tpu.dimension_semantics<subcore_parallel>], iteration_bounds = array<i64: 2, 16>, scalar_prefetch = 0 : i64, scratch_operands = 4 : i64, tpu.core_type = #tpu.core_type<sc_vector_subcore>, window_params = [{transform_indices = #map}, {transform_indices = #map1}]} {
    %mul3A = arith.constant 16 : i32
    %mul3A_0 = arith.muli %arg0, %mul3A : i32
    %add3A = arith.addi %mul3A_0, %arg1 : i32
    %mul3A_1 = arith.constant 250 : i32
    %mul3A_2 = arith.muli %add3A, %mul3A_1 : i32
    "tpu.region"() ({
      %run_scoped3A = tpu.sem_alloc : memref<!tpu.dma_semaphore, #tpu.memory_space<semaphore_mem>>
      %dma_start3A = arith.constant 0 : i32
      %dma_start3A_282 = arith.constant 0 : i32
      %dma_start3A_283 = tpu.memref_slice %arg2[%mul3A_2, %dma_start3A, %dma_start3A_282] : memref<8000x2x40xi32, #tpu.memory_space<hbm>> -> memref<125x2x40xi32, #tpu.memory_space<hbm>>
      %dma_start3A_284 = arith.constant 0 : i32
      %dma_start3A_285 = arith.constant 0 : i32
      %dma_start3A_286 = tpu.memref_slice %arg2[%mul3A_2, %dma_start3A_284, %dma_start3A_285] : memref<8000x2x40xi32, #tpu.memory_space<hbm>> -> memref<125x2x40xi32, #tpu.memory_space<hbm>>
      tpu.enqueue_dma source(%dma_start3A_286 : memref<125x2x40xi32, #tpu.memory_space<hbm>>) target(%arg4 : memref<125x2x40xi32, #tpu.memory_space<vmem>>) target_semaphore(%run_scoped3A : memref<!tpu.dma_semaphore, #tpu.memory_space<semaphore_mem>>)
      %dma_wait3A = arith.constant 0 : i32
      %dma_wait3A_287 = arith.constant 0 : i32
      %dma_wait3A_288 = tpu.memref_slice %arg2[%mul3A_2, %dma_wait3A, %dma_wait3A_287] : memref<8000x2x40xi32, #tpu.memory_space<hbm>> -> memref<125x2x40xi32, #tpu.memory_space<hbm>>
      %dma_wait3A_289 = arith.constant 0 : i32
      %dma_wait3A_290 = arith.constant 0 : i32
      %dma_wait3A_291 = tpu.memref_slice %arg2[%mul3A_2, %dma_wait3A_289, %dma_wait3A_290] : memref<8000x2x40xi32, #tpu.memory_space<hbm>> -> memref<125x2x40xi32, #tpu.memory_space<hbm>>
      tpu.wait_dma2 semaphore(%run_scoped3A : memref<!tpu.dma_semaphore, #tpu.memory_space<semaphore_mem>>) src(%dma_wait3A_291 : memref<125x2x40xi32, #tpu.memory_space<hbm>>) dst(%arg4 : memref<125x2x40xi32, #tpu.memory_space<vmem>>)
      tpu.yield
    }) : () -> ()
    %broadcast_in_dim3A = arith.constant 1.000000e+00 : f32
    %broadcast_in_dim3A_3 = vector.broadcast %broadcast_in_dim3A : f32 to vector<16xf32>
    %swap3A = arith.constant 0 : index
    %swap3A_4 = tpu.vector_load %arg5[%swap3A] {strides = array<i32>} : memref<48xf32, #tpu.memory_space<vmem>>, vector<16xf32>,
    %swap3A_5 = vector.shape_cast %swap3A_4 : vector<16xf32> to vector<16xf32>
    %swap3A_6 = vector.shape_cast %broadcast_in_dim3A_3 : vector<16xf32> to vector<16xf32>
    tpu.vector_store %arg5[%swap3A], %swap3A_6 {strides = array<i32>} : memref<48xf32, #tpu.memory_space<vmem>>, vector<16xf32>,
    %broadcast_in_dim3A_7 = arith.constant 1.000000e+00 : f32
    %broadcast_in_dim3A_8 = vector.broadcast %broadcast_in_dim3A_7 : f32 to vector<16xf32>
    %swap3A_9 = arith.constant 16 : index
    %swap3A_10 = tpu.vector_load %arg5[%swap3A_9] {strides = array<i32>} : memref<48xf32, #tpu.memory_space<vmem>>, vector<16xf32>,
    %swap3A_11 = vector.shape_cast %swap3A_10 : vector<16xf32> to vector<16xf32>
    %swap3A_12 = vector.shape_cast %broadcast_in_dim3A_8 : vector<16xf32> to vector<16xf32>
    tpu.vector_store %arg5[%swap3A_9], %swap3A_12 {strides = array<i32>} : memref<48xf32, #tpu.memory_space<vmem>>, vector<16xf32>,
    %broadcast_in_dim3A_13 = arith.constant 1.000000e+00 : f32
    %broadcast_in_dim3A_14 = vector.broadcast %broadcast_in_dim3A_13 : f32 to vector<16xf32>
    %swap3A_15 = arith.constant 32 : index
    %swap3A_16 = tpu.vector_load %arg5[%swap3A_15] {strides = array<i32>} : memref<48xf32, #tpu.memory_space<vmem>>, vector<16xf32>,
    %swap3A_17 = vector.shape_cast %swap3A_16 : vector<16xf32> to vector<16xf32>
    %swap3A_18 = vector.shape_cast %broadcast_in_dim3A_14 : vector<16xf32> to vector<16xf32>
    tpu.vector_store %arg5[%swap3A_15], %swap3A_18 {strides = array<i32>} : memref<48xf32, #tpu.memory_space<vmem>>, vector<16xf32>,
    %broadcast_in_dim3A_19 = arith.constant 0.000000e+00 : f32
    %broadcast_in_dim3A_20 = vector.broadcast %broadcast_in_dim3A_19 : f32 to vector<16xf32>
    %swap3A_21 = arith.constant 0 : index
    %swap3A_22 = tpu.vector_load %arg6[%swap3A_21] {strides = array<i32>} : memref<640xf32, #tpu.memory_space<vmem>>, vector<16xf32>,
    %swap3A_23 = vector.shape_cast %swap3A_22 : vector<16xf32> to vector<16xf32>
    %swap3A_24 = vector.shape_cast %broadcast_in_dim3A_20 : vector<16xf32> to vector<16xf32>
    tpu.vector_store %arg6[%swap3A_21], %swap3A_24 {strides = array<i32>} : memref<640xf32, #tpu.memory_space<vmem>>, vector<16xf32>,
    %broadcast_in_dim3A_25 = arith.constant 0.000000e+00 : f32
    %broadcast_in_dim3A_26 = vector.broadcast %broadcast_in_dim3A_25 : f32 to vector<16xf32>
    %swap3A_27 = arith.constant 16 : index
    %swap3A_28 = tpu.vector_load %arg6[%swap3A_27] {strides = array<i32>} : memref<640xf32, #tpu.memory_space<vmem>>, vector<16xf32>,
    %swap3A_29 = vector.shape_cast %swap3A_28 : vector<16xf32> to vector<16xf32>
    %swap3A_30 = vector.shape_cast %broadcast_in_dim3A_26 : vector<16xf32> to vector<16xf32>
    tpu.vector_store %arg6[%swap3A_27], %swap3A_30 {strides = array<i32>} : memref<640xf32, #tpu.memory_space<vmem>>, vector<16xf32>,
    %broadcast_in_dim3A_31 = arith.constant 0.000000e+00 : f32
    %broadcast_in_dim3A_32 = vector.broadcast %broadcast_in_dim3A_31 : f32 to vector<16xf32>
    %swap3A_33 = arith.constant 32 : index
    %swap3A_34 = tpu.vector_load %arg6[%swap3A_33] {strides = array<i32>} : memref<640xf32, #tpu.memory_space<vmem>>, vector<16xf32>,
    %swap3A_35 = vector.shape_cast %swap3A_34 : vector<16xf32> to vector<16xf32>
    %swap3A_36 = vector.shape_cast %broadcast_in_dim3A_32 : vector<16xf32> to vector<16xf32>
    tpu.vector_store %arg6[%swap3A_33], %swap3A_36 {strides = array<i32>} : memref<640xf32, #tpu.memory_space<vmem>>, vector<16xf32>,
    %broadcast_in_dim3A_37 = arith.constant 0.000000e+00 : f32
    %broadcast_in_dim3A_38 = vector.broadcast %broadcast_in_dim3A_37 : f32 to vector<16xf32>
    %swap3A_39 = arith.constant 48 : index
    %swap3A_40 = tpu.vector_load %arg6[%swap3A_39] {strides = array<i32>} : memref<640xf32, #tpu.memory_space<vmem>>, vector<16xf32>,
    %swap3A_41 = vector.shape_cast %swap3A_40 : vector<16xf32> to vector<16xf32>
    %swap3A_42 = vector.shape_cast %broadcast_in_dim3A_38 : vector<16xf32> to vector<16xf32>
    tpu.vector_store %arg6[%swap3A_39], %swap3A_42 {strides = array<i32>} : memref<640xf32, #tpu.memory_space<vmem>>, vector<16xf32>,
    %broadcast_in_dim3A_43 = arith.constant 0.000000e+00 : f32
    %broadcast_in_dim3A_44 = vector.broadcast %broadcast_in_dim3A_43 : f32 to vector<16xf32>
    %swap3A_45 = arith.constant 64 : index
    %swap3A_46 = tpu.vector_load %arg6[%swap3A_45] {strides = array<i32>} : memref<640xf32, #tpu.memory_space<vmem>>, vector<16xf32>,
    %swap3A_47 = vector.shape_cast %swap3A_46 : vector<16xf32> to vector<16xf32>
    %swap3A_48 = vector.shape_cast %broadcast_in_dim3A_44 : vector<16xf32> to vector<16xf32>
    tpu.vector_store %arg6[%swap3A_45], %swap3A_48 {strides = array<i32>} : memref<640xf32, #tpu.memory_space<vmem>>, vector<16xf32>,
    %broadcast_in_dim3A_49 = arith.constant 0.000000e+00 : f32
    %broadcast_in_dim3A_50 = vector.broadcast %broadcast_in_dim3A_49 : f32 to vector<16xf32>
    %swap3A_51 = arith.constant 80 : index
    %swap3A_52 = tpu.vector_load %arg6[%swap3A_51] {strides = array<i32>} : memref<640xf32, #tpu.memory_space<vmem>>, vector<16xf32>,
    %swap3A_53 = vector.shape_cast %swap3A_52 : vector<16xf32> to vector<16xf32>
    %swap3A_54 = vector.shape_cast %broadcast_in_dim3A_50 : vector<16xf32> to vector<16xf32>
    tpu.vector_store %arg6[%swap3A_51], %swap3A_54 {strides = array<i32>} : memref<640xf32, #tpu.memory_space<vmem>>, vector<16xf32>,
    %broadcast_in_dim3A_55 = arith.constant 0.000000e+00 : f32
    %broadcast_in_dim3A_56 = vector.broadcast %broadcast_in_dim3A_55 : f32 to vector<16xf32>
    %swap3A_57 = arith.constant 96 : index
    %swap3A_58 = tpu.vector_load %arg6[%swap3A_57] {strides = array<i32>} : memref<640xf32, #tpu.memory_space<vmem>>, vector<16xf32>,
    %swap3A_59 = vector.shape_cast %swap3A_58 : vector<16xf32> to vector<16xf32>
    %swap3A_60 = vector.shape_cast %broadcast_in_dim3A_56 : vector<16xf32> to vector<16xf32>
    tpu.vector_store %arg6[%swap3A_57], %swap3A_60 {strides = array<i32>} : memref<640xf32, #tpu.memory_space<vmem>>, vector<16xf32>,
    %broadcast_in_dim3A_61 = arith.constant 0.000000e+00 : f32
    %broadcast_in_dim3A_62 = vector.broadcast %broadcast_in_dim3A_61 : f32 to vector<16xf32>
    %swap3A_63 = arith.constant 112 : index
    %swap3A_64 = tpu.vector_load %arg6[%swap3A_63] {strides = array<i32>} : memref<640xf32, #tpu.memory_space<vmem>>, vector<16xf32>,
    %swap3A_65 = vector.shape_cast %swap3A_64 : vector<16xf32> to vector<16xf32>
    %swap3A_66 = vector.shape_cast %broadcast_in_dim3A_62 : vector<16xf32> to vector<16xf32>
    tpu.vector_store %arg6[%swap3A_63], %swap3A_66 {strides = array<i32>} : memref<640xf32, #tpu.memory_space<vmem>>, vector<16xf32>,
    %broadcast_in_dim3A_67 = arith.constant 0.000000e+00 : f32
    %broadcast_in_dim3A_68 = vector.broadcast %broadcast_in_dim3A_67 : f32 to vector<16xf32>
    %swap3A_69 = arith.constant 128 : index
    %swap3A_70 = tpu.vector_load %arg6[%swap3A_69] {strides = array<i32>} : memref<640xf32, #tpu.memory_space<vmem>>, vector<16xf32>,
    %swap3A_71 = vector.shape_cast %swap3A_70 : vector<16xf32> to vector<16xf32>
    %swap3A_72 = vector.shape_cast %broadcast_in_dim3A_68 : vector<16xf32> to vector<16xf32>
    tpu.vector_store %arg6[%swap3A_69], %swap3A_72 {strides = array<i32>} : memref<640xf32, #tpu.memory_space<vmem>>, vector<16xf32>,
    %broadcast_in_dim3A_73 = arith.constant 0.000000e+00 : f32
    %broadcast_in_dim3A_74 = vector.broadcast %broadcast_in_dim3A_73 : f32 to vector<16xf32>
    %swap3A_75 = arith.constant 144 : index
    %swap3A_76 = tpu.vector_load %arg6[%swap3A_75] {strides = array<i32>} : memref<640xf32, #tpu.memory_space<vmem>>, vector<16xf32>,
    %swap3A_77 = vector.shape_cast %swap3A_76 : vector<16xf32> to vector<16xf32>
    %swap3A_78 = vector.shape_cast %broadcast_in_dim3A_74 : vector<16xf32> to vector<16xf32>
    tpu.vector_store %arg6[%swap3A_75], %swap3A_78 {strides = array<i32>} : memref<640xf32, #tpu.memory_space<vmem>>, vector<16xf32>,
    %broadcast_in_dim3A_79 = arith.constant 0.000000e+00 : f32
    %broadcast_in_dim3A_80 = vector.broadcast %broadcast_in_dim3A_79 : f32 to vector<16xf32>
    %swap3A_81 = arith.constant 160 : index
    %swap3A_82 = tpu.vector_load %arg6[%swap3A_81] {strides = array<i32>} : memref<640xf32, #tpu.memory_space<vmem>>, vector<16xf32>,
    %swap3A_83 = vector.shape_cast %swap3A_82 : vector<16xf32> to vector<16xf32>
    %swap3A_84 = vector.shape_cast %broadcast_in_dim3A_80 : vector<16xf32> to vector<16xf32>
    tpu.vector_store %arg6[%swap3A_81], %swap3A_84 {strides = array<i32>} : memref<640xf32, #tpu.memory_space<vmem>>, vector<16xf32>,
    %broadcast_in_dim3A_85 = arith.constant 0.000000e+00 : f32
    %broadcast_in_dim3A_86 = vector.broadcast %broadcast_in_dim3A_85 : f32 to vector<16xf32>
    %swap3A_87 = arith.constant 176 : index
    %swap3A_88 = tpu.vector_load %arg6[%swap3A_87] {strides = array<i32>} : memref<640xf32, #tpu.memory_space<vmem>>, vector<16xf32>,
    %swap3A_89 = vector.shape_cast %swap3A_88 : vector<16xf32> to vector<16xf32>
    %swap3A_90 = vector.shape_cast %broadcast_in_dim3A_86 : vector<16xf32> to vector<16xf32>
    tpu.vector_store %arg6[%swap3A_87], %swap3A_90 {strides = array<i32>} : memref<640xf32, #tpu.memory_space<vmem>>, vector<16xf32>,
    %broadcast_in_dim3A_91 = arith.constant 0.000000e+00 : f32
    %broadcast_in_dim3A_92 = vector.broadcast %broadcast_in_dim3A_91 : f32 to vector<16xf32>
    %swap3A_93 = arith.constant 192 : index
    %swap3A_94 = tpu.vector_load %arg6[%swap3A_93] {strides = array<i32>} : memref<640xf32, #tpu.memory_space<vmem>>, vector<16xf32>,
    %swap3A_95 = vector.shape_cast %swap3A_94 : vector<16xf32> to vector<16xf32>
    %swap3A_96 = vector.shape_cast %broadcast_in_dim3A_92 : vector<16xf32> to vector<16xf32>
    tpu.vector_store %arg6[%swap3A_93], %swap3A_96 {strides = array<i32>} : memref<640xf32, #tpu.memory_space<vmem>>, vector<16xf32>,
    %broadcast_in_dim3A_97 = arith.constant 0.000000e+00 : f32
    %broadcast_in_dim3A_98 = vector.broadcast %broadcast_in_dim3A_97 : f32 to vector<16xf32>
    %swap3A_99 = arith.constant 208 : index
    %swap3A_100 = tpu.vector_load %arg6[%swap3A_99] {strides = array<i32>} : memref<640xf32, #tpu.memory_space<vmem>>, vector<16xf32>,
    %swap3A_101 = vector.shape_cast %swap3A_100 : vector<16xf32> to vector<16xf32>
    %swap3A_102 = vector.shape_cast %broadcast_in_dim3A_98 : vector<16xf32> to vector<16xf32>
    tpu.vector_store %arg6[%swap3A_99], %swap3A_102 {strides = array<i32>} : memref<640xf32, #tpu.memory_space<vmem>>, vector<16xf32>,
    %broadcast_in_dim3A_103 = arith.constant 0.000000e+00 : f32
    %broadcast_in_dim3A_104 = vector.broadcast %broadcast_in_dim3A_103 : f32 to vector<16xf32>
    %swap3A_105 = arith.constant 224 : index
    %swap3A_106 = tpu.vector_load %arg6[%swap3A_105] {strides = array<i32>} : memref<640xf32, #tpu.memory_space<vmem>>, vector<16xf32>,
    %swap3A_107 = vector.shape_cast %swap3A_106 : vector<16xf32> to vector<16xf32>
    %swap3A_108 = vector.shape_cast %broadcast_in_dim3A_104 : vector<16xf32> to vector<16xf32>
    tpu.vector_store %arg6[%swap3A_105], %swap3A_108 {strides = array<i32>} : memref<640xf32, #tpu.memory_space<vmem>>, vector<16xf32>,
    %broadcast_in_dim3A_109 = arith.constant 0.000000e+00 : f32
    %broadcast_in_dim3A_110 = vector.broadcast %broadcast_in_dim3A_109 : f32 to vector<16xf32>
    %swap3A_111 = arith.constant 240 : index
    %swap3A_112 = tpu.vector_load %arg6[%swap3A_111] {strides = array<i32>} : memref<640xf32, #tpu.memory_space<vmem>>, vector<16xf32>,
    %swap3A_113 = vector.shape_cast %swap3A_112 : vector<16xf32> to vector<16xf32>
    %swap3A_114 = vector.shape_cast %broadcast_in_dim3A_110 : vector<16xf32> to vector<16xf32>
    tpu.vector_store %arg6[%swap3A_111], %swap3A_114 {strides = array<i32>} : memref<640xf32, #tpu.memory_space<vmem>>, vector<16xf32>,
    %broadcast_in_dim3A_115 = arith.constant 0.000000e+00 : f32
    %broadcast_in_dim3A_116 = vector.broadcast %broadcast_in_dim3A_115 : f32 to vector<16xf32>
    %swap3A_117 = arith.constant 256 : index
    %swap3A_118 = tpu.vector_load %arg6[%swap3A_117] {strides = array<i32>} : memref<640xf32, #tpu.memory_space<vmem>>, vector<16xf32>,
    %swap3A_119 = vector.shape_cast %swap3A_118 : vector<16xf32> to vector<16xf32>
    %swap3A_120 = vector.shape_cast %broadcast_in_dim3A_116 : vector<16xf32> to vector<16xf32>
    tpu.vector_store %arg6[%swap3A_117], %swap3A_120 {strides = array<i32>} : memref<640xf32, #tpu.memory_space<vmem>>, vector<16xf32>,
    %broadcast_in_dim3A_121 = arith.constant 0.000000e+00 : f32
    %broadcast_in_dim3A_122 = vector.broadcast %broadcast_in_dim3A_121 : f32 to vector<16xf32>
    %swap3A_123 = arith.constant 272 : index
    %swap3A_124 = tpu.vector_load %arg6[%swap3A_123] {strides = array<i32>} : memref<640xf32, #tpu.memory_space<vmem>>, vector<16xf32>,
    %swap3A_125 = vector.shape_cast %swap3A_124 : vector<16xf32> to vector<16xf32>
    %swap3A_126 = vector.shape_cast %broadcast_in_dim3A_122 : vector<16xf32> to vector<16xf32>
    tpu.vector_store %arg6[%swap3A_123], %swap3A_126 {strides = array<i32>} : memref<640xf32, #tpu.memory_space<vmem>>, vector<16xf32>,
    %broadcast_in_dim3A_127 = arith.constant 0.000000e+00 : f32
    %broadcast_in_dim3A_128 = vector.broadcast %broadcast_in_dim3A_127 : f32 to vector<16xf32>
    %swap3A_129 = arith.constant 288 : index
    %swap3A_130 = tpu.vector_load %arg6[%swap3A_129] {strides = array<i32>} : memref<640xf32, #tpu.memory_space<vmem>>, vector<16xf32>,
    %swap3A_131 = vector.shape_cast %swap3A_130 : vector<16xf32> to vector<16xf32>
    %swap3A_132 = vector.shape_cast %broadcast_in_dim3A_128 : vector<16xf32> to vector<16xf32>
    tpu.vector_store %arg6[%swap3A_129], %swap3A_132 {strides = array<i32>} : memref<640xf32, #tpu.memory_space<vmem>>, vector<16xf32>,
    %broadcast_in_dim3A_133 = arith.constant 0.000000e+00 : f32
    %broadcast_in_dim3A_134 = vector.broadcast %broadcast_in_dim3A_133 : f32 to vector<16xf32>
    %swap3A_135 = arith.constant 304 : index
    %swap3A_136 = tpu.vector_load %arg6[%swap3A_135] {strides = array<i32>} : memref<640xf32, #tpu.memory_space<vmem>>, vector<16xf32>,
    %swap3A_137 = vector.shape_cast %swap3A_136 : vector<16xf32> to vector<16xf32>
    %swap3A_138 = vector.shape_cast %broadcast_in_dim3A_134 : vector<16xf32> to vector<16xf32>
    tpu.vector_store %arg6[%swap3A_135], %swap3A_138 {strides = array<i32>} : memref<640xf32, #tpu.memory_space<vmem>>, vector<16xf32>,
    %broadcast_in_dim3A_139 = arith.constant 0.000000e+00 : f32
    %broadcast_in_dim3A_140 = vector.broadcast %broadcast_in_dim3A_139 : f32 to vector<16xf32>
    %swap3A_141 = arith.constant 320 : index
    %swap3A_142 = tpu.vector_load %arg6[%swap3A_141] {strides = array<i32>} : memref<640xf32, #tpu.memory_space<vmem>>, vector<16xf32>,
    %swap3A_143 = vector.shape_cast %swap3A_142 : vector<16xf32> to vector<16xf32>
    %swap3A_144 = vector.shape_cast %broadcast_in_dim3A_140 : vector<16xf32> to vector<16xf32>
    tpu.vector_store %arg6[%swap3A_141], %swap3A_144 {strides = array<i32>} : memref<640xf32, #tpu.memory_space<vmem>>, vector<16xf32>,
    %broadcast_in_dim3A_145 = arith.constant 0.000000e+00 : f32
    %broadcast_in_dim3A_146 = vector.broadcast %broadcast_in_dim3A_145 : f32 to vector<16xf32>
    %swap3A_147 = arith.constant 336 : index
    %swap3A_148 = tpu.vector_load %arg6[%swap3A_147] {strides = array<i32>} : memref<640xf32, #tpu.memory_space<vmem>>, vector<16xf32>,
    %swap3A_149 = vector.shape_cast %swap3A_148 : vector<16xf32> to vector<16xf32>
    %swap3A_150 = vector.shape_cast %broadcast_in_dim3A_146 : vector<16xf32> to vector<16xf32>
    tpu.vector_store %arg6[%swap3A_147], %swap3A_150 {strides = array<i32>} : memref<640xf32, #tpu.memory_space<vmem>>, vector<16xf32>,
    %broadcast_in_dim3A_151 = arith.constant 0.000000e+00 : f32
    %broadcast_in_dim3A_152 = vector.broadcast %broadcast_in_dim3A_151 : f32 to vector<16xf32>
    %swap3A_153 = arith.constant 352 : index
    %swap3A_154 = tpu.vector_load %arg6[%swap3A_153] {strides = array<i32>} : memref<640xf32, #tpu.memory_space<vmem>>, vector<16xf32>,
    %swap3A_155 = vector.shape_cast %swap3A_154 : vector<16xf32> to vector<16xf32>
    %swap3A_156 = vector.shape_cast %broadcast_in_dim3A_152 : vector<16xf32> to vector<16xf32>
    tpu.vector_store %arg6[%swap3A_153], %swap3A_156 {strides = array<i32>} : memref<640xf32, #tpu.memory_space<vmem>>, vector<16xf32>,
    %broadcast_in_dim3A_157 = arith.constant 0.000000e+00 : f32
    %broadcast_in_dim3A_158 = vector.broadcast %broadcast_in_dim3A_157 : f32 to vector<16xf32>
    %swap3A_159 = arith.constant 368 : index
    %swap3A_160 = tpu.vector_load %arg6[%swap3A_159] {strides = array<i32>} : memref<640xf32, #tpu.memory_space<vmem>>, vector<16xf32>,
    %swap3A_161 = vector.shape_cast %swap3A_160 : vector<16xf32> to vector<16xf32>
    %swap3A_162 = vector.shape_cast %broadcast_in_dim3A_158 : vector<16xf32> to vector<16xf32>
    tpu.vector_store %arg6[%swap3A_159], %swap3A_162 {strides = array<i32>} : memref<640xf32, #tpu.memory_space<vmem>>, vector<16xf32>,
    %broadcast_in_dim3A_163 = arith.constant 0.000000e+00 : f32
    %broadcast_in_dim3A_164 = vector.broadcast %broadcast_in_dim3A_163 : f32 to vector<16xf32>
    %swap3A_165 = arith.constant 384 : index
    %swap3A_166 = tpu.vector_load %arg6[%swap3A_165] {strides = array<i32>} : memref<640xf32, #tpu.memory_space<vmem>>, vector<16xf32>,
    %swap3A_167 = vector.shape_cast %swap3A_166 : vector<16xf32> to vector<16xf32>
    %swap3A_168 = vector.shape_cast %broadcast_in_dim3A_164 : vector<16xf32> to vector<16xf32>
    tpu.vector_store %arg6[%swap3A_165], %swap3A_168 {strides = array<i32>} : memref<640xf32, #tpu.memory_space<vmem>>, vector<16xf32>,
    %broadcast_in_dim3A_169 = arith.constant 0.000000e+00 : f32
    %broadcast_in_dim3A_170 = vector.broadcast %broadcast_in_dim3A_169 : f32 to vector<16xf32>
    %swap3A_171 = arith.constant 400 : index
    %swap3A_172 = tpu.vector_load %arg6[%swap3A_171] {strides = array<i32>} : memref<640xf32, #tpu.memory_space<vmem>>, vector<16xf32>,
    %swap3A_173 = vector.shape_cast %swap3A_172 : vector<16xf32> to vector<16xf32>
    %swap3A_174 = vector.shape_cast %broadcast_in_dim3A_170 : vector<16xf32> to vector<16xf32>
    tpu.vector_store %arg6[%swap3A_171], %swap3A_174 {strides = array<i32>} : memref<640xf32, #tpu.memory_space<vmem>>, vector<16xf32>,
    %broadcast_in_dim3A_175 = arith.constant 0.000000e+00 : f32
    %broadcast_in_dim3A_176 = vector.broadcast %broadcast_in_dim3A_175 : f32 to vector<16xf32>
    %swap3A_177 = arith.constant 416 : index
    %swap3A_178 = tpu.vector_load %arg6[%swap3A_177] {strides = array<i32>} : memref<640xf32, #tpu.memory_space<vmem>>, vector<16xf32>,
    %swap3A_179 = vector.shape_cast %swap3A_178 : vector<16xf32> to vector<16xf32>
    %swap3A_180 = vector.shape_cast %broadcast_in_dim3A_176 : vector<16xf32> to vector<16xf32>
    tpu.vector_store %arg6[%swap3A_177], %swap3A_180 {strides = array<i32>} : memref<640xf32, #tpu.memory_space<vmem>>, vector<16xf32>,
    %broadcast_in_dim3A_181 = arith.constant 0.000000e+00 : f32
    %broadcast_in_dim3A_182 = vector.broadcast %broadcast_in_dim3A_181 : f32 to vector<16xf32>
    %swap3A_183 = arith.constant 432 : index
    %swap3A_184 = tpu.vector_load %arg6[%swap3A_183] {strides = array<i32>} : memref<640xf32, #tpu.memory_space<vmem>>, vector<16xf32>,
    %swap3A_185 = vector.shape_cast %swap3A_184 : vector<16xf32> to vector<16xf32>
    %swap3A_186 = vector.shape_cast %broadcast_in_dim3A_182 : vector<16xf32> to vector<16xf32>
    tpu.vector_store %arg6[%swap3A_183], %swap3A_186 {strides = array<i32>} : memref<640xf32, #tpu.memory_space<vmem>>, vector<16xf32>,
    %broadcast_in_dim3A_187 = arith.constant 0.000000e+00 : f32
    %broadcast_in_dim3A_188 = vector.broadcast %broadcast_in_dim3A_187 : f32 to vector<16xf32>
    %swap3A_189 = arith.constant 448 : index
    %swap3A_190 = tpu.vector_load %arg6[%swap3A_189] {strides = array<i32>} : memref<640xf32, #tpu.memory_space<vmem>>, vector<16xf32>,
    %swap3A_191 = vector.shape_cast %swap3A_190 : vector<16xf32> to vector<16xf32>
    %swap3A_192 = vector.shape_cast %broadcast_in_dim3A_188 : vector<16xf32> to vector<16xf32>
    tpu.vector_store %arg6[%swap3A_189], %swap3A_192 {strides = array<i32>} : memref<640xf32, #tpu.memory_space<vmem>>, vector<16xf32>,
    %broadcast_in_dim3A_193 = arith.constant 0.000000e+00 : f32
    %broadcast_in_dim3A_194 = vector.broadcast %broadcast_in_dim3A_193 : f32 to vector<16xf32>
    %swap3A_195 = arith.constant 464 : index
    %swap3A_196 = tpu.vector_load %arg6[%swap3A_195] {strides = array<i32>} : memref<640xf32, #tpu.memory_space<vmem>>, vector<16xf32>,
    %swap3A_197 = vector.shape_cast %swap3A_196 : vector<16xf32> to vector<16xf32>
    %swap3A_198 = vector.shape_cast %broadcast_in_dim3A_194 : vector<16xf32> to vector<16xf32>
    tpu.vector_store %arg6[%swap3A_195], %swap3A_198 {strides = array<i32>} : memref<640xf32, #tpu.memory_space<vmem>>, vector<16xf32>,
    %broadcast_in_dim3A_199 = arith.constant 0.000000e+00 : f32
    %broadcast_in_dim3A_200 = vector.broadcast %broadcast_in_dim3A_199 : f32 to vector<16xf32>
    %swap3A_201 = arith.constant 480 : index
    %swap3A_202 = tpu.vector_load %arg6[%swap3A_201] {strides = array<i32>} : memref<640xf32, #tpu.memory_space<vmem>>, vector<16xf32>,
    %swap3A_203 = vector.shape_cast %swap3A_202 : vector<16xf32> to vector<16xf32>
    %swap3A_204 = vector.shape_cast %broadcast_in_dim3A_200 : vector<16xf32> to vector<16xf32>
    tpu.vector_store %arg6[%swap3A_201], %swap3A_204 {strides = array<i32>} : memref<640xf32, #tpu.memory_space<vmem>>, vector<16xf32>,
    %broadcast_in_dim3A_205 = arith.constant 0.000000e+00 : f32
    %broadcast_in_dim3A_206 = vector.broadcast %broadcast_in_dim3A_205 : f32 to vector<16xf32>
    %swap3A_207 = arith.constant 496 : index
    %swap3A_208 = tpu.vector_load %arg6[%swap3A_207] {strides = array<i32>} : memref<640xf32, #tpu.memory_space<vmem>>, vector<16xf32>,
    %swap3A_209 = vector.shape_cast %swap3A_208 : vector<16xf32> to vector<16xf32>
    %swap3A_210 = vector.shape_cast %broadcast_in_dim3A_206 : vector<16xf32> to vector<16xf32>
    tpu.vector_store %arg6[%swap3A_207], %swap3A_210 {strides = array<i32>} : memref<640xf32, #tpu.memory_space<vmem>>, vector<16xf32>,
    %broadcast_in_dim3A_211 = arith.constant 0.000000e+00 : f32
    %broadcast_in_dim3A_212 = vector.broadcast %broadcast_in_dim3A_211 : f32 to vector<16xf32>
    %swap3A_213 = arith.constant 512 : index
    %swap3A_214 = tpu.vector_load %arg6[%swap3A_213] {strides = array<i32>} : memref<640xf32, #tpu.memory_space<vmem>>, vector<16xf32>,
    %swap3A_215 = vector.shape_cast %swap3A_214 : vector<16xf32> to vector<16xf32>
    %swap3A_216 = vector.shape_cast %broadcast_in_dim3A_212 : vector<16xf32> to vector<16xf32>
    tpu.vector_store %arg6[%swap3A_213], %swap3A_216 {strides = array<i32>} : memref<640xf32, #tpu.memory_space<vmem>>, vector<16xf32>,
    %broadcast_in_dim3A_217 = arith.constant 0.000000e+00 : f32
    %broadcast_in_dim3A_218 = vector.broadcast %broadcast_in_dim3A_217 : f32 to vector<16xf32>
    %swap3A_219 = arith.constant 528 : index
    %swap3A_220 = tpu.vector_load %arg6[%swap3A_219] {strides = array<i32>} : memref<640xf32, #tpu.memory_space<vmem>>, vector<16xf32>,
    %swap3A_221 = vector.shape_cast %swap3A_220 : vector<16xf32> to vector<16xf32>
    %swap3A_222 = vector.shape_cast %broadcast_in_dim3A_218 : vector<16xf32> to vector<16xf32>
    tpu.vector_store %arg6[%swap3A_219], %swap3A_222 {strides = array<i32>} : memref<640xf32, #tpu.memory_space<vmem>>, vector<16xf32>,
    %broadcast_in_dim3A_223 = arith.constant 0.000000e+00 : f32
    %broadcast_in_dim3A_224 = vector.broadcast %broadcast_in_dim3A_223 : f32 to vector<16xf32>
    %swap3A_225 = arith.constant 544 : index
    %swap3A_226 = tpu.vector_load %arg6[%swap3A_225] {strides = array<i32>} : memref<640xf32, #tpu.memory_space<vmem>>, vector<16xf32>,
    %swap3A_227 = vector.shape_cast %swap3A_226 : vector<16xf32> to vector<16xf32>
    %swap3A_228 = vector.shape_cast %broadcast_in_dim3A_224 : vector<16xf32> to vector<16xf32>
    tpu.vector_store %arg6[%swap3A_225], %swap3A_228 {strides = array<i32>} : memref<640xf32, #tpu.memory_space<vmem>>, vector<16xf32>,
    %broadcast_in_dim3A_229 = arith.constant 0.000000e+00 : f32
    %broadcast_in_dim3A_230 = vector.broadcast %broadcast_in_dim3A_229 : f32 to vector<16xf32>
    %swap3A_231 = arith.constant 560 : index
    %swap3A_232 = tpu.vector_load %arg6[%swap3A_231] {strides = array<i32>} : memref<640xf32, #tpu.memory_space<vmem>>, vector<16xf32>,
    %swap3A_233 = vector.shape_cast %swap3A_232 : vector<16xf32> to vector<16xf32>
    %swap3A_234 = vector.shape_cast %broadcast_in_dim3A_230 : vector<16xf32> to vector<16xf32>
    tpu.vector_store %arg6[%swap3A_231], %swap3A_234 {strides = array<i32>} : memref<640xf32, #tpu.memory_space<vmem>>, vector<16xf32>,
    %broadcast_in_dim3A_235 = arith.constant 0.000000e+00 : f32
    %broadcast_in_dim3A_236 = vector.broadcast %broadcast_in_dim3A_235 : f32 to vector<16xf32>
    %swap3A_237 = arith.constant 576 : index
    %swap3A_238 = tpu.vector_load %arg6[%swap3A_237] {strides = array<i32>} : memref<640xf32, #tpu.memory_space<vmem>>, vector<16xf32>,
    %swap3A_239 = vector.shape_cast %swap3A_238 : vector<16xf32> to vector<16xf32>
    %swap3A_240 = vector.shape_cast %broadcast_in_dim3A_236 : vector<16xf32> to vector<16xf32>
    tpu.vector_store %arg6[%swap3A_237], %swap3A_240 {strides = array<i32>} : memref<640xf32, #tpu.memory_space<vmem>>, vector<16xf32>,
    %broadcast_in_dim3A_241 = arith.constant 0.000000e+00 : f32
    %broadcast_in_dim3A_242 = vector.broadcast %broadcast_in_dim3A_241 : f32 to vector<16xf32>
    %swap3A_243 = arith.constant 592 : index
    %swap3A_244 = tpu.vector_load %arg6[%swap3A_243] {strides = array<i32>} : memref<640xf32, #tpu.memory_space<vmem>>, vector<16xf32>,
    %swap3A_245 = vector.shape_cast %swap3A_244 : vector<16xf32> to vector<16xf32>
    %swap3A_246 = vector.shape_cast %broadcast_in_dim3A_242 : vector<16xf32> to vector<16xf32>
    tpu.vector_store %arg6[%swap3A_243], %swap3A_246 {strides = array<i32>} : memref<640xf32, #tpu.memory_space<vmem>>, vector<16xf32>,
    %broadcast_in_dim3A_247 = arith.constant 0.000000e+00 : f32
    %broadcast_in_dim3A_248 = vector.broadcast %broadcast_in_dim3A_247 : f32 to vector<16xf32>
    %swap3A_249 = arith.constant 608 : index
    %swap3A_250 = tpu.vector_load %arg6[%swap3A_249] {strides = array<i32>} : memref<640xf32, #tpu.memory_space<vmem>>, vector<16xf32>,
    %swap3A_251 = vector.shape_cast %swap3A_250 : vector<16xf32> to vector<16xf32>
    %swap3A_252 = vector.shape_cast %broadcast_in_dim3A_248 : vector<16xf32> to vector<16xf32>
    tpu.vector_store %arg6[%swap3A_249], %swap3A_252 {strides = array<i32>} : memref<640xf32, #tpu.memory_space<vmem>>, vector<16xf32>,
    %broadcast_in_dim3A_253 = arith.constant 0.000000e+00 : f32
    %broadcast_in_dim3A_254 = vector.broadcast %broadcast_in_dim3A_253 : f32 to vector<16xf32>
    %swap3A_255 = arith.constant 624 : index
    %swap3A_256 = tpu.vector_load %arg6[%swap3A_255] {strides = array<i32>} : memref<640xf32, #tpu.memory_space<vmem>>, vector<16xf32>,
    %swap3A_257 = vector.shape_cast %swap3A_256 : vector<16xf32> to vector<16xf32>
    %swap3A_258 = vector.shape_cast %broadcast_in_dim3A_254 : vector<16xf32> to vector<16xf32>
    tpu.vector_store %arg6[%swap3A_255], %swap3A_258 {strides = array<i32>} : memref<640xf32, #tpu.memory_space<vmem>>, vector<16xf32>,
    %mul3A_259 = arith.constant 640 : i32
    %mul3A_260 = arith.muli %arg1, %mul3A_259 : i32
    "tpu.region"() ({
      %run_scoped3A = tpu.sem_alloc : memref<!tpu.dma_semaphore, #tpu.memory_space<semaphore_mem>>
      %dma_start3A = tpu.memref_slice %arg7[%mul3A_260] : memref<10240xf32, #tpu.memory_space<vmem_shared>> -> memref<640xf32, #tpu.memory_space<vmem_shared>>
      %dma_start3A_282 = tpu.memref_slice %arg7[%mul3A_260] : memref<10240xf32, #tpu.memory_space<vmem_shared>> -> memref<640xf32, #tpu.memory_space<vmem_shared>>
      tpu.enqueue_dma source(%arg6 : memref<640xf32, #tpu.memory_space<vmem>>) target(%dma_start3A_282 : memref<640xf32, #tpu.memory_space<vmem_shared>>) target_semaphore(%run_scoped3A : memref<!tpu.dma_semaphore, #tpu.memory_space<semaphore_mem>>)
      %dma_wait3A = tpu.memref_slice %arg7[%mul3A_260] : memref<10240xf32, #tpu.memory_space<vmem_shared>> -> memref<640xf32, #tpu.memory_space<vmem_shared>>
      %dma_wait3A_283 = tpu.memref_slice %arg7[%mul3A_260] : memref<10240xf32, #tpu.memory_space<vmem_shared>> -> memref<640xf32, #tpu.memory_space<vmem_shared>>
      tpu.wait_dma2 semaphore(%run_scoped3A : memref<!tpu.dma_semaphore, #tpu.memory_space<semaphore_mem>>) src(%arg6 : memref<640xf32, #tpu.memory_space<vmem>>) dst(%dma_wait3A_283 : memref<640xf32, #tpu.memory_space<vmem_shared>>)
      tpu.yield
    }) : () -> ()
    %barrier3A = arith.constant 0 : index
    tpu.barrier barrier_id(%barrier3A)
    %scan3A = arith.constant 0 : i32
    %scan3A_261 = arith.constant 0 : i32
    %scan3A_262 = arith.constant 125 : i32
    %scan3A_263 = arith.addi %scan3A_261, %scan3A_262 : i32
    %scan3A_264 = arith.constant 1 : i32
    scf.for %scan3A_282 = %scan3A_261 to %scan3A_263 step %scan3A_264  : i32 {
      %run_scoped3A = arith.constant 1 : i32
      "tpu.region"() ({
        %run_scoped3A_283 = tpu.sem_alloc : memref<!tpu.dma_semaphore, #tpu.memory_space<semaphore_mem>>
        %dma_start3A = arith.constant 0 : i32
        %dma_start3A_284 = tpu.memref_slice %arg5[%dma_start3A] : memref<48xf32, #tpu.memory_space<vmem>> -> memref<40xf32, #tpu.memory_space<vmem>>
        %dma_start3A_285 = arith.constant 0 : i32
        %dma_start3A_286 = tpu.memref_slice %arg4[%scan3A_282, %run_scoped3A, %dma_start3A_285] : memref<125x2x40xi32, #tpu.memory_space<vmem>> -> memref<1x1x40xi32, #tpu.memory_space<vmem>>
        %dma_start3A_287 = tpu.memref_squeeze %dma_start3A_286 : memref<1x1x40xi32, #tpu.memory_space<vmem>> -> memref<40xi32, #tpu.memory_space<vmem>>
        %dma_start3A_288 = arith.constant 0 : i32
        %dma_start3A_289 = tpu.memref_slice %arg7[%dma_start3A_288] : memref<10240xf32, #tpu.memory_space<vmem_shared>> -> memref<10240xf32, #tpu.memory_space<vmem_shared>>
        tpu.enqueue_indirect_dma source(%dma_start3A_284 : memref<40xf32, #tpu.memory_space<vmem>>) target(%dma_start3A_289 : memref<10240xf32, #tpu.memory_space<vmem_shared>>) offsets(%dma_start3A_287 : memref<40xi32, #tpu.memory_space<vmem>>) semaphore(%run_scoped3A_283 : memref<!tpu.dma_semaphore, #tpu.memory_space<semaphore_mem>>) {add = true}
        %dma_wait3A = arith.constant 0 : i32
        %dma_wait3A_290 = tpu.memref_slice %arg5[%dma_wait3A] : memref<48xf32, #tpu.memory_space<vmem>> -> memref<40xf32, #tpu.memory_space<vmem>>
        %dma_wait3A_291 = arith.constant 0 : i32
        %dma_wait3A_292 = tpu.memref_slice %arg4[%scan3A_282, %run_scoped3A, %dma_wait3A_291] : memref<125x2x40xi32, #tpu.memory_space<vmem>> -> memref<1x1x40xi32, #tpu.memory_space<vmem>>
        %dma_wait3A_293 = tpu.memref_squeeze %dma_wait3A_292 : memref<1x1x40xi32, #tpu.memory_space<vmem>> -> memref<40xi32, #tpu.memory_space<vmem>>
        %dma_wait3A_294 = arith.constant 0 : i32
        %dma_wait3A_295 = tpu.memref_slice %arg7[%dma_wait3A_294] : memref<10240xf32, #tpu.memory_space<vmem_shared>> -> memref<10240xf32, #tpu.memory_space<vmem_shared>>
        tpu.wait_indirect_dma semaphore(%run_scoped3A_283 : memref<!tpu.dma_semaphore, #tpu.memory_space<semaphore_mem>>) src(%dma_wait3A_290 : memref<40xf32, #tpu.memory_space<vmem>>) dst(%dma_wait3A_295 : memref<10240xf32, #tpu.memory_space<vmem_shared>>)
        tpu.yield
      }) : () -> ()
    }
    %scan3A_265 = arith.constant 125 : i32
    %add3A_266 = arith.constant 125 : i32
    %add3A_267 = arith.addi %mul3A_2, %add3A_266 : i32
    "tpu.region"() ({
      %run_scoped3A = tpu.sem_alloc : memref<!tpu.dma_semaphore, #tpu.memory_space<semaphore_mem>>
      %dma_start3A = arith.constant 0 : i32
      %dma_start3A_282 = arith.constant 0 : i32
      %dma_start3A_283 = tpu.memref_slice %arg2[%add3A_267, %dma_start3A, %dma_start3A_282] : memref<8000x2x40xi32, #tpu.memory_space<hbm>> -> memref<125x2x40xi32, #tpu.memory_space<hbm>>
      %dma_start3A_284 = arith.constant 0 : i32
      %dma_start3A_285 = arith.constant 0 : i32
      %dma_start3A_286 = tpu.memref_slice %arg2[%add3A_267, %dma_start3A_284, %dma_start3A_285] : memref<8000x2x40xi32, #tpu.memory_space<hbm>> -> memref<125x2x40xi32, #tpu.memory_space<hbm>>
      tpu.enqueue_dma source(%dma_start3A_286 : memref<125x2x40xi32, #tpu.memory_space<hbm>>) target(%arg4 : memref<125x2x40xi32, #tpu.memory_space<vmem>>) target_semaphore(%run_scoped3A : memref<!tpu.dma_semaphore, #tpu.memory_space<semaphore_mem>>)
      %dma_wait3A = arith.constant 0 : i32
      %dma_wait3A_287 = arith.constant 0 : i32
      %dma_wait3A_288 = tpu.memref_slice %arg2[%add3A_267, %dma_wait3A, %dma_wait3A_287] : memref<8000x2x40xi32, #tpu.memory_space<hbm>> -> memref<125x2x40xi32, #tpu.memory_space<hbm>>
      %dma_wait3A_289 = arith.constant 0 : i32
      %dma_wait3A_290 = arith.constant 0 : i32
      %dma_wait3A_291 = tpu.memref_slice %arg2[%add3A_267, %dma_wait3A_289, %dma_wait3A_290] : memref<8000x2x40xi32, #tpu.memory_space<hbm>> -> memref<125x2x40xi32, #tpu.memory_space<hbm>>
      tpu.wait_dma2 semaphore(%run_scoped3A : memref<!tpu.dma_semaphore, #tpu.memory_space<semaphore_mem>>) src(%dma_wait3A_291 : memref<125x2x40xi32, #tpu.memory_space<hbm>>) dst(%arg4 : memref<125x2x40xi32, #tpu.memory_space<vmem>>)
      tpu.yield
    }) : () -> ()
    %scan3A_268 = arith.constant 0 : i32
    %scan3A_269 = arith.constant 0 : i32
    %scan3A_270 = arith.constant 125 : i32
    %scan3A_271 = arith.addi %scan3A_269, %scan3A_270 : i32
    %scan3A_272 = arith.constant 1 : i32
    scf.for %scan3A_282 = %scan3A_269 to %scan3A_271 step %scan3A_272  : i32 {
      %run_scoped3A = arith.constant 1 : i32
      "tpu.region"() ({
        %run_scoped3A_283 = tpu.sem_alloc : memref<!tpu.dma_semaphore, #tpu.memory_space<semaphore_mem>>
        %dma_start3A = arith.constant 0 : i32
        %dma_start3A_284 = tpu.memref_slice %arg5[%dma_start3A] : memref<48xf32, #tpu.memory_space<vmem>> -> memref<40xf32, #tpu.memory_space<vmem>>
        %dma_start3A_285 = arith.constant 0 : i32
        %dma_start3A_286 = tpu.memref_slice %arg4[%scan3A_282, %run_scoped3A, %dma_start3A_285] : memref<125x2x40xi32, #tpu.memory_space<vmem>> -> memref<1x1x40xi32, #tpu.memory_space<vmem>>
        %dma_start3A_287 = tpu.memref_squeeze %dma_start3A_286 : memref<1x1x40xi32, #tpu.memory_space<vmem>> -> memref<40xi32, #tpu.memory_space<vmem>>
        %dma_start3A_288 = arith.constant 0 : i32
        %dma_start3A_289 = tpu.memref_slice %arg7[%dma_start3A_288] : memref<10240xf32, #tpu.memory_space<vmem_shared>> -> memref<10240xf32, #tpu.memory_space<vmem_shared>>
        tpu.enqueue_indirect_dma source(%dma_start3A_284 : memref<40xf32, #tpu.memory_space<vmem>>) target(%dma_start3A_289 : memref<10240xf32, #tpu.memory_space<vmem_shared>>) offsets(%dma_start3A_287 : memref<40xi32, #tpu.memory_space<vmem>>) semaphore(%run_scoped3A_283 : memref<!tpu.dma_semaphore, #tpu.memory_space<semaphore_mem>>) {add = true}
        %dma_wait3A = arith.constant 0 : i32
        %dma_wait3A_290 = tpu.memref_slice %arg5[%dma_wait3A] : memref<48xf32, #tpu.memory_space<vmem>> -> memref<40xf32, #tpu.memory_space<vmem>>
        %dma_wait3A_291 = arith.constant 0 : i32
        %dma_wait3A_292 = tpu.memref_slice %arg4[%scan3A_282, %run_scoped3A, %dma_wait3A_291] : memref<125x2x40xi32, #tpu.memory_space<vmem>> -> memref<1x1x40xi32, #tpu.memory_space<vmem>>
        %dma_wait3A_293 = tpu.memref_squeeze %dma_wait3A_292 : memref<1x1x40xi32, #tpu.memory_space<vmem>> -> memref<40xi32, #tpu.memory_space<vmem>>
        %dma_wait3A_294 = arith.constant 0 : i32
        %dma_wait3A_295 = tpu.memref_slice %arg7[%dma_wait3A_294] : memref<10240xf32, #tpu.memory_space<vmem_shared>> -> memref<10240xf32, #tpu.memory_space<vmem_shared>>
        tpu.wait_indirect_dma semaphore(%run_scoped3A_283 : memref<!tpu.dma_semaphore, #tpu.memory_space<semaphore_mem>>) src(%dma_wait3A_290 : memref<40xf32, #tpu.memory_space<vmem>>) dst(%dma_wait3A_295 : memref<10240xf32, #tpu.memory_space<vmem_shared>>)
        tpu.yield
      }) : () -> ()
    }
    %scan3A_273 = arith.constant 125 : i32
    %barrier3A_274 = arith.constant 0 : index
    tpu.barrier barrier_id(%barrier3A_274)
    %mul3A_275 = arith.constant 640 : i32
    %mul3A_276 = arith.muli %arg1, %mul3A_275 : i32
    %mul3A_277 = arith.constant 10240 : i32
    %mul3A_278 = arith.muli %arg0, %mul3A_277 : i32
    %mul3A_279 = arith.constant 640 : i32
    %mul3A_280 = arith.muli %arg1, %mul3A_279 : i32
    %add3A_281 = arith.addi %mul3A_278, %mul3A_280 : i32
    "tpu.region"() ({
      %run_scoped3A = tpu.sem_alloc : memref<!tpu.dma_semaphore, #tpu.memory_space<semaphore_mem>>
      %dma_start3A = tpu.memref_slice %arg3[%add3A_281] : memref<20480xf32, #tpu.memory_space<hbm>> -> memref<640xf32, #tpu.memory_space<hbm>>
      %dma_start3A_282 = tpu.memref_slice %arg7[%mul3A_276] : memref<10240xf32, #tpu.memory_space<vmem_shared>> -> memref<640xf32, #tpu.memory_space<vmem_shared>>
      tpu.enqueue_dma source(%dma_start3A_282 : memref<640xf32, #tpu.memory_space<vmem_shared>>) target(%dma_start3A : memref<640xf32, #tpu.memory_space<hbm>>) target_semaphore(%run_scoped3A : memref<!tpu.dma_semaphore, #tpu.memory_space<semaphore_mem>>)
      %dma_wait3A = tpu.memref_slice %arg3[%add3A_281] : memref<20480xf32, #tpu.memory_space<hbm>> -> memref<640xf32, #tpu.memory_space<hbm>>
      %dma_wait3A_283 = tpu.memref_slice %arg7[%mul3A_276] : memref<10240xf32, #tpu.memory_space<vmem_shared>> -> memref<640xf32, #tpu.memory_space<vmem_shared>>
      tpu.wait_dma2 semaphore(%run_scoped3A : memref<!tpu.dma_semaphore, #tpu.memory_space<semaphore_mem>>) src(%dma_wait3A_283 : memref<640xf32, #tpu.memory_space<vmem_shared>>) dst(%dma_wait3A : memref<640xf32, #tpu.memory_space<hbm>>)
      tpu.yield
    }) : () -> ()
    return
  }
}

module attributes {stable_mosaic.version = 14 : i64} {
  func.func @_tc_matmul_body(%arg0: memref<10000x128xf32, #tpu.memory_space<vmem>>, %arg1: memref<128x128xf32, #tpu.memory_space<vmem>>, %arg2: memref<10000x128xf32, #tpu.memory_space<vmem>>) attributes {dimension_semantics = [], scalar_prefetch = 0 : i64, scratch_operands = 0 : i64, tpu.core_type = #tpu.core_type<tc>} {
    %get3A = arith.constant 0 : index
    %get3A_0 = arith.constant 0 : index
    %get3A_1 = vector.load %arg0[%get3A, %get3A_0] : memref<10000x128xf32, #tpu.memory_space<vmem>>, vector<10000x128xf32>
    %get3A_2 = arith.constant 0 : index
    %get3A_3 = arith.constant 0 : index
    %get3A_4 = vector.load %arg1[%get3A_2, %get3A_3] : memref<128x128xf32, #tpu.memory_space<vmem>>, vector<128x128xf32>
    %dot_general3A = arith.constant dense<0.000000e+00> : vector<10000x128xf32>
    %dot_general3A_5 = tpu.matmul %get3A_1, %get3A_4, %dot_general3A {dimension_numbers = #tpu.dot_dimension_numbers<[1], [0], [0], [1], [0, 0, 1, 1], [], []>, transpose_lhs_hint = false} : vector<10000x128xf32>, vector<128x128xf32>, vector<10000x128xf32> -> vector<10000x128xf32>
    %swap3A = arith.constant 0 : index
    %swap3A_6 = arith.constant 0 : index
    %swap3A_7 = vector.load %arg2[%swap3A, %swap3A_6] : memref<10000x128xf32, #tpu.memory_space<vmem>>, vector<10000x128xf32>
    tpu.vector_store %arg2[%swap3A, %swap3A_6], %dot_general3A_5 {strides = array<i32>} : memref<10000x128xf32, #tpu.memory_space<vmem>>, vector<10000x128xf32>,
    return
  }
}

module attributes {stable_mosaic.version = 14 : i64} {
  func.func @_tc_prescale_body(%arg0: memref<10000x128xf32, #tpu.memory_space<vmem>>, %arg1: memref<2x10240x1xf32, #tpu.memory_space<vmem>>, %arg2: memref<10000x128xf32, #tpu.memory_space<vmem>>, %arg3: memref<10000x1xf32, #tpu.memory_space<vmem>>) attributes {dimension_semantics = [], scalar_prefetch = 0 : i64, scratch_operands = 0 : i64, tpu.core_type = #tpu.core_type<tc>} {
    %get3A = arith.constant 0 : index
    %get3A_0 = arith.constant 0 : index
    %get3A_1 = arith.constant 0 : index
    %get3A_2 = vector.load %arg1[%get3A, %get3A_0, %get3A_1] : memref<2x10240x1xf32, #tpu.memory_space<vmem>>, vector<1x10000x1xf32>
    %get3A_3 = vector.shape_cast %get3A_2 : vector<1x10000x1xf32> to vector<10000x1xf32>
    %get3A_4 = arith.constant 1 : index
    %get3A_5 = arith.constant 0 : index
    %get3A_6 = arith.constant 0 : index
    %get3A_7 = vector.load %arg1[%get3A_4, %get3A_5, %get3A_6] : memref<2x10240x1xf32, #tpu.memory_space<vmem>>, vector<1x10000x1xf32>
    %get3A_8 = vector.shape_cast %get3A_7 : vector<1x10000x1xf32> to vector<10000x1xf32>
    %add3A = arith.addf %get3A_3, %get3A_8 : vector<10000x1xf32>
    %add3A_9 = arith.constant 1.000000e+00 : f32
    %add3A_10 = vector.broadcast %add3A_9 : f32 to vector<10000x1xf32>
    %add3A_11 = arith.addf %add3A, %add3A_10 : vector<10000x1xf32>
    %rsqrt3A = math.rsqrt %add3A_11 : vector<10000x1xf32>
    %swap3A = arith.constant 0 : index
    %swap3A_12 = arith.constant 0 : index
    %swap3A_13 = vector.load %arg3[%swap3A, %swap3A_12] : memref<10000x1xf32, #tpu.memory_space<vmem>>, vector<10000x1xf32>
    tpu.vector_store %arg3[%swap3A, %swap3A_12], %rsqrt3A {strides = array<i32>} : memref<10000x1xf32, #tpu.memory_space<vmem>>, vector<10000x1xf32>,
    %get3A_14 = arith.constant 0 : index
    %get3A_15 = arith.constant 0 : index
    %get3A_16 = vector.load %arg0[%get3A_14, %get3A_15] : memref<10000x128xf32, #tpu.memory_space<vmem>>, vector<10000x128xf32>
    %mul3A = vector.broadcast %rsqrt3A : vector<10000x1xf32> to vector<10000x128xf32>
    %mul3A_17 = arith.mulf %mul3A, %get3A_16 : vector<10000x128xf32>
    %swap3A_18 = arith.constant 0 : index
    %swap3A_19 = arith.constant 0 : index
    %swap3A_20 = vector.load %arg2[%swap3A_18, %swap3A_19] : memref<10000x128xf32, #tpu.memory_space<vmem>>, vector<10000x128xf32>
    tpu.vector_store %arg2[%swap3A_18, %swap3A_19], %mul3A_17 {strides = array<i32>} : memref<10000x128xf32, #tpu.memory_space<vmem>>, vector<10000x128xf32>,
    return
  }
}

module attributes {stable_mosaic.version = 14 : i64} {
  func.func @_tc_mid_body(%arg0: memref<2x10000x128xf32, #tpu.memory_space<vmem>>, %arg1: memref<10000x128xf32, #tpu.memory_space<vmem>>, %arg2: memref<10000x1xf32, #tpu.memory_space<vmem>>, %arg3: memref<1x128xf32, #tpu.memory_space<vmem>>, %arg4: memref<1x128xf32, #tpu.memory_space<vmem>>, %arg5: memref<1x128xf32, #tpu.memory_space<vmem>>, %arg6: memref<128x128xf32, #tpu.memory_space<vmem>>, %arg7: memref<10000x128xf32, #tpu.memory_space<vmem>>) attributes {dimension_semantics = [], scalar_prefetch = 0 : i64, scratch_operands = 0 : i64, tpu.core_type = #tpu.core_type<tc>} {
    %get3A = arith.constant 0 : index
    %get3A_0 = arith.constant 0 : index
    %get3A_1 = vector.load %arg2[%get3A, %get3A_0] : memref<10000x1xf32, #tpu.memory_space<vmem>>, vector<10000x1xf32>
    %get3A_2 = arith.constant 0 : index
    %get3A_3 = arith.constant 0 : index
    %get3A_4 = arith.constant 0 : index
    %get3A_5 = vector.load %arg0[%get3A_2, %get3A_3, %get3A_4] : memref<2x10000x128xf32, #tpu.memory_space<vmem>>, vector<1x10000x128xf32>
    %get3A_6 = vector.shape_cast %get3A_5 : vector<1x10000x128xf32> to vector<10000x128xf32>
    %get3A_7 = arith.constant 1 : index
    %get3A_8 = arith.constant 0 : index
    %get3A_9 = arith.constant 0 : index
    %get3A_10 = vector.load %arg0[%get3A_7, %get3A_8, %get3A_9] : memref<2x10000x128xf32, #tpu.memory_space<vmem>>, vector<1x10000x128xf32>
    %get3A_11 = vector.shape_cast %get3A_10 : vector<1x10000x128xf32> to vector<10000x128xf32>
    %add3A = arith.addf %get3A_6, %get3A_11 : vector<10000x128xf32>
    %get3A_12 = arith.constant 0 : index
    %get3A_13 = arith.constant 0 : index
    %get3A_14 = vector.load %arg1[%get3A_12, %get3A_13] : memref<10000x128xf32, #tpu.memory_space<vmem>>, vector<10000x128xf32>
    %sub3A = arith.subf %add3A, %get3A_14 : vector<10000x128xf32>
    %mul3A = vector.broadcast %get3A_1 : vector<10000x1xf32> to vector<10000x128xf32>
    %mul3A_15 = arith.mulf %mul3A, %sub3A : vector<10000x128xf32>
    %get3A_16 = arith.constant 0 : index
    %get3A_17 = arith.constant 0 : index
    %get3A_18 = vector.load %arg3[%get3A_16, %get3A_17] : memref<1x128xf32, #tpu.memory_space<vmem>>, vector<1x128xf32>
    %add3A_19 = vector.broadcast %get3A_18 : vector<1x128xf32> to vector<10000x128xf32>
    %add3A_20 = arith.addf %mul3A_15, %add3A_19 : vector<10000x128xf32>
    %reduce_sum3A = arith.constant dense<0.000000e+00> : vector<128xf32>
    %reduce_sum3A_21 = vector.multi_reduction <add>, %add3A_20, %reduce_sum3A [0] : vector<10000x128xf32> to vector<128xf32>
    %broadcast_in_dim3A = vector.shape_cast %reduce_sum3A_21 : vector<128xf32> to vector<1x128xf32>
    %div3A = arith.constant 1.000000e+04 : f32
    %div3A_22 = vector.broadcast %div3A : f32 to vector<1x128xf32>
    %div3A_23 = arith.divf %broadcast_in_dim3A, %div3A_22 : vector<1x128xf32>
    %sub3A_24 = vector.broadcast %div3A_23 : vector<1x128xf32> to vector<10000x128xf32>
    %sub3A_25 = arith.subf %add3A_20, %sub3A_24 : vector<10000x128xf32>
    %mul3A_26 = arith.mulf %sub3A_25, %sub3A_25 : vector<10000x128xf32>
    %reduce_sum3A_27 = arith.constant dense<0.000000e+00> : vector<128xf32>
    %reduce_sum3A_28 = vector.multi_reduction <add>, %mul3A_26, %reduce_sum3A_27 [0] : vector<10000x128xf32> to vector<128xf32>
    %broadcast_in_dim3A_29 = vector.shape_cast %reduce_sum3A_28 : vector<128xf32> to vector<1x128xf32>
    %div3A_30 = arith.constant 1.000000e+04 : f32
    %div3A_31 = vector.broadcast %div3A_30 : f32 to vector<1x128xf32>
    %div3A_32 = arith.divf %broadcast_in_dim3A_29, %div3A_31 : vector<1x128xf32>
    %get3A_33 = arith.constant 0 : index
    %get3A_34 = arith.constant 0 : index
    %get3A_35 = vector.load %arg4[%get3A_33, %get3A_34] : memref<1x128xf32, #tpu.memory_space<vmem>>, vector<1x128xf32>
    %mul3A_36 = vector.broadcast %get3A_35 : vector<1x128xf32> to vector<10000x128xf32>
    %mul3A_37 = arith.mulf %mul3A_36, %sub3A_25 : vector<10000x128xf32>
    %add3A_38 = arith.constant 9.99999974E-6 : f32
    %add3A_39 = vector.broadcast %add3A_38 : f32 to vector<1x128xf32>
    %add3A_40 = arith.addf %div3A_32, %add3A_39 : vector<1x128xf32>
    %rsqrt3A = math.rsqrt %add3A_40 : vector<1x128xf32>
    %mul3A_41 = vector.broadcast %rsqrt3A : vector<1x128xf32> to vector<10000x128xf32>
    %mul3A_42 = arith.mulf %mul3A_37, %mul3A_41 : vector<10000x128xf32>
    %get3A_43 = arith.constant 0 : index
    %get3A_44 = arith.constant 0 : index
    %get3A_45 = vector.load %arg5[%get3A_43, %get3A_44] : memref<1x128xf32, #tpu.memory_space<vmem>>, vector<1x128xf32>
    %add3A_46 = vector.broadcast %get3A_45 : vector<1x128xf32> to vector<10000x128xf32>
    %add3A_47 = arith.addf %mul3A_42, %add3A_46 : vector<10000x128xf32>
    %max3A = arith.constant 0.000000e+00 : f32
    %max3A_48 = vector.broadcast %max3A : f32 to vector<10000x128xf32>
    %max3A_49 = arith.maximumf %add3A_47, %max3A_48 : vector<10000x128xf32>
    %get3A_50 = arith.constant 0 : index
    %get3A_51 = arith.constant 0 : index
    %get3A_52 = vector.load %arg6[%get3A_50, %get3A_51] : memref<128x128xf32, #tpu.memory_space<vmem>>, vector<128x128xf32>
    %dot_general3A = arith.constant dense<0.000000e+00> : vector<10000x128xf32>
    %dot_general3A_53 = tpu.matmul %max3A_49, %get3A_52, %dot_general3A {dimension_numbers = #tpu.dot_dimension_numbers<[1], [0], [0], [1], [0, 0, 1, 1], [], []>, transpose_lhs_hint = false} : vector<10000x128xf32>, vector<128x128xf32>, vector<10000x128xf32> -> vector<10000x128xf32>
    %mul3A_54 = vector.broadcast %get3A_1 : vector<10000x1xf32> to vector<10000x128xf32>
    %mul3A_55 = arith.mulf %mul3A_54, %dot_general3A_53 : vector<10000x128xf32>
    %swap3A = arith.constant 0 : index
    %swap3A_56 = arith.constant 0 : index
    %swap3A_57 = vector.load %arg7[%swap3A, %swap3A_56] : memref<10000x128xf32, #tpu.memory_space<vmem>>, vector<10000x128xf32>
    tpu.vector_store %arg7[%swap3A, %swap3A_56], %mul3A_55 {strides = array<i32>} : memref<10000x128xf32, #tpu.memory_space<vmem>>, vector<10000x128xf32>,
    return
  }
}

module attributes {stable_mosaic.version = 14 : i64} {
  func.func @_tc_final_body(%arg0: memref<2x10000x128xf32, #tpu.memory_space<vmem>>, %arg1: memref<10000x128xf32, #tpu.memory_space<vmem>>, %arg2: memref<10000x128xf32, #tpu.memory_space<vmem>>, %arg3: memref<10000x1xf32, #tpu.memory_space<vmem>>, %arg4: memref<1x128xf32, #tpu.memory_space<vmem>>, %arg5: memref<1x128xf32, #tpu.memory_space<vmem>>, %arg6: memref<1x128xf32, #tpu.memory_space<vmem>>, %arg7: memref<10000x128xf32, #tpu.memory_space<vmem>>) attributes {dimension_semantics = [], scalar_prefetch = 0 : i64, scratch_operands = 0 : i64, tpu.core_type = #tpu.core_type<tc>} {
    %get3A = arith.constant 0 : index
    %get3A_0 = arith.constant 0 : index
    %get3A_1 = vector.load %arg3[%get3A, %get3A_0] : memref<10000x1xf32, #tpu.memory_space<vmem>>, vector<10000x1xf32>
    %get3A_2 = arith.constant 0 : index
    %get3A_3 = arith.constant 0 : index
    %get3A_4 = arith.constant 0 : index
    %get3A_5 = vector.load %arg0[%get3A_2, %get3A_3, %get3A_4] : memref<2x10000x128xf32, #tpu.memory_space<vmem>>, vector<1x10000x128xf32>
    %get3A_6 = vector.shape_cast %get3A_5 : vector<1x10000x128xf32> to vector<10000x128xf32>
    %get3A_7 = arith.constant 1 : index
    %get3A_8 = arith.constant 0 : index
    %get3A_9 = arith.constant 0 : index
    %get3A_10 = vector.load %arg0[%get3A_7, %get3A_8, %get3A_9] : memref<2x10000x128xf32, #tpu.memory_space<vmem>>, vector<1x10000x128xf32>
    %get3A_11 = vector.shape_cast %get3A_10 : vector<1x10000x128xf32> to vector<10000x128xf32>
    %add3A = arith.addf %get3A_6, %get3A_11 : vector<10000x128xf32>
    %get3A_12 = arith.constant 0 : index
    %get3A_13 = arith.constant 0 : index
    %get3A_14 = vector.load %arg1[%get3A_12, %get3A_13] : memref<10000x128xf32, #tpu.memory_space<vmem>>, vector<10000x128xf32>
    %sub3A = arith.subf %add3A, %get3A_14 : vector<10000x128xf32>
    %mul3A = vector.broadcast %get3A_1 : vector<10000x1xf32> to vector<10000x128xf32>
    %mul3A_15 = arith.mulf %mul3A, %sub3A : vector<10000x128xf32>
    %get3A_16 = arith.constant 0 : index
    %get3A_17 = arith.constant 0 : index
    %get3A_18 = vector.load %arg4[%get3A_16, %get3A_17] : memref<1x128xf32, #tpu.memory_space<vmem>>, vector<1x128xf32>
    %add3A_19 = vector.broadcast %get3A_18 : vector<1x128xf32> to vector<10000x128xf32>
    %add3A_20 = arith.addf %mul3A_15, %add3A_19 : vector<10000x128xf32>
    %reduce_sum3A = arith.constant dense<0.000000e+00> : vector<128xf32>
    %reduce_sum3A_21 = vector.multi_reduction <add>, %add3A_20, %reduce_sum3A [0] : vector<10000x128xf32> to vector<128xf32>
    %broadcast_in_dim3A = vector.shape_cast %reduce_sum3A_21 : vector<128xf32> to vector<1x128xf32>
    %div3A = arith.constant 1.000000e+04 : f32
    %div3A_22 = vector.broadcast %div3A : f32 to vector<1x128xf32>
    %div3A_23 = arith.divf %broadcast_in_dim3A, %div3A_22 : vector<1x128xf32>
    %sub3A_24 = vector.broadcast %div3A_23 : vector<1x128xf32> to vector<10000x128xf32>
    %sub3A_25 = arith.subf %add3A_20, %sub3A_24 : vector<10000x128xf32>
    %mul3A_26 = arith.mulf %sub3A_25, %sub3A_25 : vector<10000x128xf32>
    %reduce_sum3A_27 = arith.constant dense<0.000000e+00> : vector<128xf32>
    %reduce_sum3A_28 = vector.multi_reduction <add>, %mul3A_26, %reduce_sum3A_27 [0] : vector<10000x128xf32> to vector<128xf32>
    %broadcast_in_dim3A_29 = vector.shape_cast %reduce_sum3A_28 : vector<128xf32> to vector<1x128xf32>
    %div3A_30 = arith.constant 1.000000e+04 : f32
    %div3A_31 = vector.broadcast %div3A_30 : f32 to vector<1x128xf32>
    %div3A_32 = arith.divf %broadcast_in_dim3A_29, %div3A_31 : vector<1x128xf32>
    %get3A_33 = arith.constant 0 : index
    %get3A_34 = arith.constant 0 : index
    %get3A_35 = vector.load %arg5[%get3A_33, %get3A_34] : memref<1x128xf32, #tpu.memory_space<vmem>>, vector<1x128xf32>
    %mul3A_36 = vector.broadcast %get3A_35 : vector<1x128xf32> to vector<10000x128xf32>
    %mul3A_37 = arith.mulf %mul3A_36, %sub3A_25 : vector<10000x128xf32>
    %add3A_38 = arith.constant 9.99999974E-6 : f32
    %add3A_39 = vector.broadcast %add3A_38 : f32 to vector<1x128xf32>
    %add3A_40 = arith.addf %div3A_32, %add3A_39 : vector<1x128xf32>
    %rsqrt3A = math.rsqrt %add3A_40 : vector<1x128xf32>
    %mul3A_41 = vector.broadcast %rsqrt3A : vector<1x128xf32> to vector<10000x128xf32>
    %mul3A_42 = arith.mulf %mul3A_37, %mul3A_41 : vector<10000x128xf32>
    %get3A_43 = arith.constant 0 : index
    %get3A_44 = arith.constant 0 : index
    %get3A_45 = vector.load %arg6[%get3A_43, %get3A_44] : memref<1x128xf32, #tpu.memory_space<vmem>>, vector<1x128xf32>
    %add3A_46 = vector.broadcast %get3A_45 : vector<1x128xf32> to vector<10000x128xf32>
    %add3A_47 = arith.addf %mul3A_42, %add3A_46 : vector<10000x128xf32>
    %get3A_48 = arith.constant 0 : index
    %get3A_49 = arith.constant 0 : index
    %get3A_50 = vector.load %arg2[%get3A_48, %get3A_49] : memref<10000x128xf32, #tpu.memory_space<vmem>>, vector<10000x128xf32>
    %add3A_51 = arith.addf %add3A_47, %get3A_50 : vector<10000x128xf32>
    %max3A = arith.constant 0.000000e+00 : f32
    %max3A_52 = vector.broadcast %max3A : f32 to vector<10000x128xf32>
    %max3A_53 = arith.maximumf %add3A_51, %max3A_52 : vector<10000x128xf32>
    %swap3A = arith.constant 0 : index
    %swap3A_54 = arith.constant 0 : index
    %swap3A_55 = vector.load %arg7[%swap3A, %swap3A_54] : memref<10000x128xf32, #tpu.memory_space<vmem>>, vector<10000x128xf32>
    tpu.vector_store %arg7[%swap3A, %swap3A_54], %max3A_53 {strides = array<i32>} : memref<10000x128xf32, #tpu.memory_space<vmem>>, vector<10000x128xf32>,
    return
  }
}

</mosaic_0001>

<sc_bundles>
// kernel: kernel.12.cloned.1.call-start
scs
__scs_entry_jumppad:
0x0: {  	(pc) =	sbr.rel $0x88, $3  }
0x1: {  	(tag) =	ssettag $0x0;
	lr =	simm.s32 $0x1  }
0x2: {  	[smem:$0x3F99] =	sst lr;
	_ =	strace $0xD0000000  }
0x3: {  	_ = 	snop  }
0x4: {  	_ = 	snop  }
0x5: {  	_ = 	snop  }
0x6: {  	_ = 	snop  }
0x7: {  	_ = 	snop  }
__scs_overlays_trampoline_lowered:
0x8: {  	[smem:$0x3FA8] =	sst s0  }
0x9: {  	[smem:$0x3FA9] =	sst s1  }
0xa: {  	[smem:$0x3FAA] =	sst s2  }
0xb: {  	[smem:$0x3FAB] =	sst s3  }
0xc: {  	[smem:$0x3FAC] =	sst s4  }
0xd: {  	[smem:$0x3FAD] =	sst s5  }
0xe: {  	[smem:$0x3FAE] =	sst s6  }
0xf: {  	[smem:$0x3FAF] =	sst s7  }
0x10: {  	[smem:$0x3FB0] =	sst s8  }
0x11: {  	[smem:$0x3FB1] =	sst s9;
	s0 =	simm.s32 @!p0 $0x0  }
0x12: {  	s1 =	sld [smem:$0x3F97];
	s0 =	simm.s32 @p0 $0x1  }
0x13: {  	[smem:$0x3FB2] =	sst s0;
	s0 =	simm.s32 @!p1 $0x0  }
0x14: {  	s2 =	sld [smem:$0x3F96];
	s0 =	simm.s32 @p1 $0x1  }
0x15: {  	[smem:$0x3FB3] =	sst s0;
	s0 =	simm.s32 @!p2 $0x0  }
0x16: {  	s3 =	sld [smem:$0x3FDB];
	s0 =	simm.s32 @p2 $0x1  }
0x17: {  	s4 =	simm.s32 $0x1BF5;
	[smem:$0x3FB5] =	sst s0  }
0x18: {  	s0 =	sld [smem:$0x3F98];
	_ =	swait.ge [sflag:s4], $0x0  }
0x19: {  	s7 =	sld [smem:$0x3F99]  }
0x1a: {  	s8 =	sadd.s32 $0xFFFFE003, lr  }
0x1b: {  	s9 =	sadd.s32 $0xFFFFFEF7, lr;
	s5 =	simm.s32 $0xFFFFFFFF;
	p2 =	slt.u32 s8, $0xFFFFF086  }
0x1c: {  	p1 =	slt.u32 s9, $0xF7A;
	s5 =	simm.s32 @!p2 $0x0  }
0x1d: {  	s5 =	simm.s32 @p1 $0x1;
	p0 =	seq.s32 s7, s2  }
0x1e: {  	s7 =	smul.u32 @!p0 $0xF7A, s2;
	p2 =	seq.s32 @!p0 s5, $0x0  }
0x1f: {  	s9 =	smul.u32 $0xF7A, s1;
	s8 =	simm.s32 @!p0 $0x1BF5;
	p2 =	por !p2, p0  }
0x20: {  	[sflag:s8] =	ssyncset.s32 @!p0 $0xFFFFF086;
	s6 =	sadd.s32 @!p0 s3, s7;
	s7 =	simm.s32 @!p0 $0x108  }
0x21: {  	s3 =	sadd.s32 s3, s9;
	s6 =	sadd.s32 @!p0 $0x88, s6;
	s7 =	simm.s32 @p2 $0x1082  }
0x22: {  	[simem:s7], [sflag:s8] =	dma.local @!p0 [hbm:s6], $0xF7A  }
0x23: {  	s9 =	sor.u32 $0xD0000000, s2;
	s6 =	simm.s32 $0x108;
	_ =	swait.ge @!p0 [sflag:s8], $0x0  }
0x24: {  	s3 =	sadd.s32 $0x88, s3;
	s6 =	simm.s32 @!p1 $0x1082;
	[sflag:s4] =	ssyncset.s32 $0xFFFFF086  }
0x25: {  	[simem:s6], [sflag:s4] =	dma.local [hbm:s3], $0xF7A  }
0x26: {  	[smem:$0x3F99] =	sst s1;
	(tag) =	ssettag s2;
	_ =	strace s9  }
0x27: {  	s1 =	sld [smem:$0x3FA9]  }
0x28: {  	s2 =	sld [smem:$0x3FAA]  }
0x29: {  	s4 =	sld [smem:$0x3FAC]  }
0x2a: {  	p0 =	seq.s32 s5, $0x0;
	s5 =	sld [smem:$0x3FAD]  }
0x2b: {  	s6 =	sld [smem:$0x3FAE]  }
0x2c: {  	s7 =	sld [smem:$0x3FAF]  }
0x2d: {  	s3 =	simm.s32 $0x108;
	s8 =	sld [smem:$0x3FB0]  }
0x2e: {  	s3 =	simm.s32 @!p0 $0x1082;
	s9 =	sld [smem:$0x3FB1]  }
0x2f: {  	lr =	sadd.s32 s0, s3;
	s0 =	sld [smem:$0x3FA8]  }
0x30: {  	s3 =	sld [smem:$0x3FAB]  }
0x31: {  	[smem:$0x3FB4] =	sst s10  }
0x32: {  	s10 =	sld [smem:$0x3FB2];
	_ =	sdelay $0x3  }
0x33: {  	p0 =	seq.s32 s10, $0x1;
	s10 =	sld [smem:$0x3FB4];
	_ =	sdelay $0x3  }
0x34: {  	[smem:$0x3FB4] =	sst s10  }
0x35: {  	s10 =	sld [smem:$0x3FB3];
	_ =	sdelay $0x3  }
0x36: {  	p1 =	seq.s32 s10, $0x1;
	s10 =	sld [smem:$0x3FB4];
	_ =	sdelay $0x3  }
0x37: {  	[smem:$0x3FB4] =	sst s10  }
0x38: {  	s10 =	sld [smem:$0x3FB5]  }
0x39: {  	_ = 	snop;
	(pc) =	sbr.ind lr, $3  }
0x3a: {  	_ = 	snop  }
0x3b: {  	_ = 	snop  }
0x3c: {  	p2 =	seq.s32 s10, $0x1;
	s10 =	sld [smem:$0x3FB4]  }
0x3d: {  	_ =	shalt  }
0x3e: {  	_ =	shalt  }
0x3f: {  	_ =	shalt  }
0x40: {  	_ =	shalt  }
0x41: {  	_ =	shalt  }
0x42: {  	_ =	shalt  }
0x43: {  	_ =	shalt  }
0x44: {  	_ =	shalt  }
0x45: {  	_ =	shalt  }
0x46: {  	_ =	shalt  }
0x47: {  	_ =	shalt  }
0x48: {  	_ =	shalt  }
0x49: {  	_ =	shalt  }
0x4a: {  	_ =	shalt  }
0x4b: {  	_ =	shalt  }
0x4c: {  	_ =	shalt  }
0x4d: {  	_ =	shalt  }
0x4e: {  	_ =	shalt  }
0x4f: {  	_ =	shalt  }
0x50: {  	_ =	shalt  }
0x51: {  	_ =	shalt  }
0x52: {  	_ =	shalt  }
0x53: {  	_ =	shalt  }
0x54: {  	_ =	shalt  }
0x55: {  	_ =	shalt  }
0x56: {  	_ =	shalt  }
0x57: {  	_ =	shalt  }
0x58: {  	_ =	shalt  }
0x59: {  	_ =	shalt  }
0x5a: {  	_ =	shalt  }
0x5b: {  	_ =	shalt  }
0x5c: {  	_ =	shalt  }
0x5d: {  	_ =	shalt  }
0x5e: {  	_ =	shalt  }
0x5f: {  	_ =	shalt  }
0x60: {  	_ =	shalt  }
0x61: {  	_ =	shalt  }
0x62: {  	_ =	shalt  }
0x63: {  	_ =	shalt  }
0x64: {  	_ =	shalt  }
0x65: {  	_ =	shalt  }
0x66: {  	_ =	shalt  }
0x67: {  	_ =	shalt  }
0x68: {  	_ =	shalt  }
0x69: {  	_ =	shalt  }
0x6a: {  	_ =	shalt  }
0x6b: {  	_ =	shalt  }
0x6c: {  	_ =	shalt  }
0x6d: {  	_ =	shalt  }
0x6e: {  	_ =	shalt  }
0x6f: {  	_ =	shalt  }
0x70: {  	_ =	shalt  }
0x71: {  	_ =	shalt  }
0x72: {  	_ =	shalt  }
0x73: {  	_ =	shalt  }
0x74: {  	_ =	shalt  }
0x75: {  	_ =	shalt  }
0x76: {  	_ =	shalt  }
0x77: {  	_ =	shalt  }
0x78: {  	_ =	shalt  }
0x79: {  	_ =	shalt  }
0x7a: {  	_ =	shalt  }
0x7b: {  	_ =	shalt  }
0x7c: {  	_ =	shalt  }
0x7d: {  	_ =	shalt  }
0x7e: {  	_ =	shalt  }
0x7f: {  	_ =	shalt  }
0x80: {  	_ =	shalt  }
0x81: {  	_ =	shalt  }
0x82: {  	_ =	shalt  }
0x83: {  	_ =	shalt  }
0x84: {  	_ =	shalt  }
0x85: {  	_ =	shalt  }
0x86: {  	_ =	shalt  }
0x87: {  	_ =	shalt  }
.Lfunc_end0:
.L_simem_size_0:
called_computation.1_lowered:
.L_overlay_start_0:
0x88: {  	s2 =	sld [smem:$0x3FD9]  }
0x89: {  	s3 =	sld [smem:$0x3FFE];
	_ =	sdelay $0x1  }
0x8a: {  	s1 =	srdreg.scid  }
0x8b: {  	s0 =	sand.u32 $0x1, s1  }
0x8c: {  	s17 =	sshll.u32 s0, $0xA;
	s2 =	sadd.s32 s3, s2  }
0x8d: {  	s2 =	sadd.s32 s2, s17  }
0x8e: {  	[smem:$0x3FC0] =	sst s2  }
0x8f: {  	_ = 	snop  }
0x90: {  	s2 =	sld [smem:$0x3FD0];
	(tm) =	ssettm $0x1  }
0x91: {  	s18 =	sld [smem:$0x3FFB];
	_ =	sdelay $0x3  }
0x92: {  	_ =	strace s18  }
0x93: {  	s3 =	sld [smem:$0x3FFC];
	_ =	sdelay $0x3  }
0x94: {  	_ =	strace s3  }
0x95: {  	s3 =	sld [smem:$0x3FFD];
	_ =	sdelay $0x3  }
0x96: {  	_ =	strace s3  }
0x97: {  	_ =	strace $0x8FFFFFFF  }
0x98: {  	s19 =	sld [smem:$0x3FDB];
	_ =	sdelay $0x1  }
0x99: {  	s4 =	simm.s32 $_scs_section_size  }
0x9a: {  	s5 =	simm.s32 $_size__tile_overlayer_lowered;
	s6 =	simm.s32 $_tile_overlayer_lowered  }
0x9b: {  	s22 =	simm.s32 $0x1BFF;
	s21 =	sshll.u32 s6, $0x1;
	s3 =	sadd.s32 s4, s19  }
0x9c: {  	s7 =	simm.s32 $0x0;
	s20 =	sshll.u32 s5, $0x1;
	s5 =	sadd.s32 s21, s3  }
0x9d: {  	[timem:s7], [sflag:s22] =	dma.local [hbm:s5], s20  }
0x9e: {  	_ =	swait.ge [sflag:s22], s20  }
0x9f: {  	s4 =	ssub.s32 $0x0, s20;
	[sflag:s22] =	ssyncset.done $0x0  }
0xa0: {  	[sflag:s22] =	ssyncadd.s32 s4;
	_ =	sdelay $0x1  }
0xa1: {  	s23 =	simm.s32 $0x1B8B  }
0xa2: {  	_ =	swait.ge [sflag:s23], $0x1  }
0xa3: {  	[sflag:s23] =	ssyncset.done $0x0  }
0xa4: {  	s25 =	simm.s32 $0x1B8E;
	s24 =	sld [smem:$0x3FFE];
	[sflag:s23] =	ssyncadd.s32 $0xFFFFFFFF  }
0xa5: {  	s26 =	simm.s32 $execute0_lowered;
	[smem:$0x3FD2] =	sst s25  }
0xa6: {  	s5 =	sshll.u32 s26, $0x1;
	_ =	strace $0x80000049;
	[dreg:$0x1] =	wrdreg $0xFFFFFFFF  }
0xa7: {  	s28 =	simm.s32 $_size_execute0_lowered;
	s3 =	sadd.s32 s3, s5;
	[dreg:$0x0] =	wrdreg $0x0  }
0xa8: {  	s5 =	sshll.u32 s28, $0x1;
	[dreg:$0x2] =	wrdreg s3  }
0xa9: {  	[dreg:$0x3] =	wrdreg s5  }
0xaa: {  	[dreg:$0x4] =	wrdreg $0xC0  }
0xab: {  	_ =	task [dreg:s7], $0x5FFFF  }
0xac: {  	[dreg:$0x1] =	wrdreg $0xFFFFFFFF  }
0xad: {  	[dreg:$0x0] =	wrdreg $0x60  }
0xae: {  	[dreg:$0x2] =	wrdreg s2  }
0xaf: {  	[dreg:$0x3] =	wrdreg s24  }
0xb0: {  	[dreg:$0x4] =	wrdreg $0x89000  }
0xb1: {  	[dreg:$0x5] =	wrdreg $0x9  }
0xb2: {  	_ =	task.clear_ibuf [dreg:s7], $0x6FFFF;
	_ =	strace $0x90000049  }
0xb3: {  	s29 =	simm.s32 $0x9;
	_ =	strace $0x8000004B  }
0xb4: {  	_ =	swait.ge [sflag:s29], $0x1  }
0xb5: {  	[sflag:s29] =	ssyncadd.s32 $0xFFFFFFFF  }
0xb6: {  	_ =	strace $0x9000004B  }
0xb7: {  	_ =	sfence  }
0xb8: {  	s30 =	sld [smem:$0x0];
	_ =	sdelay $0x2  }
0xb9: {  	s31 =	sshll.u32 s1, $0xD;
	s1 =	sshrl.u32 s1, $0x2  }
0xba: {  	s3 =	sand.u32 $0x4000, s31;
	s1 =	sadd.s32 s1, s30  }
0xbb: {  	s0 =	sor.u32 s3, s0;
	s1 =	sshll.u32 s1, $0x11  }
0xbc: {  	s0 =	sor.u32 s1, s0  }
0xbd: {  	s0 =	sadd.s32 $0x8F2B, s0  }
0xbe: {  	[sflag:s0] =	ssyncadd.remote.s32 $0x1  }
0xbf: {  	_ =	sfence.sel $0xFFFF  }
0xc0: {  	[dreg:$0x0] =	wrdreg $0xFFFFFFFF;
	(pc) =	sbr.abs _section_cstart, $3  }
0xc1: {  	[dreg:$0x1] =	wrdreg $0xFFFFFFFF  }
0xc2: {  	_ =	task.clear_ibuf [dreg:s7], $0x2FFFF;
	_ =	strace $0x9FFFFFFF  }
0xc3: {  	(tm) =	ssettm $0x7FFFFFFF  }
tec
execute0_lowered:
.L_overlay_start_1:
0x0: {  	(tag) =	ssettag $0x1  }
0x1: {  	s1 =	rddreg [dreg:$0x0]  }
0x2: {  	s0 =	rddreg [dreg:$0x1]  }
0x3: {  	s2 =	rddreg [dreg:$0x2];
	s3 =	simm.s32 $0x0  }
0x4: {  	s4 =	srdreg.scid;
	s5 =	stileid.u32;
	s29 =	simm.s32 $0x600  }
0x5: {  	s28 =	simm.s32 $0x0;
	[smem:$0x7FF] =	sst s3;
	s11 =	sadd.s32 $0x4AA00, s0  }
0x6: {  	s12 =	sadd.s32 $0x40C00, s0;
	s4 =	sand.u32 $0x1, s4;
	s7 =	smul.u32 $0x4E000, s5  }
0x7: {  	s0 =	sadd.s32 $0x54800, s0;
	s9 =	smul.u32 $0x13800, s5;
	s26 =	sshll.u32 s5, $0x6  }
0x8: {  	s23 =	smul.u32 $0x2710, s5;
	p0 =	sne.s32 s5, $0x0;
	_ =	strace $0x8000004A  }
0x9: {  	s6 =	sshll.u32 s4, $0x4;
	s8 =	ssub.s32 $0x2, s4;
	s20 =	smul.u32 $0x138800, s4  }
0xa: {  	s24 =	sor.u32 $0x1C0B, s26;
	s4 =	smul.u32 $0x27100, s4;
	s31 =	smov.u32 s12  }
0xb: {  	s30 =	smov.u32 s11;
	s6 =	sor.u32 s5, s6;
	s10 =	sshrl.u32 s8, $0x1  }
0xc: {  	s7 =	sshrl.u32 s7, $0x2;
	s25 =	sshrl.u32 s9, $0x3;
	[dreg:$0x6] =	wrdreg s24  }
0xd: {  	s6 =	smul.u32 $0x2710, s6;
	s8 =	ssub.s32 s8, s10;
	s7 =	sadd.s32 s7, s2  }
0xe: {  	s22 =	sadd.s32 s9, s20;
	[dreg:$0x4] =	wrdreg s7;
	s7 =	sadd.s32 s1, s25  }
0xf: {  	s8 =	smax.u32 s8, $0x1;
	[dreg:$0x5] =	wrdreg s7;
	s6 =	sshrl.u32 s6, $0x3  }
0x10: {  	s26 =	sshrl.u32 s20, $0x3;
	[dreg:$0x13] =	wrdreg s8;
	s10 =	sadd.s32 s11, s6  }
0x11: {  	s13 =	sadd.s32 $0x10, s6;
	s14 =	sadd.s32 s12, s6;
	[dreg:$0x7] =	wrdreg s10  }
0x12: {  	s4 =	sadd.s32 s23, s4;
	[dreg:$0x8] =	wrdreg s14;
	s15 =	sadd.s32 s11, s13  }
0x13: {  	s16 =	sadd.s32 $0x20, s6;
	s7 =	sadd.s32 s12, s13;
	[dreg:$0x9] =	wrdreg s15  }
0x14: {  	s25 =	sshrl.u32 s22, $0x3;
	s17 =	sadd.s32 s11, s16;
	[dreg:$0xa] =	wrdreg s7  }
0x15: {  	s18 =	sadd.s32 $0x30, s6;
	s10 =	sadd.s32 s12, s16;
	[dreg:$0xb] =	wrdreg s17  }
0x16: {  	s6 =	sadd.s32 $0x4E0, s6;
	s19 =	sadd.s32 s11, s18;
	[dreg:$0xc] =	wrdreg s10  }
0x17: {  	s9 =	sadd.s32 $0x480, s4;
	s21 =	sadd.s32 s11, s6;
	[dreg:$0xd] =	wrdreg s19  }
0x18: {  	s8 =	simm.s32 $0x8;
	s6 =	sadd.s32 s12, s6;
	[dreg:$0xf] =	wrdreg s21  }
0x19: {  	s7 =	sadd.s32 s12, s18;
	[dreg:$0x10] =	wrdreg s6;
	s6 =	sadd.s32 s0, s25  }
0x1a: {  	s0 =	sadd.s32 s0, s26;
	s10 =	sadd.s32 $0x400, s4;
	s15 =	sadd.s32 $0x380, s4  }
0x1b: {  	s19 =	sadd.s32 $0x280, s4;
	s21 =	sadd.s32 $0x200, s4;
	[dreg:$0xe] =	wrdreg s7  }
0x1c: {  	s4 =	sadd.s32 $0x300, s4;
	s25 =	sadd.s32 $0x138000, s2;
	[dreg:$0x11] =	wrdreg s6  }
0x1d: {  	s26 =	sadd.s32 $0x27000, s1;
	s0 =	sadd.s32 $0x27000, s0;
	[dreg:$0x1a] =	wrdreg s4  }
0x1e: {  	s14 =	sshrl.u32 s10, $0x3;
	s16 =	sshrl.u32 s15, $0x3;
	[dreg:$0x1d] =	wrdreg s25  }
0x1f: {  	s20 =	sshrl.u32 s19, $0x3;
	s22 =	sshrl.u32 s21, $0x3;
	[dreg:$0x1e] =	wrdreg s26  }
0x20: {  	s26 =	simm.s32 $0xB;
	s19 =	simm.s32 $0x900;
	s21 =	simm.s32 $0x200  }
0x21: {  	s7 =	simm.s32 $0x2;
	s10 =	simm.s32 $0x9;
	s15 =	simm.s32 $0xA  }
0x22: {  	s4 =	simm.s32 $0x4;
	[dreg:$0x12] =	wrdreg s0;
	s0 =	sshrl.u32 s9, $0x3  }
0x23: {  	s17 =	sadd.s32 s14, s12;
	s5 =	sadd.s32 s14, s11;
	s18 =	sadd.s32 s16, s12  }
0x24: {  	s23 =	sadd.s32 s20, s12;
	s6 =	sadd.s32 s22, s11;
	[dreg:$0x16] =	wrdreg s17  }
0x25: {  	s9 =	simm.s32 $0x4900;
	s14 =	simm.s32 $0x3;
	[dreg:$0x17] =	wrdreg s5  }
0x26: {  	s13 =	sadd.s32 s0, s12;
	s0 =	sadd.s32 s0, s11;
	[dreg:$0x18] =	wrdreg s18  }
0x27: {  	[dreg:$0x1b] =	wrdreg s23;
	s17 =	simm.s32 $0x580;
	s18 =	simm.s32 $0x1  }
.Ltmp0:
0x28: {  	s5 =	simm.s32 $0x5;
	[dreg:$0x14] =	wrdreg s13;
	(pc) =	sbr.rel .LBB2_1-.Ltmp0, $4  }
0x29: {  	[dreg:$0x15] =	wrdreg s0;
	s0 =	sadd.s32 s16, s11;
	s16 =	simm.s32 $0x180  }
0x2a: {  	s13 =	simm.s32 $0x680;
	[dreg:$0x19] =	wrdreg s0;
	s0 =	sadd.s32 s20, s11  }
0x2b: {  	s20 =	simm.s32 $0x7;
	s11 =	simm.s32 $0x280;
	[dreg:$0x1c] =	wrdreg s0  }
0x2c: {  	s0 =	sadd.s32 s22, s12;
	s12 =	simm.s32 $0x80;
	s22 =	simm.s32 $0x6  }
.LBB2_4:
0x2d: {  	_ =	swait.ge [sflag:s15], $0x4000  }
0x2e: {  	s24 =	simm.s32 $0x800;
	[sflag:s15] =	ssyncset.done $0x0  }
0x2f: {  	s26 =	simm.s32 $0xB;
	s23 =	rddreg [dreg:$0xf];
	[sflag:s15] =	ssyncadd.s32 $0xFFFFC000  }
0x30: {  	[tilespmem:s24], [sflag:$0xB] =	stream.linear.gather [hbm4b:s23+s3], $0x10, $0x38;
	[tilespmem:$0x1C180] =	vst v63  }
0x31: {  	_ =	swait.ge [sflag:s26], $0x10  }
0x32: {  	[sflag:s26] =	ssyncset.done $0x0  }
0x33: {  	s25 =	simm.s32 $0x880;
	s23 =	rddreg [dreg:$0x10];
	[sflag:s26] =	ssyncadd.s32 $0xFFFFFFF0  }
0x34: {  	[tilespmem:s25], [sflag:$0xB] =	stream.linear.gather [hbm4b:s23+s3], $0x10, $0x38;
	[tilespmem:$0x1C180] =	vst v63  }
0x35: {  	_ =	swait.ge [sflag:s26], $0x10  }
0x36: {  	[sflag:s26] =	ssyncset.done $0x0  }
0x37: {  	s23 =	simm.s32 $0x10;
	[sflag:s26] =	ssyncadd.s32 $0xFFFFFFF0  }
0x38: {  	[tilespmem:s19], [sflag:$0xB] =	stream.indirect.gather [hbm4b:s1+s23], $0x80, s24, s23, $0xb8;
	[tilespmem:$0x1C180] =	vst v63  }
0x39: {  	_ =	swait.ge [sflag:s26], $0x800  }
0x3a: {  	[sflag:s26] =	ssyncset.done $0x0  }
0x3b: {  	[sflag:s26] =	ssyncadd.s32 $0xFFFFF800  }
0x3c: {  	[spmem:s2] =	stream.indirect.scatter.add.f32 [tilespmem:s19], [sflag:$0xB], $0x80, s25, s23, $0xb8;
	[tilespmem:$0x1C180] =	vst v63  }
0x3d: {  	_ =	swait.ge [sflag:s26], $0x800  }
0x3e: {  	[sflag:s26] =	ssyncset.done $0x0  }
0x3f: {  	[sflag:s26] =	ssyncadd.s32 $0xFFFFF800  }
0x40: {  	[bflag:$0x0] =	sbarrier.arrive $0xFFFF  }
0x41: {  	s25 =	sld [smem:$0x7FC]  }
0x42: {  	s24 =	rddreg [dreg:$0x6]  }
0x43: {  	s23 =	rddreg [dreg:$0x11]  }
0x44: {  	[hbm:s23], [sflag:s24] =	dma.local [spmem:s25], $0x2700  }
0x45: {  	_ =	swait.ge [sflag:s26], $0x2700  }
0x46: {  	s25 =	sld [smem:$0x7FD]  }
0x47: {  	[sflag:s26] =	ssyncset.done $0x0  }
0x48: {  	s23 =	rddreg [dreg:$0x12];
	[sflag:s26] =	ssyncadd.s32 $0xFFFFD900  }
0x49: {  	[hbm:s23], [sflag:s24] =	dma.local @!p0 [spmem:s25], $0x100  }
0x4a: {  	s23 =	simm.s32 @!p0 $0xB  }
0x4b: {  	_ =	swait.ge @!p0 [sflag:s23], $0x100  }
0x4c: {  	s28 =	rddreg [dreg:$0x1f]  }
0x4d: {  	s25 =	rddreg [dreg:$0x13];
	s28 =	sadd.s32 $0x1, s28  }
0x4e: {  	p1 =	sne.s32 s28, s25  }
.Ltmp1:
0x4f: {  	_ = 	snop;
	(pc) =	sbr.rel @!p1 .LBB2_5-.Ltmp1, $3  }
0x50: {  	_ =	sdelay $0x1  }
0x51: {  	[sflag:s23] =	ssyncset.done @!p0 $0x0  }
0x52: {  	[sflag:s23] =	ssyncadd.s32 @!p0 $0xFFFFFF00  }
.LBB2_1:
0x53: {  	[dreg:$0x1f] =	wrdreg s28  }
0x54: {  	s23 =	rddreg [dreg:$0x4]  }
0x55: {  	s28 =	rddreg [dreg:$0x5];
	s25 =	sshrl.u32 s23, $0x3  }
0x56: {  	[smem:$0x7FC] =	sst s25  }
0x57: {  	[spmem:s25], [sflag:s24] =	dma.local [hbm:s28], $0x2700  }
0x58: {  	_ =	swait.ge [sflag:s26], $0x2700  }
0x59: {  	s23 =	rddreg [dreg:$0x1d]  }
0x5a: {  	[sflag:s26] =	ssyncset.done $0x0;
	s25 =	sshrl.u32 @!p0 s23, $0x3;
	s23 =	rddreg [dreg:$0x1e]  }
0x5b: {  	[sflag:s26] =	ssyncadd.s32 $0xFFFFD900;
	[smem:$0x7FD] =	sst s25  }
0x5c: {  	[spmem:s25], [sflag:s24] =	dma.local @!p0 [hbm:s23], $0x100  }
0x5d: {  	s23 =	simm.s32 @!p0 $0xB  }
0x5e: {  	_ =	swait.ge @!p0 [sflag:s23], $0x100  }
0x5f: {  	[sflag:s23] =	ssyncset.done @!p0 $0x0  }
0x60: {  	[sflag:s23] =	ssyncadd.s32 @!p0 $0xFFFFFF00  }
0x61: {  	[bflag:$0x0] =	sbarrier.arrive $0xFFFF  }
0x62: {  	s24 =	rddreg [dreg:$0x7]  }
0x63: {  	[tilespmem:s3], [sflag:$0x1] =	stream.linear.gather [hbm4b:s24+s3], $0x80, $0x38;
	[tilespmem:$0x1C180] =	vst v63  }
0x64: {  	s26 =	simm.s32 $0x400;
	s25 =	rddreg [dreg:$0x8]  }
0x65: {  	[tilespmem:s26], [sflag:$0x1] =	stream.linear.gather [hbm4b:s25+s3], $0x80, $0x38;
	[tilespmem:$0x1C180] =	vst v63  }
0x66: {  	s28 =	rddreg [dreg:$0x9]  }
0x67: {  	[tilespmem:s12], [sflag:$0x2] =	stream.linear.gather [hbm4b:s28+s3], $0x80, $0x38;
	[tilespmem:$0x1C180] =	vst v63  }
0x68: {  	s24 =	rddreg [dreg:$0xa];
	s25 =	simm.s32 $0x480  }
0x69: {  	[tilespmem:s25], [sflag:$0x2] =	stream.linear.gather [hbm4b:s24+s3], $0x80, $0x38;
	[tilespmem:$0x1C180] =	vst v63  }
0x6a: {  	s26 =	rddreg [dreg:$0xb];
	s28 =	simm.s32 $0x100  }
0x6b: {  	[tilespmem:s28], [sflag:$0x3] =	stream.linear.gather [hbm4b:s26+s3], $0x80, $0x38;
	[tilespmem:$0x1C180] =	vst v63  }
0x6c: {  	s24 =	rddreg [dreg:$0xc];
	s25 =	simm.s32 $0x500  }
0x6d: {  	[tilespmem:s25], [sflag:$0x3] =	stream.linear.gather [hbm4b:s24+s3], $0x80, $0x38;
	[tilespmem:$0x1C180] =	vst v63  }
0x6e: {  	s26 =	rddreg [dreg:$0xd]  }
0x6f: {  	[tilespmem:s16], [sflag:$0x4] =	stream.linear.gather [hbm4b:s26+s3], $0x80, $0x38;
	[tilespmem:$0x1C180] =	vst v63  }
0x70: {  	s28 =	rddreg [dreg:$0xe]  }
0x71: {  	[tilespmem:s17], [sflag:$0x4] =	stream.linear.gather [hbm4b:s28+s3], $0x80, $0x38;
	[tilespmem:$0x1C180] =	vst v63  }
0x72: {  	_ =	swait.ge [sflag:s18], $0x80  }
0x73: {  	[sflag:s18] =	ssyncset.done $0x0  }
0x74: {  	[sflag:s18] =	ssyncadd.s32 $0xFFFFFF80  }
0x75: {  	_ =	swait.ge [sflag:s18], $0x80  }
0x76: {  	[sflag:s18] =	ssyncset.done $0x0  }
0x77: {  	s24 =	simm.s32 $0x0;
	s23 =	rddreg [dreg:$0x1a];
	[sflag:s18] =	ssyncadd.s32 $0xFFFFFF80  }
0x78: {  	[tilespmem:s19], [sflag:$0x7] =	stream.indirect.gather [hbm4b:s1+s12], $0x80, s3, s12, $0xb8;
	[tilespmem:$0x1C180] =	vst v63  }
.LBB2_2:
0x79: {  	_ =	swait.ge [sflag:s20], $0x4000  }
0x7a: {  	[sflag:s20] =	ssyncset.done $0x0  }
0x7b: {  	s25 =	simm.s32 $0x400;
	p1 =	seq.s32 s24, $0x0;
	[sflag:s20] =	ssyncadd.s32 $0xFFFFC000  }
0x7c: {  	[spmem:s2] =	stream.indirect.scatter.add.f32 [tilespmem:s19], [sflag:$0x9], $0x80, s25, s12, $0xb8;
	[tilespmem:$0x1C180] =	vst v63  }
0x7d: {  	s25 =	simm.s32 @!p1 $0xA  }
0x7e: {  	_ =	swait.ge @!p1 [sflag:s25], $0x4000  }
0x7f: {  	[sflag:s25] =	ssyncset.done @!p1 $0x0  }
0x80: {  	s28 =	sadd.s32 s24, s6;
	[sflag:s25] =	ssyncadd.s32 @!p1 $0xFFFFC000  }
0x81: {  	[tilespmem:s21], [sflag:$0x5] =	stream.linear.gather [hbm4b:s28+s3], $0x80, $0x38;
	[tilespmem:$0x1C180] =	vst v63  }
0x82: {  	s26 =	sadd.s32 s24, s0  }
0x83: {  	[tilespmem:s29], [sflag:$0x5] =	stream.linear.gather [hbm4b:s26+s3], $0x80, $0x38;
	[tilespmem:$0x1C180] =	vst v63  }
0x84: {  	_ =	swait.ge [sflag:s7], $0x80  }
0x85: {  	[sflag:s7] =	ssyncset.done $0x0  }
0x86: {  	[sflag:s7] =	ssyncadd.s32 $0xFFFFFF80  }
0x87: {  	_ =	swait.ge [sflag:s7], $0x80  }
0x88: {  	[sflag:s7] =	ssyncset.done $0x0  }
0x89: {  	[sflag:s7] =	ssyncadd.s32 $0xFFFFFF80  }
0x8a: {  	[tilespmem:s9], [sflag:$0x8] =	stream.indirect.gather [hbm4b:s1+s12], $0x80, s12, s12, $0xb8;
	[tilespmem:$0x1C180] =	vst v63  }
0x8b: {  	_ =	swait.ge [sflag:s8], $0x4000  }
0x8c: {  	[sflag:s8] =	ssyncset.done $0x0  }
0x8d: {  	s28 =	simm.s32 $0x480;
	[sflag:s8] =	ssyncadd.s32 $0xFFFFC000  }
0x8e: {  	[spmem:s2] =	stream.indirect.scatter.add.f32 [tilespmem:s9], [sflag:$0xA], $0x80, s28, s12, $0xb8;
	[tilespmem:$0x1C180] =	vst v63  }
0x8f: {  	_ =	swait.ge [sflag:s10], $0x4000  }
0x90: {  	[sflag:s10] =	ssyncset.done $0x0;
	s26 =	rddreg [dreg:$0x1c]  }
0x91: {  	s28 =	rddreg [dreg:$0x1b];
	[sflag:s10] =	ssyncadd.s32 $0xFFFFC000;
	s25 =	sadd.s32 s24, s26  }
0x92: {  	[tilespmem:s11], [sflag:$0x6] =	stream.linear.gather [hbm4b:s25+s3], $0x80, $0x38;
	[tilespmem:$0x1C180] =	vst v63  }
0x93: {  	s25 =	sadd.s32 s24, s28  }
0x94: {  	[tilespmem:s13], [sflag:$0x6] =	stream.linear.gather [hbm4b:s25+s3], $0x80, $0x38;
	[tilespmem:$0x1C180] =	vst v63  }
0x95: {  	_ =	swait.ge [sflag:s14], $0x80  }
0x96: {  	[sflag:s14] =	ssyncset.done $0x0  }
0x97: {  	[sflag:s14] =	ssyncadd.s32 $0xFFFFFF80  }
0x98: {  	_ =	swait.ge [sflag:s14], $0x80  }
0x99: {  	[sflag:s14] =	ssyncset.done $0x0  }
0x9a: {  	s26 =	simm.s32 $0x100;
	[sflag:s14] =	ssyncadd.s32 $0xFFFFFF80  }
0x9b: {  	[tilespmem:s19], [sflag:$0x7] =	stream.indirect.gather [hbm4b:s1+s12], $0x80, s26, s12, $0xb8;
	[tilespmem:$0x1C180] =	vst v63  }
0x9c: {  	_ =	swait.ge [sflag:s20], $0x4000  }
0x9d: {  	[sflag:s20] =	ssyncset.done $0x0  }
0x9e: {  	s28 =	simm.s32 $0x500;
	[sflag:s20] =	ssyncadd.s32 $0xFFFFC000  }
0x9f: {  	[spmem:s2] =	stream.indirect.scatter.add.f32 [tilespmem:s19], [sflag:$0x9], $0x80, s28, s12, $0xb8;
	[tilespmem:$0x1C180] =	vst v63  }
0xa0: {  	p1 =	seq.s32 s24, $0x480;
	_ =	swait.ge [sflag:s15], $0x4000  }
0xa1: {  	s25 =	sshrl.u32 @!p1 s23, $0x3;
	[sflag:s15] =	ssyncset.done $0x0  }
0xa2: {  	s26 =	sadd.s32 @!p1 s30, s25;
	s28 =	simm.s32 @!p1 $0x0;
	[sflag:s15] =	ssyncadd.s32 $0xFFFFC000  }
0xa3: {  	[tilespmem:s28], [sflag:$0x1] =	stream.linear.gather @!p1 [hbm4b:s26+s28], $0x80, $0x38;
	[tilespmem:$0x1C180] =	vst v63  }
0xa4: {  	s25 =	sadd.s32 @!p1 s31, s25;
	s26 =	simm.s32 @!p1 $0x400  }
0xa5: {  	[tilespmem:s26], [sflag:$0x1] =	stream.linear.gather @!p1 [hbm4b:s25+s28], $0x80, $0x38;
	[tilespmem:$0x1C180] =	vst v63  }
0xa6: {  	_ =	swait.ge [sflag:s4], $0x80  }
0xa7: {  	[sflag:s4] =	ssyncset.done $0x0  }
0xa8: {  	[sflag:s4] =	ssyncadd.s32 $0xFFFFFF80  }
0xa9: {  	_ =	swait.ge [sflag:s4], $0x80  }
0xaa: {  	[sflag:s4] =	ssyncset.done $0x0  }
0xab: {  	[sflag:s4] =	ssyncadd.s32 $0xFFFFFF80  }
0xac: {  	[tilespmem:s9], [sflag:$0x8] =	stream.indirect.gather [hbm4b:s1+s12], $0x80, s16, s12, $0xb8;
	[tilespmem:$0x1C180] =	vst v63  }
0xad: {  	_ =	swait.ge [sflag:s8], $0x4000  }
0xae: {  	[sflag:s8] =	ssyncset.done $0x0  }
0xaf: {  	[sflag:s8] =	ssyncadd.s32 $0xFFFFC000  }
0xb0: {  	[spmem:s2] =	stream.indirect.scatter.add.f32 [tilespmem:s9], [sflag:$0xA], $0x80, s17, s12, $0xb8;
	[tilespmem:$0x1C180] =	vst v63  }
0xb1: {  	_ =	swait.ge [sflag:s10], $0x4000  }
0xb2: {  	[sflag:s10] =	ssyncset.done $0x0;
	s25 =	rddreg [dreg:$0x19]  }
0xb3: {  	s26 =	simm.s32 @!p1 $0x80;
	[sflag:s10] =	ssyncadd.s32 $0xFFFFC000;
	s25 =	sadd.s32 @!p1 s24, s25  }
0xb4: {  	[tilespmem:s26], [sflag:$0x2] =	stream.linear.gather @!p1 [hbm4b:s25+s28], $0x80, $0x38;
	[tilespmem:$0x1C180] =	vst v63  }
0xb5: {  	s25 =	rddreg [dreg:$0x18]  }
0xb6: {  	s26 =	simm.s32 @!p1 $0x480;
	s25 =	sadd.s32 @!p1 s24, s25  }
0xb7: {  	[tilespmem:s26], [sflag:$0x2] =	stream.linear.gather @!p1 [hbm4b:s25+s28], $0x80, $0x38;
	[tilespmem:$0x1C180] =	vst v63  }
0xb8: {  	_ =	swait.ge [sflag:s5], $0x80  }
0xb9: {  	[sflag:s5] =	ssyncset.done $0x0  }
0xba: {  	[sflag:s5] =	ssyncadd.s32 $0xFFFFFF80  }
0xbb: {  	_ =	swait.ge [sflag:s5], $0x80  }
0xbc: {  	[sflag:s5] =	ssyncset.done $0x0  }
0xbd: {  	[sflag:s5] =	ssyncadd.s32 $0xFFFFFF80  }
0xbe: {  	[tilespmem:s19], [sflag:$0x7] =	stream.indirect.gather [hbm4b:s1+s12], $0x80, s21, s12, $0xb8;
	[tilespmem:$0x1C180] =	vst v63  }
0xbf: {  	_ =	swait.ge [sflag:s20], $0x4000  }
0xc0: {  	[sflag:s20] =	ssyncset.done $0x0  }
0xc1: {  	[sflag:s20] =	ssyncadd.s32 $0xFFFFC000  }
0xc2: {  	[spmem:s2] =	stream.indirect.scatter.add.f32 [tilespmem:s19], [sflag:$0x9], $0x80, s29, s12, $0xb8;
	[tilespmem:$0x1C180] =	vst v63  }
0xc3: {  	_ =	swait.ge [sflag:s15], $0x4000  }
0xc4: {  	[sflag:s15] =	ssyncset.done $0x0;
	s25 =	rddreg [dreg:$0x17]  }
0xc5: {  	s26 =	simm.s32 @!p1 $0x100;
	[sflag:s15] =	ssyncadd.s32 $0xFFFFC000;
	s25 =	sadd.s32 @!p1 s24, s25  }
0xc6: {  	[tilespmem:s26], [sflag:$0x3] =	stream.linear.gather @!p1 [hbm4b:s25+s28], $0x80, $0x38;
	[tilespmem:$0x1C180] =	vst v63  }
0xc7: {  	s25 =	rddreg [dreg:$0x16]  }
0xc8: {  	s26 =	simm.s32 @!p1 $0x500;
	s25 =	sadd.s32 @!p1 s24, s25  }
0xc9: {  	[tilespmem:s26], [sflag:$0x3] =	stream.linear.gather @!p1 [hbm4b:s25+s28], $0x80, $0x38;
	[tilespmem:$0x1C180] =	vst v63  }
0xca: {  	_ =	swait.ge [sflag:s22], $0x80  }
0xcb: {  	[sflag:s22] =	ssyncset.done $0x0  }
0xcc: {  	[sflag:s22] =	ssyncadd.s32 $0xFFFFFF80  }
0xcd: {  	_ =	swait.ge [sflag:s22], $0x80  }
0xce: {  	[sflag:s22] =	ssyncset.done $0x0  }
0xcf: {  	[sflag:s22] =	ssyncadd.s32 $0xFFFFFF80  }
0xd0: {  	[tilespmem:s9], [sflag:$0x8] =	stream.indirect.gather [hbm4b:s1+s12], $0x80, s11, s12, $0xb8;
	[tilespmem:$0x1C180] =	vst v63  }
0xd1: {  	_ =	swait.ge [sflag:s8], $0x4000  }
0xd2: {  	[sflag:s8] =	ssyncset.done $0x0  }
.Ltmp2:
0xd3: {  	[sflag:s8] =	ssyncadd.s32 $0xFFFFC000;
	(pc) =	sbr.rel @p1 .LBB2_4-.Ltmp2, $4  }
0xd4: {  	[spmem:s2] =	stream.indirect.scatter.add.f32 [tilespmem:s9], [sflag:$0xA], $0x80, s13, s12, $0xb8;
	[tilespmem:$0x1C180] =	vst v63  }
0xd5: {  	_ =	swait.ge [sflag:s10], $0x4000  }
0xd6: {  	[sflag:s10] =	ssyncset.done $0x0  }
0xd7: {  	[sflag:s10] =	ssyncadd.s32 $0xFFFFC000  }
0xd8: {  	s25 =	rddreg [dreg:$0x15]  }
0xd9: {  	s28 =	rddreg [dreg:$0x14];
	s25 =	sadd.s32 s24, s25  }
0xda: {  	[tilespmem:s16], [sflag:$0x4] =	stream.linear.gather [hbm4b:s25+s3], $0x80, $0x38;
	[tilespmem:$0x1C180] =	vst v63  }
0xdb: {  	s25 =	sadd.s32 s24, s28  }
0xdc: {  	[tilespmem:s17], [sflag:$0x4] =	stream.linear.gather [hbm4b:s25+s3], $0x80, $0x38;
	[tilespmem:$0x1C180] =	vst v63  }
0xdd: {  	_ =	swait.ge [sflag:s18], $0x80  }
0xde: {  	[sflag:s18] =	ssyncset.done $0x0  }
.Ltmp3:
0xdf: {  	[sflag:s18] =	ssyncadd.s32 $0xFFFFFF80;
	(pc) =	sbr.rel .LBB2_2-.Ltmp3, $4  }
0xe0: {  	_ =	swait.ge [sflag:s18], $0x80  }
0xe1: {  	[sflag:s18] =	ssyncset.done $0x0  }
0xe2: {  	s23 =	sadd.s32 $0x300, s23;
	s24 =	sadd.s32 $0x60, s24;
	[sflag:s18] =	ssyncadd.s32 $0xFFFFFF80  }
0xe3: {  	[tilespmem:s19], [sflag:$0x7] =	stream.indirect.gather [hbm4b:s1+s12], $0x80, s3, s12, $0xb8;
	[tilespmem:$0x1C180] =	vst v63  }
.LBB2_5:
0xe4: {  	_ =	sfence.sel $0x180000  }
0xe5: {  	[bflag:$0x0] =	sbarrier.arrive $0xFFFF  }
0xe6: {  	_ =	strace $0x9000004A  }
0xe7: {  	[bflag:$0x2] =	sbarrier.arrive $0xFFFF  }
0xe8: {  	s0 =	rddreg [dreg:$0x3]  }
0xe9: {  	s0 =	sadd.s32 @!p0 $0x100000, s0  }
0xea: {  	[sflag:s0] =	ssyncadd.tile.s32 @!p0 $0x1;
	_ =	shalt  }
.Lfunc_end2:
_tile_overlayer_lowered:
.L_overlay_start_2:
0xeb: {  	(tag) =	ssettag $0x2  }
0xec: {  	s0 =	rddreg [dreg:$0x0];
	s2 =	stileid.u32  }
0xed: {  	s1 =	rddreg [dreg:$0x1];
	p0 =	sne.s32 s2, $0x0  }
0xee: {  	s3 =	rddreg [dreg:$0x2];
	[bflag:$0x3] =	sbarrier.arrive $0xFFFF;
	s2 =	simm.s32 @!p0 $0x1C0B  }
0xef: {  	[timem:s3], [sflag:s2] =	dma.local @!p0 [hbm:s0], s1  }
0xf0: {  	s0 =	simm.s32 @!p0 $0xB  }
0xf1: {  	_ =	swait.ge @!p0 [sflag:s0], s1  }
0xf2: {  	s1 =	ssub.s32 @!p0 $0x0, s1;
	[sflag:s0] =	ssyncset.done @!p0 $0x0  }
0xf3: {  	[sflag:s0] =	ssyncadd.s32 @!p0 s1  }
0xf4: {  	[bflag:$0x3] =	sbarrier.arrive $0xFFFF  }
0xf5: {  	_ =	shalt  }

// kernel: kernel.15.cloned.1.call-start
scs
__scs_entry_jumppad:
0x0: {  	(pc) =	sbr.rel $0x88, $3  }
0x1: {  	(tag) =	ssettag $0x0;
	lr =	simm.s32 $0x1  }
0x2: {  	[smem:$0x3F99] =	sst lr;
	_ =	strace $0xD0000000  }
0x3: {  	_ = 	snop  }
0x4: {  	_ = 	snop  }
0x5: {  	_ = 	snop  }
0x6: {  	_ = 	snop  }
0x7: {  	_ = 	snop  }
__scs_overlays_trampoline_lowered:
0x8: {  	[smem:$0x3FA8] =	sst s0  }
0x9: {  	[smem:$0x3FA9] =	sst s1  }
0xa: {  	[smem:$0x3FAA] =	sst s2  }
0xb: {  	[smem:$0x3FAB] =	sst s3  }
0xc: {  	[smem:$0x3FAC] =	sst s4  }
0xd: {  	[smem:$0x3FAD] =	sst s5  }
0xe: {  	[smem:$0x3FAE] =	sst s6  }
0xf: {  	[smem:$0x3FAF] =	sst s7  }
0x10: {  	[smem:$0x3FB0] =	sst s8  }
0x11: {  	[smem:$0x3FB1] =	sst s9;
	s0 =	simm.s32 @!p0 $0x0  }
0x12: {  	s1 =	sld [smem:$0x3F97];
	s0 =	simm.s32 @p0 $0x1  }
0x13: {  	[smem:$0x3FB2] =	sst s0;
	s0 =	simm.s32 @!p1 $0x0  }
0x14: {  	s2 =	sld [smem:$0x3F96];
	s0 =	simm.s32 @p1 $0x1  }
0x15: {  	[smem:$0x3FB3] =	sst s0;
	s0 =	simm.s32 @!p2 $0x0  }
0x16: {  	s3 =	sld [smem:$0x3FDB];
	s0 =	simm.s32 @p2 $0x1  }
0x17: {  	s4 =	simm.s32 $0x1BF5;
	[smem:$0x3FB5] =	sst s0  }
0x18: {  	s0 =	sld [smem:$0x3F98];
	_ =	swait.ge [sflag:s4], $0x0  }
0x19: {  	s7 =	sld [smem:$0x3F99]  }
0x1a: {  	s8 =	sadd.s32 $0xFFFFE003, lr  }
0x1b: {  	s9 =	sadd.s32 $0xFFFFFEF7, lr;
	s5 =	simm.s32 $0xFFFFFFFF;
	p2 =	slt.u32 s8, $0xFFFFF086  }
0x1c: {  	p1 =	slt.u32 s9, $0xF7A;
	s5 =	simm.s32 @!p2 $0x0  }
0x1d: {  	s5 =	simm.s32 @p1 $0x1;
	p0 =	seq.s32 s7, s2  }
0x1e: {  	s7 =	smul.u32 @!p0 $0xF7A, s2;
	p2 =	seq.s32 @!p0 s5, $0x0  }
0x1f: {  	s9 =	smul.u32 $0xF7A, s1;
	s8 =	simm.s32 @!p0 $0x1BF5;
	p2 =	por !p2, p0  }
0x20: {  	[sflag:s8] =	ssyncset.s32 @!p0 $0xFFFFF086;
	s6 =	sadd.s32 @!p0 s3, s7;
	s7 =	simm.s32 @!p0 $0x108  }
0x21: {  	s3 =	sadd.s32 s3, s9;
	s6 =	sadd.s32 @!p0 $0x88, s6;
	s7 =	simm.s32 @p2 $0x1082  }
0x22: {  	[simem:s7], [sflag:s8] =	dma.local @!p0 [hbm:s6], $0xF7A  }
0x23: {  	s9 =	sor.u32 $0xD0000000, s2;
	s6 =	simm.s32 $0x108;
	_ =	swait.ge @!p0 [sflag:s8], $0x0  }
0x24: {  	s3 =	sadd.s32 $0x88, s3;
	s6 =	simm.s32 @!p1 $0x1082;
	[sflag:s4] =	ssyncset.s32 $0xFFFFF086  }
0x25: {  	[simem:s6], [sflag:s4] =	dma.local [hbm:s3], $0xF7A  }
0x26: {  	[smem:$0x3F99] =	sst s1;
	(tag) =	ssettag s2;
	_ =	strace s9  }
0x27: {  	s1 =	sld [smem:$0x3FA9]  }
0x28: {  	s2 =	sld [smem:$0x3FAA]  }
0x29: {  	s4 =	sld [smem:$0x3FAC]  }
0x2a: {  	p0 =	seq.s32 s5, $0x0;
	s5 =	sld [smem:$0x3FAD]  }
0x2b: {  	s6 =	sld [smem:$0x3FAE]  }
0x2c: {  	s7 =	sld [smem:$0x3FAF]  }
0x2d: {  	s3 =	simm.s32 $0x108;
	s8 =	sld [smem:$0x3FB0]  }
0x2e: {  	s3 =	simm.s32 @!p0 $0x1082;
	s9 =	sld [smem:$0x3FB1]  }
0x2f: {  	lr =	sadd.s32 s0, s3;
	s0 =	sld [smem:$0x3FA8]  }
0x30: {  	s3 =	sld [smem:$0x3FAB]  }
0x31: {  	[smem:$0x3FB4] =	sst s10  }
0x32: {  	s10 =	sld [smem:$0x3FB2];
	_ =	sdelay $0x3  }
0x33: {  	p0 =	seq.s32 s10, $0x1;
	s10 =	sld [smem:$0x3FB4];
	_ =	sdelay $0x3  }
0x34: {  	[smem:$0x3FB4] =	sst s10  }
0x35: {  	s10 =	sld [smem:$0x3FB3];
	_ =	sdelay $0x3  }
0x36: {  	p1 =	seq.s32 s10, $0x1;
	s10 =	sld [smem:$0x3FB4];
	_ =	sdelay $0x3  }
0x37: {  	[smem:$0x3FB4] =	sst s10  }
0x38: {  	s10 =	sld [smem:$0x3FB5]  }
0x39: {  	_ = 	snop;
	(pc) =	sbr.ind lr, $3  }
0x3a: {  	_ = 	snop  }
0x3b: {  	_ = 	snop  }
0x3c: {  	p2 =	seq.s32 s10, $0x1;
	s10 =	sld [smem:$0x3FB4]  }
0x3d: {  	_ =	shalt  }
0x3e: {  	_ =	shalt  }
0x3f: {  	_ =	shalt  }
0x40: {  	_ =	shalt  }
0x41: {  	_ =	shalt  }
0x42: {  	_ =	shalt  }
0x43: {  	_ =	shalt  }
0x44: {  	_ =	shalt  }
0x45: {  	_ =	shalt  }
0x46: {  	_ =	shalt  }
0x47: {  	_ =	shalt  }
0x48: {  	_ =	shalt  }
0x49: {  	_ =	shalt  }
0x4a: {  	_ =	shalt  }
0x4b: {  	_ =	shalt  }
0x4c: {  	_ =	shalt  }
0x4d: {  	_ =	shalt  }
0x4e: {  	_ =	shalt  }
0x4f: {  	_ =	shalt  }
0x50: {  	_ =	shalt  }
0x51: {  	_ =	shalt  }
0x52: {  	_ =	shalt  }
0x53: {  	_ =	shalt  }
0x54: {  	_ =	shalt  }
0x55: {  	_ =	shalt  }
0x56: {  	_ =	shalt  }
0x57: {  	_ =	shalt  }
0x58: {  	_ =	shalt  }
0x59: {  	_ =	shalt  }
0x5a: {  	_ =	shalt  }
0x5b: {  	_ =	shalt  }
0x5c: {  	_ =	shalt  }
0x5d: {  	_ =	shalt  }
0x5e: {  	_ =	shalt  }
0x5f: {  	_ =	shalt  }
0x60: {  	_ =	shalt  }
0x61: {  	_ =	shalt  }
0x62: {  	_ =	shalt  }
0x63: {  	_ =	shalt  }
0x64: {  	_ =	shalt  }
0x65: {  	_ =	shalt  }
0x66: {  	_ =	shalt  }
0x67: {  	_ =	shalt  }
0x68: {  	_ =	shalt  }
0x69: {  	_ =	shalt  }
0x6a: {  	_ =	shalt  }
0x6b: {  	_ =	shalt  }
0x6c: {  	_ =	shalt  }
0x6d: {  	_ =	shalt  }
0x6e: {  	_ =	shalt  }
0x6f: {  	_ =	shalt  }
0x70: {  	_ =	shalt  }
0x71: {  	_ =	shalt  }
0x72: {  	_ =	shalt  }
0x73: {  	_ =	shalt  }
0x74: {  	_ =	shalt  }
0x75: {  	_ =	shalt  }
0x76: {  	_ =	shalt  }
0x77: {  	_ =	shalt  }
0x78: {  	_ =	shalt  }
0x79: {  	_ =	shalt  }
0x7a: {  	_ =	shalt  }
0x7b: {  	_ =	shalt  }
0x7c: {  	_ =	shalt  }
0x7d: {  	_ =	shalt  }
0x7e: {  	_ =	shalt  }
0x7f: {  	_ =	shalt  }
0x80: {  	_ =	shalt  }
0x81: {  	_ =	shalt  }
0x82: {  	_ =	shalt  }
0x83: {  	_ =	shalt  }
0x84: {  	_ =	shalt  }
0x85: {  	_ =	shalt  }
0x86: {  	_ =	shalt  }
0x87: {  	_ =	shalt  }
.Lfunc_end0:
.L_simem_size_0:
called_computation.2_lowered:
.L_overlay_start_0:
0x88: {  	s2 =	sld [smem:$0x3FD9]  }
0x89: {  	s3 =	sld [smem:$0x3FFE];
	_ =	sdelay $0x1  }
0x8a: {  	s1 =	srdreg.scid  }
0x8b: {  	s0 =	sand.u32 $0x1, s1  }
0x8c: {  	s17 =	sshll.u32 s0, $0xA;
	s2 =	sadd.s32 s3, s2  }
0x8d: {  	s2 =	sadd.s32 s2, s17  }
0x8e: {  	[smem:$0x3FC0] =	sst s2  }
0x8f: {  	_ = 	snop  }
0x90: {  	s2 =	sld [smem:$0x3FD0];
	(tm) =	ssettm $0x1  }
0x91: {  	s18 =	sld [smem:$0x3FFB];
	_ =	sdelay $0x3  }
0x92: {  	_ =	strace s18  }
0x93: {  	s3 =	sld [smem:$0x3FFC];
	_ =	sdelay $0x3  }
0x94: {  	_ =	strace s3  }
0x95: {  	s3 =	sld [smem:$0x3FFD];
	_ =	sdelay $0x3  }
0x96: {  	_ =	strace s3  }
0x97: {  	_ =	strace $0x8FFFFFFF  }
0x98: {  	s19 =	sld [smem:$0x3FDB];
	_ =	sdelay $0x1  }
0x99: {  	s4 =	simm.s32 $_scs_section_size  }
0x9a: {  	s5 =	simm.s32 $_size__tile_overlayer_lowered;
	s6 =	simm.s32 $_tile_overlayer_lowered  }
0x9b: {  	s22 =	simm.s32 $0x1BFF;
	s21 =	sshll.u32 s6, $0x1;
	s3 =	sadd.s32 s4, s19  }
0x9c: {  	s7 =	simm.s32 $0x0;
	s20 =	sshll.u32 s5, $0x1;
	s5 =	sadd.s32 s21, s3  }
0x9d: {  	[timem:s7], [sflag:s22] =	dma.local [hbm:s5], s20  }
0x9e: {  	_ =	swait.ge [sflag:s22], s20  }
0x9f: {  	s4 =	ssub.s32 $0x0, s20;
	[sflag:s22] =	ssyncset.done $0x0  }
0xa0: {  	[sflag:s22] =	ssyncadd.s32 s4;
	_ =	sdelay $0x1  }
0xa1: {  	s23 =	simm.s32 $0x1B8B  }
0xa2: {  	_ =	swait.ge [sflag:s23], $0x1  }
0xa3: {  	[sflag:s23] =	ssyncset.done $0x0  }
0xa4: {  	s25 =	simm.s32 $0x1B8E;
	s24 =	sld [smem:$0x3FFE];
	[sflag:s23] =	ssyncadd.s32 $0xFFFFFFFF  }
0xa5: {  	s26 =	simm.s32 $execute0_lowered;
	[smem:$0x3FD2] =	sst s25  }
0xa6: {  	s5 =	sshll.u32 s26, $0x1;
	_ =	strace $0x8000004C;
	[dreg:$0x1] =	wrdreg $0xFFFFFFFF  }
0xa7: {  	s28 =	simm.s32 $_size_execute0_lowered;
	s3 =	sadd.s32 s3, s5;
	[dreg:$0x0] =	wrdreg $0x0  }
0xa8: {  	s5 =	sshll.u32 s28, $0x1;
	[dreg:$0x2] =	wrdreg s3  }
0xa9: {  	[dreg:$0x3] =	wrdreg s5  }
0xaa: {  	[dreg:$0x4] =	wrdreg $0xC0  }
0xab: {  	_ =	task [dreg:s7], $0x5FFFF  }
0xac: {  	[dreg:$0x1] =	wrdreg $0xFFFFFFFF  }
0xad: {  	[dreg:$0x0] =	wrdreg $0x60  }
0xae: {  	[dreg:$0x2] =	wrdreg s2  }
0xaf: {  	[dreg:$0x3] =	wrdreg s24  }
0xb0: {  	[dreg:$0x4] =	wrdreg $0x89000  }
0xb1: {  	[dreg:$0x5] =	wrdreg $0x9  }
0xb2: {  	_ =	task.clear_ibuf [dreg:s7], $0x6FFFF;
	_ =	strace $0x9000004C  }
0xb3: {  	s29 =	simm.s32 $0x9;
	_ =	strace $0x8000004E  }
0xb4: {  	_ =	swait.ge [sflag:s29], $0x1  }
0xb5: {  	[sflag:s29] =	ssyncadd.s32 $0xFFFFFFFF  }
0xb6: {  	_ =	strace $0x9000004E  }
0xb7: {  	_ =	sfence  }
0xb8: {  	s30 =	sld [smem:$0x0];
	_ =	sdelay $0x2  }
0xb9: {  	s31 =	sshll.u32 s1, $0xD;
	s1 =	sshrl.u32 s1, $0x2  }
0xba: {  	s3 =	sand.u32 $0x4000, s31;
	s1 =	sadd.s32 s1, s30  }
0xbb: {  	s0 =	sor.u32 s3, s0;
	s1 =	sshll.u32 s1, $0x11  }
0xbc: {  	s0 =	sor.u32 s1, s0  }
0xbd: {  	s0 =	sadd.s32 $0x8F2B, s0  }
0xbe: {  	[sflag:s0] =	ssyncadd.remote.s32 $0x1  }
0xbf: {  	_ =	sfence.sel $0xFFFF  }
0xc0: {  	[dreg:$0x0] =	wrdreg $0xFFFFFFFF;
	(pc) =	sbr.abs _section_cstart, $3  }
0xc1: {  	[dreg:$0x1] =	wrdreg $0xFFFFFFFF  }
0xc2: {  	_ =	task.clear_ibuf [dreg:s7], $0x2FFFF;
	_ =	strace $0x9FFFFFFF  }
0xc3: {  	(tm) =	ssettm $0x7FFFFFFF  }
tec
execute0_lowered:
.L_overlay_start_1:
0x0: {  	(tag) =	ssettag $0x1  }
0x1: {  	s1 =	rddreg [dreg:$0x0]  }
0x2: {  	s0 =	rddreg [dreg:$0x1]  }
0x3: {  	s2 =	rddreg [dreg:$0x2];
	s3 =	simm.s32 $0x0  }
0x4: {  	s4 =	srdreg.scid;
	s5 =	stileid.u32;
	s29 =	simm.s32 $0x600  }
0x5: {  	s28 =	simm.s32 $0x0;
	[smem:$0x7FF] =	sst s3;
	s11 =	sadd.s32 $0x4AA00, s0  }
0x6: {  	s12 =	sadd.s32 $0x40C00, s0;
	s4 =	sand.u32 $0x1, s4;
	s7 =	smul.u32 $0x4E000, s5  }
0x7: {  	s0 =	sadd.s32 $0x54800, s0;
	s9 =	smul.u32 $0x13800, s5;
	s26 =	sshll.u32 s5, $0x6  }
0x8: {  	s23 =	smul.u32 $0x2710, s5;
	p0 =	sne.s32 s5, $0x0;
	_ =	strace $0x8000004D  }
0x9: {  	s6 =	sshll.u32 s4, $0x4;
	s8 =	ssub.s32 $0x2, s4;
	s20 =	smul.u32 $0x138800, s4  }
0xa: {  	s24 =	sor.u32 $0x1C0B, s26;
	s4 =	smul.u32 $0x27100, s4;
	s31 =	smov.u32 s12  }
0xb: {  	s30 =	smov.u32 s11;
	s6 =	sor.u32 s5, s6;
	s10 =	sshrl.u32 s8, $0x1  }
0xc: {  	s7 =	sshrl.u32 s7, $0x2;
	s25 =	sshrl.u32 s9, $0x3;
	[dreg:$0x6] =	wrdreg s24  }
0xd: {  	s6 =	smul.u32 $0x2710, s6;
	s8 =	ssub.s32 s8, s10;
	s7 =	sadd.s32 s7, s2  }
0xe: {  	s22 =	sadd.s32 s9, s20;
	[dreg:$0x4] =	wrdreg s7;
	s7 =	sadd.s32 s1, s25  }
0xf: {  	s8 =	smax.u32 s8, $0x1;
	[dreg:$0x5] =	wrdreg s7;
	s6 =	sshrl.u32 s6, $0x3  }
0x10: {  	s26 =	sshrl.u32 s20, $0x3;
	[dreg:$0x13] =	wrdreg s8;
	s10 =	sadd.s32 s11, s6  }
0x11: {  	s13 =	sadd.s32 $0x10, s6;
	s14 =	sadd.s32 s12, s6;
	[dreg:$0x7] =	wrdreg s10  }
0x12: {  	s4 =	sadd.s32 s23, s4;
	[dreg:$0x8] =	wrdreg s14;
	s15 =	sadd.s32 s11, s13  }
0x13: {  	s16 =	sadd.s32 $0x20, s6;
	s7 =	sadd.s32 s12, s13;
	[dreg:$0x9] =	wrdreg s15  }
0x14: {  	s25 =	sshrl.u32 s22, $0x3;
	s17 =	sadd.s32 s11, s16;
	[dreg:$0xa] =	wrdreg s7  }
0x15: {  	s18 =	sadd.s32 $0x30, s6;
	s10 =	sadd.s32 s12, s16;
	[dreg:$0xb] =	wrdreg s17  }
0x16: {  	s6 =	sadd.s32 $0x4E0, s6;
	s19 =	sadd.s32 s11, s18;
	[dreg:$0xc] =	wrdreg s10  }
0x17: {  	s9 =	sadd.s32 $0x480, s4;
	s21 =	sadd.s32 s11, s6;
	[dreg:$0xd] =	wrdreg s19  }
0x18: {  	s8 =	simm.s32 $0x8;
	s6 =	sadd.s32 s12, s6;
	[dreg:$0xf] =	wrdreg s21  }
0x19: {  	s7 =	sadd.s32 s12, s18;
	[dreg:$0x10] =	wrdreg s6;
	s6 =	sadd.s32 s0, s25  }
0x1a: {  	s0 =	sadd.s32 s0, s26;
	s10 =	sadd.s32 $0x400, s4;
	s15 =	sadd.s32 $0x380, s4  }
0x1b: {  	s19 =	sadd.s32 $0x280, s4;
	s21 =	sadd.s32 $0x200, s4;
	[dreg:$0xe] =	wrdreg s7  }
0x1c: {  	s4 =	sadd.s32 $0x300, s4;
	s25 =	sadd.s32 $0x138000, s2;
	[dreg:$0x11] =	wrdreg s6  }
0x1d: {  	s26 =	sadd.s32 $0x27000, s1;
	s0 =	sadd.s32 $0x27000, s0;
	[dreg:$0x1a] =	wrdreg s4  }
0x1e: {  	s14 =	sshrl.u32 s10, $0x3;
	s16 =	sshrl.u32 s15, $0x3;
	[dreg:$0x1d] =	wrdreg s25  }
0x1f: {  	s20 =	sshrl.u32 s19, $0x3;
	s22 =	sshrl.u32 s21, $0x3;
	[dreg:$0x1e] =	wrdreg s26  }
0x20: {  	s26 =	simm.s32 $0xB;
	s19 =	simm.s32 $0x900;
	s21 =	simm.s32 $0x200  }
0x21: {  	s7 =	simm.s32 $0x2;
	s10 =	simm.s32 $0x9;
	s15 =	simm.s32 $0xA  }
0x22: {  	s4 =	simm.s32 $0x4;
	[dreg:$0x12] =	wrdreg s0;
	s0 =	sshrl.u32 s9, $0x3  }
0x23: {  	s17 =	sadd.s32 s14, s12;
	s5 =	sadd.s32 s14, s11;
	s18 =	sadd.s32 s16, s12  }
0x24: {  	s23 =	sadd.s32 s20, s12;
	s6 =	sadd.s32 s22, s11;
	[dreg:$0x16] =	wrdreg s17  }
0x25: {  	s9 =	simm.s32 $0x4900;
	s14 =	simm.s32 $0x3;
	[dreg:$0x17] =	wrdreg s5  }
0x26: {  	s13 =	sadd.s32 s0, s12;
	s0 =	sadd.s32 s0, s11;
	[dreg:$0x18] =	wrdreg s18  }
0x27: {  	[dreg:$0x1b] =	wrdreg s23;
	s17 =	simm.s32 $0x580;
	s18 =	simm.s32 $0x1  }
.Ltmp0:
0x28: {  	s5 =	simm.s32 $0x5;
	[dreg:$0x14] =	wrdreg s13;
	(pc) =	sbr.rel .LBB2_1-.Ltmp0, $4  }
0x29: {  	[dreg:$0x15] =	wrdreg s0;
	s0 =	sadd.s32 s16, s11;
	s16 =	simm.s32 $0x180  }
0x2a: {  	s13 =	simm.s32 $0x680;
	[dreg:$0x19] =	wrdreg s0;
	s0 =	sadd.s32 s20, s11  }
0x2b: {  	s20 =	simm.s32 $0x7;
	s11 =	simm.s32 $0x280;
	[dreg:$0x1c] =	wrdreg s0  }
0x2c: {  	s0 =	sadd.s32 s22, s12;
	s12 =	simm.s32 $0x80;
	s22 =	simm.s32 $0x6  }
.LBB2_4:
0x2d: {  	_ =	swait.ge [sflag:s15], $0x4000  }
0x2e: {  	s24 =	simm.s32 $0x800;
	[sflag:s15] =	ssyncset.done $0x0  }
0x2f: {  	s26 =	simm.s32 $0xB;
	s23 =	rddreg [dreg:$0xf];
	[sflag:s15] =	ssyncadd.s32 $0xFFFFC000  }
0x30: {  	[tilespmem:s24], [sflag:$0xB] =	stream.linear.gather [hbm4b:s23+s3], $0x10, $0x38;
	[tilespmem:$0x1C180] =	vst v63  }
0x31: {  	_ =	swait.ge [sflag:s26], $0x10  }
0x32: {  	[sflag:s26] =	ssyncset.done $0x0  }
0x33: {  	s25 =	simm.s32 $0x880;
	s23 =	rddreg [dreg:$0x10];
	[sflag:s26] =	ssyncadd.s32 $0xFFFFFFF0  }
0x34: {  	[tilespmem:s25], [sflag:$0xB] =	stream.linear.gather [hbm4b:s23+s3], $0x10, $0x38;
	[tilespmem:$0x1C180] =	vst v63  }
0x35: {  	_ =	swait.ge [sflag:s26], $0x10  }
0x36: {  	[sflag:s26] =	ssyncset.done $0x0  }
0x37: {  	s23 =	simm.s32 $0x10;
	[sflag:s26] =	ssyncadd.s32 $0xFFFFFFF0  }
0x38: {  	[tilespmem:s19], [sflag:$0xB] =	stream.indirect.gather [hbm4b:s1+s23], $0x80, s24, s23, $0xb8;
	[tilespmem:$0x1C180] =	vst v63  }
0x39: {  	_ =	swait.ge [sflag:s26], $0x800  }
0x3a: {  	[sflag:s26] =	ssyncset.done $0x0  }
0x3b: {  	[sflag:s26] =	ssyncadd.s32 $0xFFFFF800  }
0x3c: {  	[spmem:s2] =	stream.indirect.scatter.add.f32 [tilespmem:s19], [sflag:$0xB], $0x80, s25, s23, $0xb8;
	[tilespmem:$0x1C180] =	vst v63  }
0x3d: {  	_ =	swait.ge [sflag:s26], $0x800  }
0x3e: {  	[sflag:s26] =	ssyncset.done $0x0  }
0x3f: {  	[sflag:s26] =	ssyncadd.s32 $0xFFFFF800  }
0x40: {  	[bflag:$0x0] =	sbarrier.arrive $0xFFFF  }
0x41: {  	s25 =	sld [smem:$0x7FC]  }
0x42: {  	s24 =	rddreg [dreg:$0x6]  }
0x43: {  	s23 =	rddreg [dreg:$0x11]  }
0x44: {  	[hbm:s23], [sflag:s24] =	dma.local [spmem:s25], $0x2700  }
0x45: {  	_ =	swait.ge [sflag:s26], $0x2700  }
0x46: {  	s25 =	sld [smem:$0x7FD]  }
0x47: {  	[sflag:s26] =	ssyncset.done $0x0  }
0x48: {  	s23 =	rddreg [dreg:$0x12];
	[sflag:s26] =	ssyncadd.s32 $0xFFFFD900  }
0x49: {  	[hbm:s23], [sflag:s24] =	dma.local @!p0 [spmem:s25], $0x100  }
0x4a: {  	s23 =	simm.s32 @!p0 $0xB  }
0x4b: {  	_ =	swait.ge @!p0 [sflag:s23], $0x100  }
0x4c: {  	s28 =	rddreg [dreg:$0x1f]  }
0x4d: {  	s25 =	rddreg [dreg:$0x13];
	s28 =	sadd.s32 $0x1, s28  }
0x4e: {  	p1 =	sne.s32 s28, s25  }
.Ltmp1:
0x4f: {  	_ = 	snop;
	(pc) =	sbr.rel @!p1 .LBB2_5-.Ltmp1, $3  }
0x50: {  	_ =	sdelay $0x1  }
0x51: {  	[sflag:s23] =	ssyncset.done @!p0 $0x0  }
0x52: {  	[sflag:s23] =	ssyncadd.s32 @!p0 $0xFFFFFF00  }
.LBB2_1:
0x53: {  	[dreg:$0x1f] =	wrdreg s28  }
0x54: {  	s23 =	rddreg [dreg:$0x4]  }
0x55: {  	s28 =	rddreg [dreg:$0x5];
	s25 =	sshrl.u32 s23, $0x3  }
0x56: {  	[smem:$0x7FC] =	sst s25  }
0x57: {  	[spmem:s25], [sflag:s24] =	dma.local [hbm:s28], $0x2700  }
0x58: {  	_ =	swait.ge [sflag:s26], $0x2700  }
0x59: {  	s23 =	rddreg [dreg:$0x1d]  }
0x5a: {  	[sflag:s26] =	ssyncset.done $0x0;
	s25 =	sshrl.u32 @!p0 s23, $0x3;
	s23 =	rddreg [dreg:$0x1e]  }
0x5b: {  	[sflag:s26] =	ssyncadd.s32 $0xFFFFD900;
	[smem:$0x7FD] =	sst s25  }
0x5c: {  	[spmem:s25], [sflag:s24] =	dma.local @!p0 [hbm:s23], $0x100  }
0x5d: {  	s23 =	simm.s32 @!p0 $0xB  }
0x5e: {  	_ =	swait.ge @!p0 [sflag:s23], $0x100  }
0x5f: {  	[sflag:s23] =	ssyncset.done @!p0 $0x0  }
0x60: {  	[sflag:s23] =	ssyncadd.s32 @!p0 $0xFFFFFF00  }
0x61: {  	[bflag:$0x0] =	sbarrier.arrive $0xFFFF  }
0x62: {  	s24 =	rddreg [dreg:$0x7]  }
0x63: {  	[tilespmem:s3], [sflag:$0x1] =	stream.linear.gather [hbm4b:s24+s3], $0x80, $0x38;
	[tilespmem:$0x1C180] =	vst v63  }
0x64: {  	s26 =	simm.s32 $0x400;
	s25 =	rddreg [dreg:$0x8]  }
0x65: {  	[tilespmem:s26], [sflag:$0x1] =	stream.linear.gather [hbm4b:s25+s3], $0x80, $0x38;
	[tilespmem:$0x1C180] =	vst v63  }
0x66: {  	s28 =	rddreg [dreg:$0x9]  }
0x67: {  	[tilespmem:s12], [sflag:$0x2] =	stream.linear.gather [hbm4b:s28+s3], $0x80, $0x38;
	[tilespmem:$0x1C180] =	vst v63  }
0x68: {  	s24 =	rddreg [dreg:$0xa];
	s25 =	simm.s32 $0x480  }
0x69: {  	[tilespmem:s25], [sflag:$0x2] =	stream.linear.gather [hbm4b:s24+s3], $0x80, $0x38;
	[tilespmem:$0x1C180] =	vst v63  }
0x6a: {  	s26 =	rddreg [dreg:$0xb];
	s28 =	simm.s32 $0x100  }
0x6b: {  	[tilespmem:s28], [sflag:$0x3] =	stream.linear.gather [hbm4b:s26+s3], $0x80, $0x38;
	[tilespmem:$0x1C180] =	vst v63  }
0x6c: {  	s24 =	rddreg [dreg:$0xc];
	s25 =	simm.s32 $0x500  }
0x6d: {  	[tilespmem:s25], [sflag:$0x3] =	stream.linear.gather [hbm4b:s24+s3], $0x80, $0x38;
	[tilespmem:$0x1C180] =	vst v63  }
0x6e: {  	s26 =	rddreg [dreg:$0xd]  }
0x6f: {  	[tilespmem:s16], [sflag:$0x4] =	stream.linear.gather [hbm4b:s26+s3], $0x80, $0x38;
	[tilespmem:$0x1C180] =	vst v63  }
0x70: {  	s28 =	rddreg [dreg:$0xe]  }
0x71: {  	[tilespmem:s17], [sflag:$0x4] =	stream.linear.gather [hbm4b:s28+s3], $0x80, $0x38;
	[tilespmem:$0x1C180] =	vst v63  }
0x72: {  	_ =	swait.ge [sflag:s18], $0x80  }
0x73: {  	[sflag:s18] =	ssyncset.done $0x0  }
0x74: {  	[sflag:s18] =	ssyncadd.s32 $0xFFFFFF80  }
0x75: {  	_ =	swait.ge [sflag:s18], $0x80  }
0x76: {  	[sflag:s18] =	ssyncset.done $0x0  }
0x77: {  	s24 =	simm.s32 $0x0;
	s23 =	rddreg [dreg:$0x1a];
	[sflag:s18] =	ssyncadd.s32 $0xFFFFFF80  }
0x78: {  	[tilespmem:s19], [sflag:$0x7] =	stream.indirect.gather [hbm4b:s1+s12], $0x80, s3, s12, $0xb8;
	[tilespmem:$0x1C180] =	vst v63  }
.LBB2_2:
0x79: {  	_ =	swait.ge [sflag:s20], $0x4000  }
0x7a: {  	[sflag:s20] =	ssyncset.done $0x0  }
0x7b: {  	s25 =	simm.s32 $0x400;
	p1 =	seq.s32 s24, $0x0;
	[sflag:s20] =	ssyncadd.s32 $0xFFFFC000  }
0x7c: {  	[spmem:s2] =	stream.indirect.scatter.add.f32 [tilespmem:s19], [sflag:$0x9], $0x80, s25, s12, $0xb8;
	[tilespmem:$0x1C180] =	vst v63  }
0x7d: {  	s25 =	simm.s32 @!p1 $0xA  }
0x7e: {  	_ =	swait.ge @!p1 [sflag:s25], $0x4000  }
0x7f: {  	[sflag:s25] =	ssyncset.done @!p1 $0x0  }
0x80: {  	s28 =	sadd.s32 s24, s6;
	[sflag:s25] =	ssyncadd.s32 @!p1 $0xFFFFC000  }
0x81: {  	[tilespmem:s21], [sflag:$0x5] =	stream.linear.gather [hbm4b:s28+s3], $0x80, $0x38;
	[tilespmem:$0x1C180] =	vst v63  }
0x82: {  	s26 =	sadd.s32 s24, s0  }
0x83: {  	[tilespmem:s29], [sflag:$0x5] =	stream.linear.gather [hbm4b:s26+s3], $0x80, $0x38;
	[tilespmem:$0x1C180] =	vst v63  }
0x84: {  	_ =	swait.ge [sflag:s7], $0x80  }
0x85: {  	[sflag:s7] =	ssyncset.done $0x0  }
0x86: {  	[sflag:s7] =	ssyncadd.s32 $0xFFFFFF80  }
0x87: {  	_ =	swait.ge [sflag:s7], $0x80  }
0x88: {  	[sflag:s7] =	ssyncset.done $0x0  }
0x89: {  	[sflag:s7] =	ssyncadd.s32 $0xFFFFFF80  }
0x8a: {  	[tilespmem:s9], [sflag:$0x8] =	stream.indirect.gather [hbm4b:s1+s12], $0x80, s12, s12, $0xb8;
	[tilespmem:$0x1C180] =	vst v63  }
0x8b: {  	_ =	swait.ge [sflag:s8], $0x4000  }
0x8c: {  	[sflag:s8] =	ssyncset.done $0x0  }
0x8d: {  	s28 =	simm.s32 $0x480;
	[sflag:s8] =	ssyncadd.s32 $0xFFFFC000  }
0x8e: {  	[spmem:s2] =	stream.indirect.scatter.add.f32 [tilespmem:s9], [sflag:$0xA], $0x80, s28, s12, $0xb8;
	[tilespmem:$0x1C180] =	vst v63  }
0x8f: {  	_ =	swait.ge [sflag:s10], $0x4000  }
0x90: {  	[sflag:s10] =	ssyncset.done $0x0;
	s26 =	rddreg [dreg:$0x1c]  }
0x91: {  	s28 =	rddreg [dreg:$0x1b];
	[sflag:s10] =	ssyncadd.s32 $0xFFFFC000;
	s25 =	sadd.s32 s24, s26  }
0x92: {  	[tilespmem:s11], [sflag:$0x6] =	stream.linear.gather [hbm4b:s25+s3], $0x80, $0x38;
	[tilespmem:$0x1C180] =	vst v63  }
0x93: {  	s25 =	sadd.s32 s24, s28  }
0x94: {  	[tilespmem:s13], [sflag:$0x6] =	stream.linear.gather [hbm4b:s25+s3], $0x80, $0x38;
	[tilespmem:$0x1C180] =	vst v63  }
0x95: {  	_ =	swait.ge [sflag:s14], $0x80  }
0x96: {  	[sflag:s14] =	ssyncset.done $0x0  }
0x97: {  	[sflag:s14] =	ssyncadd.s32 $0xFFFFFF80  }
0x98: {  	_ =	swait.ge [sflag:s14], $0x80  }
0x99: {  	[sflag:s14] =	ssyncset.done $0x0  }
0x9a: {  	s26 =	simm.s32 $0x100;
	[sflag:s14] =	ssyncadd.s32 $0xFFFFFF80  }
0x9b: {  	[tilespmem:s19], [sflag:$0x7] =	stream.indirect.gather [hbm4b:s1+s12], $0x80, s26, s12, $0xb8;
	[tilespmem:$0x1C180] =	vst v63  }
0x9c: {  	_ =	swait.ge [sflag:s20], $0x4000  }
0x9d: {  	[sflag:s20] =	ssyncset.done $0x0  }
0x9e: {  	s28 =	simm.s32 $0x500;
	[sflag:s20] =	ssyncadd.s32 $0xFFFFC000  }
0x9f: {  	[spmem:s2] =	stream.indirect.scatter.add.f32 [tilespmem:s19], [sflag:$0x9], $0x80, s28, s12, $0xb8;
	[tilespmem:$0x1C180] =	vst v63  }
0xa0: {  	p1 =	seq.s32 s24, $0x480;
	_ =	swait.ge [sflag:s15], $0x4000  }
0xa1: {  	s25 =	sshrl.u32 @!p1 s23, $0x3;
	[sflag:s15] =	ssyncset.done $0x0  }
0xa2: {  	s26 =	sadd.s32 @!p1 s30, s25;
	s28 =	simm.s32 @!p1 $0x0;
	[sflag:s15] =	ssyncadd.s32 $0xFFFFC000  }
0xa3: {  	[tilespmem:s28], [sflag:$0x1] =	stream.linear.gather @!p1 [hbm4b:s26+s28], $0x80, $0x38;
	[tilespmem:$0x1C180] =	vst v63  }
0xa4: {  	s25 =	sadd.s32 @!p1 s31, s25;
	s26 =	simm.s32 @!p1 $0x400  }
0xa5: {  	[tilespmem:s26], [sflag:$0x1] =	stream.linear.gather @!p1 [hbm4b:s25+s28], $0x80, $0x38;
	[tilespmem:$0x1C180] =	vst v63  }
0xa6: {  	_ =	swait.ge [sflag:s4], $0x80  }
0xa7: {  	[sflag:s4] =	ssyncset.done $0x0  }
0xa8: {  	[sflag:s4] =	ssyncadd.s32 $0xFFFFFF80  }
0xa9: {  	_ =	swait.ge [sflag:s4], $0x80  }
0xaa: {  	[sflag:s4] =	ssyncset.done $0x0  }
0xab: {  	[sflag:s4] =	ssyncadd.s32 $0xFFFFFF80  }
0xac: {  	[tilespmem:s9], [sflag:$0x8] =	stream.indirect.gather [hbm4b:s1+s12], $0x80, s16, s12, $0xb8;
	[tilespmem:$0x1C180] =	vst v63  }
0xad: {  	_ =	swait.ge [sflag:s8], $0x4000  }
0xae: {  	[sflag:s8] =	ssyncset.done $0x0  }
0xaf: {  	[sflag:s8] =	ssyncadd.s32 $0xFFFFC000  }
0xb0: {  	[spmem:s2] =	stream.indirect.scatter.add.f32 [tilespmem:s9], [sflag:$0xA], $0x80, s17, s12, $0xb8;
	[tilespmem:$0x1C180] =	vst v63  }
0xb1: {  	_ =	swait.ge [sflag:s10], $0x4000  }
0xb2: {  	[sflag:s10] =	ssyncset.done $0x0;
	s25 =	rddreg [dreg:$0x19]  }
0xb3: {  	s26 =	simm.s32 @!p1 $0x80;
	[sflag:s10] =	ssyncadd.s32 $0xFFFFC000;
	s25 =	sadd.s32 @!p1 s24, s25  }
0xb4: {  	[tilespmem:s26], [sflag:$0x2] =	stream.linear.gather @!p1 [hbm4b:s25+s28], $0x80, $0x38;
	[tilespmem:$0x1C180] =	vst v63  }
0xb5: {  	s25 =	rddreg [dreg:$0x18]  }
0xb6: {  	s26 =	simm.s32 @!p1 $0x480;
	s25 =	sadd.s32 @!p1 s24, s25  }
0xb7: {  	[tilespmem:s26], [sflag:$0x2] =	stream.linear.gather @!p1 [hbm4b:s25+s28], $0x80, $0x38;
	[tilespmem:$0x1C180] =	vst v63  }
0xb8: {  	_ =	swait.ge [sflag:s5], $0x80  }
0xb9: {  	[sflag:s5] =	ssyncset.done $0x0  }
0xba: {  	[sflag:s5] =	ssyncadd.s32 $0xFFFFFF80  }
0xbb: {  	_ =	swait.ge [sflag:s5], $0x80  }
0xbc: {  	[sflag:s5] =	ssyncset.done $0x0  }
0xbd: {  	[sflag:s5] =	ssyncadd.s32 $0xFFFFFF80  }
0xbe: {  	[tilespmem:s19], [sflag:$0x7] =	stream.indirect.gather [hbm4b:s1+s12], $0x80, s21, s12, $0xb8;
	[tilespmem:$0x1C180] =	vst v63  }
0xbf: {  	_ =	swait.ge [sflag:s20], $0x4000  }
0xc0: {  	[sflag:s20] =	ssyncset.done $0x0  }
0xc1: {  	[sflag:s20] =	ssyncadd.s32 $0xFFFFC000  }
0xc2: {  	[spmem:s2] =	stream.indirect.scatter.add.f32 [tilespmem:s19], [sflag:$0x9], $0x80, s29, s12, $0xb8;
	[tilespmem:$0x1C180] =	vst v63  }
0xc3: {  	_ =	swait.ge [sflag:s15], $0x4000  }
0xc4: {  	[sflag:s15] =	ssyncset.done $0x0;
	s25 =	rddreg [dreg:$0x17]  }
0xc5: {  	s26 =	simm.s32 @!p1 $0x100;
	[sflag:s15] =	ssyncadd.s32 $0xFFFFC000;
	s25 =	sadd.s32 @!p1 s24, s25  }
0xc6: {  	[tilespmem:s26], [sflag:$0x3] =	stream.linear.gather @!p1 [hbm4b:s25+s28], $0x80, $0x38;
	[tilespmem:$0x1C180] =	vst v63  }
0xc7: {  	s25 =	rddreg [dreg:$0x16]  }
0xc8: {  	s26 =	simm.s32 @!p1 $0x500;
	s25 =	sadd.s32 @!p1 s24, s25  }
0xc9: {  	[tilespmem:s26], [sflag:$0x3] =	stream.linear.gather @!p1 [hbm4b:s25+s28], $0x80, $0x38;
	[tilespmem:$0x1C180] =	vst v63  }
0xca: {  	_ =	swait.ge [sflag:s22], $0x80  }
0xcb: {  	[sflag:s22] =	ssyncset.done $0x0  }
0xcc: {  	[sflag:s22] =	ssyncadd.s32 $0xFFFFFF80  }
0xcd: {  	_ =	swait.ge [sflag:s22], $0x80  }
0xce: {  	[sflag:s22] =	ssyncset.done $0x0  }
0xcf: {  	[sflag:s22] =	ssyncadd.s32 $0xFFFFFF80  }
0xd0: {  	[tilespmem:s9], [sflag:$0x8] =	stream.indirect.gather [hbm4b:s1+s12], $0x80, s11, s12, $0xb8;
	[tilespmem:$0x1C180] =	vst v63  }
0xd1: {  	_ =	swait.ge [sflag:s8], $0x4000  }
0xd2: {  	[sflag:s8] =	ssyncset.done $0x0  }
.Ltmp2:
0xd3: {  	[sflag:s8] =	ssyncadd.s32 $0xFFFFC000;
	(pc) =	sbr.rel @p1 .LBB2_4-.Ltmp2, $4  }
0xd4: {  	[spmem:s2] =	stream.indirect.scatter.add.f32 [tilespmem:s9], [sflag:$0xA], $0x80, s13, s12, $0xb8;
	[tilespmem:$0x1C180] =	vst v63  }
0xd5: {  	_ =	swait.ge [sflag:s10], $0x4000  }
0xd6: {  	[sflag:s10] =	ssyncset.done $0x0  }
0xd7: {  	[sflag:s10] =	ssyncadd.s32 $0xFFFFC000  }
0xd8: {  	s25 =	rddreg [dreg:$0x15]  }
0xd9: {  	s28 =	rddreg [dreg:$0x14];
	s25 =	sadd.s32 s24, s25  }
0xda: {  	[tilespmem:s16], [sflag:$0x4] =	stream.linear.gather [hbm4b:s25+s3], $0x80, $0x38;
	[tilespmem:$0x1C180] =	vst v63  }
0xdb: {  	s25 =	sadd.s32 s24, s28  }
0xdc: {  	[tilespmem:s17], [sflag:$0x4] =	stream.linear.gather [hbm4b:s25+s3], $0x80, $0x38;
	[tilespmem:$0x1C180] =	vst v63  }
0xdd: {  	_ =	swait.ge [sflag:s18], $0x80  }
0xde: {  	[sflag:s18] =	ssyncset.done $0x0  }
.Ltmp3:
0xdf: {  	[sflag:s18] =	ssyncadd.s32 $0xFFFFFF80;
	(pc) =	sbr.rel .LBB2_2-.Ltmp3, $4  }
0xe0: {  	_ =	swait.ge [sflag:s18], $0x80  }
0xe1: {  	[sflag:s18] =	ssyncset.done $0x0  }
0xe2: {  	s23 =	sadd.s32 $0x300, s23;
	s24 =	sadd.s32 $0x60, s24;
	[sflag:s18] =	ssyncadd.s32 $0xFFFFFF80  }
0xe3: {  	[tilespmem:s19], [sflag:$0x7] =	stream.indirect.gather [hbm4b:s1+s12], $0x80, s3, s12, $0xb8;
	[tilespmem:$0x1C180] =	vst v63  }
.LBB2_5:
0xe4: {  	_ =	sfence.sel $0x180000  }
0xe5: {  	[bflag:$0x0] =	sbarrier.arrive $0xFFFF  }
0xe6: {  	_ =	strace $0x9000004D  }
0xe7: {  	[bflag:$0x2] =	sbarrier.arrive $0xFFFF  }
0xe8: {  	s0 =	rddreg [dreg:$0x3]  }
0xe9: {  	s0 =	sadd.s32 @!p0 $0x100000, s0  }
0xea: {  	[sflag:s0] =	ssyncadd.tile.s32 @!p0 $0x1;
	_ =	shalt  }
.Lfunc_end2:
_tile_overlayer_lowered:
.L_overlay_start_2:
0xeb: {  	(tag) =	ssettag $0x2  }
0xec: {  	s0 =	rddreg [dreg:$0x0];
	s2 =	stileid.u32  }
0xed: {  	s1 =	rddreg [dreg:$0x1];
	p0 =	sne.s32 s2, $0x0  }
0xee: {  	s3 =	rddreg [dreg:$0x2];
	[bflag:$0x3] =	sbarrier.arrive $0xFFFF;
	s2 =	simm.s32 @!p0 $0x1C0B  }
0xef: {  	[timem:s3], [sflag:s2] =	dma.local @!p0 [hbm:s0], s1  }
0xf0: {  	s0 =	simm.s32 @!p0 $0xB  }
0xf1: {  	_ =	swait.ge @!p0 [sflag:s0], s1  }
0xf2: {  	s1 =	ssub.s32 @!p0 $0x0, s1;
	[sflag:s0] =	ssyncset.done @!p0 $0x0  }
0xf3: {  	[sflag:s0] =	ssyncadd.s32 @!p0 s1  }
0xf4: {  	[bflag:$0x3] =	sbarrier.arrive $0xFFFF  }
0xf5: {  	_ =	shalt  }

// kernel: kernel.9.cloned.1.call-start
scs
__scs_entry_jumppad:
0x0: {  	(pc) =	sbr.rel $0x88, $3  }
0x1: {  	(tag) =	ssettag $0x0;
	lr =	simm.s32 $0x1  }
0x2: {  	[smem:$0x3F99] =	sst lr;
	_ =	strace $0xD0000000  }
0x3: {  	_ = 	snop  }
0x4: {  	_ = 	snop  }
0x5: {  	_ = 	snop  }
0x6: {  	_ = 	snop  }
0x7: {  	_ = 	snop  }
__scs_overlays_trampoline_lowered:
0x8: {  	[smem:$0x3FA8] =	sst s0  }
0x9: {  	[smem:$0x3FA9] =	sst s1  }
0xa: {  	[smem:$0x3FAA] =	sst s2  }
0xb: {  	[smem:$0x3FAB] =	sst s3  }
0xc: {  	[smem:$0x3FAC] =	sst s4  }
0xd: {  	[smem:$0x3FAD] =	sst s5  }
0xe: {  	[smem:$0x3FAE] =	sst s6  }
0xf: {  	[smem:$0x3FAF] =	sst s7  }
0x10: {  	[smem:$0x3FB0] =	sst s8  }
0x11: {  	[smem:$0x3FB1] =	sst s9;
	s0 =	simm.s32 @!p0 $0x0  }
0x12: {  	s1 =	sld [smem:$0x3F97];
	s0 =	simm.s32 @p0 $0x1  }
0x13: {  	[smem:$0x3FB2] =	sst s0;
	s0 =	simm.s32 @!p1 $0x0  }
0x14: {  	s2 =	sld [smem:$0x3F96];
	s0 =	simm.s32 @p1 $0x1  }
0x15: {  	[smem:$0x3FB3] =	sst s0;
	s0 =	simm.s32 @!p2 $0x0  }
0x16: {  	s3 =	sld [smem:$0x3FDB];
	s0 =	simm.s32 @p2 $0x1  }
0x17: {  	s4 =	simm.s32 $0x1BF5;
	[smem:$0x3FB5] =	sst s0  }
0x18: {  	s0 =	sld [smem:$0x3F98];
	_ =	swait.ge [sflag:s4], $0x0  }
0x19: {  	s7 =	sld [smem:$0x3F99]  }
0x1a: {  	s8 =	sadd.s32 $0xFFFFE003, lr  }
0x1b: {  	s9 =	sadd.s32 $0xFFFFFEF7, lr;
	s5 =	simm.s32 $0xFFFFFFFF;
	p2 =	slt.u32 s8, $0xFFFFF086  }
0x1c: {  	p1 =	slt.u32 s9, $0xF7A;
	s5 =	simm.s32 @!p2 $0x0  }
0x1d: {  	s5 =	simm.s32 @p1 $0x1;
	p0 =	seq.s32 s7, s2  }
0x1e: {  	s7 =	smul.u32 @!p0 $0xF7A, s2;
	p2 =	seq.s32 @!p0 s5, $0x0  }
0x1f: {  	s9 =	smul.u32 $0xF7A, s1;
	s8 =	simm.s32 @!p0 $0x1BF5;
	p2 =	por !p2, p0  }
0x20: {  	[sflag:s8] =	ssyncset.s32 @!p0 $0xFFFFF086;
	s6 =	sadd.s32 @!p0 s3, s7;
	s7 =	simm.s32 @!p0 $0x108  }
0x21: {  	s3 =	sadd.s32 s3, s9;
	s6 =	sadd.s32 @!p0 $0x88, s6;
	s7 =	simm.s32 @p2 $0x1082  }
0x22: {  	[simem:s7], [sflag:s8] =	dma.local @!p0 [hbm:s6], $0xF7A  }
0x23: {  	s9 =	sor.u32 $0xD0000000, s2;
	s6 =	simm.s32 $0x108;
	_ =	swait.ge @!p0 [sflag:s8], $0x0  }
0x24: {  	s3 =	sadd.s32 $0x88, s3;
	s6 =	simm.s32 @!p1 $0x1082;
	[sflag:s4] =	ssyncset.s32 $0xFFFFF086  }
0x25: {  	[simem:s6], [sflag:s4] =	dma.local [hbm:s3], $0xF7A  }
0x26: {  	[smem:$0x3F99] =	sst s1;
	(tag) =	ssettag s2;
	_ =	strace s9  }
0x27: {  	s1 =	sld [smem:$0x3FA9]  }
0x28: {  	s2 =	sld [smem:$0x3FAA]  }
0x29: {  	s4 =	sld [smem:$0x3FAC]  }
0x2a: {  	p0 =	seq.s32 s5, $0x0;
	s5 =	sld [smem:$0x3FAD]  }
0x2b: {  	s6 =	sld [smem:$0x3FAE]  }
0x2c: {  	s7 =	sld [smem:$0x3FAF]  }
0x2d: {  	s3 =	simm.s32 $0x108;
	s8 =	sld [smem:$0x3FB0]  }
0x2e: {  	s3 =	simm.s32 @!p0 $0x1082;
	s9 =	sld [smem:$0x3FB1]  }
0x2f: {  	lr =	sadd.s32 s0, s3;
	s0 =	sld [smem:$0x3FA8]  }
0x30: {  	s3 =	sld [smem:$0x3FAB]  }
0x31: {  	[smem:$0x3FB4] =	sst s10  }
0x32: {  	s10 =	sld [smem:$0x3FB2];
	_ =	sdelay $0x3  }
0x33: {  	p0 =	seq.s32 s10, $0x1;
	s10 =	sld [smem:$0x3FB4];
	_ =	sdelay $0x3  }
0x34: {  	[smem:$0x3FB4] =	sst s10  }
0x35: {  	s10 =	sld [smem:$0x3FB3];
	_ =	sdelay $0x3  }
0x36: {  	p1 =	seq.s32 s10, $0x1;
	s10 =	sld [smem:$0x3FB4];
	_ =	sdelay $0x3  }
0x37: {  	[smem:$0x3FB4] =	sst s10  }
0x38: {  	s10 =	sld [smem:$0x3FB5]  }
0x39: {  	_ = 	snop;
	(pc) =	sbr.ind lr, $3  }
0x3a: {  	_ = 	snop  }
0x3b: {  	_ = 	snop  }
0x3c: {  	p2 =	seq.s32 s10, $0x1;
	s10 =	sld [smem:$0x3FB4]  }
0x3d: {  	_ =	shalt  }
0x3e: {  	_ =	shalt  }
0x3f: {  	_ =	shalt  }
0x40: {  	_ =	shalt  }
0x41: {  	_ =	shalt  }
0x42: {  	_ =	shalt  }
0x43: {  	_ =	shalt  }
0x44: {  	_ =	shalt  }
0x45: {  	_ =	shalt  }
0x46: {  	_ =	shalt  }
0x47: {  	_ =	shalt  }
0x48: {  	_ =	shalt  }
0x49: {  	_ =	shalt  }
0x4a: {  	_ =	shalt  }
0x4b: {  	_ =	shalt  }
0x4c: {  	_ =	shalt  }
0x4d: {  	_ =	shalt  }
0x4e: {  	_ =	shalt  }
0x4f: {  	_ =	shalt  }
0x50: {  	_ =	shalt  }
0x51: {  	_ =	shalt  }
0x52: {  	_ =	shalt  }
0x53: {  	_ =	shalt  }
0x54: {  	_ =	shalt  }
0x55: {  	_ =	shalt  }
0x56: {  	_ =	shalt  }
0x57: {  	_ =	shalt  }
0x58: {  	_ =	shalt  }
0x59: {  	_ =	shalt  }
0x5a: {  	_ =	shalt  }
0x5b: {  	_ =	shalt  }
0x5c: {  	_ =	shalt  }
0x5d: {  	_ =	shalt  }
0x5e: {  	_ =	shalt  }
0x5f: {  	_ =	shalt  }
0x60: {  	_ =	shalt  }
0x61: {  	_ =	shalt  }
0x62: {  	_ =	shalt  }
0x63: {  	_ =	shalt  }
0x64: {  	_ =	shalt  }
0x65: {  	_ =	shalt  }
0x66: {  	_ =	shalt  }
0x67: {  	_ =	shalt  }
0x68: {  	_ =	shalt  }
0x69: {  	_ =	shalt  }
0x6a: {  	_ =	shalt  }
0x6b: {  	_ =	shalt  }
0x6c: {  	_ =	shalt  }
0x6d: {  	_ =	shalt  }
0x6e: {  	_ =	shalt  }
0x6f: {  	_ =	shalt  }
0x70: {  	_ =	shalt  }
0x71: {  	_ =	shalt  }
0x72: {  	_ =	shalt  }
0x73: {  	_ =	shalt  }
0x74: {  	_ =	shalt  }
0x75: {  	_ =	shalt  }
0x76: {  	_ =	shalt  }
0x77: {  	_ =	shalt  }
0x78: {  	_ =	shalt  }
0x79: {  	_ =	shalt  }
0x7a: {  	_ =	shalt  }
0x7b: {  	_ =	shalt  }
0x7c: {  	_ =	shalt  }
0x7d: {  	_ =	shalt  }
0x7e: {  	_ =	shalt  }
0x7f: {  	_ =	shalt  }
0x80: {  	_ =	shalt  }
0x81: {  	_ =	shalt  }
0x82: {  	_ =	shalt  }
0x83: {  	_ =	shalt  }
0x84: {  	_ =	shalt  }
0x85: {  	_ =	shalt  }
0x86: {  	_ =	shalt  }
0x87: {  	_ =	shalt  }
.Lfunc_end0:
.L_simem_size_0:
called_computation_lowered:
.L_overlay_start_0:
0x88: {  	s2 =	sld [smem:$0x3FD9]  }
0x89: {  	s3 =	sld [smem:$0x3FFE];
	_ =	sdelay $0x1  }
0x8a: {  	s1 =	srdreg.scid  }
0x8b: {  	s0 =	sand.u32 $0x1, s1  }
0x8c: {  	s17 =	sshll.u32 s0, $0xA;
	s2 =	sadd.s32 s3, s2  }
0x8d: {  	s2 =	sadd.s32 s2, s17  }
0x8e: {  	[smem:$0x3FC0] =	sst s2  }
0x8f: {  	_ = 	snop  }
0x90: {  	s2 =	sld [smem:$0x3FD0];
	(tm) =	ssettm $0x1  }
0x91: {  	s18 =	sld [smem:$0x3FFB];
	_ =	sdelay $0x3  }
0x92: {  	_ =	strace s18  }
0x93: {  	s3 =	sld [smem:$0x3FFC];
	_ =	sdelay $0x3  }
0x94: {  	_ =	strace s3  }
0x95: {  	s3 =	sld [smem:$0x3FFD];
	_ =	sdelay $0x3  }
0x96: {  	_ =	strace s3  }
0x97: {  	_ =	strace $0x8FFFFFFF  }
0x98: {  	s19 =	sld [smem:$0x3FDB];
	_ =	sdelay $0x1  }
0x99: {  	s4 =	simm.s32 $_scs_section_size  }
0x9a: {  	s5 =	simm.s32 $_size__tile_overlayer_lowered;
	s6 =	simm.s32 $_tile_overlayer_lowered  }
0x9b: {  	s22 =	simm.s32 $0x1BFF;
	s21 =	sshll.u32 s6, $0x1;
	s3 =	sadd.s32 s4, s19  }
0x9c: {  	s7 =	simm.s32 $0x0;
	s20 =	sshll.u32 s5, $0x1;
	s5 =	sadd.s32 s21, s3  }
0x9d: {  	[timem:s7], [sflag:s22] =	dma.local [hbm:s5], s20  }
0x9e: {  	_ =	swait.ge [sflag:s22], s20  }
0x9f: {  	s4 =	ssub.s32 $0x0, s20;
	[sflag:s22] =	ssyncset.done $0x0  }
0xa0: {  	[sflag:s22] =	ssyncadd.s32 s4;
	_ =	sdelay $0x1  }
0xa1: {  	s23 =	simm.s32 $0x1B8B  }
0xa2: {  	_ =	swait.ge [sflag:s23], $0x1  }
0xa3: {  	[sflag:s23] =	ssyncset.done $0x0  }
0xa4: {  	s25 =	simm.s32 $0x1B8E;
	s24 =	sld [smem:$0x3FFE];
	[sflag:s23] =	ssyncadd.s32 $0xFFFFFFFF  }
0xa5: {  	s26 =	simm.s32 $execute0_lowered;
	[smem:$0x3FD2] =	sst s25  }
0xa6: {  	s5 =	sshll.u32 s26, $0x1;
	_ =	strace $0x80000046;
	[dreg:$0x1] =	wrdreg $0xFFFFFFFF  }
0xa7: {  	s28 =	simm.s32 $_size_execute0_lowered;
	s3 =	sadd.s32 s3, s5;
	[dreg:$0x0] =	wrdreg $0x0  }
0xa8: {  	s5 =	sshll.u32 s28, $0x1;
	[dreg:$0x2] =	wrdreg s3  }
0xa9: {  	[dreg:$0x3] =	wrdreg s5  }
0xaa: {  	[dreg:$0x4] =	wrdreg $0xC0  }
0xab: {  	_ =	task [dreg:s7], $0x5FFFF  }
0xac: {  	[dreg:$0x1] =	wrdreg $0xFFFFFFFF  }
0xad: {  	[dreg:$0x0] =	wrdreg $0x60  }
0xae: {  	[dreg:$0x2] =	wrdreg s24  }
0xaf: {  	[dreg:$0x3] =	wrdreg s2  }
0xb0: {  	[dreg:$0x4] =	wrdreg $0x80000  }
0xb1: {  	[dreg:$0x5] =	wrdreg $0x9  }
0xb2: {  	_ =	task.clear_ibuf [dreg:s7], $0x6FFFF;
	_ =	strace $0x90000046  }
0xb3: {  	s29 =	simm.s32 $0x9;
	_ =	strace $0x80000048  }
0xb4: {  	_ =	swait.ge [sflag:s29], $0x1  }
0xb5: {  	[sflag:s29] =	ssyncadd.s32 $0xFFFFFFFF  }
0xb6: {  	_ =	strace $0x90000048  }
0xb7: {  	_ =	sfence  }
0xb8: {  	s30 =	sld [smem:$0x0];
	_ =	sdelay $0x2  }
0xb9: {  	s31 =	sshll.u32 s1, $0xD;
	s1 =	sshrl.u32 s1, $0x2  }
0xba: {  	s3 =	sand.u32 $0x4000, s31;
	s1 =	sadd.s32 s1, s30  }
0xbb: {  	s0 =	sor.u32 s3, s0;
	s1 =	sshll.u32 s1, $0x11  }
0xbc: {  	s0 =	sor.u32 s1, s0  }
0xbd: {  	s0 =	sadd.s32 $0x8F2B, s0  }
0xbe: {  	[sflag:s0] =	ssyncadd.remote.s32 $0x1  }
0xbf: {  	_ =	sfence.sel $0xFFFF  }
0xc0: {  	[dreg:$0x0] =	wrdreg $0xFFFFFFFF;
	(pc) =	sbr.abs _section_cstart, $3  }
0xc1: {  	[dreg:$0x1] =	wrdreg $0xFFFFFFFF  }
0xc2: {  	_ =	task.clear_ibuf [dreg:s7], $0x2FFFF;
	_ =	strace $0x9FFFFFFF  }
0xc3: {  	(tm) =	ssettm $0x7FFFFFFF  }
tec
execute0_lowered:
.L_overlay_start_1:
0x0: {  	(tag) =	ssettag $0x1  }
0x1: {  	s4 =	rddreg [dreg:$0x0]  }
0x2: {  	s7 =	rddreg [dreg:$0x1]  }
0x3: {  	s0 =	srdreg.scid;
	s2 =	rddreg [dreg:$0x2]  }
0x4: {  	s1 =	stileid.u32;
	s3 =	simm.s32 $0x0;
	s12 =	simm.s32 $0x7D00  }
0x5: {  	s15 =	simm.s32 $0x0;
	s5 =	sand.u32 $0x1, s0;
	s0 =	rddreg [dreg:$0x3]  }
0x6: {  	s8 =	smul.u32 $0x280, s1;
	[smem:$0x7FF] =	sst s3;
	s11 =	sadd.s32 $0x2400, s4  }
0x7: {  	s13 =	sshll.u32 s1, $0x6;
	s6 =	sshll.u32 s5, $0x4;
	_ =	strace $0x80000047  }
0x8: {  	s10 =	ssub.s32 $0x2, s5;
	s5 =	smul.u32 $0x2800, s5;
	s6 =	sor.u32 s1, s6  }
0x9: {  	s13 =	sor.u32 $0x1C01, s13;
	s29 =	sshrl.u32 s10, $0x1;
	s9 =	smul.u32 $0xFA00, s6  }
0xa: {  	s6 =	smul.u32 $0x1F40, s6;
	s10 =	ssub.s32 s10, s29;
	s5 =	sadd.s32 s8, s5  }
0xb: {  	s31 =	sshrl.u32 s5, $0x3;
	s5 =	sadd.s32 s8, s2;
	s8 =	smax.u32 s10, $0x1  }
0xc: {  	s10 =	simm.s32 $0x7D80;
	s9 =	sshrl.u32 s9, $0x3;
	s4 =	sadd.s32 s11, s6  }
0xd: {  	s7 =	sadd.s32 s7, s31;
	s14 =	sshrl.u32 s5, $0x3;
	s30 =	sadd.s32 s11, s9  }
0xe: {  	v0 =	vimm.f32 $1.000000000e+00;
	v1 =	vimm.f32 $0.0e+00;
	s9 =	simm.s32 $0x1;
	s11 =	simm.s32 $0x28;
	s6 =	sadd.s32 $0xFA0, s30  }
.LBB2_1:
0xf: {  	[tilespmem:s3], [sflag:$0x1] =	stream.linear.gather [hbm4b:s4+s3], $0x7D00, $0x38;
	[tilespmem:$0x8280] =	vst v63  }
0x10: {  	_ =	swait.ge [sflag:s9], $0x7D00  }
0x11: {  	[sflag:s9] =	ssyncset.done $0x0  }
0x12: {  	[sflag:s9] =	ssyncadd.s32 $0xFFFF8300  }
0x13: {  	[tilespmem:$0x7D00] =	vst v0  }
0x14: {  	[tilespmem:$0x7D10] =	vst v0  }
0x15: {  	[tilespmem:$0x7D20] =	vst v0  }
0x16: {  	[tilespmem:$0x7D80] =	vst v1  }
0x17: {  	[tilespmem:$0x7D90] =	vst v1  }
0x18: {  	[tilespmem:$0x7DA0] =	vst v1  }
0x19: {  	[tilespmem:$0x7DB0] =	vst v1  }
0x1a: {  	[tilespmem:$0x7DC0] =	vst v1  }
0x1b: {  	[tilespmem:$0x7DD0] =	vst v1  }
0x1c: {  	[tilespmem:$0x7DE0] =	vst v1  }
0x1d: {  	[tilespmem:$0x7DF0] =	vst v1  }
0x1e: {  	[tilespmem:$0x7E00] =	vst v1  }
0x1f: {  	[tilespmem:$0x7E10] =	vst v1  }
0x20: {  	[tilespmem:$0x7E20] =	vst v1  }
0x21: {  	[tilespmem:$0x7E30] =	vst v1  }
0x22: {  	[tilespmem:$0x7E40] =	vst v1  }
0x23: {  	[tilespmem:$0x7E50] =	vst v1  }
0x24: {  	[tilespmem:$0x7E60] =	vst v1  }
0x25: {  	[tilespmem:$0x7E70] =	vst v1  }
0x26: {  	[tilespmem:$0x7E80] =	vst v1  }
0x27: {  	[tilespmem:$0x7E90] =	vst v1  }
0x28: {  	[tilespmem:$0x7EA0] =	vst v1  }
0x29: {  	[tilespmem:$0x7EB0] =	vst v1  }
0x2a: {  	[tilespmem:$0x7EC0] =	vst v1  }
0x2b: {  	[tilespmem:$0x7ED0] =	vst v1  }
0x2c: {  	[tilespmem:$0x7EE0] =	vst v1  }
0x2d: {  	[tilespmem:$0x7EF0] =	vst v1  }
0x2e: {  	[tilespmem:$0x7F00] =	vst v1  }
0x2f: {  	[tilespmem:$0x7F10] =	vst v1  }
0x30: {  	[tilespmem:$0x7F20] =	vst v1  }
0x31: {  	[tilespmem:$0x7F30] =	vst v1  }
0x32: {  	[tilespmem:$0x7F40] =	vst v1  }
0x33: {  	[tilespmem:$0x7F50] =	vst v1  }
0x34: {  	[tilespmem:$0x7F60] =	vst v1  }
0x35: {  	[tilespmem:$0x7F70] =	vst v1  }
0x36: {  	[tilespmem:$0x7F80] =	vst v1  }
0x37: {  	[tilespmem:$0x7F90] =	vst v1  }
0x38: {  	[tilespmem:$0x7FA0] =	vst v1  }
0x39: {  	[tilespmem:$0x7FB0] =	vst v1  }
0x3a: {  	[tilespmem:$0x7FC0] =	vst v1  }
0x3b: {  	[tilespmem:$0x7FD0] =	vst v1  }
0x3c: {  	[tilespmem:$0x7FE0] =	vst v1  }
0x3d: {  	[tilespmem:$0x7FF0] =	vst v1  }
0x3e: {  	[spmem:s5] =	stream.linear.scatter [tilespmem:s10], [sflag:$0x1], $0x280, $0x38;
	[tilespmem:$0x8280] =	vst v63  }
0x3f: {  	_ =	swait.ge [sflag:s9], $0x280  }
0x40: {  	[sflag:s9] =	ssyncset.done $0x0  }
0x41: {  	[sflag:s9] =	ssyncadd.s32 $0xFFFFFD80  }
0x42: {  	s16 =	simm.s32 $0x80;
	[bflag:$0x0] =	sbarrier.arrive $0xFFFF  }
0x43: {  	[spmem:s2] =	stream.indirect.scatter.add.f32 [tilespmem:s12], [sflag:$0x1], $0x1, s16, s11, $0xb8;
	[tilespmem:$0x8280] =	vst v63  }
0x44: {  	_ =	swait.ge [sflag:s9], $0x28  }
0x45: {  	s16 =	simm.s32 $0x600;
	[sflag:s9] =	ssyncset.done $0x0  }
.LBB2_2:
0x46: {  	s17 =	sshra.s32 s16, $0x2;
	[sflag:s9] =	ssyncadd.s32 $0xFFFFFFD8;
	p0 =	sne.s32 s16, $0x1F200  }
0x47: {  	[spmem:s2] =	stream.indirect.scatter.add.f32 [tilespmem:s12], [sflag:$0x1], $0x1, s17, s11, $0xb8;
	[tilespmem:$0x8280] =	vst v63  }
.Ltmp0:
0x48: {  	_ = 	snop;
	(pc) =	sbr.rel @p0 .LBB2_2-.Ltmp0, $4  }
0x49: {  	_ = 	snop  }
0x4a: {  	s16 =	sadd.s32 $0x400, s16  }
0x4b: {  	_ =	swait.ge [sflag:s9], $0x28  }
0x4c: {  	[sflag:s9] =	ssyncset.done $0x0  }
0x4d: {  	[sflag:s9] =	ssyncadd.s32 $0xFFFFFFD8  }
0x4e: {  	[tilespmem:s3], [sflag:$0x1] =	stream.linear.gather [hbm4b:s6+s3], $0x7D00, $0x38;
	[tilespmem:$0x8280] =	vst v63  }
0x4f: {  	_ =	swait.ge [sflag:s9], $0x7D00  }
0x50: {  	[sflag:s9] =	ssyncset.done $0x0  }
0x51: {  	s16 =	simm.s32 $0x80;
	[sflag:s9] =	ssyncadd.s32 $0xFFFF8300  }
0x52: {  	[spmem:s2] =	stream.indirect.scatter.add.f32 [tilespmem:s12], [sflag:$0x1], $0x1, s16, s11, $0xb8;
	[tilespmem:$0x8280] =	vst v63  }
0x53: {  	_ =	swait.ge [sflag:s9], $0x28  }
0x54: {  	s16 =	simm.s32 $0x600;
	[sflag:s9] =	ssyncset.done $0x0  }
.LBB2_4:
0x55: {  	s17 =	sshra.s32 s16, $0x2;
	[sflag:s9] =	ssyncadd.s32 $0xFFFFFFD8;
	p0 =	sne.s32 s16, $0x1F200  }
0x56: {  	[spmem:s2] =	stream.indirect.scatter.add.f32 [tilespmem:s12], [sflag:$0x1], $0x1, s17, s11, $0xb8;
	[tilespmem:$0x8280] =	vst v63  }
.Ltmp1:
0x57: {  	_ = 	snop;
	(pc) =	sbr.rel @p0 .LBB2_4-.Ltmp1, $4  }
0x58: {  	_ = 	snop  }
0x59: {  	s16 =	sadd.s32 $0x400, s16  }
0x5a: {  	_ =	swait.ge [sflag:s9], $0x28  }
0x5b: {  	[sflag:s9] =	ssyncset.done $0x0  }
0x5c: {  	s15 =	sadd.s32 $0x1, s15  }
0x5d: {  	[sflag:s9] =	ssyncadd.s32 $0xFFFFFFD8;
	p0 =	sne.s32 s15, s8  }
.Ltmp2:
0x5e: {  	[bflag:$0x0] =	sbarrier.arrive $0xFFFF;
	(pc) =	sbr.rel @p0 .LBB2_1-.Ltmp2, $4  }
0x5f: {  	[hbm:s7], [sflag:s13] =	dma.local [spmem:s14], $0x50  }
0x60: {  	_ =	swait.ge [sflag:s9], $0x50  }
0x61: {  	[sflag:s9] =	ssyncset.done $0x0  }
0x62: {  	[sflag:s9] =	ssyncadd.s32 $0xFFFFFFB0  }
0x63: {  	_ =	sfence.sel $0x180000  }
0x64: {  	[bflag:$0x0] =	sbarrier.arrive $0xFFFF  }
0x65: {  	p0 =	sne.s32 s1, $0x0;
	_ =	strace $0x90000047  }
0x66: {  	s0 =	sadd.s32 @!p0 $0x100000, s0;
	[bflag:$0x2] =	sbarrier.arrive $0xFFFF  }
0x67: {  	[sflag:s0] =	ssyncadd.tile.s32 @!p0 $0x1;
	_ =	shalt  }
.Lfunc_end2:
_tile_overlayer_lowered:
.L_overlay_start_2:
0x68: {  	(tag) =	ssettag $0x2  }
0x69: {  	s0 =	rddreg [dreg:$0x0];
	s2 =	stileid.u32  }
0x6a: {  	s1 =	rddreg [dreg:$0x1];
	p0 =	sne.s32 s2, $0x0  }
0x6b: {  	s3 =	rddreg [dreg:$0x2];
	[bflag:$0x3] =	sbarrier.arrive $0xFFFF;
	s2 =	simm.s32 @!p0 $0x1C01  }
0x6c: {  	[timem:s3], [sflag:s2] =	dma.local @!p0 [hbm:s0], s1  }
0x6d: {  	s0 =	simm.s32 @!p0 $0x1  }
0x6e: {  	_ =	swait.ge @!p0 [sflag:s0], s1  }
0x6f: {  	s1 =	ssub.s32 @!p0 $0x0, s1;
	[sflag:s0] =	ssyncset.done @!p0 $0x0  }
0x70: {  	[sflag:s0] =	ssyncadd.s32 @!p0 s1  }
0x71: {  	[bflag:$0x3] =	sbarrier.arrive $0xFFFF  }
0x72: {  	_ =	shalt  }

</sc_bundles>
